<compile_context>
chip_gen: v7x
topology: tpu7x:2x2x1
jax: 0.10.2.dev20260603
libtpu: 0.0.44.dev20260713+nightly
codegen_flags: <defaults>
</compile_context>

<pallas_src>
import functools

import jax
import jax.numpy as jnp
from jax import lax
from jax.experimental import pallas as pl
from jax.experimental.pallas import tpu as pltpu
from jax.experimental.pallas import tpu_sc as plsc

N = 10000
N_PAD = 10112
E = 320000
D = 128
NC = 2
NS = 16
CK = 128
BI = 8
NB = 10
NCH_T = NB * BI
E_PAD = NC * NS * NCH_T * CK
NR = 2
NB0 = 15
NB1 = 5
E0 = NS * NB0 * BI * CK
RPT = N_PAD // NS

_mesh = plsc.VectorSubcoreMesh(core_axis_name="c", subcore_axis_name="s")


@functools.partial(
    pl.kernel,
    out_type=jax.ShapeDtypeStruct((NC, N_PAD, 16), jnp.float32),
    mesh=_mesh,
    scratch_types=[
        pltpu.VMEM((BI, CK), jnp.int32),
        pltpu.VMEM((BI, CK), jnp.int32),
        pltpu.VMEM((CK, 16), jnp.float32),
        pltpu.VMEM_SHARED((N_PAD, 16), jnp.float32),
        pltpu.SemaphoreType.DMA,
        pltpu.SemaphoreType.DMA,
        pltpu.SemaphoreType.DMA,
    ],
)
def _deg_count(dst_hbm, zeros16_hbm, out_hbm,
               didx0, didx1, ones_v, acc_sh, isem0, isem1, ssem):
    c = lax.axis_index("c")
    s = lax.axis_index("s")
    pltpu.sync_copy(zeros16_hbm.at[pl.ds(s * RPT, RPT)],
                    acc_sh.at[pl.ds(s * RPT, RPT)])
    pltpu.async_copy(dst_hbm.at[c, s, 0], didx0, isem0)
    for r in range(CK):
        ones_v[r] = jnp.ones((16,), jnp.float32)
    plsc.subcore_barrier()

    def do_block(b, di, dn, isem_this, isem_next, next_b):
        pltpu.make_async_copy(dst_hbm.at[c, s, b], di, isem_this).wait()
        if next_b is not None:
            pltpu.async_copy(dst_hbm.at[c, s, next_b], dn, isem_next)
        for j in range(BI):
            pltpu.async_copy(ones_v, acc_sh.at[di.at[j]], ssem, add=True)
        for j in range(BI):
            pltpu.make_async_copy(ones_v, acc_sh.at[di.at[j]], ssem).wait()

    def pair_body(t, carry):
        b = t * 2
        do_block(b, didx0, didx1, isem0, isem1, b + 1)
        do_block(b + 1, didx1, didx0, isem1, isem0, b + 2)
        return carry

    lax.fori_loop(0, (NB - 2) // 2, pair_body, 0)
    do_block(NB - 2, didx0, didx1, isem0, isem1, NB - 1)
    do_block(NB - 1, didx1, didx0, isem1, isem0, None)
    plsc.subcore_barrier()
    pltpu.sync_copy(acc_sh.at[pl.ds(s * RPT, RPT)],
                    out_hbm.at[c, pl.ds(s * RPT, RPT)])


@functools.partial(
    pl.kernel,
    out_type=jax.ShapeDtypeStruct((NC, N_PAD, D), jnp.float32),
    mesh=_mesh,
    scratch_types=[
        pltpu.VMEM((BI, CK), jnp.int32),
        pltpu.VMEM((BI, CK), jnp.int32),
        pltpu.VMEM((CK, D), jnp.float32),
        pltpu.VMEM((CK, D), jnp.float32),
        pltpu.VMEM_SHARED((N_PAD, D), jnp.float32),
        pltpu.SemaphoreType.DMA,
        pltpu.SemaphoreType.DMA,
        pltpu.SemaphoreType.DMA,
        pltpu.SemaphoreType.DMA,
    ],
)
def _edge_agg(g_hbm, src_hbm, dst_hbm, zeros_hbm, out_hbm,
              sidx, didx, r0, r1, acc_sh,
              g0, g1, s0, s1):
    c = lax.axis_index("c")
    s = lax.axis_index("s")
    rows = [r0, r1]
    gsem = [g0, g1]
    ssem = [s0, s1]
    pltpu.sync_copy(zeros_hbm.at[pl.ds(s * RPT, RPT)],
                    acc_sh.at[pl.ds(s * RPT, RPT)])
    plsc.subcore_barrier()

    def block_body(b, carry):
        pltpu.sync_copy(src_hbm.at[c, s, b], sidx)
        pltpu.sync_copy(dst_hbm.at[c, s, b], didx)

        def issue_gather(j):
            pltpu.async_copy(g_hbm.at[sidx.at[j]], rows[j % NR],
                             gsem[j % NR])

        for j in range(NR):
            issue_gather(j)
        for j in range(BI):
            pltpu.make_async_copy(g_hbm.at[sidx.at[j]], rows[j % NR],
                                  gsem[j % NR]).wait()
            d = pltpu.async_copy(rows[j % NR], acc_sh.at[didx.at[j]],
                                 ssem[j % NR], add=True)
            d.wait()
            if j + NR < BI:
                issue_gather(j + NR)
        return carry

    lax.fori_loop(0, jnp.where(c == 0, NB1, NB0), block_body, 0)
    plsc.subcore_barrier()
    pltpu.sync_copy(acc_sh.at[pl.ds(s * RPT, RPT)],
                    out_hbm.at[c, pl.ds(s * RPT, RPT)])



BLK = 1000
GRID = N // BLK

_row_spec = pl.BlockSpec((BLK, D), lambda i: (i, 0))
_w_spec = pl.BlockSpec((D, D), lambda i: (0, 0))
_b_spec = pl.BlockSpec((1, D), lambda i: (0, 0))
_p_spec = pl.BlockSpec((NC, BLK, D), lambda i: (0, i, 0))
_g_spec = pl.BlockSpec((NC, BLK, D), lambda i: (0, i, 0))
_da_spec = pl.BlockSpec((1, BLK, 1), lambda i: (0, i, 0))
_db_spec = pl.BlockSpec((1, BLK, 1), lambda i: (1, i, 0))


def _dis_from(da_ref, db_ref):
    return lax.rsqrt(da_ref[0] + db_ref[0] + 2.0)


def _mm_scale_body(x_ref, w_ref, da_ref, db_ref, h_ref, g_ref):
    h = jnp.dot(x_ref[...], w_ref[...], preferred_element_type=jnp.float32)
    dis = _dis_from(da_ref, db_ref)
    h_ref[...] = h
    g_ref[...] = h * dis


def _layer1_mm(x, W1, degp):
    return pl.pallas_call(
        _mm_scale_body,
        grid=(GRID,),
        in_specs=[_row_spec, _w_spec, _da_spec, _db_spec],
        out_specs=[_row_spec, _row_spec],
        out_shape=[jax.ShapeDtypeStruct((N, D), jnp.float32),
                   jax.ShapeDtypeStruct((N, D), jnp.float32)],
    )(x, W1, degp, degp)


def _combine_mm_body(p_ref, hm_ref, da_ref, db_ref, b_ref, w_ref,
                     h1_ref, hm2_ref, g2_ref):
    dis = _dis_from(da_ref, db_ref)
    acc = p_ref[0] + p_ref[1]
    h1 = jnp.maximum(
        acc * dis + hm_ref[...] * (2.0 * dis * dis) + b_ref[...], 0.0)
    hm2 = jnp.dot(h1, w_ref[...], preferred_element_type=jnp.float32)
    h1_ref[...] = h1
    hm2_ref[...] = hm2
    g2_ref[...] = hm2 * dis


def _layer2_mm(p1, h1m, degp, b1, W2):
    return pl.pallas_call(
        _combine_mm_body,
        grid=(GRID,),
        in_specs=[_p_spec, _row_spec, _da_spec, _db_spec, _b_spec, _w_spec],
        out_specs=[_row_spec, _row_spec, _row_spec],
        out_shape=[jax.ShapeDtypeStruct((N, D), jnp.float32),
                   jax.ShapeDtypeStruct((N, D), jnp.float32),
                   jax.ShapeDtypeStruct((N, D), jnp.float32)],
    )(p1, h1m, degp, degp, b1, W2)


def _final_body(p_ref, hm_ref, da_ref, db_ref, b_ref, out_ref):
    dis = _dis_from(da_ref, db_ref)
    acc = p_ref[0] + p_ref[1]
    out_ref[...] = acc * dis + hm_ref[...] * (2.0 * dis * dis) + b_ref[...]


def _final_combine(p2, h2m, degp, b2):
    return pl.pallas_call(
        _final_body,
        grid=(GRID,),
        in_specs=[_p_spec, _row_spec, _da_spec, _db_spec, _b_spec],
        out_specs=_row_spec,
        out_shape=jax.ShapeDtypeStruct((N, D), jnp.float32),
    )(p2, h2m, degp, degp, b2)


def kernel(x, edge_index, W1, b1, W2, b2):
    pad_src = jnp.zeros((E_PAD - E,), jnp.int32)
    pad_dst = jnp.full((E_PAD - E,), N, jnp.int32)
    src_all = jnp.concatenate([edge_index[0], pad_src])
    dst_all = jnp.concatenate([edge_index[1], pad_dst])
    dstp = dst_all.reshape(NC, NS, NB, BI, CK)

    def split_blocks(flat):
        a1 = flat[:E0].reshape(NS, NB0, BI, CK)
        a0 = jnp.concatenate(
            [flat[E0:].reshape(NS, NB1, BI, CK),
             jnp.zeros((NS, NB0 - NB1, BI, CK), jnp.int32)], axis=1)
        return jnp.stack([a0, a1])

    srcp = split_blocks(src_all)
    dstq = split_blocks(dst_all)
    zeros128 = jnp.zeros((N_PAD, D), jnp.float32)
    zeros16 = jnp.zeros((N_PAD, 16), jnp.float32)

    degp = _deg_count(dstp, zeros16)
    degcol = degp[:, :, :1]

    h1m, g1 = _layer1_mm(x, W1, degcol)
    p1 = _edge_agg(g1, srcp, dstq, zeros128)
    h1, h2m, g2 = _layer2_mm(p1, h1m, degcol, b1.reshape(1, D), W2)
    p2 = _edge_agg(g2, srcp, dstq, zeros128)
    out = _final_combine(p2, h2m, degcol, b2.reshape(1, D))
    return (out, h1)

# --- scband reference (transcript-rebuilt; emitter-appended) ---
"""Pipeline reference for scband-gcn-18708877541972 (READ-ONLY COPY).

The authoritative reference and input builder live on the scoring server;
editing this copy changes nothing except your own understanding.
"""

import jax, jax.numpy as jnp
import numpy as np

N = 10000
E = 320000
D_IN = 128
D_HID = 128
D_OUT = 128


def setup_inputs(seed: int = 0) -> dict:
    key = jax.random.key(seed)
    k1, k2, k3, k4 = jax.random.split(key, 4)
    x = jax.random.normal(k1, (N, D_IN), dtype=jnp.float32)
    edge_index = jax.random.randint(k2, (2, E), 0, N, dtype=jnp.int32)
    W1 = jax.random.normal(k3, (D_IN, D_HID), dtype=jnp.float32) * (1.0 / np.sqrt(D_IN))
    b1 = jnp.zeros((D_HID,), dtype=jnp.float32)
    W2 = jax.random.normal(k4, (D_HID, D_OUT), dtype=jnp.float32) * (1.0 / np.sqrt(D_HID))
    b2 = jnp.zeros((D_OUT,), dtype=jnp.float32)
    return {"x": x, "edge_index": edge_index, "W1": W1, "b1": b1, "W2": W2, "b2": b2}


def _gcn_conv(x, edge_index, W, b):
    # GCNConv with improved=True: A_hat = A + 2I, sym-normalized
    src = edge_index[0]
    dst = edge_index[1]
    n = x.shape[0]
    h = x @ W
    ones = jnp.ones((src.shape[0],), dtype=h.dtype)
    deg = jax.ops.segment_sum(ones, dst, num_segments=n) + 2.0  # self-loop weight 2 (improved)
    dis = jax.lax.rsqrt(deg)
    norm = dis[src] * dis[dst]
    agg = jax.ops.segment_sum(h[src] * norm[:, None], dst, num_segments=n)
    # self-loop contribution: weight 2 * dis[i]^2 * h[i]
    out = agg + h * (2.0 * dis * dis)[:, None]
    return out + b


def reference(x, edge_index, W1, b1, W2, b2):
    h1 = jax.nn.relu(_gcn_conv(x, edge_index, W1, b1))
    feature_map = h1
    out = _gcn_conv(h1, edge_index, W2, b2)
    return (out, feature_map)

if __name__ == "__main__":
    import jax
    _d = setup_inputs()
    print(jax.jit(kernel)(*tuple(_d.values())))

</pallas_src>

<mosaic_0001>
#map = affine_map<(d0, d1) -> (0, 0, 0, 0, 0)>
#map1 = affine_map<(d0, d1) -> (0, 0)>
#map2 = affine_map<(d0, d1) -> (0, 0, 0)>
module attributes {stable_mosaic.version = 14 : i64} {
  func.func @_deg_count(%arg0: i32, %arg1: i32, %arg2: memref<2x16x10x8x128xi32, #tpu.memory_space<hbm>>, %arg3: memref<10112x16xf32, #tpu.memory_space<hbm>>, %arg4: memref<2x10112x16xf32, #tpu.memory_space<hbm>>, %arg5: memref<8x128xi32, #tpu.memory_space<vmem>>, %arg6: memref<8x128xi32, #tpu.memory_space<vmem>>, %arg7: memref<128x16xf32, #tpu.memory_space<vmem>>, %arg8: memref<10112x16xf32, #tpu.memory_space<vmem_shared>>, %arg9: memref<!tpu.dma_semaphore, #tpu.memory_space<semaphore_mem>>, %arg10: memref<!tpu.dma_semaphore, #tpu.memory_space<semaphore_mem>>, %arg11: memref<!tpu.dma_semaphore, #tpu.memory_space<semaphore_mem>>) attributes {dimension_semantics = [#tpu.dimension_semantics<core_parallel>, #tpu.dimension_semantics<subcore_parallel>], iteration_bounds = array<i64: 2, 16>, scalar_prefetch = 0 : i64, scratch_operands = 7 : i64, tpu.core_type = #tpu.core_type<sc_vector_subcore>, window_params = [{transform_indices = #map}, {transform_indices = #map1}, {transform_indices = #map2}]} {
    %mul3A = arith.constant 632 : i32
    %mul3A_0 = arith.muli %arg1, %mul3A : i32
    %mul3A_1 = arith.constant 632 : i32
    %mul3A_2 = arith.muli %arg1, %mul3A_1 : i32
    "tpu.region"() ({
      %run_scoped3A = tpu.sem_alloc : memref<!tpu.dma_semaphore, #tpu.memory_space<semaphore_mem>>
      %dma_start3A_1293 = arith.constant 0 : i32
      %dma_start3A_1294 = tpu.memref_slice %arg8[%mul3A_2, %dma_start3A_1293] : memref<10112x16xf32, #tpu.memory_space<vmem_shared>> -> memref<632x16xf32, #tpu.memory_space<vmem_shared>>
      %dma_start3A_1295 = arith.constant 0 : i32
      %dma_start3A_1296 = tpu.memref_slice %arg3[%mul3A_0, %dma_start3A_1295] : memref<10112x16xf32, #tpu.memory_space<hbm>> -> memref<632x16xf32, #tpu.memory_space<hbm>>
      tpu.enqueue_dma source(%dma_start3A_1296 : memref<632x16xf32, #tpu.memory_space<hbm>>) target(%dma_start3A_1294 : memref<632x16xf32, #tpu.memory_space<vmem_shared>>) target_semaphore(%run_scoped3A : memref<!tpu.dma_semaphore, #tpu.memory_space<semaphore_mem>>)
      %dma_wait3A_1297 = arith.constant 0 : i32
      %dma_wait3A_1298 = tpu.memref_slice %arg8[%mul3A_2, %dma_wait3A_1297] : memref<10112x16xf32, #tpu.memory_space<vmem_shared>> -> memref<632x16xf32, #tpu.memory_space<vmem_shared>>
      %dma_wait3A_1299 = arith.constant 0 : i32
      %dma_wait3A_1300 = tpu.memref_slice %arg3[%mul3A_0, %dma_wait3A_1299] : memref<10112x16xf32, #tpu.memory_space<hbm>> -> memref<632x16xf32, #tpu.memory_space<hbm>>
      tpu.wait_dma2 semaphore(%run_scoped3A : memref<!tpu.dma_semaphore, #tpu.memory_space<semaphore_mem>>) src(%dma_wait3A_1300 : memref<632x16xf32, #tpu.memory_space<hbm>>) dst(%dma_wait3A_1298 : memref<632x16xf32, #tpu.memory_space<vmem_shared>>)
      tpu.yield
    }) : () -> ()
    %dma_start3A = arith.constant 0 : i32
    %dma_start3A_3 = arith.constant 0 : i32
    %dma_start3A_4 = arith.constant 0 : i32
    %dma_start3A_5 = tpu.memref_slice %arg2[%arg0, %arg1, %dma_start3A, %dma_start3A_3, %dma_start3A_4] : memref<2x16x10x8x128xi32, #tpu.memory_space<hbm>> -> memref<1x1x1x8x128xi32, #tpu.memory_space<hbm>>
    %dma_start3A_6 = tpu.memref_squeeze %dma_start3A_5 : memref<1x1x1x8x128xi32, #tpu.memory_space<hbm>> -> memref<8x128xi32, #tpu.memory_space<hbm>>
    %dma_start3A_7 = arith.constant 0 : i32
    %dma_start3A_8 = arith.constant 0 : i32
    %dma_start3A_9 = tpu.memref_slice %arg2[%arg0, %arg1, %dma_start3A, %dma_start3A_7, %dma_start3A_8] : memref<2x16x10x8x128xi32, #tpu.memory_space<hbm>> -> memref<1x1x1x8x128xi32, #tpu.memory_space<hbm>>
    %dma_start3A_10 = tpu.memref_squeeze %dma_start3A_9 : memref<1x1x1x8x128xi32, #tpu.memory_space<hbm>> -> memref<8x128xi32, #tpu.memory_space<hbm>>
    tpu.enqueue_dma source(%dma_start3A_10 : memref<8x128xi32, #tpu.memory_space<hbm>>) target(%arg5 : memref<8x128xi32, #tpu.memory_space<vmem>>) target_semaphore(%arg9 : memref<!tpu.dma_semaphore, #tpu.memory_space<semaphore_mem>>)
    %broadcast_in_dim3A = arith.constant 1.000000e+00 : f32
    %broadcast_in_dim3A_11 = vector.broadcast %broadcast_in_dim3A : f32 to vector<16xf32>
    %swap3A = arith.constant 0 : i32
    %swap3A_12 = arith.index_cast %swap3A : i32 to index
    %swap3A_13 = arith.constant 0 : index
    %swap3A_14 = tpu.vector_load %arg7[%swap3A_12, %swap3A_13] {strides = array<i32>} : memref<128x16xf32, #tpu.memory_space<vmem>>, vector<1x16xf32>,
    %swap3A_15 = vector.shape_cast %swap3A_14 : vector<1x16xf32> to vector<16xf32>
    %swap3A_16 = vector.shape_cast %broadcast_in_dim3A_11 : vector<16xf32> to vector<1x16xf32>
    tpu.vector_store %arg7[%swap3A_12, %swap3A_13], %swap3A_16 {strides = array<i32>} : memref<128x16xf32, #tpu.memory_space<vmem>>, vector<1x16xf32>,
    %broadcast_in_dim3A_17 = arith.constant 1.000000e+00 : f32
    %broadcast_in_dim3A_18 = vector.broadcast %broadcast_in_dim3A_17 : f32 to vector<16xf32>
    %swap3A_19 = arith.constant 1 : i32
    %swap3A_20 = arith.index_cast %swap3A_19 : i32 to index
    %swap3A_21 = arith.constant 0 : index
    %swap3A_22 = tpu.vector_load %arg7[%swap3A_20, %swap3A_21] {strides = array<i32>} : memref<128x16xf32, #tpu.memory_space<vmem>>, vector<1x16xf32>,
    %swap3A_23 = vector.shape_cast %swap3A_22 : vector<1x16xf32> to vector<16xf32>
    %swap3A_24 = vector.shape_cast %broadcast_in_dim3A_18 : vector<16xf32> to vector<1x16xf32>
    tpu.vector_store %arg7[%swap3A_20, %swap3A_21], %swap3A_24 {strides = array<i32>} : memref<128x16xf32, #tpu.memory_space<vmem>>, vector<1x16xf32>,
    %broadcast_in_dim3A_25 = arith.constant 1.000000e+00 : f32
    %broadcast_in_dim3A_26 = vector.broadcast %broadcast_in_dim3A_25 : f32 to vector<16xf32>
    %swap3A_27 = arith.constant 2 : i32
    %swap3A_28 = arith.index_cast %swap3A_27 : i32 to index
    %swap3A_29 = arith.constant 0 : index
    %swap3A_30 = tpu.vector_load %arg7[%swap3A_28, %swap3A_29] {strides = array<i32>} : memref<128x16xf32, #tpu.memory_space<vmem>>, vector<1x16xf32>,
    %swap3A_31 = vector.shape_cast %swap3A_30 : vector<1x16xf32> to vector<16xf32>
    %swap3A_32 = vector.shape_cast %broadcast_in_dim3A_26 : vector<16xf32> to vector<1x16xf32>
    tpu.vector_store %arg7[%swap3A_28, %swap3A_29], %swap3A_32 {strides = array<i32>} : memref<128x16xf32, #tpu.memory_space<vmem>>, vector<1x16xf32>,
    %broadcast_in_dim3A_33 = arith.constant 1.000000e+00 : f32
    %broadcast_in_dim3A_34 = vector.broadcast %broadcast_in_dim3A_33 : f32 to vector<16xf32>
    %swap3A_35 = arith.constant 3 : i32
    %swap3A_36 = arith.index_cast %swap3A_35 : i32 to index
    %swap3A_37 = arith.constant 0 : index
    %swap3A_38 = tpu.vector_load %arg7[%swap3A_36, %swap3A_37] {strides = array<i32>} : memref<128x16xf32, #tpu.memory_space<vmem>>, vector<1x16xf32>,
    %swap3A_39 = vector.shape_cast %swap3A_38 : vector<1x16xf32> to vector<16xf32>
    %swap3A_40 = vector.shape_cast %broadcast_in_dim3A_34 : vector<16xf32> to vector<1x16xf32>
    tpu.vector_store %arg7[%swap3A_36, %swap3A_37], %swap3A_40 {strides = array<i32>} : memref<128x16xf32, #tpu.memory_space<vmem>>, vector<1x16xf32>,
    %broadcast_in_dim3A_41 = arith.constant 1.000000e+00 : f32
    %broadcast_in_dim3A_42 = vector.broadcast %broadcast_in_dim3A_41 : f32 to vector<16xf32>
    %swap3A_43 = arith.constant 4 : i32
    %swap3A_44 = arith.index_cast %swap3A_43 : i32 to index
    %swap3A_45 = arith.constant 0 : index
    %swap3A_46 = tpu.vector_load %arg7[%swap3A_44, %swap3A_45] {strides = array<i32>} : memref<128x16xf32, #tpu.memory_space<vmem>>, vector<1x16xf32>,
    %swap3A_47 = vector.shape_cast %swap3A_46 : vector<1x16xf32> to vector<16xf32>
    %swap3A_48 = vector.shape_cast %broadcast_in_dim3A_42 : vector<16xf32> to vector<1x16xf32>
    tpu.vector_store %arg7[%swap3A_44, %swap3A_45], %swap3A_48 {strides = array<i32>} : memref<128x16xf32, #tpu.memory_space<vmem>>, vector<1x16xf32>,
    %broadcast_in_dim3A_49 = arith.constant 1.000000e+00 : f32
    %broadcast_in_dim3A_50 = vector.broadcast %broadcast_in_dim3A_49 : f32 to vector<16xf32>
    %swap3A_51 = arith.constant 5 : i32
    %swap3A_52 = arith.index_cast %swap3A_51 : i32 to index
    %swap3A_53 = arith.constant 0 : index
    %swap3A_54 = tpu.vector_load %arg7[%swap3A_52, %swap3A_53] {strides = array<i32>} : memref<128x16xf32, #tpu.memory_space<vmem>>, vector<1x16xf32>,
    %swap3A_55 = vector.shape_cast %swap3A_54 : vector<1x16xf32> to vector<16xf32>
    %swap3A_56 = vector.shape_cast %broadcast_in_dim3A_50 : vector<16xf32> to vector<1x16xf32>
    tpu.vector_store %arg7[%swap3A_52, %swap3A_53], %swap3A_56 {strides = array<i32>} : memref<128x16xf32, #tpu.memory_space<vmem>>, vector<1x16xf32>,
    %broadcast_in_dim3A_57 = arith.constant 1.000000e+00 : f32
    %broadcast_in_dim3A_58 = vector.broadcast %broadcast_in_dim3A_57 : f32 to vector<16xf32>
    %swap3A_59 = arith.constant 6 : i32
    %swap3A_60 = arith.index_cast %swap3A_59 : i32 to index
    %swap3A_61 = arith.constant 0 : index
    %swap3A_62 = tpu.vector_load %arg7[%swap3A_60, %swap3A_61] {strides = array<i32>} : memref<128x16xf32, #tpu.memory_space<vmem>>, vector<1x16xf32>,
    %swap3A_63 = vector.shape_cast %swap3A_62 : vector<1x16xf32> to vector<16xf32>
    %swap3A_64 = vector.shape_cast %broadcast_in_dim3A_58 : vector<16xf32> to vector<1x16xf32>
    tpu.vector_store %arg7[%swap3A_60, %swap3A_61], %swap3A_64 {strides = array<i32>} : memref<128x16xf32, #tpu.memory_space<vmem>>, vector<1x16xf32>,
    %broadcast_in_dim3A_65 = arith.constant 1.000000e+00 : f32
    %broadcast_in_dim3A_66 = vector.broadcast %broadcast_in_dim3A_65 : f32 to vector<16xf32>
    %swap3A_67 = arith.constant 7 : i32
    %swap3A_68 = arith.index_cast %swap3A_67 : i32 to index
    %swap3A_69 = arith.constant 0 : index
    %swap3A_70 = tpu.vector_load %arg7[%swap3A_68, %swap3A_69] {strides = array<i32>} : memref<128x16xf32, #tpu.memory_space<vmem>>, vector<1x16xf32>,
    %swap3A_71 = vector.shape_cast %swap3A_70 : vector<1x16xf32> to vector<16xf32>
    %swap3A_72 = vector.shape_cast %broadcast_in_dim3A_66 : vector<16xf32> to vector<1x16xf32>
    tpu.vector_store %arg7[%swap3A_68, %swap3A_69], %swap3A_72 {strides = array<i32>} : memref<128x16xf32, #tpu.memory_space<vmem>>, vector<1x16xf32>,
    %broadcast_in_dim3A_73 = arith.constant 1.000000e+00 : f32
    %broadcast_in_dim3A_74 = vector.broadcast %broadcast_in_dim3A_73 : f32 to vector<16xf32>
    %swap3A_75 = arith.constant 8 : i32
    %swap3A_76 = arith.index_cast %swap3A_75 : i32 to index
    %swap3A_77 = arith.constant 0 : index
    %swap3A_78 = tpu.vector_load %arg7[%swap3A_76, %swap3A_77] {strides = array<i32>} : memref<128x16xf32, #tpu.memory_space<vmem>>, vector<1x16xf32>,
    %swap3A_79 = vector.shape_cast %swap3A_78 : vector<1x16xf32> to vector<16xf32>
    %swap3A_80 = vector.shape_cast %broadcast_in_dim3A_74 : vector<16xf32> to vector<1x16xf32>
    tpu.vector_store %arg7[%swap3A_76, %swap3A_77], %swap3A_80 {strides = array<i32>} : memref<128x16xf32, #tpu.memory_space<vmem>>, vector<1x16xf32>,
    %broadcast_in_dim3A_81 = arith.constant 1.000000e+00 : f32
    %broadcast_in_dim3A_82 = vector.broadcast %broadcast_in_dim3A_81 : f32 to vector<16xf32>
    %swap3A_83 = arith.constant 9 : i32
    %swap3A_84 = arith.index_cast %swap3A_83 : i32 to index
    %swap3A_85 = arith.constant 0 : index
    %swap3A_86 = tpu.vector_load %arg7[%swap3A_84, %swap3A_85] {strides = array<i32>} : memref<128x16xf32, #tpu.memory_space<vmem>>, vector<1x16xf32>,
    %swap3A_87 = vector.shape_cast %swap3A_86 : vector<1x16xf32> to vector<16xf32>
    %swap3A_88 = vector.shape_cast %broadcast_in_dim3A_82 : vector<16xf32> to vector<1x16xf32>
    tpu.vector_store %arg7[%swap3A_84, %swap3A_85], %swap3A_88 {strides = array<i32>} : memref<128x16xf32, #tpu.memory_space<vmem>>, vector<1x16xf32>,
    %broadcast_in_dim3A_89 = arith.constant 1.000000e+00 : f32
    %broadcast_in_dim3A_90 = vector.broadcast %broadcast_in_dim3A_89 : f32 to vector<16xf32>
    %swap3A_91 = arith.constant 10 : i32
    %swap3A_92 = arith.index_cast %swap3A_91 : i32 to index
    %swap3A_93 = arith.constant 0 : index
    %swap3A_94 = tpu.vector_load %arg7[%swap3A_92, %swap3A_93] {strides = array<i32>} : memref<128x16xf32, #tpu.memory_space<vmem>>, vector<1x16xf32>,
    %swap3A_95 = vector.shape_cast %swap3A_94 : vector<1x16xf32> to vector<16xf32>
    %swap3A_96 = vector.shape_cast %broadcast_in_dim3A_90 : vector<16xf32> to vector<1x16xf32>
    tpu.vector_store %arg7[%swap3A_92, %swap3A_93], %swap3A_96 {strides = array<i32>} : memref<128x16xf32, #tpu.memory_space<vmem>>, vector<1x16xf32>,
    %broadcast_in_dim3A_97 = arith.constant 1.000000e+00 : f32
    %broadcast_in_dim3A_98 = vector.broadcast %broadcast_in_dim3A_97 : f32 to vector<16xf32>
    %swap3A_99 = arith.constant 11 : i32
    %swap3A_100 = arith.index_cast %swap3A_99 : i32 to index
    %swap3A_101 = arith.constant 0 : index
    %swap3A_102 = tpu.vector_load %arg7[%swap3A_100, %swap3A_101] {strides = array<i32>} : memref<128x16xf32, #tpu.memory_space<vmem>>, vector<1x16xf32>,
    %swap3A_103 = vector.shape_cast %swap3A_102 : vector<1x16xf32> to vector<16xf32>
    %swap3A_104 = vector.shape_cast %broadcast_in_dim3A_98 : vector<16xf32> to vector<1x16xf32>
    tpu.vector_store %arg7[%swap3A_100, %swap3A_101], %swap3A_104 {strides = array<i32>} : memref<128x16xf32, #tpu.memory_space<vmem>>, vector<1x16xf32>,
    %broadcast_in_dim3A_105 = arith.constant 1.000000e+00 : f32
    %broadcast_in_dim3A_106 = vector.broadcast %broadcast_in_dim3A_105 : f32 to vector<16xf32>
    %swap3A_107 = arith.constant 12 : i32
    %swap3A_108 = arith.index_cast %swap3A_107 : i32 to index
    %swap3A_109 = arith.constant 0 : index
    %swap3A_110 = tpu.vector_load %arg7[%swap3A_108, %swap3A_109] {strides = array<i32>} : memref<128x16xf32, #tpu.memory_space<vmem>>, vector<1x16xf32>,
    %swap3A_111 = vector.shape_cast %swap3A_110 : vector<1x16xf32> to vector<16xf32>
    %swap3A_112 = vector.shape_cast %broadcast_in_dim3A_106 : vector<16xf32> to vector<1x16xf32>
    tpu.vector_store %arg7[%swap3A_108, %swap3A_109], %swap3A_112 {strides = array<i32>} : memref<128x16xf32, #tpu.memory_space<vmem>>, vector<1x16xf32>,
    %broadcast_in_dim3A_113 = arith.constant 1.000000e+00 : f32
    %broadcast_in_dim3A_114 = vector.broadcast %broadcast_in_dim3A_113 : f32 to vector<16xf32>
    %swap3A_115 = arith.constant 13 : i32
    %swap3A_116 = arith.index_cast %swap3A_115 : i32 to index
    %swap3A_117 = arith.constant 0 : index
    %swap3A_118 = tpu.vector_load %arg7[%swap3A_116, %swap3A_117] {strides = array<i32>} : memref<128x16xf32, #tpu.memory_space<vmem>>, vector<1x16xf32>,
    %swap3A_119 = vector.shape_cast %swap3A_118 : vector<1x16xf32> to vector<16xf32>
    %swap3A_120 = vector.shape_cast %broadcast_in_dim3A_114 : vector<16xf32> to vector<1x16xf32>
    tpu.vector_store %arg7[%swap3A_116, %swap3A_117], %swap3A_120 {strides = array<i32>} : memref<128x16xf32, #tpu.memory_space<vmem>>, vector<1x16xf32>,
    %broadcast_in_dim3A_121 = arith.constant 1.000000e+00 : f32
    %broadcast_in_dim3A_122 = vector.broadcast %broadcast_in_dim3A_121 : f32 to vector<16xf32>
    %swap3A_123 = arith.constant 14 : i32
    %swap3A_124 = arith.index_cast %swap3A_123 : i32 to index
    %swap3A_125 = arith.constant 0 : index
    %swap3A_126 = tpu.vector_load %arg7[%swap3A_124, %swap3A_125] {strides = array<i32>} : memref<128x16xf32, #tpu.memory_space<vmem>>, vector<1x16xf32>,
    %swap3A_127 = vector.shape_cast %swap3A_126 : vector<1x16xf32> to vector<16xf32>
    %swap3A_128 = vector.shape_cast %broadcast_in_dim3A_122 : vector<16xf32> to vector<1x16xf32>
    tpu.vector_store %arg7[%swap3A_124, %swap3A_125], %swap3A_128 {strides = array<i32>} : memref<128x16xf32, #tpu.memory_space<vmem>>, vector<1x16xf32>,
    %broadcast_in_dim3A_129 = arith.constant 1.000000e+00 : f32
    %broadcast_in_dim3A_130 = vector.broadcast %broadcast_in_dim3A_129 : f32 to vector<16xf32>
    %swap3A_131 = arith.constant 15 : i32
    %swap3A_132 = arith.index_cast %swap3A_131 : i32 to index
    %swap3A_133 = arith.constant 0 : index
    %swap3A_134 = tpu.vector_load %arg7[%swap3A_132, %swap3A_133] {strides = array<i32>} : memref<128x16xf32, #tpu.memory_space<vmem>>, vector<1x16xf32>,
    %swap3A_135 = vector.shape_cast %swap3A_134 : vector<1x16xf32> to vector<16xf32>
    %swap3A_136 = vector.shape_cast %broadcast_in_dim3A_130 : vector<16xf32> to vector<1x16xf32>
    tpu.vector_store %arg7[%swap3A_132, %swap3A_133], %swap3A_136 {strides = array<i32>} : memref<128x16xf32, #tpu.memory_space<vmem>>, vector<1x16xf32>,
    %broadcast_in_dim3A_137 = arith.constant 1.000000e+00 : f32
    %broadcast_in_dim3A_138 = vector.broadcast %broadcast_in_dim3A_137 : f32 to vector<16xf32>
    %swap3A_139 = arith.constant 16 : i32
    %swap3A_140 = arith.index_cast %swap3A_139 : i32 to index
    %swap3A_141 = arith.constant 0 : index
    %swap3A_142 = tpu.vector_load %arg7[%swap3A_140, %swap3A_141] {strides = array<i32>} : memref<128x16xf32, #tpu.memory_space<vmem>>, vector<1x16xf32>,
    %swap3A_143 = vector.shape_cast %swap3A_142 : vector<1x16xf32> to vector<16xf32>
    %swap3A_144 = vector.shape_cast %broadcast_in_dim3A_138 : vector<16xf32> to vector<1x16xf32>
    tpu.vector_store %arg7[%swap3A_140, %swap3A_141], %swap3A_144 {strides = array<i32>} : memref<128x16xf32, #tpu.memory_space<vmem>>, vector<1x16xf32>,
    %broadcast_in_dim3A_145 = arith.constant 1.000000e+00 : f32
    %broadcast_in_dim3A_146 = vector.broadcast %broadcast_in_dim3A_145 : f32 to vector<16xf32>
    %swap3A_147 = arith.constant 17 : i32
    %swap3A_148 = arith.index_cast %swap3A_147 : i32 to index
    %swap3A_149 = arith.constant 0 : index
    %swap3A_150 = tpu.vector_load %arg7[%swap3A_148, %swap3A_149] {strides = array<i32>} : memref<128x16xf32, #tpu.memory_space<vmem>>, vector<1x16xf32>,
    %swap3A_151 = vector.shape_cast %swap3A_150 : vector<1x16xf32> to vector<16xf32>
    %swap3A_152 = vector.shape_cast %broadcast_in_dim3A_146 : vector<16xf32> to vector<1x16xf32>
    tpu.vector_store %arg7[%swap3A_148, %swap3A_149], %swap3A_152 {strides = array<i32>} : memref<128x16xf32, #tpu.memory_space<vmem>>, vector<1x16xf32>,
    %broadcast_in_dim3A_153 = arith.constant 1.000000e+00 : f32
    %broadcast_in_dim3A_154 = vector.broadcast %broadcast_in_dim3A_153 : f32 to vector<16xf32>
    %swap3A_155 = arith.constant 18 : i32
    %swap3A_156 = arith.index_cast %swap3A_155 : i32 to index
    %swap3A_157 = arith.constant 0 : index
    %swap3A_158 = tpu.vector_load %arg7[%swap3A_156, %swap3A_157] {strides = array<i32>} : memref<128x16xf32, #tpu.memory_space<vmem>>, vector<1x16xf32>,
    %swap3A_159 = vector.shape_cast %swap3A_158 : vector<1x16xf32> to vector<16xf32>
    %swap3A_160 = vector.shape_cast %broadcast_in_dim3A_154 : vector<16xf32> to vector<1x16xf32>
    tpu.vector_store %arg7[%swap3A_156, %swap3A_157], %swap3A_160 {strides = array<i32>} : memref<128x16xf32, #tpu.memory_space<vmem>>, vector<1x16xf32>,
    %broadcast_in_dim3A_161 = arith.constant 1.000000e+00 : f32
    %broadcast_in_dim3A_162 = vector.broadcast %broadcast_in_dim3A_161 : f32 to vector<16xf32>
    %swap3A_163 = arith.constant 19 : i32
    %swap3A_164 = arith.index_cast %swap3A_163 : i32 to index
    %swap3A_165 = arith.constant 0 : index
    %swap3A_166 = tpu.vector_load %arg7[%swap3A_164, %swap3A_165] {strides = array<i32>} : memref<128x16xf32, #tpu.memory_space<vmem>>, vector<1x16xf32>,
    %swap3A_167 = vector.shape_cast %swap3A_166 : vector<1x16xf32> to vector<16xf32>
    %swap3A_168 = vector.shape_cast %broadcast_in_dim3A_162 : vector<16xf32> to vector<1x16xf32>
    tpu.vector_store %arg7[%swap3A_164, %swap3A_165], %swap3A_168 {strides = array<i32>} : memref<128x16xf32, #tpu.memory_space<vmem>>, vector<1x16xf32>,
    %broadcast_in_dim3A_169 = arith.constant 1.000000e+00 : f32
    %broadcast_in_dim3A_170 = vector.broadcast %broadcast_in_dim3A_169 : f32 to vector<16xf32>
    %swap3A_171 = arith.constant 20 : i32
    %swap3A_172 = arith.index_cast %swap3A_171 : i32 to index
    %swap3A_173 = arith.constant 0 : index
    %swap3A_174 = tpu.vector_load %arg7[%swap3A_172, %swap3A_173] {strides = array<i32>} : memref<128x16xf32, #tpu.memory_space<vmem>>, vector<1x16xf32>,
    %swap3A_175 = vector.shape_cast %swap3A_174 : vector<1x16xf32> to vector<16xf32>
    %swap3A_176 = vector.shape_cast %broadcast_in_dim3A_170 : vector<16xf32> to vector<1x16xf32>
    tpu.vector_store %arg7[%swap3A_172, %swap3A_173], %swap3A_176 {strides = array<i32>} : memref<128x16xf32, #tpu.memory_space<vmem>>, vector<1x16xf32>,
    %broadcast_in_dim3A_177 = arith.constant 1.000000e+00 : f32
    %broadcast_in_dim3A_178 = vector.broadcast %broadcast_in_dim3A_177 : f32 to vector<16xf32>
    %swap3A_179 = arith.constant 21 : i32
    %swap3A_180 = arith.index_cast %swap3A_179 : i32 to index
    %swap3A_181 = arith.constant 0 : index
    %swap3A_182 = tpu.vector_load %arg7[%swap3A_180, %swap3A_181] {strides = array<i32>} : memref<128x16xf32, #tpu.memory_space<vmem>>, vector<1x16xf32>,
    %swap3A_183 = vector.shape_cast %swap3A_182 : vector<1x16xf32> to vector<16xf32>
    %swap3A_184 = vector.shape_cast %broadcast_in_dim3A_178 : vector<16xf32> to vector<1x16xf32>
    tpu.vector_store %arg7[%swap3A_180, %swap3A_181], %swap3A_184 {strides = array<i32>} : memref<128x16xf32, #tpu.memory_space<vmem>>, vector<1x16xf32>,
    %broadcast_in_dim3A_185 = arith.constant 1.000000e+00 : f32
    %broadcast_in_dim3A_186 = vector.broadcast %broadcast_in_dim3A_185 : f32 to vector<16xf32>
    %swap3A_187 = arith.constant 22 : i32
    %swap3A_188 = arith.index_cast %swap3A_187 : i32 to index
    %swap3A_189 = arith.constant 0 : index
    %swap3A_190 = tpu.vector_load %arg7[%swap3A_188, %swap3A_189] {strides = array<i32>} : memref<128x16xf32, #tpu.memory_space<vmem>>, vector<1x16xf32>,
    %swap3A_191 = vector.shape_cast %swap3A_190 : vector<1x16xf32> to vector<16xf32>
    %swap3A_192 = vector.shape_cast %broadcast_in_dim3A_186 : vector<16xf32> to vector<1x16xf32>
    tpu.vector_store %arg7[%swap3A_188, %swap3A_189], %swap3A_192 {strides = array<i32>} : memref<128x16xf32, #tpu.memory_space<vmem>>, vector<1x16xf32>,
    %broadcast_in_dim3A_193 = arith.constant 1.000000e+00 : f32
    %broadcast_in_dim3A_194 = vector.broadcast %broadcast_in_dim3A_193 : f32 to vector<16xf32>
    %swap3A_195 = arith.constant 23 : i32
    %swap3A_196 = arith.index_cast %swap3A_195 : i32 to index
    %swap3A_197 = arith.constant 0 : index
    %swap3A_198 = tpu.vector_load %arg7[%swap3A_196, %swap3A_197] {strides = array<i32>} : memref<128x16xf32, #tpu.memory_space<vmem>>, vector<1x16xf32>,
    %swap3A_199 = vector.shape_cast %swap3A_198 : vector<1x16xf32> to vector<16xf32>
    %swap3A_200 = vector.shape_cast %broadcast_in_dim3A_194 : vector<16xf32> to vector<1x16xf32>
    tpu.vector_store %arg7[%swap3A_196, %swap3A_197], %swap3A_200 {strides = array<i32>} : memref<128x16xf32, #tpu.memory_space<vmem>>, vector<1x16xf32>,
    %broadcast_in_dim3A_201 = arith.constant 1.000000e+00 : f32
    %broadcast_in_dim3A_202 = vector.broadcast %broadcast_in_dim3A_201 : f32 to vector<16xf32>
    %swap3A_203 = arith.constant 24 : i32
    %swap3A_204 = arith.index_cast %swap3A_203 : i32 to index
    %swap3A_205 = arith.constant 0 : index
    %swap3A_206 = tpu.vector_load %arg7[%swap3A_204, %swap3A_205] {strides = array<i32>} : memref<128x16xf32, #tpu.memory_space<vmem>>, vector<1x16xf32>,
    %swap3A_207 = vector.shape_cast %swap3A_206 : vector<1x16xf32> to vector<16xf32>
    %swap3A_208 = vector.shape_cast %broadcast_in_dim3A_202 : vector<16xf32> to vector<1x16xf32>
    tpu.vector_store %arg7[%swap3A_204, %swap3A_205], %swap3A_208 {strides = array<i32>} : memref<128x16xf32, #tpu.memory_space<vmem>>, vector<1x16xf32>,
    %broadcast_in_dim3A_209 = arith.constant 1.000000e+00 : f32
    %broadcast_in_dim3A_210 = vector.broadcast %broadcast_in_dim3A_209 : f32 to vector<16xf32>
    %swap3A_211 = arith.constant 25 : i32
    %swap3A_212 = arith.index_cast %swap3A_211 : i32 to index
    %swap3A_213 = arith.constant 0 : index
    %swap3A_214 = tpu.vector_load %arg7[%swap3A_212, %swap3A_213] {strides = array<i32>} : memref<128x16xf32, #tpu.memory_space<vmem>>, vector<1x16xf32>,
    %swap3A_215 = vector.shape_cast %swap3A_214 : vector<1x16xf32> to vector<16xf32>
    %swap3A_216 = vector.shape_cast %broadcast_in_dim3A_210 : vector<16xf32> to vector<1x16xf32>
    tpu.vector_store %arg7[%swap3A_212, %swap3A_213], %swap3A_216 {strides = array<i32>} : memref<128x16xf32, #tpu.memory_space<vmem>>, vector<1x16xf32>,
    %broadcast_in_dim3A_217 = arith.constant 1.000000e+00 : f32
    %broadcast_in_dim3A_218 = vector.broadcast %broadcast_in_dim3A_217 : f32 to vector<16xf32>
    %swap3A_219 = arith.constant 26 : i32
    %swap3A_220 = arith.index_cast %swap3A_219 : i32 to index
    %swap3A_221 = arith.constant 0 : index
    %swap3A_222 = tpu.vector_load %arg7[%swap3A_220, %swap3A_221] {strides = array<i32>} : memref<128x16xf32, #tpu.memory_space<vmem>>, vector<1x16xf32>,
    %swap3A_223 = vector.shape_cast %swap3A_222 : vector<1x16xf32> to vector<16xf32>
    %swap3A_224 = vector.shape_cast %broadcast_in_dim3A_218 : vector<16xf32> to vector<1x16xf32>
    tpu.vector_store %arg7[%swap3A_220, %swap3A_221], %swap3A_224 {strides = array<i32>} : memref<128x16xf32, #tpu.memory_space<vmem>>, vector<1x16xf32>,
    %broadcast_in_dim3A_225 = arith.constant 1.000000e+00 : f32
    %broadcast_in_dim3A_226 = vector.broadcast %broadcast_in_dim3A_225 : f32 to vector<16xf32>
    %swap3A_227 = arith.constant 27 : i32
    %swap3A_228 = arith.index_cast %swap3A_227 : i32 to index
    %swap3A_229 = arith.constant 0 : index
    %swap3A_230 = tpu.vector_load %arg7[%swap3A_228, %swap3A_229] {strides = array<i32>} : memref<128x16xf32, #tpu.memory_space<vmem>>, vector<1x16xf32>,
    %swap3A_231 = vector.shape_cast %swap3A_230 : vector<1x16xf32> to vector<16xf32>
    %swap3A_232 = vector.shape_cast %broadcast_in_dim3A_226 : vector<16xf32> to vector<1x16xf32>
    tpu.vector_store %arg7[%swap3A_228, %swap3A_229], %swap3A_232 {strides = array<i32>} : memref<128x16xf32, #tpu.memory_space<vmem>>, vector<1x16xf32>,
    %broadcast_in_dim3A_233 = arith.constant 1.000000e+00 : f32
    %broadcast_in_dim3A_234 = vector.broadcast %broadcast_in_dim3A_233 : f32 to vector<16xf32>
    %swap3A_235 = arith.constant 28 : i32
    %swap3A_236 = arith.index_cast %swap3A_235 : i32 to index
    %swap3A_237 = arith.constant 0 : index
    %swap3A_238 = tpu.vector_load %arg7[%swap3A_236, %swap3A_237] {strides = array<i32>} : memref<128x16xf32, #tpu.memory_space<vmem>>, vector<1x16xf32>,
    %swap3A_239 = vector.shape_cast %swap3A_238 : vector<1x16xf32> to vector<16xf32>
    %swap3A_240 = vector.shape_cast %broadcast_in_dim3A_234 : vector<16xf32> to vector<1x16xf32>
    tpu.vector_store %arg7[%swap3A_236, %swap3A_237], %swap3A_240 {strides = array<i32>} : memref<128x16xf32, #tpu.memory_space<vmem>>, vector<1x16xf32>,
    %broadcast_in_dim3A_241 = arith.constant 1.000000e+00 : f32
    %broadcast_in_dim3A_242 = vector.broadcast %broadcast_in_dim3A_241 : f32 to vector<16xf32>
    %swap3A_243 = arith.constant 29 : i32
    %swap3A_244 = arith.index_cast %swap3A_243 : i32 to index
    %swap3A_245 = arith.constant 0 : index
    %swap3A_246 = tpu.vector_load %arg7[%swap3A_244, %swap3A_245] {strides = array<i32>} : memref<128x16xf32, #tpu.memory_space<vmem>>, vector<1x16xf32>,
    %swap3A_247 = vector.shape_cast %swap3A_246 : vector<1x16xf32> to vector<16xf32>
    %swap3A_248 = vector.shape_cast %broadcast_in_dim3A_242 : vector<16xf32> to vector<1x16xf32>
    tpu.vector_store %arg7[%swap3A_244, %swap3A_245], %swap3A_248 {strides = array<i32>} : memref<128x16xf32, #tpu.memory_space<vmem>>, vector<1x16xf32>,
    %broadcast_in_dim3A_249 = arith.constant 1.000000e+00 : f32
    %broadcast_in_dim3A_250 = vector.broadcast %broadcast_in_dim3A_249 : f32 to vector<16xf32>
    %swap3A_251 = arith.constant 30 : i32
    %swap3A_252 = arith.index_cast %swap3A_251 : i32 to index
    %swap3A_253 = arith.constant 0 : index
    %swap3A_254 = tpu.vector_load %arg7[%swap3A_252, %swap3A_253] {strides = array<i32>} : memref<128x16xf32, #tpu.memory_space<vmem>>, vector<1x16xf32>,
    %swap3A_255 = vector.shape_cast %swap3A_254 : vector<1x16xf32> to vector<16xf32>
    %swap3A_256 = vector.shape_cast %broadcast_in_dim3A_250 : vector<16xf32> to vector<1x16xf32>
    tpu.vector_store %arg7[%swap3A_252, %swap3A_253], %swap3A_256 {strides = array<i32>} : memref<128x16xf32, #tpu.memory_space<vmem>>, vector<1x16xf32>,
    %broadcast_in_dim3A_257 = arith.constant 1.000000e+00 : f32
    %broadcast_in_dim3A_258 = vector.broadcast %broadcast_in_dim3A_257 : f32 to vector<16xf32>
    %swap3A_259 = arith.constant 31 : i32
    %swap3A_260 = arith.index_cast %swap3A_259 : i32 to index
    %swap3A_261 = arith.constant 0 : index
    %swap3A_262 = tpu.vector_load %arg7[%swap3A_260, %swap3A_261] {strides = array<i32>} : memref<128x16xf32, #tpu.memory_space<vmem>>, vector<1x16xf32>,
    %swap3A_263 = vector.shape_cast %swap3A_262 : vector<1x16xf32> to vector<16xf32>
    %swap3A_264 = vector.shape_cast %broadcast_in_dim3A_258 : vector<16xf32> to vector<1x16xf32>
    tpu.vector_store %arg7[%swap3A_260, %swap3A_261], %swap3A_264 {strides = array<i32>} : memref<128x16xf32, #tpu.memory_space<vmem>>, vector<1x16xf32>,
    %broadcast_in_dim3A_265 = arith.constant 1.000000e+00 : f32
    %broadcast_in_dim3A_266 = vector.broadcast %broadcast_in_dim3A_265 : f32 to vector<16xf32>
    %swap3A_267 = arith.constant 32 : i32
    %swap3A_268 = arith.index_cast %swap3A_267 : i32 to index
    %swap3A_269 = arith.constant 0 : index
    %swap3A_270 = tpu.vector_load %arg7[%swap3A_268, %swap3A_269] {strides = array<i32>} : memref<128x16xf32, #tpu.memory_space<vmem>>, vector<1x16xf32>,
    %swap3A_271 = vector.shape_cast %swap3A_270 : vector<1x16xf32> to vector<16xf32>
    %swap3A_272 = vector.shape_cast %broadcast_in_dim3A_266 : vector<16xf32> to vector<1x16xf32>
    tpu.vector_store %arg7[%swap3A_268, %swap3A_269], %swap3A_272 {strides = array<i32>} : memref<128x16xf32, #tpu.memory_space<vmem>>, vector<1x16xf32>,
    %broadcast_in_dim3A_273 = arith.constant 1.000000e+00 : f32
    %broadcast_in_dim3A_274 = vector.broadcast %broadcast_in_dim3A_273 : f32 to vector<16xf32>
    %swap3A_275 = arith.constant 33 : i32
    %swap3A_276 = arith.index_cast %swap3A_275 : i32 to index
    %swap3A_277 = arith.constant 0 : index
    %swap3A_278 = tpu.vector_load %arg7[%swap3A_276, %swap3A_277] {strides = array<i32>} : memref<128x16xf32, #tpu.memory_space<vmem>>, vector<1x16xf32>,
    %swap3A_279 = vector.shape_cast %swap3A_278 : vector<1x16xf32> to vector<16xf32>
    %swap3A_280 = vector.shape_cast %broadcast_in_dim3A_274 : vector<16xf32> to vector<1x16xf32>
    tpu.vector_store %arg7[%swap3A_276, %swap3A_277], %swap3A_280 {strides = array<i32>} : memref<128x16xf32, #tpu.memory_space<vmem>>, vector<1x16xf32>,
    %broadcast_in_dim3A_281 = arith.constant 1.000000e+00 : f32
    %broadcast_in_dim3A_282 = vector.broadcast %broadcast_in_dim3A_281 : f32 to vector<16xf32>
    %swap3A_283 = arith.constant 34 : i32
    %swap3A_284 = arith.index_cast %swap3A_283 : i32 to index
    %swap3A_285 = arith.constant 0 : index
    %swap3A_286 = tpu.vector_load %arg7[%swap3A_284, %swap3A_285] {strides = array<i32>} : memref<128x16xf32, #tpu.memory_space<vmem>>, vector<1x16xf32>,
    %swap3A_287 = vector.shape_cast %swap3A_286 : vector<1x16xf32> to vector<16xf32>
    %swap3A_288 = vector.shape_cast %broadcast_in_dim3A_282 : vector<16xf32> to vector<1x16xf32>
    tpu.vector_store %arg7[%swap3A_284, %swap3A_285], %swap3A_288 {strides = array<i32>} : memref<128x16xf32, #tpu.memory_space<vmem>>, vector<1x16xf32>,
    %broadcast_in_dim3A_289 = arith.constant 1.000000e+00 : f32
    %broadcast_in_dim3A_290 = vector.broadcast %broadcast_in_dim3A_289 : f32 to vector<16xf32>
    %swap3A_291 = arith.constant 35 : i32
    %swap3A_292 = arith.index_cast %swap3A_291 : i32 to index
    %swap3A_293 = arith.constant 0 : index
    %swap3A_294 = tpu.vector_load %arg7[%swap3A_292, %swap3A_293] {strides = array<i32>} : memref<128x16xf32, #tpu.memory_space<vmem>>, vector<1x16xf32>,
    %swap3A_295 = vector.shape_cast %swap3A_294 : vector<1x16xf32> to vector<16xf32>
    %swap3A_296 = vector.shape_cast %broadcast_in_dim3A_290 : vector<16xf32> to vector<1x16xf32>
    tpu.vector_store %arg7[%swap3A_292, %swap3A_293], %swap3A_296 {strides = array<i32>} : memref<128x16xf32, #tpu.memory_space<vmem>>, vector<1x16xf32>,
    %broadcast_in_dim3A_297 = arith.constant 1.000000e+00 : f32
    %broadcast_in_dim3A_298 = vector.broadcast %broadcast_in_dim3A_297 : f32 to vector<16xf32>
    %swap3A_299 = arith.constant 36 : i32
    %swap3A_300 = arith.index_cast %swap3A_299 : i32 to index
    %swap3A_301 = arith.constant 0 : index
    %swap3A_302 = tpu.vector_load %arg7[%swap3A_300, %swap3A_301] {strides = array<i32>} : memref<128x16xf32, #tpu.memory_space<vmem>>, vector<1x16xf32>,
    %swap3A_303 = vector.shape_cast %swap3A_302 : vector<1x16xf32> to vector<16xf32>
    %swap3A_304 = vector.shape_cast %broadcast_in_dim3A_298 : vector<16xf32> to vector<1x16xf32>
    tpu.vector_store %arg7[%swap3A_300, %swap3A_301], %swap3A_304 {strides = array<i32>} : memref<128x16xf32, #tpu.memory_space<vmem>>, vector<1x16xf32>,
    %broadcast_in_dim3A_305 = arith.constant 1.000000e+00 : f32
    %broadcast_in_dim3A_306 = vector.broadcast %broadcast_in_dim3A_305 : f32 to vector<16xf32>
    %swap3A_307 = arith.constant 37 : i32
    %swap3A_308 = arith.index_cast %swap3A_307 : i32 to index
    %swap3A_309 = arith.constant 0 : index
    %swap3A_310 = tpu.vector_load %arg7[%swap3A_308, %swap3A_309] {strides = array<i32>} : memref<128x16xf32, #tpu.memory_space<vmem>>, vector<1x16xf32>,
    %swap3A_311 = vector.shape_cast %swap3A_310 : vector<1x16xf32> to vector<16xf32>
    %swap3A_312 = vector.shape_cast %broadcast_in_dim3A_306 : vector<16xf32> to vector<1x16xf32>
    tpu.vector_store %arg7[%swap3A_308, %swap3A_309], %swap3A_312 {strides = array<i32>} : memref<128x16xf32, #tpu.memory_space<vmem>>, vector<1x16xf32>,
    %broadcast_in_dim3A_313 = arith.constant 1.000000e+00 : f32
    %broadcast_in_dim3A_314 = vector.broadcast %broadcast_in_dim3A_313 : f32 to vector<16xf32>
    %swap3A_315 = arith.constant 38 : i32
    %swap3A_316 = arith.index_cast %swap3A_315 : i32 to index
    %swap3A_317 = arith.constant 0 : index
    %swap3A_318 = tpu.vector_load %arg7[%swap3A_316, %swap3A_317] {strides = array<i32>} : memref<128x16xf32, #tpu.memory_space<vmem>>, vector<1x16xf32>,
    %swap3A_319 = vector.shape_cast %swap3A_318 : vector<1x16xf32> to vector<16xf32>
    %swap3A_320 = vector.shape_cast %broadcast_in_dim3A_314 : vector<16xf32> to vector<1x16xf32>
    tpu.vector_store %arg7[%swap3A_316, %swap3A_317], %swap3A_320 {strides = array<i32>} : memref<128x16xf32, #tpu.memory_space<vmem>>, vector<1x16xf32>,
    %broadcast_in_dim3A_321 = arith.constant 1.000000e+00 : f32
    %broadcast_in_dim3A_322 = vector.broadcast %broadcast_in_dim3A_321 : f32 to vector<16xf32>
    %swap3A_323 = arith.constant 39 : i32
    %swap3A_324 = arith.index_cast %swap3A_323 : i32 to index
    %swap3A_325 = arith.constant 0 : index
    %swap3A_326 = tpu.vector_load %arg7[%swap3A_324, %swap3A_325] {strides = array<i32>} : memref<128x16xf32, #tpu.memory_space<vmem>>, vector<1x16xf32>,
    %swap3A_327 = vector.shape_cast %swap3A_326 : vector<1x16xf32> to vector<16xf32>
    %swap3A_328 = vector.shape_cast %broadcast_in_dim3A_322 : vector<16xf32> to vector<1x16xf32>
    tpu.vector_store %arg7[%swap3A_324, %swap3A_325], %swap3A_328 {strides = array<i32>} : memref<128x16xf32, #tpu.memory_space<vmem>>, vector<1x16xf32>,
    %broadcast_in_dim3A_329 = arith.constant 1.000000e+00 : f32
    %broadcast_in_dim3A_330 = vector.broadcast %broadcast_in_dim3A_329 : f32 to vector<16xf32>
    %swap3A_331 = arith.constant 40 : i32
    %swap3A_332 = arith.index_cast %swap3A_331 : i32 to index
    %swap3A_333 = arith.constant 0 : index
    %swap3A_334 = tpu.vector_load %arg7[%swap3A_332, %swap3A_333] {strides = array<i32>} : memref<128x16xf32, #tpu.memory_space<vmem>>, vector<1x16xf32>,
    %swap3A_335 = vector.shape_cast %swap3A_334 : vector<1x16xf32> to vector<16xf32>
    %swap3A_336 = vector.shape_cast %broadcast_in_dim3A_330 : vector<16xf32> to vector<1x16xf32>
    tpu.vector_store %arg7[%swap3A_332, %swap3A_333], %swap3A_336 {strides = array<i32>} : memref<128x16xf32, #tpu.memory_space<vmem>>, vector<1x16xf32>,
    %broadcast_in_dim3A_337 = arith.constant 1.000000e+00 : f32
    %broadcast_in_dim3A_338 = vector.broadcast %broadcast_in_dim3A_337 : f32 to vector<16xf32>
    %swap3A_339 = arith.constant 41 : i32
    %swap3A_340 = arith.index_cast %swap3A_339 : i32 to index
    %swap3A_341 = arith.constant 0 : index
    %swap3A_342 = tpu.vector_load %arg7[%swap3A_340, %swap3A_341] {strides = array<i32>} : memref<128x16xf32, #tpu.memory_space<vmem>>, vector<1x16xf32>,
    %swap3A_343 = vector.shape_cast %swap3A_342 : vector<1x16xf32> to vector<16xf32>
    %swap3A_344 = vector.shape_cast %broadcast_in_dim3A_338 : vector<16xf32> to vector<1x16xf32>
    tpu.vector_store %arg7[%swap3A_340, %swap3A_341], %swap3A_344 {strides = array<i32>} : memref<128x16xf32, #tpu.memory_space<vmem>>, vector<1x16xf32>,
    %broadcast_in_dim3A_345 = arith.constant 1.000000e+00 : f32
    %broadcast_in_dim3A_346 = vector.broadcast %broadcast_in_dim3A_345 : f32 to vector<16xf32>
    %swap3A_347 = arith.constant 42 : i32
    %swap3A_348 = arith.index_cast %swap3A_347 : i32 to index
    %swap3A_349 = arith.constant 0 : index
    %swap3A_350 = tpu.vector_load %arg7[%swap3A_348, %swap3A_349] {strides = array<i32>} : memref<128x16xf32, #tpu.memory_space<vmem>>, vector<1x16xf32>,
    %swap3A_351 = vector.shape_cast %swap3A_350 : vector<1x16xf32> to vector<16xf32>
    %swap3A_352 = vector.shape_cast %broadcast_in_dim3A_346 : vector<16xf32> to vector<1x16xf32>
    tpu.vector_store %arg7[%swap3A_348, %swap3A_349], %swap3A_352 {strides = array<i32>} : memref<128x16xf32, #tpu.memory_space<vmem>>, vector<1x16xf32>,
    %broadcast_in_dim3A_353 = arith.constant 1.000000e+00 : f32
    %broadcast_in_dim3A_354 = vector.broadcast %broadcast_in_dim3A_353 : f32 to vector<16xf32>
    %swap3A_355 = arith.constant 43 : i32
    %swap3A_356 = arith.index_cast %swap3A_355 : i32 to index
    %swap3A_357 = arith.constant 0 : index
    %swap3A_358 = tpu.vector_load %arg7[%swap3A_356, %swap3A_357] {strides = array<i32>} : memref<128x16xf32, #tpu.memory_space<vmem>>, vector<1x16xf32>,
    %swap3A_359 = vector.shape_cast %swap3A_358 : vector<1x16xf32> to vector<16xf32>
    %swap3A_360 = vector.shape_cast %broadcast_in_dim3A_354 : vector<16xf32> to vector<1x16xf32>
    tpu.vector_store %arg7[%swap3A_356, %swap3A_357], %swap3A_360 {strides = array<i32>} : memref<128x16xf32, #tpu.memory_space<vmem>>, vector<1x16xf32>,
    %broadcast_in_dim3A_361 = arith.constant 1.000000e+00 : f32
    %broadcast_in_dim3A_362 = vector.broadcast %broadcast_in_dim3A_361 : f32 to vector<16xf32>
    %swap3A_363 = arith.constant 44 : i32
    %swap3A_364 = arith.index_cast %swap3A_363 : i32 to index
    %swap3A_365 = arith.constant 0 : index
    %swap3A_366 = tpu.vector_load %arg7[%swap3A_364, %swap3A_365] {strides = array<i32>} : memref<128x16xf32, #tpu.memory_space<vmem>>, vector<1x16xf32>,
    %swap3A_367 = vector.shape_cast %swap3A_366 : vector<1x16xf32> to vector<16xf32>
    %swap3A_368 = vector.shape_cast %broadcast_in_dim3A_362 : vector<16xf32> to vector<1x16xf32>
    tpu.vector_store %arg7[%swap3A_364, %swap3A_365], %swap3A_368 {strides = array<i32>} : memref<128x16xf32, #tpu.memory_space<vmem>>, vector<1x16xf32>,
    %broadcast_in_dim3A_369 = arith.constant 1.000000e+00 : f32
    %broadcast_in_dim3A_370 = vector.broadcast %broadcast_in_dim3A_369 : f32 to vector<16xf32>
    %swap3A_371 = arith.constant 45 : i32
    %swap3A_372 = arith.index_cast %swap3A_371 : i32 to index
    %swap3A_373 = arith.constant 0 : index
    %swap3A_374 = tpu.vector_load %arg7[%swap3A_372, %swap3A_373] {strides = array<i32>} : memref<128x16xf32, #tpu.memory_space<vmem>>, vector<1x16xf32>,
    %swap3A_375 = vector.shape_cast %swap3A_374 : vector<1x16xf32> to vector<16xf32>
    %swap3A_376 = vector.shape_cast %broadcast_in_dim3A_370 : vector<16xf32> to vector<1x16xf32>
    tpu.vector_store %arg7[%swap3A_372, %swap3A_373], %swap3A_376 {strides = array<i32>} : memref<128x16xf32, #tpu.memory_space<vmem>>, vector<1x16xf32>,
    %broadcast_in_dim3A_377 = arith.constant 1.000000e+00 : f32
    %broadcast_in_dim3A_378 = vector.broadcast %broadcast_in_dim3A_377 : f32 to vector<16xf32>
    %swap3A_379 = arith.constant 46 : i32
    %swap3A_380 = arith.index_cast %swap3A_379 : i32 to index
    %swap3A_381 = arith.constant 0 : index
    %swap3A_382 = tpu.vector_load %arg7[%swap3A_380, %swap3A_381] {strides = array<i32>} : memref<128x16xf32, #tpu.memory_space<vmem>>, vector<1x16xf32>,
    %swap3A_383 = vector.shape_cast %swap3A_382 : vector<1x16xf32> to vector<16xf32>
    %swap3A_384 = vector.shape_cast %broadcast_in_dim3A_378 : vector<16xf32> to vector<1x16xf32>
    tpu.vector_store %arg7[%swap3A_380, %swap3A_381], %swap3A_384 {strides = array<i32>} : memref<128x16xf32, #tpu.memory_space<vmem>>, vector<1x16xf32>,
    %broadcast_in_dim3A_385 = arith.constant 1.000000e+00 : f32
    %broadcast_in_dim3A_386 = vector.broadcast %broadcast_in_dim3A_385 : f32 to vector<16xf32>
    %swap3A_387 = arith.constant 47 : i32
    %swap3A_388 = arith.index_cast %swap3A_387 : i32 to index
    %swap3A_389 = arith.constant 0 : index
    %swap3A_390 = tpu.vector_load %arg7[%swap3A_388, %swap3A_389] {strides = array<i32>} : memref<128x16xf32, #tpu.memory_space<vmem>>, vector<1x16xf32>,
    %swap3A_391 = vector.shape_cast %swap3A_390 : vector<1x16xf32> to vector<16xf32>
    %swap3A_392 = vector.shape_cast %broadcast_in_dim3A_386 : vector<16xf32> to vector<1x16xf32>
    tpu.vector_store %arg7[%swap3A_388, %swap3A_389], %swap3A_392 {strides = array<i32>} : memref<128x16xf32, #tpu.memory_space<vmem>>, vector<1x16xf32>,
    %broadcast_in_dim3A_393 = arith.constant 1.000000e+00 : f32
    %broadcast_in_dim3A_394 = vector.broadcast %broadcast_in_dim3A_393 : f32 to vector<16xf32>
    %swap3A_395 = arith.constant 48 : i32
    %swap3A_396 = arith.index_cast %swap3A_395 : i32 to index
    %swap3A_397 = arith.constant 0 : index
    %swap3A_398 = tpu.vector_load %arg7[%swap3A_396, %swap3A_397] {strides = array<i32>} : memref<128x16xf32, #tpu.memory_space<vmem>>, vector<1x16xf32>,
    %swap3A_399 = vector.shape_cast %swap3A_398 : vector<1x16xf32> to vector<16xf32>
    %swap3A_400 = vector.shape_cast %broadcast_in_dim3A_394 : vector<16xf32> to vector<1x16xf32>
    tpu.vector_store %arg7[%swap3A_396, %swap3A_397], %swap3A_400 {strides = array<i32>} : memref<128x16xf32, #tpu.memory_space<vmem>>, vector<1x16xf32>,
    %broadcast_in_dim3A_401 = arith.constant 1.000000e+00 : f32
    %broadcast_in_dim3A_402 = vector.broadcast %broadcast_in_dim3A_401 : f32 to vector<16xf32>
    %swap3A_403 = arith.constant 49 : i32
    %swap3A_404 = arith.index_cast %swap3A_403 : i32 to index
    %swap3A_405 = arith.constant 0 : index
    %swap3A_406 = tpu.vector_load %arg7[%swap3A_404, %swap3A_405] {strides = array<i32>} : memref<128x16xf32, #tpu.memory_space<vmem>>, vector<1x16xf32>,
    %swap3A_407 = vector.shape_cast %swap3A_406 : vector<1x16xf32> to vector<16xf32>
    %swap3A_408 = vector.shape_cast %broadcast_in_dim3A_402 : vector<16xf32> to vector<1x16xf32>
    tpu.vector_store %arg7[%swap3A_404, %swap3A_405], %swap3A_408 {strides = array<i32>} : memref<128x16xf32, #tpu.memory_space<vmem>>, vector<1x16xf32>,
    %broadcast_in_dim3A_409 = arith.constant 1.000000e+00 : f32
    %broadcast_in_dim3A_410 = vector.broadcast %broadcast_in_dim3A_409 : f32 to vector<16xf32>
    %swap3A_411 = arith.constant 50 : i32
    %swap3A_412 = arith.index_cast %swap3A_411 : i32 to index
    %swap3A_413 = arith.constant 0 : index
    %swap3A_414 = tpu.vector_load %arg7[%swap3A_412, %swap3A_413] {strides = array<i32>} : memref<128x16xf32, #tpu.memory_space<vmem>>, vector<1x16xf32>,
    %swap3A_415 = vector.shape_cast %swap3A_414 : vector<1x16xf32> to vector<16xf32>
    %swap3A_416 = vector.shape_cast %broadcast_in_dim3A_410 : vector<16xf32> to vector<1x16xf32>
    tpu.vector_store %arg7[%swap3A_412, %swap3A_413], %swap3A_416 {strides = array<i32>} : memref<128x16xf32, #tpu.memory_space<vmem>>, vector<1x16xf32>,
    %broadcast_in_dim3A_417 = arith.constant 1.000000e+00 : f32
    %broadcast_in_dim3A_418 = vector.broadcast %broadcast_in_dim3A_417 : f32 to vector<16xf32>
    %swap3A_419 = arith.constant 51 : i32
    %swap3A_420 = arith.index_cast %swap3A_419 : i32 to index
    %swap3A_421 = arith.constant 0 : index
    %swap3A_422 = tpu.vector_load %arg7[%swap3A_420, %swap3A_421] {strides = array<i32>} : memref<128x16xf32, #tpu.memory_space<vmem>>, vector<1x16xf32>,
    %swap3A_423 = vector.shape_cast %swap3A_422 : vector<1x16xf32> to vector<16xf32>
    %swap3A_424 = vector.shape_cast %broadcast_in_dim3A_418 : vector<16xf32> to vector<1x16xf32>
    tpu.vector_store %arg7[%swap3A_420, %swap3A_421], %swap3A_424 {strides = array<i32>} : memref<128x16xf32, #tpu.memory_space<vmem>>, vector<1x16xf32>,
    %broadcast_in_dim3A_425 = arith.constant 1.000000e+00 : f32
    %broadcast_in_dim3A_426 = vector.broadcast %broadcast_in_dim3A_425 : f32 to vector<16xf32>
    %swap3A_427 = arith.constant 52 : i32
    %swap3A_428 = arith.index_cast %swap3A_427 : i32 to index
    %swap3A_429 = arith.constant 0 : index
    %swap3A_430 = tpu.vector_load %arg7[%swap3A_428, %swap3A_429] {strides = array<i32>} : memref<128x16xf32, #tpu.memory_space<vmem>>, vector<1x16xf32>,
    %swap3A_431 = vector.shape_cast %swap3A_430 : vector<1x16xf32> to vector<16xf32>
    %swap3A_432 = vector.shape_cast %broadcast_in_dim3A_426 : vector<16xf32> to vector<1x16xf32>
    tpu.vector_store %arg7[%swap3A_428, %swap3A_429], %swap3A_432 {strides = array<i32>} : memref<128x16xf32, #tpu.memory_space<vmem>>, vector<1x16xf32>,
    %broadcast_in_dim3A_433 = arith.constant 1.000000e+00 : f32
    %broadcast_in_dim3A_434 = vector.broadcast %broadcast_in_dim3A_433 : f32 to vector<16xf32>
    %swap3A_435 = arith.constant 53 : i32
    %swap3A_436 = arith.index_cast %swap3A_435 : i32 to index
    %swap3A_437 = arith.constant 0 : index
    %swap3A_438 = tpu.vector_load %arg7[%swap3A_436, %swap3A_437] {strides = array<i32>} : memref<128x16xf32, #tpu.memory_space<vmem>>, vector<1x16xf32>,
    %swap3A_439 = vector.shape_cast %swap3A_438 : vector<1x16xf32> to vector<16xf32>
    %swap3A_440 = vector.shape_cast %broadcast_in_dim3A_434 : vector<16xf32> to vector<1x16xf32>
    tpu.vector_store %arg7[%swap3A_436, %swap3A_437], %swap3A_440 {strides = array<i32>} : memref<128x16xf32, #tpu.memory_space<vmem>>, vector<1x16xf32>,
    %broadcast_in_dim3A_441 = arith.constant 1.000000e+00 : f32
    %broadcast_in_dim3A_442 = vector.broadcast %broadcast_in_dim3A_441 : f32 to vector<16xf32>
    %swap3A_443 = arith.constant 54 : i32
    %swap3A_444 = arith.index_cast %swap3A_443 : i32 to index
    %swap3A_445 = arith.constant 0 : index
    %swap3A_446 = tpu.vector_load %arg7[%swap3A_444, %swap3A_445] {strides = array<i32>} : memref<128x16xf32, #tpu.memory_space<vmem>>, vector<1x16xf32>,
    %swap3A_447 = vector.shape_cast %swap3A_446 : vector<1x16xf32> to vector<16xf32>
    %swap3A_448 = vector.shape_cast %broadcast_in_dim3A_442 : vector<16xf32> to vector<1x16xf32>
    tpu.vector_store %arg7[%swap3A_444, %swap3A_445], %swap3A_448 {strides = array<i32>} : memref<128x16xf32, #tpu.memory_space<vmem>>, vector<1x16xf32>,
    %broadcast_in_dim3A_449 = arith.constant 1.000000e+00 : f32
    %broadcast_in_dim3A_450 = vector.broadcast %broadcast_in_dim3A_449 : f32 to vector<16xf32>
    %swap3A_451 = arith.constant 55 : i32
    %swap3A_452 = arith.index_cast %swap3A_451 : i32 to index
    %swap3A_453 = arith.constant 0 : index
    %swap3A_454 = tpu.vector_load %arg7[%swap3A_452, %swap3A_453] {strides = array<i32>} : memref<128x16xf32, #tpu.memory_space<vmem>>, vector<1x16xf32>,
    %swap3A_455 = vector.shape_cast %swap3A_454 : vector<1x16xf32> to vector<16xf32>
    %swap3A_456 = vector.shape_cast %broadcast_in_dim3A_450 : vector<16xf32> to vector<1x16xf32>
    tpu.vector_store %arg7[%swap3A_452, %swap3A_453], %swap3A_456 {strides = array<i32>} : memref<128x16xf32, #tpu.memory_space<vmem>>, vector<1x16xf32>,
    %broadcast_in_dim3A_457 = arith.constant 1.000000e+00 : f32
    %broadcast_in_dim3A_458 = vector.broadcast %broadcast_in_dim3A_457 : f32 to vector<16xf32>
    %swap3A_459 = arith.constant 56 : i32
    %swap3A_460 = arith.index_cast %swap3A_459 : i32 to index
    %swap3A_461 = arith.constant 0 : index
    %swap3A_462 = tpu.vector_load %arg7[%swap3A_460, %swap3A_461] {strides = array<i32>} : memref<128x16xf32, #tpu.memory_space<vmem>>, vector<1x16xf32>,
    %swap3A_463 = vector.shape_cast %swap3A_462 : vector<1x16xf32> to vector<16xf32>
    %swap3A_464 = vector.shape_cast %broadcast_in_dim3A_458 : vector<16xf32> to vector<1x16xf32>
    tpu.vector_store %arg7[%swap3A_460, %swap3A_461], %swap3A_464 {strides = array<i32>} : memref<128x16xf32, #tpu.memory_space<vmem>>, vector<1x16xf32>,
    %broadcast_in_dim3A_465 = arith.constant 1.000000e+00 : f32
    %broadcast_in_dim3A_466 = vector.broadcast %broadcast_in_dim3A_465 : f32 to vector<16xf32>
    %swap3A_467 = arith.constant 57 : i32
    %swap3A_468 = arith.index_cast %swap3A_467 : i32 to index
    %swap3A_469 = arith.constant 0 : index
    %swap3A_470 = tpu.vector_load %arg7[%swap3A_468, %swap3A_469] {strides = array<i32>} : memref<128x16xf32, #tpu.memory_space<vmem>>, vector<1x16xf32>,
    %swap3A_471 = vector.shape_cast %swap3A_470 : vector<1x16xf32> to vector<16xf32>
    %swap3A_472 = vector.shape_cast %broadcast_in_dim3A_466 : vector<16xf32> to vector<1x16xf32>
    tpu.vector_store %arg7[%swap3A_468, %swap3A_469], %swap3A_472 {strides = array<i32>} : memref<128x16xf32, #tpu.memory_space<vmem>>, vector<1x16xf32>,
    %broadcast_in_dim3A_473 = arith.constant 1.000000e+00 : f32
    %broadcast_in_dim3A_474 = vector.broadcast %broadcast_in_dim3A_473 : f32 to vector<16xf32>
    %swap3A_475 = arith.constant 58 : i32
    %swap3A_476 = arith.index_cast %swap3A_475 : i32 to index
    %swap3A_477 = arith.constant 0 : index
    %swap3A_478 = tpu.vector_load %arg7[%swap3A_476, %swap3A_477] {strides = array<i32>} : memref<128x16xf32, #tpu.memory_space<vmem>>, vector<1x16xf32>,
    %swap3A_479 = vector.shape_cast %swap3A_478 : vector<1x16xf32> to vector<16xf32>
    %swap3A_480 = vector.shape_cast %broadcast_in_dim3A_474 : vector<16xf32> to vector<1x16xf32>
    tpu.vector_store %arg7[%swap3A_476, %swap3A_477], %swap3A_480 {strides = array<i32>} : memref<128x16xf32, #tpu.memory_space<vmem>>, vector<1x16xf32>,
    %broadcast_in_dim3A_481 = arith.constant 1.000000e+00 : f32
    %broadcast_in_dim3A_482 = vector.broadcast %broadcast_in_dim3A_481 : f32 to vector<16xf32>
    %swap3A_483 = arith.constant 59 : i32
    %swap3A_484 = arith.index_cast %swap3A_483 : i32 to index
    %swap3A_485 = arith.constant 0 : index
    %swap3A_486 = tpu.vector_load %arg7[%swap3A_484, %swap3A_485] {strides = array<i32>} : memref<128x16xf32, #tpu.memory_space<vmem>>, vector<1x16xf32>,
    %swap3A_487 = vector.shape_cast %swap3A_486 : vector<1x16xf32> to vector<16xf32>
    %swap3A_488 = vector.shape_cast %broadcast_in_dim3A_482 : vector<16xf32> to vector<1x16xf32>
    tpu.vector_store %arg7[%swap3A_484, %swap3A_485], %swap3A_488 {strides = array<i32>} : memref<128x16xf32, #tpu.memory_space<vmem>>, vector<1x16xf32>,
    %broadcast_in_dim3A_489 = arith.constant 1.000000e+00 : f32
    %broadcast_in_dim3A_490 = vector.broadcast %broadcast_in_dim3A_489 : f32 to vector<16xf32>
    %swap3A_491 = arith.constant 60 : i32
    %swap3A_492 = arith.index_cast %swap3A_491 : i32 to index
    %swap3A_493 = arith.constant 0 : index
    %swap3A_494 = tpu.vector_load %arg7[%swap3A_492, %swap3A_493] {strides = array<i32>} : memref<128x16xf32, #tpu.memory_space<vmem>>, vector<1x16xf32>,
    %swap3A_495 = vector.shape_cast %swap3A_494 : vector<1x16xf32> to vector<16xf32>
    %swap3A_496 = vector.shape_cast %broadcast_in_dim3A_490 : vector<16xf32> to vector<1x16xf32>
    tpu.vector_store %arg7[%swap3A_492, %swap3A_493], %swap3A_496 {strides = array<i32>} : memref<128x16xf32, #tpu.memory_space<vmem>>, vector<1x16xf32>,
    %broadcast_in_dim3A_497 = arith.constant 1.000000e+00 : f32
    %broadcast_in_dim3A_498 = vector.broadcast %broadcast_in_dim3A_497 : f32 to vector<16xf32>
    %swap3A_499 = arith.constant 61 : i32
    %swap3A_500 = arith.index_cast %swap3A_499 : i32 to index
    %swap3A_501 = arith.constant 0 : index
    %swap3A_502 = tpu.vector_load %arg7[%swap3A_500, %swap3A_501] {strides = array<i32>} : memref<128x16xf32, #tpu.memory_space<vmem>>, vector<1x16xf32>,
    %swap3A_503 = vector.shape_cast %swap3A_502 : vector<1x16xf32> to vector<16xf32>
    %swap3A_504 = vector.shape_cast %broadcast_in_dim3A_498 : vector<16xf32> to vector<1x16xf32>
    tpu.vector_store %arg7[%swap3A_500, %swap3A_501], %swap3A_504 {strides = array<i32>} : memref<128x16xf32, #tpu.memory_space<vmem>>, vector<1x16xf32>,
    %broadcast_in_dim3A_505 = arith.constant 1.000000e+00 : f32
    %broadcast_in_dim3A_506 = vector.broadcast %broadcast_in_dim3A_505 : f32 to vector<16xf32>
    %swap3A_507 = arith.constant 62 : i32
    %swap3A_508 = arith.index_cast %swap3A_507 : i32 to index
    %swap3A_509 = arith.constant 0 : index
    %swap3A_510 = tpu.vector_load %arg7[%swap3A_508, %swap3A_509] {strides = array<i32>} : memref<128x16xf32, #tpu.memory_space<vmem>>, vector<1x16xf32>,
    %swap3A_511 = vector.shape_cast %swap3A_510 : vector<1x16xf32> to vector<16xf32>
    %swap3A_512 = vector.shape_cast %broadcast_in_dim3A_506 : vector<16xf32> to vector<1x16xf32>
    tpu.vector_store %arg7[%swap3A_508, %swap3A_509], %swap3A_512 {strides = array<i32>} : memref<128x16xf32, #tpu.memory_space<vmem>>, vector<1x16xf32>,
    %broadcast_in_dim3A_513 = arith.constant 1.000000e+00 : f32
    %broadcast_in_dim3A_514 = vector.broadcast %broadcast_in_dim3A_513 : f32 to vector<16xf32>
    %swap3A_515 = arith.constant 63 : i32
    %swap3A_516 = arith.index_cast %swap3A_515 : i32 to index
    %swap3A_517 = arith.constant 0 : index
    %swap3A_518 = tpu.vector_load %arg7[%swap3A_516, %swap3A_517] {strides = array<i32>} : memref<128x16xf32, #tpu.memory_space<vmem>>, vector<1x16xf32>,
    %swap3A_519 = vector.shape_cast %swap3A_518 : vector<1x16xf32> to vector<16xf32>
    %swap3A_520 = vector.shape_cast %broadcast_in_dim3A_514 : vector<16xf32> to vector<1x16xf32>
    tpu.vector_store %arg7[%swap3A_516, %swap3A_517], %swap3A_520 {strides = array<i32>} : memref<128x16xf32, #tpu.memory_space<vmem>>, vector<1x16xf32>,
    %broadcast_in_dim3A_521 = arith.constant 1.000000e+00 : f32
    %broadcast_in_dim3A_522 = vector.broadcast %broadcast_in_dim3A_521 : f32 to vector<16xf32>
    %swap3A_523 = arith.constant 64 : i32
    %swap3A_524 = arith.index_cast %swap3A_523 : i32 to index
    %swap3A_525 = arith.constant 0 : index
    %swap3A_526 = tpu.vector_load %arg7[%swap3A_524, %swap3A_525] {strides = array<i32>} : memref<128x16xf32, #tpu.memory_space<vmem>>, vector<1x16xf32>,
    %swap3A_527 = vector.shape_cast %swap3A_526 : vector<1x16xf32> to vector<16xf32>
    %swap3A_528 = vector.shape_cast %broadcast_in_dim3A_522 : vector<16xf32> to vector<1x16xf32>
    tpu.vector_store %arg7[%swap3A_524, %swap3A_525], %swap3A_528 {strides = array<i32>} : memref<128x16xf32, #tpu.memory_space<vmem>>, vector<1x16xf32>,
    %broadcast_in_dim3A_529 = arith.constant 1.000000e+00 : f32
    %broadcast_in_dim3A_530 = vector.broadcast %broadcast_in_dim3A_529 : f32 to vector<16xf32>
    %swap3A_531 = arith.constant 65 : i32
    %swap3A_532 = arith.index_cast %swap3A_531 : i32 to index
    %swap3A_533 = arith.constant 0 : index
    %swap3A_534 = tpu.vector_load %arg7[%swap3A_532, %swap3A_533] {strides = array<i32>} : memref<128x16xf32, #tpu.memory_space<vmem>>, vector<1x16xf32>,
    %swap3A_535 = vector.shape_cast %swap3A_534 : vector<1x16xf32> to vector<16xf32>
    %swap3A_536 = vector.shape_cast %broadcast_in_dim3A_530 : vector<16xf32> to vector<1x16xf32>
    tpu.vector_store %arg7[%swap3A_532, %swap3A_533], %swap3A_536 {strides = array<i32>} : memref<128x16xf32, #tpu.memory_space<vmem>>, vector<1x16xf32>,
    %broadcast_in_dim3A_537 = arith.constant 1.000000e+00 : f32
    %broadcast_in_dim3A_538 = vector.broadcast %broadcast_in_dim3A_537 : f32 to vector<16xf32>
    %swap3A_539 = arith.constant 66 : i32
    %swap3A_540 = arith.index_cast %swap3A_539 : i32 to index
    %swap3A_541 = arith.constant 0 : index
    %swap3A_542 = tpu.vector_load %arg7[%swap3A_540, %swap3A_541] {strides = array<i32>} : memref<128x16xf32, #tpu.memory_space<vmem>>, vector<1x16xf32>,
    %swap3A_543 = vector.shape_cast %swap3A_542 : vector<1x16xf32> to vector<16xf32>
    %swap3A_544 = vector.shape_cast %broadcast_in_dim3A_538 : vector<16xf32> to vector<1x16xf32>
    tpu.vector_store %arg7[%swap3A_540, %swap3A_541], %swap3A_544 {strides = array<i32>} : memref<128x16xf32, #tpu.memory_space<vmem>>, vector<1x16xf32>,
    %broadcast_in_dim3A_545 = arith.constant 1.000000e+00 : f32
    %broadcast_in_dim3A_546 = vector.broadcast %broadcast_in_dim3A_545 : f32 to vector<16xf32>
    %swap3A_547 = arith.constant 67 : i32
    %swap3A_548 = arith.index_cast %swap3A_547 : i32 to index
    %swap3A_549 = arith.constant 0 : index
    %swap3A_550 = tpu.vector_load %arg7[%swap3A_548, %swap3A_549] {strides = array<i32>} : memref<128x16xf32, #tpu.memory_space<vmem>>, vector<1x16xf32>,
    %swap3A_551 = vector.shape_cast %swap3A_550 : vector<1x16xf32> to vector<16xf32>
    %swap3A_552 = vector.shape_cast %broadcast_in_dim3A_546 : vector<16xf32> to vector<1x16xf32>
    tpu.vector_store %arg7[%swap3A_548, %swap3A_549], %swap3A_552 {strides = array<i32>} : memref<128x16xf32, #tpu.memory_space<vmem>>, vector<1x16xf32>,
    %broadcast_in_dim3A_553 = arith.constant 1.000000e+00 : f32
    %broadcast_in_dim3A_554 = vector.broadcast %broadcast_in_dim3A_553 : f32 to vector<16xf32>
    %swap3A_555 = arith.constant 68 : i32
    %swap3A_556 = arith.index_cast %swap3A_555 : i32 to index
    %swap3A_557 = arith.constant 0 : index
    %swap3A_558 = tpu.vector_load %arg7[%swap3A_556, %swap3A_557] {strides = array<i32>} : memref<128x16xf32, #tpu.memory_space<vmem>>, vector<1x16xf32>,
    %swap3A_559 = vector.shape_cast %swap3A_558 : vector<1x16xf32> to vector<16xf32>
    %swap3A_560 = vector.shape_cast %broadcast_in_dim3A_554 : vector<16xf32> to vector<1x16xf32>
    tpu.vector_store %arg7[%swap3A_556, %swap3A_557], %swap3A_560 {strides = array<i32>} : memref<128x16xf32, #tpu.memory_space<vmem>>, vector<1x16xf32>,
    %broadcast_in_dim3A_561 = arith.constant 1.000000e+00 : f32
    %broadcast_in_dim3A_562 = vector.broadcast %broadcast_in_dim3A_561 : f32 to vector<16xf32>
    %swap3A_563 = arith.constant 69 : i32
    %swap3A_564 = arith.index_cast %swap3A_563 : i32 to index
    %swap3A_565 = arith.constant 0 : index
    %swap3A_566 = tpu.vector_load %arg7[%swap3A_564, %swap3A_565] {strides = array<i32>} : memref<128x16xf32, #tpu.memory_space<vmem>>, vector<1x16xf32>,
    %swap3A_567 = vector.shape_cast %swap3A_566 : vector<1x16xf32> to vector<16xf32>
    %swap3A_568 = vector.shape_cast %broadcast_in_dim3A_562 : vector<16xf32> to vector<1x16xf32>
    tpu.vector_store %arg7[%swap3A_564, %swap3A_565], %swap3A_568 {strides = array<i32>} : memref<128x16xf32, #tpu.memory_space<vmem>>, vector<1x16xf32>,
    %broadcast_in_dim3A_569 = arith.constant 1.000000e+00 : f32
    %broadcast_in_dim3A_570 = vector.broadcast %broadcast_in_dim3A_569 : f32 to vector<16xf32>
    %swap3A_571 = arith.constant 70 : i32
    %swap3A_572 = arith.index_cast %swap3A_571 : i32 to index
    %swap3A_573 = arith.constant 0 : index
    %swap3A_574 = tpu.vector_load %arg7[%swap3A_572, %swap3A_573] {strides = array<i32>} : memref<128x16xf32, #tpu.memory_space<vmem>>, vector<1x16xf32>,
    %swap3A_575 = vector.shape_cast %swap3A_574 : vector<1x16xf32> to vector<16xf32>
    %swap3A_576 = vector.shape_cast %broadcast_in_dim3A_570 : vector<16xf32> to vector<1x16xf32>
    tpu.vector_store %arg7[%swap3A_572, %swap3A_573], %swap3A_576 {strides = array<i32>} : memref<128x16xf32, #tpu.memory_space<vmem>>, vector<1x16xf32>,
    %broadcast_in_dim3A_577 = arith.constant 1.000000e+00 : f32
    %broadcast_in_dim3A_578 = vector.broadcast %broadcast_in_dim3A_577 : f32 to vector<16xf32>
    %swap3A_579 = arith.constant 71 : i32
    %swap3A_580 = arith.index_cast %swap3A_579 : i32 to index
    %swap3A_581 = arith.constant 0 : index
    %swap3A_582 = tpu.vector_load %arg7[%swap3A_580, %swap3A_581] {strides = array<i32>} : memref<128x16xf32, #tpu.memory_space<vmem>>, vector<1x16xf32>,
    %swap3A_583 = vector.shape_cast %swap3A_582 : vector<1x16xf32> to vector<16xf32>
    %swap3A_584 = vector.shape_cast %broadcast_in_dim3A_578 : vector<16xf32> to vector<1x16xf32>
    tpu.vector_store %arg7[%swap3A_580, %swap3A_581], %swap3A_584 {strides = array<i32>} : memref<128x16xf32, #tpu.memory_space<vmem>>, vector<1x16xf32>,
    %broadcast_in_dim3A_585 = arith.constant 1.000000e+00 : f32
    %broadcast_in_dim3A_586 = vector.broadcast %broadcast_in_dim3A_585 : f32 to vector<16xf32>
    %swap3A_587 = arith.constant 72 : i32
    %swap3A_588 = arith.index_cast %swap3A_587 : i32 to index
    %swap3A_589 = arith.constant 0 : index
    %swap3A_590 = tpu.vector_load %arg7[%swap3A_588, %swap3A_589] {strides = array<i32>} : memref<128x16xf32, #tpu.memory_space<vmem>>, vector<1x16xf32>,
    %swap3A_591 = vector.shape_cast %swap3A_590 : vector<1x16xf32> to vector<16xf32>
    %swap3A_592 = vector.shape_cast %broadcast_in_dim3A_586 : vector<16xf32> to vector<1x16xf32>
    tpu.vector_store %arg7[%swap3A_588, %swap3A_589], %swap3A_592 {strides = array<i32>} : memref<128x16xf32, #tpu.memory_space<vmem>>, vector<1x16xf32>,
    %broadcast_in_dim3A_593 = arith.constant 1.000000e+00 : f32
    %broadcast_in_dim3A_594 = vector.broadcast %broadcast_in_dim3A_593 : f32 to vector<16xf32>
    %swap3A_595 = arith.constant 73 : i32
    %swap3A_596 = arith.index_cast %swap3A_595 : i32 to index
    %swap3A_597 = arith.constant 0 : index
    %swap3A_598 = tpu.vector_load %arg7[%swap3A_596, %swap3A_597] {strides = array<i32>} : memref<128x16xf32, #tpu.memory_space<vmem>>, vector<1x16xf32>,
    %swap3A_599 = vector.shape_cast %swap3A_598 : vector<1x16xf32> to vector<16xf32>
    %swap3A_600 = vector.shape_cast %broadcast_in_dim3A_594 : vector<16xf32> to vector<1x16xf32>
    tpu.vector_store %arg7[%swap3A_596, %swap3A_597], %swap3A_600 {strides = array<i32>} : memref<128x16xf32, #tpu.memory_space<vmem>>, vector<1x16xf32>,
    %broadcast_in_dim3A_601 = arith.constant 1.000000e+00 : f32
    %broadcast_in_dim3A_602 = vector.broadcast %broadcast_in_dim3A_601 : f32 to vector<16xf32>
    %swap3A_603 = arith.constant 74 : i32
    %swap3A_604 = arith.index_cast %swap3A_603 : i32 to index
    %swap3A_605 = arith.constant 0 : index
    %swap3A_606 = tpu.vector_load %arg7[%swap3A_604, %swap3A_605] {strides = array<i32>} : memref<128x16xf32, #tpu.memory_space<vmem>>, vector<1x16xf32>,
    %swap3A_607 = vector.shape_cast %swap3A_606 : vector<1x16xf32> to vector<16xf32>
    %swap3A_608 = vector.shape_cast %broadcast_in_dim3A_602 : vector<16xf32> to vector<1x16xf32>
    tpu.vector_store %arg7[%swap3A_604, %swap3A_605], %swap3A_608 {strides = array<i32>} : memref<128x16xf32, #tpu.memory_space<vmem>>, vector<1x16xf32>,
    %broadcast_in_dim3A_609 = arith.constant 1.000000e+00 : f32
    %broadcast_in_dim3A_610 = vector.broadcast %broadcast_in_dim3A_609 : f32 to vector<16xf32>
    %swap3A_611 = arith.constant 75 : i32
    %swap3A_612 = arith.index_cast %swap3A_611 : i32 to index
    %swap3A_613 = arith.constant 0 : index
    %swap3A_614 = tpu.vector_load %arg7[%swap3A_612, %swap3A_613] {strides = array<i32>} : memref<128x16xf32, #tpu.memory_space<vmem>>, vector<1x16xf32>,
    %swap3A_615 = vector.shape_cast %swap3A_614 : vector<1x16xf32> to vector<16xf32>
    %swap3A_616 = vector.shape_cast %broadcast_in_dim3A_610 : vector<16xf32> to vector<1x16xf32>
    tpu.vector_store %arg7[%swap3A_612, %swap3A_613], %swap3A_616 {strides = array<i32>} : memref<128x16xf32, #tpu.memory_space<vmem>>, vector<1x16xf32>,
    %broadcast_in_dim3A_617 = arith.constant 1.000000e+00 : f32
    %broadcast_in_dim3A_618 = vector.broadcast %broadcast_in_dim3A_617 : f32 to vector<16xf32>
    %swap3A_619 = arith.constant 76 : i32
    %swap3A_620 = arith.index_cast %swap3A_619 : i32 to index
    %swap3A_621 = arith.constant 0 : index
    %swap3A_622 = tpu.vector_load %arg7[%swap3A_620, %swap3A_621] {strides = array<i32>} : memref<128x16xf32, #tpu.memory_space<vmem>>, vector<1x16xf32>,
    %swap3A_623 = vector.shape_cast %swap3A_622 : vector<1x16xf32> to vector<16xf32>
    %swap3A_624 = vector.shape_cast %broadcast_in_dim3A_618 : vector<16xf32> to vector<1x16xf32>
    tpu.vector_store %arg7[%swap3A_620, %swap3A_621], %swap3A_624 {strides = array<i32>} : memref<128x16xf32, #tpu.memory_space<vmem>>, vector<1x16xf32>,
    %broadcast_in_dim3A_625 = arith.constant 1.000000e+00 : f32
    %broadcast_in_dim3A_626 = vector.broadcast %broadcast_in_dim3A_625 : f32 to vector<16xf32>
    %swap3A_627 = arith.constant 77 : i32
    %swap3A_628 = arith.index_cast %swap3A_627 : i32 to index
    %swap3A_629 = arith.constant 0 : index
    %swap3A_630 = tpu.vector_load %arg7[%swap3A_628, %swap3A_629] {strides = array<i32>} : memref<128x16xf32, #tpu.memory_space<vmem>>, vector<1x16xf32>,
    %swap3A_631 = vector.shape_cast %swap3A_630 : vector<1x16xf32> to vector<16xf32>
    %swap3A_632 = vector.shape_cast %broadcast_in_dim3A_626 : vector<16xf32> to vector<1x16xf32>
    tpu.vector_store %arg7[%swap3A_628, %swap3A_629], %swap3A_632 {strides = array<i32>} : memref<128x16xf32, #tpu.memory_space<vmem>>, vector<1x16xf32>,
    %broadcast_in_dim3A_633 = arith.constant 1.000000e+00 : f32
    %broadcast_in_dim3A_634 = vector.broadcast %broadcast_in_dim3A_633 : f32 to vector<16xf32>
    %swap3A_635 = arith.constant 78 : i32
    %swap3A_636 = arith.index_cast %swap3A_635 : i32 to index
    %swap3A_637 = arith.constant 0 : index
    %swap3A_638 = tpu.vector_load %arg7[%swap3A_636, %swap3A_637] {strides = array<i32>} : memref<128x16xf32, #tpu.memory_space<vmem>>, vector<1x16xf32>,
    %swap3A_639 = vector.shape_cast %swap3A_638 : vector<1x16xf32> to vector<16xf32>
    %swap3A_640 = vector.shape_cast %broadcast_in_dim3A_634 : vector<16xf32> to vector<1x16xf32>
    tpu.vector_store %arg7[%swap3A_636, %swap3A_637], %swap3A_640 {strides = array<i32>} : memref<128x16xf32, #tpu.memory_space<vmem>>, vector<1x16xf32>,
    %broadcast_in_dim3A_641 = arith.constant 1.000000e+00 : f32
    %broadcast_in_dim3A_642 = vector.broadcast %broadcast_in_dim3A_641 : f32 to vector<16xf32>
    %swap3A_643 = arith.constant 79 : i32
    %swap3A_644 = arith.index_cast %swap3A_643 : i32 to index
    %swap3A_645 = arith.constant 0 : index
    %swap3A_646 = tpu.vector_load %arg7[%swap3A_644, %swap3A_645] {strides = array<i32>} : memref<128x16xf32, #tpu.memory_space<vmem>>, vector<1x16xf32>,
    %swap3A_647 = vector.shape_cast %swap3A_646 : vector<1x16xf32> to vector<16xf32>
    %swap3A_648 = vector.shape_cast %broadcast_in_dim3A_642 : vector<16xf32> to vector<1x16xf32>
    tpu.vector_store %arg7[%swap3A_644, %swap3A_645], %swap3A_648 {strides = array<i32>} : memref<128x16xf32, #tpu.memory_space<vmem>>, vector<1x16xf32>,
    %broadcast_in_dim3A_649 = arith.constant 1.000000e+00 : f32
    %broadcast_in_dim3A_650 = vector.broadcast %broadcast_in_dim3A_649 : f32 to vector<16xf32>
    %swap3A_651 = arith.constant 80 : i32
    %swap3A_652 = arith.index_cast %swap3A_651 : i32 to index
    %swap3A_653 = arith.constant 0 : index
    %swap3A_654 = tpu.vector_load %arg7[%swap3A_652, %swap3A_653] {strides = array<i32>} : memref<128x16xf32, #tpu.memory_space<vmem>>, vector<1x16xf32>,
    %swap3A_655 = vector.shape_cast %swap3A_654 : vector<1x16xf32> to vector<16xf32>
    %swap3A_656 = vector.shape_cast %broadcast_in_dim3A_650 : vector<16xf32> to vector<1x16xf32>
    tpu.vector_store %arg7[%swap3A_652, %swap3A_653], %swap3A_656 {strides = array<i32>} : memref<128x16xf32, #tpu.memory_space<vmem>>, vector<1x16xf32>,
    %broadcast_in_dim3A_657 = arith.constant 1.000000e+00 : f32
    %broadcast_in_dim3A_658 = vector.broadcast %broadcast_in_dim3A_657 : f32 to vector<16xf32>
    %swap3A_659 = arith.constant 81 : i32
    %swap3A_660 = arith.index_cast %swap3A_659 : i32 to index
    %swap3A_661 = arith.constant 0 : index
    %swap3A_662 = tpu.vector_load %arg7[%swap3A_660, %swap3A_661] {strides = array<i32>} : memref<128x16xf32, #tpu.memory_space<vmem>>, vector<1x16xf32>,
    %swap3A_663 = vector.shape_cast %swap3A_662 : vector<1x16xf32> to vector<16xf32>
    %swap3A_664 = vector.shape_cast %broadcast_in_dim3A_658 : vector<16xf32> to vector<1x16xf32>
    tpu.vector_store %arg7[%swap3A_660, %swap3A_661], %swap3A_664 {strides = array<i32>} : memref<128x16xf32, #tpu.memory_space<vmem>>, vector<1x16xf32>,
    %broadcast_in_dim3A_665 = arith.constant 1.000000e+00 : f32
    %broadcast_in_dim3A_666 = vector.broadcast %broadcast_in_dim3A_665 : f32 to vector<16xf32>
    %swap3A_667 = arith.constant 82 : i32
    %swap3A_668 = arith.index_cast %swap3A_667 : i32 to index
    %swap3A_669 = arith.constant 0 : index
    %swap3A_670 = tpu.vector_load %arg7[%swap3A_668, %swap3A_669] {strides = array<i32>} : memref<128x16xf32, #tpu.memory_space<vmem>>, vector<1x16xf32>,
    %swap3A_671 = vector.shape_cast %swap3A_670 : vector<1x16xf32> to vector<16xf32>
    %swap3A_672 = vector.shape_cast %broadcast_in_dim3A_666 : vector<16xf32> to vector<1x16xf32>
    tpu.vector_store %arg7[%swap3A_668, %swap3A_669], %swap3A_672 {strides = array<i32>} : memref<128x16xf32, #tpu.memory_space<vmem>>, vector<1x16xf32>,
    %broadcast_in_dim3A_673 = arith.constant 1.000000e+00 : f32
    %broadcast_in_dim3A_674 = vector.broadcast %broadcast_in_dim3A_673 : f32 to vector<16xf32>
    %swap3A_675 = arith.constant 83 : i32
    %swap3A_676 = arith.index_cast %swap3A_675 : i32 to index
    %swap3A_677 = arith.constant 0 : index
    %swap3A_678 = tpu.vector_load %arg7[%swap3A_676, %swap3A_677] {strides = array<i32>} : memref<128x16xf32, #tpu.memory_space<vmem>>, vector<1x16xf32>,
    %swap3A_679 = vector.shape_cast %swap3A_678 : vector<1x16xf32> to vector<16xf32>
    %swap3A_680 = vector.shape_cast %broadcast_in_dim3A_674 : vector<16xf32> to vector<1x16xf32>
    tpu.vector_store %arg7[%swap3A_676, %swap3A_677], %swap3A_680 {strides = array<i32>} : memref<128x16xf32, #tpu.memory_space<vmem>>, vector<1x16xf32>,
    %broadcast_in_dim3A_681 = arith.constant 1.000000e+00 : f32
    %broadcast_in_dim3A_682 = vector.broadcast %broadcast_in_dim3A_681 : f32 to vector<16xf32>
    %swap3A_683 = arith.constant 84 : i32
    %swap3A_684 = arith.index_cast %swap3A_683 : i32 to index
    %swap3A_685 = arith.constant 0 : index
    %swap3A_686 = tpu.vector_load %arg7[%swap3A_684, %swap3A_685] {strides = array<i32>} : memref<128x16xf32, #tpu.memory_space<vmem>>, vector<1x16xf32>,
    %swap3A_687 = vector.shape_cast %swap3A_686 : vector<1x16xf32> to vector<16xf32>
    %swap3A_688 = vector.shape_cast %broadcast_in_dim3A_682 : vector<16xf32> to vector<1x16xf32>
    tpu.vector_store %arg7[%swap3A_684, %swap3A_685], %swap3A_688 {strides = array<i32>} : memref<128x16xf32, #tpu.memory_space<vmem>>, vector<1x16xf32>,
    %broadcast_in_dim3A_689 = arith.constant 1.000000e+00 : f32
    %broadcast_in_dim3A_690 = vector.broadcast %broadcast_in_dim3A_689 : f32 to vector<16xf32>
    %swap3A_691 = arith.constant 85 : i32
    %swap3A_692 = arith.index_cast %swap3A_691 : i32 to index
    %swap3A_693 = arith.constant 0 : index
    %swap3A_694 = tpu.vector_load %arg7[%swap3A_692, %swap3A_693] {strides = array<i32>} : memref<128x16xf32, #tpu.memory_space<vmem>>, vector<1x16xf32>,
    %swap3A_695 = vector.shape_cast %swap3A_694 : vector<1x16xf32> to vector<16xf32>
    %swap3A_696 = vector.shape_cast %broadcast_in_dim3A_690 : vector<16xf32> to vector<1x16xf32>
    tpu.vector_store %arg7[%swap3A_692, %swap3A_693], %swap3A_696 {strides = array<i32>} : memref<128x16xf32, #tpu.memory_space<vmem>>, vector<1x16xf32>,
    %broadcast_in_dim3A_697 = arith.constant 1.000000e+00 : f32
    %broadcast_in_dim3A_698 = vector.broadcast %broadcast_in_dim3A_697 : f32 to vector<16xf32>
    %swap3A_699 = arith.constant 86 : i32
    %swap3A_700 = arith.index_cast %swap3A_699 : i32 to index
    %swap3A_701 = arith.constant 0 : index
    %swap3A_702 = tpu.vector_load %arg7[%swap3A_700, %swap3A_701] {strides = array<i32>} : memref<128x16xf32, #tpu.memory_space<vmem>>, vector<1x16xf32>,
    %swap3A_703 = vector.shape_cast %swap3A_702 : vector<1x16xf32> to vector<16xf32>
    %swap3A_704 = vector.shape_cast %broadcast_in_dim3A_698 : vector<16xf32> to vector<1x16xf32>
    tpu.vector_store %arg7[%swap3A_700, %swap3A_701], %swap3A_704 {strides = array<i32>} : memref<128x16xf32, #tpu.memory_space<vmem>>, vector<1x16xf32>,
    %broadcast_in_dim3A_705 = arith.constant 1.000000e+00 : f32
    %broadcast_in_dim3A_706 = vector.broadcast %broadcast_in_dim3A_705 : f32 to vector<16xf32>
    %swap3A_707 = arith.constant 87 : i32
    %swap3A_708 = arith.index_cast %swap3A_707 : i32 to index
    %swap3A_709 = arith.constant 0 : index
    %swap3A_710 = tpu.vector_load %arg7[%swap3A_708, %swap3A_709] {strides = array<i32>} : memref<128x16xf32, #tpu.memory_space<vmem>>, vector<1x16xf32>,
    %swap3A_711 = vector.shape_cast %swap3A_710 : vector<1x16xf32> to vector<16xf32>
    %swap3A_712 = vector.shape_cast %broadcast_in_dim3A_706 : vector<16xf32> to vector<1x16xf32>
    tpu.vector_store %arg7[%swap3A_708, %swap3A_709], %swap3A_712 {strides = array<i32>} : memref<128x16xf32, #tpu.memory_space<vmem>>, vector<1x16xf32>,
    %broadcast_in_dim3A_713 = arith.constant 1.000000e+00 : f32
    %broadcast_in_dim3A_714 = vector.broadcast %broadcast_in_dim3A_713 : f32 to vector<16xf32>
    %swap3A_715 = arith.constant 88 : i32
    %swap3A_716 = arith.index_cast %swap3A_715 : i32 to index
    %swap3A_717 = arith.constant 0 : index
    %swap3A_718 = tpu.vector_load %arg7[%swap3A_716, %swap3A_717] {strides = array<i32>} : memref<128x16xf32, #tpu.memory_space<vmem>>, vector<1x16xf32>,
    %swap3A_719 = vector.shape_cast %swap3A_718 : vector<1x16xf32> to vector<16xf32>
    %swap3A_720 = vector.shape_cast %broadcast_in_dim3A_714 : vector<16xf32> to vector<1x16xf32>
    tpu.vector_store %arg7[%swap3A_716, %swap3A_717], %swap3A_720 {strides = array<i32>} : memref<128x16xf32, #tpu.memory_space<vmem>>, vector<1x16xf32>,
    %broadcast_in_dim3A_721 = arith.constant 1.000000e+00 : f32
    %broadcast_in_dim3A_722 = vector.broadcast %broadcast_in_dim3A_721 : f32 to vector<16xf32>
    %swap3A_723 = arith.constant 89 : i32
    %swap3A_724 = arith.index_cast %swap3A_723 : i32 to index
    %swap3A_725 = arith.constant 0 : index
    %swap3A_726 = tpu.vector_load %arg7[%swap3A_724, %swap3A_725] {strides = array<i32>} : memref<128x16xf32, #tpu.memory_space<vmem>>, vector<1x16xf32>,
    %swap3A_727 = vector.shape_cast %swap3A_726 : vector<1x16xf32> to vector<16xf32>
    %swap3A_728 = vector.shape_cast %broadcast_in_dim3A_722 : vector<16xf32> to vector<1x16xf32>
    tpu.vector_store %arg7[%swap3A_724, %swap3A_725], %swap3A_728 {strides = array<i32>} : memref<128x16xf32, #tpu.memory_space<vmem>>, vector<1x16xf32>,
    %broadcast_in_dim3A_729 = arith.constant 1.000000e+00 : f32
    %broadcast_in_dim3A_730 = vector.broadcast %broadcast_in_dim3A_729 : f32 to vector<16xf32>
    %swap3A_731 = arith.constant 90 : i32
    %swap3A_732 = arith.index_cast %swap3A_731 : i32 to index
    %swap3A_733 = arith.constant 0 : index
    %swap3A_734 = tpu.vector_load %arg7[%swap3A_732, %swap3A_733] {strides = array<i32>} : memref<128x16xf32, #tpu.memory_space<vmem>>, vector<1x16xf32>,
    %swap3A_735 = vector.shape_cast %swap3A_734 : vector<1x16xf32> to vector<16xf32>
    %swap3A_736 = vector.shape_cast %broadcast_in_dim3A_730 : vector<16xf32> to vector<1x16xf32>
    tpu.vector_store %arg7[%swap3A_732, %swap3A_733], %swap3A_736 {strides = array<i32>} : memref<128x16xf32, #tpu.memory_space<vmem>>, vector<1x16xf32>,
    %broadcast_in_dim3A_737 = arith.constant 1.000000e+00 : f32
    %broadcast_in_dim3A_738 = vector.broadcast %broadcast_in_dim3A_737 : f32 to vector<16xf32>
    %swap3A_739 = arith.constant 91 : i32
    %swap3A_740 = arith.index_cast %swap3A_739 : i32 to index
    %swap3A_741 = arith.constant 0 : index
    %swap3A_742 = tpu.vector_load %arg7[%swap3A_740, %swap3A_741] {strides = array<i32>} : memref<128x16xf32, #tpu.memory_space<vmem>>, vector<1x16xf32>,
    %swap3A_743 = vector.shape_cast %swap3A_742 : vector<1x16xf32> to vector<16xf32>
    %swap3A_744 = vector.shape_cast %broadcast_in_dim3A_738 : vector<16xf32> to vector<1x16xf32>
    tpu.vector_store %arg7[%swap3A_740, %swap3A_741], %swap3A_744 {strides = array<i32>} : memref<128x16xf32, #tpu.memory_space<vmem>>, vector<1x16xf32>,
    %broadcast_in_dim3A_745 = arith.constant 1.000000e+00 : f32
    %broadcast_in_dim3A_746 = vector.broadcast %broadcast_in_dim3A_745 : f32 to vector<16xf32>
    %swap3A_747 = arith.constant 92 : i32
    %swap3A_748 = arith.index_cast %swap3A_747 : i32 to index
    %swap3A_749 = arith.constant 0 : index
    %swap3A_750 = tpu.vector_load %arg7[%swap3A_748, %swap3A_749] {strides = array<i32>} : memref<128x16xf32, #tpu.memory_space<vmem>>, vector<1x16xf32>,
    %swap3A_751 = vector.shape_cast %swap3A_750 : vector<1x16xf32> to vector<16xf32>
    %swap3A_752 = vector.shape_cast %broadcast_in_dim3A_746 : vector<16xf32> to vector<1x16xf32>
    tpu.vector_store %arg7[%swap3A_748, %swap3A_749], %swap3A_752 {strides = array<i32>} : memref<128x16xf32, #tpu.memory_space<vmem>>, vector<1x16xf32>,
    %broadcast_in_dim3A_753 = arith.constant 1.000000e+00 : f32
    %broadcast_in_dim3A_754 = vector.broadcast %broadcast_in_dim3A_753 : f32 to vector<16xf32>
    %swap3A_755 = arith.constant 93 : i32
    %swap3A_756 = arith.index_cast %swap3A_755 : i32 to index
    %swap3A_757 = arith.constant 0 : index
    %swap3A_758 = tpu.vector_load %arg7[%swap3A_756, %swap3A_757] {strides = array<i32>} : memref<128x16xf32, #tpu.memory_space<vmem>>, vector<1x16xf32>,
    %swap3A_759 = vector.shape_cast %swap3A_758 : vector<1x16xf32> to vector<16xf32>
    %swap3A_760 = vector.shape_cast %broadcast_in_dim3A_754 : vector<16xf32> to vector<1x16xf32>
    tpu.vector_store %arg7[%swap3A_756, %swap3A_757], %swap3A_760 {strides = array<i32>} : memref<128x16xf32, #tpu.memory_space<vmem>>, vector<1x16xf32>,
    %broadcast_in_dim3A_761 = arith.constant 1.000000e+00 : f32
    %broadcast_in_dim3A_762 = vector.broadcast %broadcast_in_dim3A_761 : f32 to vector<16xf32>
    %swap3A_763 = arith.constant 94 : i32
    %swap3A_764 = arith.index_cast %swap3A_763 : i32 to index
    %swap3A_765 = arith.constant 0 : index
    %swap3A_766 = tpu.vector_load %arg7[%swap3A_764, %swap3A_765] {strides = array<i32>} : memref<128x16xf32, #tpu.memory_space<vmem>>, vector<1x16xf32>,
    %swap3A_767 = vector.shape_cast %swap3A_766 : vector<1x16xf32> to vector<16xf32>
    %swap3A_768 = vector.shape_cast %broadcast_in_dim3A_762 : vector<16xf32> to vector<1x16xf32>
    tpu.vector_store %arg7[%swap3A_764, %swap3A_765], %swap3A_768 {strides = array<i32>} : memref<128x16xf32, #tpu.memory_space<vmem>>, vector<1x16xf32>,
    %broadcast_in_dim3A_769 = arith.constant 1.000000e+00 : f32
    %broadcast_in_dim3A_770 = vector.broadcast %broadcast_in_dim3A_769 : f32 to vector<16xf32>
    %swap3A_771 = arith.constant 95 : i32
    %swap3A_772 = arith.index_cast %swap3A_771 : i32 to index
    %swap3A_773 = arith.constant 0 : index
    %swap3A_774 = tpu.vector_load %arg7[%swap3A_772, %swap3A_773] {strides = array<i32>} : memref<128x16xf32, #tpu.memory_space<vmem>>, vector<1x16xf32>,
    %swap3A_775 = vector.shape_cast %swap3A_774 : vector<1x16xf32> to vector<16xf32>
    %swap3A_776 = vector.shape_cast %broadcast_in_dim3A_770 : vector<16xf32> to vector<1x16xf32>
    tpu.vector_store %arg7[%swap3A_772, %swap3A_773], %swap3A_776 {strides = array<i32>} : memref<128x16xf32, #tpu.memory_space<vmem>>, vector<1x16xf32>,
    %broadcast_in_dim3A_777 = arith.constant 1.000000e+00 : f32
    %broadcast_in_dim3A_778 = vector.broadcast %broadcast_in_dim3A_777 : f32 to vector<16xf32>
    %swap3A_779 = arith.constant 96 : i32
    %swap3A_780 = arith.index_cast %swap3A_779 : i32 to index
    %swap3A_781 = arith.constant 0 : index
    %swap3A_782 = tpu.vector_load %arg7[%swap3A_780, %swap3A_781] {strides = array<i32>} : memref<128x16xf32, #tpu.memory_space<vmem>>, vector<1x16xf32>,
    %swap3A_783 = vector.shape_cast %swap3A_782 : vector<1x16xf32> to vector<16xf32>
    %swap3A_784 = vector.shape_cast %broadcast_in_dim3A_778 : vector<16xf32> to vector<1x16xf32>
    tpu.vector_store %arg7[%swap3A_780, %swap3A_781], %swap3A_784 {strides = array<i32>} : memref<128x16xf32, #tpu.memory_space<vmem>>, vector<1x16xf32>,
    %broadcast_in_dim3A_785 = arith.constant 1.000000e+00 : f32
    %broadcast_in_dim3A_786 = vector.broadcast %broadcast_in_dim3A_785 : f32 to vector<16xf32>
    %swap3A_787 = arith.constant 97 : i32
    %swap3A_788 = arith.index_cast %swap3A_787 : i32 to index
    %swap3A_789 = arith.constant 0 : index
    %swap3A_790 = tpu.vector_load %arg7[%swap3A_788, %swap3A_789] {strides = array<i32>} : memref<128x16xf32, #tpu.memory_space<vmem>>, vector<1x16xf32>,
    %swap3A_791 = vector.shape_cast %swap3A_790 : vector<1x16xf32> to vector<16xf32>
    %swap3A_792 = vector.shape_cast %broadcast_in_dim3A_786 : vector<16xf32> to vector<1x16xf32>
    tpu.vector_store %arg7[%swap3A_788, %swap3A_789], %swap3A_792 {strides = array<i32>} : memref<128x16xf32, #tpu.memory_space<vmem>>, vector<1x16xf32>,
    %broadcast_in_dim3A_793 = arith.constant 1.000000e+00 : f32
    %broadcast_in_dim3A_794 = vector.broadcast %broadcast_in_dim3A_793 : f32 to vector<16xf32>
    %swap3A_795 = arith.constant 98 : i32
    %swap3A_796 = arith.index_cast %swap3A_795 : i32 to index
    %swap3A_797 = arith.constant 0 : index
    %swap3A_798 = tpu.vector_load %arg7[%swap3A_796, %swap3A_797] {strides = array<i32>} : memref<128x16xf32, #tpu.memory_space<vmem>>, vector<1x16xf32>,
    %swap3A_799 = vector.shape_cast %swap3A_798 : vector<1x16xf32> to vector<16xf32>
    %swap3A_800 = vector.shape_cast %broadcast_in_dim3A_794 : vector<16xf32> to vector<1x16xf32>
    tpu.vector_store %arg7[%swap3A_796, %swap3A_797], %swap3A_800 {strides = array<i32>} : memref<128x16xf32, #tpu.memory_space<vmem>>, vector<1x16xf32>,
    %broadcast_in_dim3A_801 = arith.constant 1.000000e+00 : f32
    %broadcast_in_dim3A_802 = vector.broadcast %broadcast_in_dim3A_801 : f32 to vector<16xf32>
    %swap3A_803 = arith.constant 99 : i32
    %swap3A_804 = arith.index_cast %swap3A_803 : i32 to index
    %swap3A_805 = arith.constant 0 : index
    %swap3A_806 = tpu.vector_load %arg7[%swap3A_804, %swap3A_805] {strides = array<i32>} : memref<128x16xf32, #tpu.memory_space<vmem>>, vector<1x16xf32>,
    %swap3A_807 = vector.shape_cast %swap3A_806 : vector<1x16xf32> to vector<16xf32>
    %swap3A_808 = vector.shape_cast %broadcast_in_dim3A_802 : vector<16xf32> to vector<1x16xf32>
    tpu.vector_store %arg7[%swap3A_804, %swap3A_805], %swap3A_808 {strides = array<i32>} : memref<128x16xf32, #tpu.memory_space<vmem>>, vector<1x16xf32>,
    %broadcast_in_dim3A_809 = arith.constant 1.000000e+00 : f32
    %broadcast_in_dim3A_810 = vector.broadcast %broadcast_in_dim3A_809 : f32 to vector<16xf32>
    %swap3A_811 = arith.constant 100 : i32
    %swap3A_812 = arith.index_cast %swap3A_811 : i32 to index
    %swap3A_813 = arith.constant 0 : index
    %swap3A_814 = tpu.vector_load %arg7[%swap3A_812, %swap3A_813] {strides = array<i32>} : memref<128x16xf32, #tpu.memory_space<vmem>>, vector<1x16xf32>,
    %swap3A_815 = vector.shape_cast %swap3A_814 : vector<1x16xf32> to vector<16xf32>
    %swap3A_816 = vector.shape_cast %broadcast_in_dim3A_810 : vector<16xf32> to vector<1x16xf32>
    tpu.vector_store %arg7[%swap3A_812, %swap3A_813], %swap3A_816 {strides = array<i32>} : memref<128x16xf32, #tpu.memory_space<vmem>>, vector<1x16xf32>,
    %broadcast_in_dim3A_817 = arith.constant 1.000000e+00 : f32
    %broadcast_in_dim3A_818 = vector.broadcast %broadcast_in_dim3A_817 : f32 to vector<16xf32>
    %swap3A_819 = arith.constant 101 : i32
    %swap3A_820 = arith.index_cast %swap3A_819 : i32 to index
    %swap3A_821 = arith.constant 0 : index
    %swap3A_822 = tpu.vector_load %arg7[%swap3A_820, %swap3A_821] {strides = array<i32>} : memref<128x16xf32, #tpu.memory_space<vmem>>, vector<1x16xf32>,
    %swap3A_823 = vector.shape_cast %swap3A_822 : vector<1x16xf32> to vector<16xf32>
    %swap3A_824 = vector.shape_cast %broadcast_in_dim3A_818 : vector<16xf32> to vector<1x16xf32>
    tpu.vector_store %arg7[%swap3A_820, %swap3A_821], %swap3A_824 {strides = array<i32>} : memref<128x16xf32, #tpu.memory_space<vmem>>, vector<1x16xf32>,
    %broadcast_in_dim3A_825 = arith.constant 1.000000e+00 : f32
    %broadcast_in_dim3A_826 = vector.broadcast %broadcast_in_dim3A_825 : f32 to vector<16xf32>
    %swap3A_827 = arith.constant 102 : i32
    %swap3A_828 = arith.index_cast %swap3A_827 : i32 to index
    %swap3A_829 = arith.constant 0 : index
    %swap3A_830 = tpu.vector_load %arg7[%swap3A_828, %swap3A_829] {strides = array<i32>} : memref<128x16xf32, #tpu.memory_space<vmem>>, vector<1x16xf32>,
    %swap3A_831 = vector.shape_cast %swap3A_830 : vector<1x16xf32> to vector<16xf32>
    %swap3A_832 = vector.shape_cast %broadcast_in_dim3A_826 : vector<16xf32> to vector<1x16xf32>
    tpu.vector_store %arg7[%swap3A_828, %swap3A_829], %swap3A_832 {strides = array<i32>} : memref<128x16xf32, #tpu.memory_space<vmem>>, vector<1x16xf32>,
    %broadcast_in_dim3A_833 = arith.constant 1.000000e+00 : f32
    %broadcast_in_dim3A_834 = vector.broadcast %broadcast_in_dim3A_833 : f32 to vector<16xf32>
    %swap3A_835 = arith.constant 103 : i32
    %swap3A_836 = arith.index_cast %swap3A_835 : i32 to index
    %swap3A_837 = arith.constant 0 : index
    %swap3A_838 = tpu.vector_load %arg7[%swap3A_836, %swap3A_837] {strides = array<i32>} : memref<128x16xf32, #tpu.memory_space<vmem>>, vector<1x16xf32>,
    %swap3A_839 = vector.shape_cast %swap3A_838 : vector<1x16xf32> to vector<16xf32>
    %swap3A_840 = vector.shape_cast %broadcast_in_dim3A_834 : vector<16xf32> to vector<1x16xf32>
    tpu.vector_store %arg7[%swap3A_836, %swap3A_837], %swap3A_840 {strides = array<i32>} : memref<128x16xf32, #tpu.memory_space<vmem>>, vector<1x16xf32>,
    %broadcast_in_dim3A_841 = arith.constant 1.000000e+00 : f32
    %broadcast_in_dim3A_842 = vector.broadcast %broadcast_in_dim3A_841 : f32 to vector<16xf32>
    %swap3A_843 = arith.constant 104 : i32
    %swap3A_844 = arith.index_cast %swap3A_843 : i32 to index
    %swap3A_845 = arith.constant 0 : index
    %swap3A_846 = tpu.vector_load %arg7[%swap3A_844, %swap3A_845] {strides = array<i32>} : memref<128x16xf32, #tpu.memory_space<vmem>>, vector<1x16xf32>,
    %swap3A_847 = vector.shape_cast %swap3A_846 : vector<1x16xf32> to vector<16xf32>
    %swap3A_848 = vector.shape_cast %broadcast_in_dim3A_842 : vector<16xf32> to vector<1x16xf32>
    tpu.vector_store %arg7[%swap3A_844, %swap3A_845], %swap3A_848 {strides = array<i32>} : memref<128x16xf32, #tpu.memory_space<vmem>>, vector<1x16xf32>,
    %broadcast_in_dim3A_849 = arith.constant 1.000000e+00 : f32
    %broadcast_in_dim3A_850 = vector.broadcast %broadcast_in_dim3A_849 : f32 to vector<16xf32>
    %swap3A_851 = arith.constant 105 : i32
    %swap3A_852 = arith.index_cast %swap3A_851 : i32 to index
    %swap3A_853 = arith.constant 0 : index
    %swap3A_854 = tpu.vector_load %arg7[%swap3A_852, %swap3A_853] {strides = array<i32>} : memref<128x16xf32, #tpu.memory_space<vmem>>, vector<1x16xf32>,
    %swap3A_855 = vector.shape_cast %swap3A_854 : vector<1x16xf32> to vector<16xf32>
    %swap3A_856 = vector.shape_cast %broadcast_in_dim3A_850 : vector<16xf32> to vector<1x16xf32>
    tpu.vector_store %arg7[%swap3A_852, %swap3A_853], %swap3A_856 {strides = array<i32>} : memref<128x16xf32, #tpu.memory_space<vmem>>, vector<1x16xf32>,
    %broadcast_in_dim3A_857 = arith.constant 1.000000e+00 : f32
    %broadcast_in_dim3A_858 = vector.broadcast %broadcast_in_dim3A_857 : f32 to vector<16xf32>
    %swap3A_859 = arith.constant 106 : i32
    %swap3A_860 = arith.index_cast %swap3A_859 : i32 to index
    %swap3A_861 = arith.constant 0 : index
    %swap3A_862 = tpu.vector_load %arg7[%swap3A_860, %swap3A_861] {strides = array<i32>} : memref<128x16xf32, #tpu.memory_space<vmem>>, vector<1x16xf32>,
    %swap3A_863 = vector.shape_cast %swap3A_862 : vector<1x16xf32> to vector<16xf32>
    %swap3A_864 = vector.shape_cast %broadcast_in_dim3A_858 : vector<16xf32> to vector<1x16xf32>
    tpu.vector_store %arg7[%swap3A_860, %swap3A_861], %swap3A_864 {strides = array<i32>} : memref<128x16xf32, #tpu.memory_space<vmem>>, vector<1x16xf32>,
    %broadcast_in_dim3A_865 = arith.constant 1.000000e+00 : f32
    %broadcast_in_dim3A_866 = vector.broadcast %broadcast_in_dim3A_865 : f32 to vector<16xf32>
    %swap3A_867 = arith.constant 107 : i32
    %swap3A_868 = arith.index_cast %swap3A_867 : i32 to index
    %swap3A_869 = arith.constant 0 : index
    %swap3A_870 = tpu.vector_load %arg7[%swap3A_868, %swap3A_869] {strides = array<i32>} : memref<128x16xf32, #tpu.memory_space<vmem>>, vector<1x16xf32>,
    %swap3A_871 = vector.shape_cast %swap3A_870 : vector<1x16xf32> to vector<16xf32>
    %swap3A_872 = vector.shape_cast %broadcast_in_dim3A_866 : vector<16xf32> to vector<1x16xf32>
    tpu.vector_store %arg7[%swap3A_868, %swap3A_869], %swap3A_872 {strides = array<i32>} : memref<128x16xf32, #tpu.memory_space<vmem>>, vector<1x16xf32>,
    %broadcast_in_dim3A_873 = arith.constant 1.000000e+00 : f32
    %broadcast_in_dim3A_874 = vector.broadcast %broadcast_in_dim3A_873 : f32 to vector<16xf32>
    %swap3A_875 = arith.constant 108 : i32
    %swap3A_876 = arith.index_cast %swap3A_875 : i32 to index
    %swap3A_877 = arith.constant 0 : index
    %swap3A_878 = tpu.vector_load %arg7[%swap3A_876, %swap3A_877] {strides = array<i32>} : memref<128x16xf32, #tpu.memory_space<vmem>>, vector<1x16xf32>,
    %swap3A_879 = vector.shape_cast %swap3A_878 : vector<1x16xf32> to vector<16xf32>
    %swap3A_880 = vector.shape_cast %broadcast_in_dim3A_874 : vector<16xf32> to vector<1x16xf32>
    tpu.vector_store %arg7[%swap3A_876, %swap3A_877], %swap3A_880 {strides = array<i32>} : memref<128x16xf32, #tpu.memory_space<vmem>>, vector<1x16xf32>,
    %broadcast_in_dim3A_881 = arith.constant 1.000000e+00 : f32
    %broadcast_in_dim3A_882 = vector.broadcast %broadcast_in_dim3A_881 : f32 to vector<16xf32>
    %swap3A_883 = arith.constant 109 : i32
    %swap3A_884 = arith.index_cast %swap3A_883 : i32 to index
    %swap3A_885 = arith.constant 0 : index
    %swap3A_886 = tpu.vector_load %arg7[%swap3A_884, %swap3A_885] {strides = array<i32>} : memref<128x16xf32, #tpu.memory_space<vmem>>, vector<1x16xf32>,
    %swap3A_887 = vector.shape_cast %swap3A_886 : vector<1x16xf32> to vector<16xf32>
    %swap3A_888 = vector.shape_cast %broadcast_in_dim3A_882 : vector<16xf32> to vector<1x16xf32>
    tpu.vector_store %arg7[%swap3A_884, %swap3A_885], %swap3A_888 {strides = array<i32>} : memref<128x16xf32, #tpu.memory_space<vmem>>, vector<1x16xf32>,
    %broadcast_in_dim3A_889 = arith.constant 1.000000e+00 : f32
    %broadcast_in_dim3A_890 = vector.broadcast %broadcast_in_dim3A_889 : f32 to vector<16xf32>
    %swap3A_891 = arith.constant 110 : i32
    %swap3A_892 = arith.index_cast %swap3A_891 : i32 to index
    %swap3A_893 = arith.constant 0 : index
    %swap3A_894 = tpu.vector_load %arg7[%swap3A_892, %swap3A_893] {strides = array<i32>} : memref<128x16xf32, #tpu.memory_space<vmem>>, vector<1x16xf32>,
    %swap3A_895 = vector.shape_cast %swap3A_894 : vector<1x16xf32> to vector<16xf32>
    %swap3A_896 = vector.shape_cast %broadcast_in_dim3A_890 : vector<16xf32> to vector<1x16xf32>
    tpu.vector_store %arg7[%swap3A_892, %swap3A_893], %swap3A_896 {strides = array<i32>} : memref<128x16xf32, #tpu.memory_space<vmem>>, vector<1x16xf32>,
    %broadcast_in_dim3A_897 = arith.constant 1.000000e+00 : f32
    %broadcast_in_dim3A_898 = vector.broadcast %broadcast_in_dim3A_897 : f32 to vector<16xf32>
    %swap3A_899 = arith.constant 111 : i32
    %swap3A_900 = arith.index_cast %swap3A_899 : i32 to index
    %swap3A_901 = arith.constant 0 : index
    %swap3A_902 = tpu.vector_load %arg7[%swap3A_900, %swap3A_901] {strides = array<i32>} : memref<128x16xf32, #tpu.memory_space<vmem>>, vector<1x16xf32>,
    %swap3A_903 = vector.shape_cast %swap3A_902 : vector<1x16xf32> to vector<16xf32>
    %swap3A_904 = vector.shape_cast %broadcast_in_dim3A_898 : vector<16xf32> to vector<1x16xf32>
    tpu.vector_store %arg7[%swap3A_900, %swap3A_901], %swap3A_904 {strides = array<i32>} : memref<128x16xf32, #tpu.memory_space<vmem>>, vector<1x16xf32>,
    %broadcast_in_dim3A_905 = arith.constant 1.000000e+00 : f32
    %broadcast_in_dim3A_906 = vector.broadcast %broadcast_in_dim3A_905 : f32 to vector<16xf32>
    %swap3A_907 = arith.constant 112 : i32
    %swap3A_908 = arith.index_cast %swap3A_907 : i32 to index
    %swap3A_909 = arith.constant 0 : index
    %swap3A_910 = tpu.vector_load %arg7[%swap3A_908, %swap3A_909] {strides = array<i32>} : memref<128x16xf32, #tpu.memory_space<vmem>>, vector<1x16xf32>,
    %swap3A_911 = vector.shape_cast %swap3A_910 : vector<1x16xf32> to vector<16xf32>
    %swap3A_912 = vector.shape_cast %broadcast_in_dim3A_906 : vector<16xf32> to vector<1x16xf32>
    tpu.vector_store %arg7[%swap3A_908, %swap3A_909], %swap3A_912 {strides = array<i32>} : memref<128x16xf32, #tpu.memory_space<vmem>>, vector<1x16xf32>,
    %broadcast_in_dim3A_913 = arith.constant 1.000000e+00 : f32
    %broadcast_in_dim3A_914 = vector.broadcast %broadcast_in_dim3A_913 : f32 to vector<16xf32>
    %swap3A_915 = arith.constant 113 : i32
    %swap3A_916 = arith.index_cast %swap3A_915 : i32 to index
    %swap3A_917 = arith.constant 0 : index
    %swap3A_918 = tpu.vector_load %arg7[%swap3A_916, %swap3A_917] {strides = array<i32>} : memref<128x16xf32, #tpu.memory_space<vmem>>, vector<1x16xf32>,
    %swap3A_919 = vector.shape_cast %swap3A_918 : vector<1x16xf32> to vector<16xf32>
    %swap3A_920 = vector.shape_cast %broadcast_in_dim3A_914 : vector<16xf32> to vector<1x16xf32>
    tpu.vector_store %arg7[%swap3A_916, %swap3A_917], %swap3A_920 {strides = array<i32>} : memref<128x16xf32, #tpu.memory_space<vmem>>, vector<1x16xf32>,
    %broadcast_in_dim3A_921 = arith.constant 1.000000e+00 : f32
    %broadcast_in_dim3A_922 = vector.broadcast %broadcast_in_dim3A_921 : f32 to vector<16xf32>
    %swap3A_923 = arith.constant 114 : i32
    %swap3A_924 = arith.index_cast %swap3A_923 : i32 to index
    %swap3A_925 = arith.constant 0 : index
    %swap3A_926 = tpu.vector_load %arg7[%swap3A_924, %swap3A_925] {strides = array<i32>} : memref<128x16xf32, #tpu.memory_space<vmem>>, vector<1x16xf32>,
    %swap3A_927 = vector.shape_cast %swap3A_926 : vector<1x16xf32> to vector<16xf32>
    %swap3A_928 = vector.shape_cast %broadcast_in_dim3A_922 : vector<16xf32> to vector<1x16xf32>
    tpu.vector_store %arg7[%swap3A_924, %swap3A_925], %swap3A_928 {strides = array<i32>} : memref<128x16xf32, #tpu.memory_space<vmem>>, vector<1x16xf32>,
    %broadcast_in_dim3A_929 = arith.constant 1.000000e+00 : f32
    %broadcast_in_dim3A_930 = vector.broadcast %broadcast_in_dim3A_929 : f32 to vector<16xf32>
    %swap3A_931 = arith.constant 115 : i32
    %swap3A_932 = arith.index_cast %swap3A_931 : i32 to index
    %swap3A_933 = arith.constant 0 : index
    %swap3A_934 = tpu.vector_load %arg7[%swap3A_932, %swap3A_933] {strides = array<i32>} : memref<128x16xf32, #tpu.memory_space<vmem>>, vector<1x16xf32>,
    %swap3A_935 = vector.shape_cast %swap3A_934 : vector<1x16xf32> to vector<16xf32>
    %swap3A_936 = vector.shape_cast %broadcast_in_dim3A_930 : vector<16xf32> to vector<1x16xf32>
    tpu.vector_store %arg7[%swap3A_932, %swap3A_933], %swap3A_936 {strides = array<i32>} : memref<128x16xf32, #tpu.memory_space<vmem>>, vector<1x16xf32>,
    %broadcast_in_dim3A_937 = arith.constant 1.000000e+00 : f32
    %broadcast_in_dim3A_938 = vector.broadcast %broadcast_in_dim3A_937 : f32 to vector<16xf32>
    %swap3A_939 = arith.constant 116 : i32
    %swap3A_940 = arith.index_cast %swap3A_939 : i32 to index
    %swap3A_941 = arith.constant 0 : index
    %swap3A_942 = tpu.vector_load %arg7[%swap3A_940, %swap3A_941] {strides = array<i32>} : memref<128x16xf32, #tpu.memory_space<vmem>>, vector<1x16xf32>,
    %swap3A_943 = vector.shape_cast %swap3A_942 : vector<1x16xf32> to vector<16xf32>
    %swap3A_944 = vector.shape_cast %broadcast_in_dim3A_938 : vector<16xf32> to vector<1x16xf32>
    tpu.vector_store %arg7[%swap3A_940, %swap3A_941], %swap3A_944 {strides = array<i32>} : memref<128x16xf32, #tpu.memory_space<vmem>>, vector<1x16xf32>,
    %broadcast_in_dim3A_945 = arith.constant 1.000000e+00 : f32
    %broadcast_in_dim3A_946 = vector.broadcast %broadcast_in_dim3A_945 : f32 to vector<16xf32>
    %swap3A_947 = arith.constant 117 : i32
    %swap3A_948 = arith.index_cast %swap3A_947 : i32 to index
    %swap3A_949 = arith.constant 0 : index
    %swap3A_950 = tpu.vector_load %arg7[%swap3A_948, %swap3A_949] {strides = array<i32>} : memref<128x16xf32, #tpu.memory_space<vmem>>, vector<1x16xf32>,
    %swap3A_951 = vector.shape_cast %swap3A_950 : vector<1x16xf32> to vector<16xf32>
    %swap3A_952 = vector.shape_cast %broadcast_in_dim3A_946 : vector<16xf32> to vector<1x16xf32>
    tpu.vector_store %arg7[%swap3A_948, %swap3A_949], %swap3A_952 {strides = array<i32>} : memref<128x16xf32, #tpu.memory_space<vmem>>, vector<1x16xf32>,
    %broadcast_in_dim3A_953 = arith.constant 1.000000e+00 : f32
    %broadcast_in_dim3A_954 = vector.broadcast %broadcast_in_dim3A_953 : f32 to vector<16xf32>
    %swap3A_955 = arith.constant 118 : i32
    %swap3A_956 = arith.index_cast %swap3A_955 : i32 to index
    %swap3A_957 = arith.constant 0 : index
    %swap3A_958 = tpu.vector_load %arg7[%swap3A_956, %swap3A_957] {strides = array<i32>} : memref<128x16xf32, #tpu.memory_space<vmem>>, vector<1x16xf32>,
    %swap3A_959 = vector.shape_cast %swap3A_958 : vector<1x16xf32> to vector<16xf32>
    %swap3A_960 = vector.shape_cast %broadcast_in_dim3A_954 : vector<16xf32> to vector<1x16xf32>
    tpu.vector_store %arg7[%swap3A_956, %swap3A_957], %swap3A_960 {strides = array<i32>} : memref<128x16xf32, #tpu.memory_space<vmem>>, vector<1x16xf32>,
    %broadcast_in_dim3A_961 = arith.constant 1.000000e+00 : f32
    %broadcast_in_dim3A_962 = vector.broadcast %broadcast_in_dim3A_961 : f32 to vector<16xf32>
    %swap3A_963 = arith.constant 119 : i32
    %swap3A_964 = arith.index_cast %swap3A_963 : i32 to index
    %swap3A_965 = arith.constant 0 : index
    %swap3A_966 = tpu.vector_load %arg7[%swap3A_964, %swap3A_965] {strides = array<i32>} : memref<128x16xf32, #tpu.memory_space<vmem>>, vector<1x16xf32>,
    %swap3A_967 = vector.shape_cast %swap3A_966 : vector<1x16xf32> to vector<16xf32>
    %swap3A_968 = vector.shape_cast %broadcast_in_dim3A_962 : vector<16xf32> to vector<1x16xf32>
    tpu.vector_store %arg7[%swap3A_964, %swap3A_965], %swap3A_968 {strides = array<i32>} : memref<128x16xf32, #tpu.memory_space<vmem>>, vector<1x16xf32>,
    %broadcast_in_dim3A_969 = arith.constant 1.000000e+00 : f32
    %broadcast_in_dim3A_970 = vector.broadcast %broadcast_in_dim3A_969 : f32 to vector<16xf32>
    %swap3A_971 = arith.constant 120 : i32
    %swap3A_972 = arith.index_cast %swap3A_971 : i32 to index
    %swap3A_973 = arith.constant 0 : index
    %swap3A_974 = tpu.vector_load %arg7[%swap3A_972, %swap3A_973] {strides = array<i32>} : memref<128x16xf32, #tpu.memory_space<vmem>>, vector<1x16xf32>,
    %swap3A_975 = vector.shape_cast %swap3A_974 : vector<1x16xf32> to vector<16xf32>
    %swap3A_976 = vector.shape_cast %broadcast_in_dim3A_970 : vector<16xf32> to vector<1x16xf32>
    tpu.vector_store %arg7[%swap3A_972, %swap3A_973], %swap3A_976 {strides = array<i32>} : memref<128x16xf32, #tpu.memory_space<vmem>>, vector<1x16xf32>,
    %broadcast_in_dim3A_977 = arith.constant 1.000000e+00 : f32
    %broadcast_in_dim3A_978 = vector.broadcast %broadcast_in_dim3A_977 : f32 to vector<16xf32>
    %swap3A_979 = arith.constant 121 : i32
    %swap3A_980 = arith.index_cast %swap3A_979 : i32 to index
    %swap3A_981 = arith.constant 0 : index
    %swap3A_982 = tpu.vector_load %arg7[%swap3A_980, %swap3A_981] {strides = array<i32>} : memref<128x16xf32, #tpu.memory_space<vmem>>, vector<1x16xf32>,
    %swap3A_983 = vector.shape_cast %swap3A_982 : vector<1x16xf32> to vector<16xf32>
    %swap3A_984 = vector.shape_cast %broadcast_in_dim3A_978 : vector<16xf32> to vector<1x16xf32>
    tpu.vector_store %arg7[%swap3A_980, %swap3A_981], %swap3A_984 {strides = array<i32>} : memref<128x16xf32, #tpu.memory_space<vmem>>, vector<1x16xf32>,
    %broadcast_in_dim3A_985 = arith.constant 1.000000e+00 : f32
    %broadcast_in_dim3A_986 = vector.broadcast %broadcast_in_dim3A_985 : f32 to vector<16xf32>
    %swap3A_987 = arith.constant 122 : i32
    %swap3A_988 = arith.index_cast %swap3A_987 : i32 to index
    %swap3A_989 = arith.constant 0 : index
    %swap3A_990 = tpu.vector_load %arg7[%swap3A_988, %swap3A_989] {strides = array<i32>} : memref<128x16xf32, #tpu.memory_space<vmem>>, vector<1x16xf32>,
    %swap3A_991 = vector.shape_cast %swap3A_990 : vector<1x16xf32> to vector<16xf32>
    %swap3A_992 = vector.shape_cast %broadcast_in_dim3A_986 : vector<16xf32> to vector<1x16xf32>
    tpu.vector_store %arg7[%swap3A_988, %swap3A_989], %swap3A_992 {strides = array<i32>} : memref<128x16xf32, #tpu.memory_space<vmem>>, vector<1x16xf32>,
    %broadcast_in_dim3A_993 = arith.constant 1.000000e+00 : f32
    %broadcast_in_dim3A_994 = vector.broadcast %broadcast_in_dim3A_993 : f32 to vector<16xf32>
    %swap3A_995 = arith.constant 123 : i32
    %swap3A_996 = arith.index_cast %swap3A_995 : i32 to index
    %swap3A_997 = arith.constant 0 : index
    %swap3A_998 = tpu.vector_load %arg7[%swap3A_996, %swap3A_997] {strides = array<i32>} : memref<128x16xf32, #tpu.memory_space<vmem>>, vector<1x16xf32>,
    %swap3A_999 = vector.shape_cast %swap3A_998 : vector<1x16xf32> to vector<16xf32>
    %swap3A_1000 = vector.shape_cast %broadcast_in_dim3A_994 : vector<16xf32> to vector<1x16xf32>
    tpu.vector_store %arg7[%swap3A_996, %swap3A_997], %swap3A_1000 {strides = array<i32>} : memref<128x16xf32, #tpu.memory_space<vmem>>, vector<1x16xf32>,
    %broadcast_in_dim3A_1001 = arith.constant 1.000000e+00 : f32
    %broadcast_in_dim3A_1002 = vector.broadcast %broadcast_in_dim3A_1001 : f32 to vector<16xf32>
    %swap3A_1003 = arith.constant 124 : i32
    %swap3A_1004 = arith.index_cast %swap3A_1003 : i32 to index
    %swap3A_1005 = arith.constant 0 : index
    %swap3A_1006 = tpu.vector_load %arg7[%swap3A_1004, %swap3A_1005] {strides = array<i32>} : memref<128x16xf32, #tpu.memory_space<vmem>>, vector<1x16xf32>,
    %swap3A_1007 = vector.shape_cast %swap3A_1006 : vector<1x16xf32> to vector<16xf32>
    %swap3A_1008 = vector.shape_cast %broadcast_in_dim3A_1002 : vector<16xf32> to vector<1x16xf32>
    tpu.vector_store %arg7[%swap3A_1004, %swap3A_1005], %swap3A_1008 {strides = array<i32>} : memref<128x16xf32, #tpu.memory_space<vmem>>, vector<1x16xf32>,
    %broadcast_in_dim3A_1009 = arith.constant 1.000000e+00 : f32
    %broadcast_in_dim3A_1010 = vector.broadcast %broadcast_in_dim3A_1009 : f32 to vector<16xf32>
    %swap3A_1011 = arith.constant 125 : i32
    %swap3A_1012 = arith.index_cast %swap3A_1011 : i32 to index
    %swap3A_1013 = arith.constant 0 : index
    %swap3A_1014 = tpu.vector_load %arg7[%swap3A_1012, %swap3A_1013] {strides = array<i32>} : memref<128x16xf32, #tpu.memory_space<vmem>>, vector<1x16xf32>,
    %swap3A_1015 = vector.shape_cast %swap3A_1014 : vector<1x16xf32> to vector<16xf32>
    %swap3A_1016 = vector.shape_cast %broadcast_in_dim3A_1010 : vector<16xf32> to vector<1x16xf32>
    tpu.vector_store %arg7[%swap3A_1012, %swap3A_1013], %swap3A_1016 {strides = array<i32>} : memref<128x16xf32, #tpu.memory_space<vmem>>, vector<1x16xf32>,
    %broadcast_in_dim3A_1017 = arith.constant 1.000000e+00 : f32
    %broadcast_in_dim3A_1018 = vector.broadcast %broadcast_in_dim3A_1017 : f32 to vector<16xf32>
    %swap3A_1019 = arith.constant 126 : i32
    %swap3A_1020 = arith.index_cast %swap3A_1019 : i32 to index
    %swap3A_1021 = arith.constant 0 : index
    %swap3A_1022 = tpu.vector_load %arg7[%swap3A_1020, %swap3A_1021] {strides = array<i32>} : memref<128x16xf32, #tpu.memory_space<vmem>>, vector<1x16xf32>,
    %swap3A_1023 = vector.shape_cast %swap3A_1022 : vector<1x16xf32> to vector<16xf32>
    %swap3A_1024 = vector.shape_cast %broadcast_in_dim3A_1018 : vector<16xf32> to vector<1x16xf32>
    tpu.vector_store %arg7[%swap3A_1020, %swap3A_1021], %swap3A_1024 {strides = array<i32>} : memref<128x16xf32, #tpu.memory_space<vmem>>, vector<1x16xf32>,
    %broadcast_in_dim3A_1025 = arith.constant 1.000000e+00 : f32
    %broadcast_in_dim3A_1026 = vector.broadcast %broadcast_in_dim3A_1025 : f32 to vector<16xf32>
    %swap3A_1027 = arith.constant 127 : i32
    %swap3A_1028 = arith.index_cast %swap3A_1027 : i32 to index
    %swap3A_1029 = arith.constant 0 : index
    %swap3A_1030 = tpu.vector_load %arg7[%swap3A_1028, %swap3A_1029] {strides = array<i32>} : memref<128x16xf32, #tpu.memory_space<vmem>>, vector<1x16xf32>,
    %swap3A_1031 = vector.shape_cast %swap3A_1030 : vector<1x16xf32> to vector<16xf32>
    %swap3A_1032 = vector.shape_cast %broadcast_in_dim3A_1026 : vector<16xf32> to vector<1x16xf32>
    tpu.vector_store %arg7[%swap3A_1028, %swap3A_1029], %swap3A_1032 {strides = array<i32>} : memref<128x16xf32, #tpu.memory_space<vmem>>, vector<1x16xf32>,
    %barrier3A = arith.constant 0 : index
    tpu.barrier barrier_id(%barrier3A)
    %scan3A = arith.constant 0 : i32
    %scan3A_1033 = arith.constant 0 : i32
    %scan3A_1034 = arith.constant 4 : i32
    %scan3A_1035 = arith.addi %scan3A_1033, %scan3A_1034 : i32
    %scan3A_1036 = arith.constant 1 : i32
    scf.for %scan3A_1293 = %scan3A_1033 to %scan3A_1035 step %scan3A_1036  : i32 {
      %mul3A_1294 = arith.constant 2 : i32
      %mul3A_1295 = arith.muli %scan3A_1293, %mul3A_1294 : i32
      %add3A = arith.constant 1 : i32
      %add3A_1296 = arith.addi %mul3A_1295, %add3A : i32
      %dma_wait3A_1297 = arith.constant 0 : i32
      %dma_wait3A_1298 = arith.constant 0 : i32
      %dma_wait3A_1299 = tpu.memref_slice %arg2[%arg0, %arg1, %mul3A_1295, %dma_wait3A_1297, %dma_wait3A_1298] : memref<2x16x10x8x128xi32, #tpu.memory_space<hbm>> -> memref<1x1x1x8x128xi32, #tpu.memory_space<hbm>>
      %dma_wait3A_1300 = tpu.memref_squeeze %dma_wait3A_1299 : memref<1x1x1x8x128xi32, #tpu.memory_space<hbm>> -> memref<8x128xi32, #tpu.memory_space<hbm>>
      %dma_wait3A_1301 = arith.constant 0 : i32
      %dma_wait3A_1302 = arith.constant 0 : i32
      %dma_wait3A_1303 = tpu.memref_slice %arg2[%arg0, %arg1, %mul3A_1295, %dma_wait3A_1301, %dma_wait3A_1302] : memref<2x16x10x8x128xi32, #tpu.memory_space<hbm>> -> memref<1x1x1x8x128xi32, #tpu.memory_space<hbm>>
      %dma_wait3A_1304 = tpu.memref_squeeze %dma_wait3A_1303 : memref<1x1x1x8x128xi32, #tpu.memory_space<hbm>> -> memref<8x128xi32, #tpu.memory_space<hbm>>
      tpu.wait_dma2 semaphore(%arg9 : memref<!tpu.dma_semaphore, #tpu.memory_space<semaphore_mem>>) src(%dma_wait3A_1304 : memref<8x128xi32, #tpu.memory_space<hbm>>) dst(%arg5 : memref<8x128xi32, #tpu.memory_space<vmem>>)
      %dma_start3A_1305 = arith.constant 0 : i32
      %dma_start3A_1306 = arith.constant 0 : i32
      %dma_start3A_1307 = tpu.memref_slice %arg2[%arg0, %arg1, %add3A_1296, %dma_start3A_1305, %dma_start3A_1306] : memref<2x16x10x8x128xi32, #tpu.memory_space<hbm>> -> memref<1x1x1x8x128xi32, #tpu.memory_space<hbm>>
      %dma_start3A_1308 = tpu.memref_squeeze %dma_start3A_1307 : memref<1x1x1x8x128xi32, #tpu.memory_space<hbm>> -> memref<8x128xi32, #tpu.memory_space<hbm>>
      %dma_start3A_1309 = arith.constant 0 : i32
      %dma_start3A_1310 = arith.constant 0 : i32
      %dma_start3A_1311 = tpu.memref_slice %arg2[%arg0, %arg1, %add3A_1296, %dma_start3A_1309, %dma_start3A_1310] : memref<2x16x10x8x128xi32, #tpu.memory_space<hbm>> -> memref<1x1x1x8x128xi32, #tpu.memory_space<hbm>>
      %dma_start3A_1312 = tpu.memref_squeeze %dma_start3A_1311 : memref<1x1x1x8x128xi32, #tpu.memory_space<hbm>> -> memref<8x128xi32, #tpu.memory_space<hbm>>
      tpu.enqueue_dma source(%dma_start3A_1312 : memref<8x128xi32, #tpu.memory_space<hbm>>) target(%arg6 : memref<8x128xi32, #tpu.memory_space<vmem>>) target_semaphore(%arg10 : memref<!tpu.dma_semaphore, #tpu.memory_space<semaphore_mem>>)
      %dma_start3A_1313 = arith.constant 0 : i32
      %dma_start3A_1314 = arith.constant 0 : i32
      %dma_start3A_1315 = tpu.memref_slice %arg5[%dma_start3A_1313, %dma_start3A_1314] : memref<8x128xi32, #tpu.memory_space<vmem>> -> memref<1x128xi32, #tpu.memory_space<vmem>>
      %dma_start3A_1316 = tpu.memref_squeeze %dma_start3A_1315 : memref<1x128xi32, #tpu.memory_space<vmem>> -> memref<128xi32, #tpu.memory_space<vmem>>
      %dma_start3A_1317 = arith.constant 0 : i32
      %dma_start3A_1318 = arith.constant 0 : i32
      %dma_start3A_1319 = tpu.memref_slice %arg8[%dma_start3A_1317, %dma_start3A_1318] : memref<10112x16xf32, #tpu.memory_space<vmem_shared>> -> memref<10112x16xf32, #tpu.memory_space<vmem_shared>>
      tpu.enqueue_indirect_dma source(%arg7 : memref<128x16xf32, #tpu.memory_space<vmem>>) target(%dma_start3A_1319 : memref<10112x16xf32, #tpu.memory_space<vmem_shared>>) offsets(%dma_start3A_1316 : memref<128xi32, #tpu.memory_space<vmem>>) semaphore(%arg11 : memref<!tpu.dma_semaphore, #tpu.memory_space<semaphore_mem>>) {add = true}
      %dma_start3A_1320 = arith.constant 1 : i32
      %dma_start3A_1321 = arith.constant 0 : i32
      %dma_start3A_1322 = tpu.memref_slice %arg5[%dma_start3A_1320, %dma_start3A_1321] : memref<8x128xi32, #tpu.memory_space<vmem>> -> memref<1x128xi32, #tpu.memory_space<vmem>>
      %dma_start3A_1323 = tpu.memref_squeeze %dma_start3A_1322 : memref<1x128xi32, #tpu.memory_space<vmem>> -> memref<128xi32, #tpu.memory_space<vmem>>
      %dma_start3A_1324 = arith.constant 0 : i32
      %dma_start3A_1325 = arith.constant 0 : i32
      %dma_start3A_1326 = tpu.memref_slice %arg8[%dma_start3A_1324, %dma_start3A_1325] : memref<10112x16xf32, #tpu.memory_space<vmem_shared>> -> memref<10112x16xf32, #tpu.memory_space<vmem_shared>>
      tpu.enqueue_indirect_dma source(%arg7 : memref<128x16xf32, #tpu.memory_space<vmem>>) target(%dma_start3A_1326 : memref<10112x16xf32, #tpu.memory_space<vmem_shared>>) offsets(%dma_start3A_1323 : memref<128xi32, #tpu.memory_space<vmem>>) semaphore(%arg11 : memref<!tpu.dma_semaphore, #tpu.memory_space<semaphore_mem>>) {add = true}
      %dma_start3A_1327 = arith.constant 2 : i32
      %dma_start3A_1328 = arith.constant 0 : i32
      %dma_start3A_1329 = tpu.memref_slice %arg5[%dma_start3A_1327, %dma_start3A_1328] : memref<8x128xi32, #tpu.memory_space<vmem>> -> memref<1x128xi32, #tpu.memory_space<vmem>>
      %dma_start3A_1330 = tpu.memref_squeeze %dma_start3A_1329 : memref<1x128xi32, #tpu.memory_space<vmem>> -> memref<128xi32, #tpu.memory_space<vmem>>
      %dma_start3A_1331 = arith.constant 0 : i32
      %dma_start3A_1332 = arith.constant 0 : i32
      %dma_start3A_1333 = tpu.memref_slice %arg8[%dma_start3A_1331, %dma_start3A_1332] : memref<10112x16xf32, #tpu.memory_space<vmem_shared>> -> memref<10112x16xf32, #tpu.memory_space<vmem_shared>>
      tpu.enqueue_indirect_dma source(%arg7 : memref<128x16xf32, #tpu.memory_space<vmem>>) target(%dma_start3A_1333 : memref<10112x16xf32, #tpu.memory_space<vmem_shared>>) offsets(%dma_start3A_1330 : memref<128xi32, #tpu.memory_space<vmem>>) semaphore(%arg11 : memref<!tpu.dma_semaphore, #tpu.memory_space<semaphore_mem>>) {add = true}
      %dma_start3A_1334 = arith.constant 3 : i32
      %dma_start3A_1335 = arith.constant 0 : i32
      %dma_start3A_1336 = tpu.memref_slice %arg5[%dma_start3A_1334, %dma_start3A_1335] : memref<8x128xi32, #tpu.memory_space<vmem>> -> memref<1x128xi32, #tpu.memory_space<vmem>>
      %dma_start3A_1337 = tpu.memref_squeeze %dma_start3A_1336 : memref<1x128xi32, #tpu.memory_space<vmem>> -> memref<128xi32, #tpu.memory_space<vmem>>
      %dma_start3A_1338 = arith.constant 0 : i32
      %dma_start3A_1339 = arith.constant 0 : i32
      %dma_start3A_1340 = tpu.memref_slice %arg8[%dma_start3A_1338, %dma_start3A_1339] : memref<10112x16xf32, #tpu.memory_space<vmem_shared>> -> memref<10112x16xf32, #tpu.memory_space<vmem_shared>>
      tpu.enqueue_indirect_dma source(%arg7 : memref<128x16xf32, #tpu.memory_space<vmem>>) target(%dma_start3A_1340 : memref<10112x16xf32, #tpu.memory_space<vmem_shared>>) offsets(%dma_start3A_1337 : memref<128xi32, #tpu.memory_space<vmem>>) semaphore(%arg11 : memref<!tpu.dma_semaphore, #tpu.memory_space<semaphore_mem>>) {add = true}
      %dma_start3A_1341 = arith.constant 4 : i32
      %dma_start3A_1342 = arith.constant 0 : i32
      %dma_start3A_1343 = tpu.memref_slice %arg5[%dma_start3A_1341, %dma_start3A_1342] : memref<8x128xi32, #tpu.memory_space<vmem>> -> memref<1x128xi32, #tpu.memory_space<vmem>>
      %dma_start3A_1344 = tpu.memref_squeeze %dma_start3A_1343 : memref<1x128xi32, #tpu.memory_space<vmem>> -> memref<128xi32, #tpu.memory_space<vmem>>
      %dma_start3A_1345 = arith.constant 0 : i32
      %dma_start3A_1346 = arith.constant 0 : i32
      %dma_start3A_1347 = tpu.memref_slice %arg8[%dma_start3A_1345, %dma_start3A_1346] : memref<10112x16xf32, #tpu.memory_space<vmem_shared>> -> memref<10112x16xf32, #tpu.memory_space<vmem_shared>>
      tpu.enqueue_indirect_dma source(%arg7 : memref<128x16xf32, #tpu.memory_space<vmem>>) target(%dma_start3A_1347 : memref<10112x16xf32, #tpu.memory_space<vmem_shared>>) offsets(%dma_start3A_1344 : memref<128xi32, #tpu.memory_space<vmem>>) semaphore(%arg11 : memref<!tpu.dma_semaphore, #tpu.memory_space<semaphore_mem>>) {add = true}
      %dma_start3A_1348 = arith.constant 5 : i32
      %dma_start3A_1349 = arith.constant 0 : i32
      %dma_start3A_1350 = tpu.memref_slice %arg5[%dma_start3A_1348, %dma_start3A_1349] : memref<8x128xi32, #tpu.memory_space<vmem>> -> memref<1x128xi32, #tpu.memory_space<vmem>>
      %dma_start3A_1351 = tpu.memref_squeeze %dma_start3A_1350 : memref<1x128xi32, #tpu.memory_space<vmem>> -> memref<128xi32, #tpu.memory_space<vmem>>
      %dma_start3A_1352 = arith.constant 0 : i32
      %dma_start3A_1353 = arith.constant 0 : i32
      %dma_start3A_1354 = tpu.memref_slice %arg8[%dma_start3A_1352, %dma_start3A_1353] : memref<10112x16xf32, #tpu.memory_space<vmem_shared>> -> memref<10112x16xf32, #tpu.memory_space<vmem_shared>>
      tpu.enqueue_indirect_dma source(%arg7 : memref<128x16xf32, #tpu.memory_space<vmem>>) target(%dma_start3A_1354 : memref<10112x16xf32, #tpu.memory_space<vmem_shared>>) offsets(%dma_start3A_1351 : memref<128xi32, #tpu.memory_space<vmem>>) semaphore(%arg11 : memref<!tpu.dma_semaphore, #tpu.memory_space<semaphore_mem>>) {add = true}
      %dma_start3A_1355 = arith.constant 6 : i32
      %dma_start3A_1356 = arith.constant 0 : i32
      %dma_start3A_1357 = tpu.memref_slice %arg5[%dma_start3A_1355, %dma_start3A_1356] : memref<8x128xi32, #tpu.memory_space<vmem>> -> memref<1x128xi32, #tpu.memory_space<vmem>>
      %dma_start3A_1358 = tpu.memref_squeeze %dma_start3A_1357 : memref<1x128xi32, #tpu.memory_space<vmem>> -> memref<128xi32, #tpu.memory_space<vmem>>
      %dma_start3A_1359 = arith.constant 0 : i32
      %dma_start3A_1360 = arith.constant 0 : i32
      %dma_start3A_1361 = tpu.memref_slice %arg8[%dma_start3A_1359, %dma_start3A_1360] : memref<10112x16xf32, #tpu.memory_space<vmem_shared>> -> memref<10112x16xf32, #tpu.memory_space<vmem_shared>>
      tpu.enqueue_indirect_dma source(%arg7 : memref<128x16xf32, #tpu.memory_space<vmem>>) target(%dma_start3A_1361 : memref<10112x16xf32, #tpu.memory_space<vmem_shared>>) offsets(%dma_start3A_1358 : memref<128xi32, #tpu.memory_space<vmem>>) semaphore(%arg11 : memref<!tpu.dma_semaphore, #tpu.memory_space<semaphore_mem>>) {add = true}
      %dma_start3A_1362 = arith.constant 7 : i32
      %dma_start3A_1363 = arith.constant 0 : i32
      %dma_start3A_1364 = tpu.memref_slice %arg5[%dma_start3A_1362, %dma_start3A_1363] : memref<8x128xi32, #tpu.memory_space<vmem>> -> memref<1x128xi32, #tpu.memory_space<vmem>>
      %dma_start3A_1365 = tpu.memref_squeeze %dma_start3A_1364 : memref<1x128xi32, #tpu.memory_space<vmem>> -> memref<128xi32, #tpu.memory_space<vmem>>
      %dma_start3A_1366 = arith.constant 0 : i32
      %dma_start3A_1367 = arith.constant 0 : i32
      %dma_start3A_1368 = tpu.memref_slice %arg8[%dma_start3A_1366, %dma_start3A_1367] : memref<10112x16xf32, #tpu.memory_space<vmem_shared>> -> memref<10112x16xf32, #tpu.memory_space<vmem_shared>>
      tpu.enqueue_indirect_dma source(%arg7 : memref<128x16xf32, #tpu.memory_space<vmem>>) target(%dma_start3A_1368 : memref<10112x16xf32, #tpu.memory_space<vmem_shared>>) offsets(%dma_start3A_1365 : memref<128xi32, #tpu.memory_space<vmem>>) semaphore(%arg11 : memref<!tpu.dma_semaphore, #tpu.memory_space<semaphore_mem>>) {add = true}
      %dma_wait3A_1369 = arith.constant 0 : i32
      %dma_wait3A_1370 = arith.constant 0 : i32
      %dma_wait3A_1371 = tpu.memref_slice %arg5[%dma_wait3A_1369, %dma_wait3A_1370] : memref<8x128xi32, #tpu.memory_space<vmem>> -> memref<1x128xi32, #tpu.memory_space<vmem>>
      %dma_wait3A_1372 = tpu.memref_squeeze %dma_wait3A_1371 : memref<1x128xi32, #tpu.memory_space<vmem>> -> memref<128xi32, #tpu.memory_space<vmem>>
      %dma_wait3A_1373 = arith.constant 0 : i32
      %dma_wait3A_1374 = arith.constant 0 : i32
      %dma_wait3A_1375 = tpu.memref_slice %arg8[%dma_wait3A_1373, %dma_wait3A_1374] : memref<10112x16xf32, #tpu.memory_space<vmem_shared>> -> memref<10112x16xf32, #tpu.memory_space<vmem_shared>>
      tpu.wait_indirect_dma semaphore(%arg11 : memref<!tpu.dma_semaphore, #tpu.memory_space<semaphore_mem>>) src(%arg7 : memref<128x16xf32, #tpu.memory_space<vmem>>) dst(%dma_wait3A_1375 : memref<10112x16xf32, #tpu.memory_space<vmem_shared>>)
      %dma_wait3A_1376 = arith.constant 1 : i32
      %dma_wait3A_1377 = arith.constant 0 : i32
      %dma_wait3A_1378 = tpu.memref_slice %arg5[%dma_wait3A_1376, %dma_wait3A_1377] : memref<8x128xi32, #tpu.memory_space<vmem>> -> memref<1x128xi32, #tpu.memory_space<vmem>>
      %dma_wait3A_1379 = tpu.memref_squeeze %dma_wait3A_1378 : memref<1x128xi32, #tpu.memory_space<vmem>> -> memref<128xi32, #tpu.memory_space<vmem>>
      %dma_wait3A_1380 = arith.constant 0 : i32
      %dma_wait3A_1381 = arith.constant 0 : i32
      %dma_wait3A_1382 = tpu.memref_slice %arg8[%dma_wait3A_1380, %dma_wait3A_1381] : memref<10112x16xf32, #tpu.memory_space<vmem_shared>> -> memref<10112x16xf32, #tpu.memory_space<vmem_shared>>
      tpu.wait_indirect_dma semaphore(%arg11 : memref<!tpu.dma_semaphore, #tpu.memory_space<semaphore_mem>>) src(%arg7 : memref<128x16xf32, #tpu.memory_space<vmem>>) dst(%dma_wait3A_1382 : memref<10112x16xf32, #tpu.memory_space<vmem_shared>>)
      %dma_wait3A_1383 = arith.constant 2 : i32
      %dma_wait3A_1384 = arith.constant 0 : i32
      %dma_wait3A_1385 = tpu.memref_slice %arg5[%dma_wait3A_1383, %dma_wait3A_1384] : memref<8x128xi32, #tpu.memory_space<vmem>> -> memref<1x128xi32, #tpu.memory_space<vmem>>
      %dma_wait3A_1386 = tpu.memref_squeeze %dma_wait3A_1385 : memref<1x128xi32, #tpu.memory_space<vmem>> -> memref<128xi32, #tpu.memory_space<vmem>>
      %dma_wait3A_1387 = arith.constant 0 : i32
      %dma_wait3A_1388 = arith.constant 0 : i32
      %dma_wait3A_1389 = tpu.memref_slice %arg8[%dma_wait3A_1387, %dma_wait3A_1388] : memref<10112x16xf32, #tpu.memory_space<vmem_shared>> -> memref<10112x16xf32, #tpu.memory_space<vmem_shared>>
      tpu.wait_indirect_dma semaphore(%arg11 : memref<!tpu.dma_semaphore, #tpu.memory_space<semaphore_mem>>) src(%arg7 : memref<128x16xf32, #tpu.memory_space<vmem>>) dst(%dma_wait3A_1389 : memref<10112x16xf32, #tpu.memory_space<vmem_shared>>)
      %dma_wait3A_1390 = arith.constant 3 : i32
      %dma_wait3A_1391 = arith.constant 0 : i32
      %dma_wait3A_1392 = tpu.memref_slice %arg5[%dma_wait3A_1390, %dma_wait3A_1391] : memref<8x128xi32, #tpu.memory_space<vmem>> -> memref<1x128xi32, #tpu.memory_space<vmem>>
      %dma_wait3A_1393 = tpu.memref_squeeze %dma_wait3A_1392 : memref<1x128xi32, #tpu.memory_space<vmem>> -> memref<128xi32, #tpu.memory_space<vmem>>
      %dma_wait3A_1394 = arith.constant 0 : i32
      %dma_wait3A_1395 = arith.constant 0 : i32
      %dma_wait3A_1396 = tpu.memref_slice %arg8[%dma_wait3A_1394, %dma_wait3A_1395] : memref<10112x16xf32, #tpu.memory_space<vmem_shared>> -> memref<10112x16xf32, #tpu.memory_space<vmem_shared>>
      tpu.wait_indirect_dma semaphore(%arg11 : memref<!tpu.dma_semaphore, #tpu.memory_space<semaphore_mem>>) src(%arg7 : memref<128x16xf32, #tpu.memory_space<vmem>>) dst(%dma_wait3A_1396 : memref<10112x16xf32, #tpu.memory_space<vmem_shared>>)
      %dma_wait3A_1397 = arith.constant 4 : i32
      %dma_wait3A_1398 = arith.constant 0 : i32
      %dma_wait3A_1399 = tpu.memref_slice %arg5[%dma_wait3A_1397, %dma_wait3A_1398] : memref<8x128xi32, #tpu.memory_space<vmem>> -> memref<1x128xi32, #tpu.memory_space<vmem>>
      %dma_wait3A_1400 = tpu.memref_squeeze %dma_wait3A_1399 : memref<1x128xi32, #tpu.memory_space<vmem>> -> memref<128xi32, #tpu.memory_space<vmem>>
      %dma_wait3A_1401 = arith.constant 0 : i32
      %dma_wait3A_1402 = arith.constant 0 : i32
      %dma_wait3A_1403 = tpu.memref_slice %arg8[%dma_wait3A_1401, %dma_wait3A_1402] : memref<10112x16xf32, #tpu.memory_space<vmem_shared>> -> memref<10112x16xf32, #tpu.memory_space<vmem_shared>>
      tpu.wait_indirect_dma semaphore(%arg11 : memref<!tpu.dma_semaphore, #tpu.memory_space<semaphore_mem>>) src(%arg7 : memref<128x16xf32, #tpu.memory_space<vmem>>) dst(%dma_wait3A_1403 : memref<10112x16xf32, #tpu.memory_space<vmem_shared>>)
      %dma_wait3A_1404 = arith.constant 5 : i32
      %dma_wait3A_1405 = arith.constant 0 : i32
      %dma_wait3A_1406 = tpu.memref_slice %arg5[%dma_wait3A_1404, %dma_wait3A_1405] : memref<8x128xi32, #tpu.memory_space<vmem>> -> memref<1x128xi32, #tpu.memory_space<vmem>>
      %dma_wait3A_1407 = tpu.memref_squeeze %dma_wait3A_1406 : memref<1x128xi32, #tpu.memory_space<vmem>> -> memref<128xi32, #tpu.memory_space<vmem>>
      %dma_wait3A_1408 = arith.constant 0 : i32
      %dma_wait3A_1409 = arith.constant 0 : i32
      %dma_wait3A_1410 = tpu.memref_slice %arg8[%dma_wait3A_1408, %dma_wait3A_1409] : memref<10112x16xf32, #tpu.memory_space<vmem_shared>> -> memref<10112x16xf32, #tpu.memory_space<vmem_shared>>
      tpu.wait_indirect_dma semaphore(%arg11 : memref<!tpu.dma_semaphore, #tpu.memory_space<semaphore_mem>>) src(%arg7 : memref<128x16xf32, #tpu.memory_space<vmem>>) dst(%dma_wait3A_1410 : memref<10112x16xf32, #tpu.memory_space<vmem_shared>>)
      %dma_wait3A_1411 = arith.constant 6 : i32
      %dma_wait3A_1412 = arith.constant 0 : i32
      %dma_wait3A_1413 = tpu.memref_slice %arg5[%dma_wait3A_1411, %dma_wait3A_1412] : memref<8x128xi32, #tpu.memory_space<vmem>> -> memref<1x128xi32, #tpu.memory_space<vmem>>
      %dma_wait3A_1414 = tpu.memref_squeeze %dma_wait3A_1413 : memref<1x128xi32, #tpu.memory_space<vmem>> -> memref<128xi32, #tpu.memory_space<vmem>>
      %dma_wait3A_1415 = arith.constant 0 : i32
      %dma_wait3A_1416 = arith.constant 0 : i32
      %dma_wait3A_1417 = tpu.memref_slice %arg8[%dma_wait3A_1415, %dma_wait3A_1416] : memref<10112x16xf32, #tpu.memory_space<vmem_shared>> -> memref<10112x16xf32, #tpu.memory_space<vmem_shared>>
      tpu.wait_indirect_dma semaphore(%arg11 : memref<!tpu.dma_semaphore, #tpu.memory_space<semaphore_mem>>) src(%arg7 : memref<128x16xf32, #tpu.memory_space<vmem>>) dst(%dma_wait3A_1417 : memref<10112x16xf32, #tpu.memory_space<vmem_shared>>)
      %dma_wait3A_1418 = arith.constant 7 : i32
      %dma_wait3A_1419 = arith.constant 0 : i32
      %dma_wait3A_1420 = tpu.memref_slice %arg5[%dma_wait3A_1418, %dma_wait3A_1419] : memref<8x128xi32, #tpu.memory_space<vmem>> -> memref<1x128xi32, #tpu.memory_space<vmem>>
      %dma_wait3A_1421 = tpu.memref_squeeze %dma_wait3A_1420 : memref<1x128xi32, #tpu.memory_space<vmem>> -> memref<128xi32, #tpu.memory_space<vmem>>
      %dma_wait3A_1422 = arith.constant 0 : i32
      %dma_wait3A_1423 = arith.constant 0 : i32
      %dma_wait3A_1424 = tpu.memref_slice %arg8[%dma_wait3A_1422, %dma_wait3A_1423] : memref<10112x16xf32, #tpu.memory_space<vmem_shared>> -> memref<10112x16xf32, #tpu.memory_space<vmem_shared>>
      tpu.wait_indirect_dma semaphore(%arg11 : memref<!tpu.dma_semaphore, #tpu.memory_space<semaphore_mem>>) src(%arg7 : memref<128x16xf32, #tpu.memory_space<vmem>>) dst(%dma_wait3A_1424 : memref<10112x16xf32, #tpu.memory_space<vmem_shared>>)
      %add3A_1425 = arith.constant 1 : i32
      %add3A_1426 = arith.addi %mul3A_1295, %add3A_1425 : i32
      %add3A_1427 = arith.constant 2 : i32
      %add3A_1428 = arith.addi %mul3A_1295, %add3A_1427 : i32
      %dma_wait3A_1429 = arith.constant 0 : i32
      %dma_wait3A_1430 = arith.constant 0 : i32
      %dma_wait3A_1431 = tpu.memref_slice %arg2[%arg0, %arg1, %add3A_1426, %dma_wait3A_1429, %dma_wait3A_1430] : memref<2x16x10x8x128xi32, #tpu.memory_space<hbm>> -> memref<1x1x1x8x128xi32, #tpu.memory_space<hbm>>
      %dma_wait3A_1432 = tpu.memref_squeeze %dma_wait3A_1431 : memref<1x1x1x8x128xi32, #tpu.memory_space<hbm>> -> memref<8x128xi32, #tpu.memory_space<hbm>>
      %dma_wait3A_1433 = arith.constant 0 : i32
      %dma_wait3A_1434 = arith.constant 0 : i32
      %dma_wait3A_1435 = tpu.memref_slice %arg2[%arg0, %arg1, %add3A_1426, %dma_wait3A_1433, %dma_wait3A_1434] : memref<2x16x10x8x128xi32, #tpu.memory_space<hbm>> -> memref<1x1x1x8x128xi32, #tpu.memory_space<hbm>>
      %dma_wait3A_1436 = tpu.memref_squeeze %dma_wait3A_1435 : memref<1x1x1x8x128xi32, #tpu.memory_space<hbm>> -> memref<8x128xi32, #tpu.memory_space<hbm>>
      tpu.wait_dma2 semaphore(%arg10 : memref<!tpu.dma_semaphore, #tpu.memory_space<semaphore_mem>>) src(%dma_wait3A_1436 : memref<8x128xi32, #tpu.memory_space<hbm>>) dst(%arg6 : memref<8x128xi32, #tpu.memory_space<vmem>>)
      %dma_start3A_1437 = arith.constant 0 : i32
      %dma_start3A_1438 = arith.constant 0 : i32
      %dma_start3A_1439 = tpu.memref_slice %arg2[%arg0, %arg1, %add3A_1428, %dma_start3A_1437, %dma_start3A_1438] : memref<2x16x10x8x128xi32, #tpu.memory_space<hbm>> -> memref<1x1x1x8x128xi32, #tpu.memory_space<hbm>>
      %dma_start3A_1440 = tpu.memref_squeeze %dma_start3A_1439 : memref<1x1x1x8x128xi32, #tpu.memory_space<hbm>> -> memref<8x128xi32, #tpu.memory_space<hbm>>
      %dma_start3A_1441 = arith.constant 0 : i32
      %dma_start3A_1442 = arith.constant 0 : i32
      %dma_start3A_1443 = tpu.memref_slice %arg2[%arg0, %arg1, %add3A_1428, %dma_start3A_1441, %dma_start3A_1442] : memref<2x16x10x8x128xi32, #tpu.memory_space<hbm>> -> memref<1x1x1x8x128xi32, #tpu.memory_space<hbm>>
      %dma_start3A_1444 = tpu.memref_squeeze %dma_start3A_1443 : memref<1x1x1x8x128xi32, #tpu.memory_space<hbm>> -> memref<8x128xi32, #tpu.memory_space<hbm>>
      tpu.enqueue_dma source(%dma_start3A_1444 : memref<8x128xi32, #tpu.memory_space<hbm>>) target(%arg5 : memref<8x128xi32, #tpu.memory_space<vmem>>) target_semaphore(%arg9 : memref<!tpu.dma_semaphore, #tpu.memory_space<semaphore_mem>>)
      %dma_start3A_1445 = arith.constant 0 : i32
      %dma_start3A_1446 = arith.constant 0 : i32
      %dma_start3A_1447 = tpu.memref_slice %arg6[%dma_start3A_1445, %dma_start3A_1446] : memref<8x128xi32, #tpu.memory_space<vmem>> -> memref<1x128xi32, #tpu.memory_space<vmem>>
      %dma_start3A_1448 = tpu.memref_squeeze %dma_start3A_1447 : memref<1x128xi32, #tpu.memory_space<vmem>> -> memref<128xi32, #tpu.memory_space<vmem>>
      %dma_start3A_1449 = arith.constant 0 : i32
      %dma_start3A_1450 = arith.constant 0 : i32
      %dma_start3A_1451 = tpu.memref_slice %arg8[%dma_start3A_1449, %dma_start3A_1450] : memref<10112x16xf32, #tpu.memory_space<vmem_shared>> -> memref<10112x16xf32, #tpu.memory_space<vmem_shared>>
      tpu.enqueue_indirect_dma source(%arg7 : memref<128x16xf32, #tpu.memory_space<vmem>>) target(%dma_start3A_1451 : memref<10112x16xf32, #tpu.memory_space<vmem_shared>>) offsets(%dma_start3A_1448 : memref<128xi32, #tpu.memory_space<vmem>>) semaphore(%arg11 : memref<!tpu.dma_semaphore, #tpu.memory_space<semaphore_mem>>) {add = true}
      %dma_start3A_1452 = arith.constant 1 : i32
      %dma_start3A_1453 = arith.constant 0 : i32
      %dma_start3A_1454 = tpu.memref_slice %arg6[%dma_start3A_1452, %dma_start3A_1453] : memref<8x128xi32, #tpu.memory_space<vmem>> -> memref<1x128xi32, #tpu.memory_space<vmem>>
      %dma_start3A_1455 = tpu.memref_squeeze %dma_start3A_1454 : memref<1x128xi32, #tpu.memory_space<vmem>> -> memref<128xi32, #tpu.memory_space<vmem>>
      %dma_start3A_1456 = arith.constant 0 : i32
      %dma_start3A_1457 = arith.constant 0 : i32
      %dma_start3A_1458 = tpu.memref_slice %arg8[%dma_start3A_1456, %dma_start3A_1457] : memref<10112x16xf32, #tpu.memory_space<vmem_shared>> -> memref<10112x16xf32, #tpu.memory_space<vmem_shared>>
      tpu.enqueue_indirect_dma source(%arg7 : memref<128x16xf32, #tpu.memory_space<vmem>>) target(%dma_start3A_1458 : memref<10112x16xf32, #tpu.memory_space<vmem_shared>>) offsets(%dma_start3A_1455 : memref<128xi32, #tpu.memory_space<vmem>>) semaphore(%arg11 : memref<!tpu.dma_semaphore, #tpu.memory_space<semaphore_mem>>) {add = true}
      %dma_start3A_1459 = arith.constant 2 : i32
      %dma_start3A_1460 = arith.constant 0 : i32
      %dma_start3A_1461 = tpu.memref_slice %arg6[%dma_start3A_1459, %dma_start3A_1460] : memref<8x128xi32, #tpu.memory_space<vmem>> -> memref<1x128xi32, #tpu.memory_space<vmem>>
      %dma_start3A_1462 = tpu.memref_squeeze %dma_start3A_1461 : memref<1x128xi32, #tpu.memory_space<vmem>> -> memref<128xi32, #tpu.memory_space<vmem>>
      %dma_start3A_1463 = arith.constant 0 : i32
      %dma_start3A_1464 = arith.constant 0 : i32
      %dma_start3A_1465 = tpu.memref_slice %arg8[%dma_start3A_1463, %dma_start3A_1464] : memref<10112x16xf32, #tpu.memory_space<vmem_shared>> -> memref<10112x16xf32, #tpu.memory_space<vmem_shared>>
      tpu.enqueue_indirect_dma source(%arg7 : memref<128x16xf32, #tpu.memory_space<vmem>>) target(%dma_start3A_1465 : memref<10112x16xf32, #tpu.memory_space<vmem_shared>>) offsets(%dma_start3A_1462 : memref<128xi32, #tpu.memory_space<vmem>>) semaphore(%arg11 : memref<!tpu.dma_semaphore, #tpu.memory_space<semaphore_mem>>) {add = true}
      %dma_start3A_1466 = arith.constant 3 : i32
      %dma_start3A_1467 = arith.constant 0 : i32
      %dma_start3A_1468 = tpu.memref_slice %arg6[%dma_start3A_1466, %dma_start3A_1467] : memref<8x128xi32, #tpu.memory_space<vmem>> -> memref<1x128xi32, #tpu.memory_space<vmem>>
      %dma_start3A_1469 = tpu.memref_squeeze %dma_start3A_1468 : memref<1x128xi32, #tpu.memory_space<vmem>> -> memref<128xi32, #tpu.memory_space<vmem>>
      %dma_start3A_1470 = arith.constant 0 : i32
      %dma_start3A_1471 = arith.constant 0 : i32
      %dma_start3A_1472 = tpu.memref_slice %arg8[%dma_start3A_1470, %dma_start3A_1471] : memref<10112x16xf32, #tpu.memory_space<vmem_shared>> -> memref<10112x16xf32, #tpu.memory_space<vmem_shared>>
      tpu.enqueue_indirect_dma source(%arg7 : memref<128x16xf32, #tpu.memory_space<vmem>>) target(%dma_start3A_1472 : memref<10112x16xf32, #tpu.memory_space<vmem_shared>>) offsets(%dma_start3A_1469 : memref<128xi32, #tpu.memory_space<vmem>>) semaphore(%arg11 : memref<!tpu.dma_semaphore, #tpu.memory_space<semaphore_mem>>) {add = true}
      %dma_start3A_1473 = arith.constant 4 : i32
      %dma_start3A_1474 = arith.constant 0 : i32
      %dma_start3A_1475 = tpu.memref_slice %arg6[%dma_start3A_1473, %dma_start3A_1474] : memref<8x128xi32, #tpu.memory_space<vmem>> -> memref<1x128xi32, #tpu.memory_space<vmem>>
      %dma_start3A_1476 = tpu.memref_squeeze %dma_start3A_1475 : memref<1x128xi32, #tpu.memory_space<vmem>> -> memref<128xi32, #tpu.memory_space<vmem>>
      %dma_start3A_1477 = arith.constant 0 : i32
      %dma_start3A_1478 = arith.constant 0 : i32
      %dma_start3A_1479 = tpu.memref_slice %arg8[%dma_start3A_1477, %dma_start3A_1478] : memref<10112x16xf32, #tpu.memory_space<vmem_shared>> -> memref<10112x16xf32, #tpu.memory_space<vmem_shared>>
      tpu.enqueue_indirect_dma source(%arg7 : memref<128x16xf32, #tpu.memory_space<vmem>>) target(%dma_start3A_1479 : memref<10112x16xf32, #tpu.memory_space<vmem_shared>>) offsets(%dma_start3A_1476 : memref<128xi32, #tpu.memory_space<vmem>>) semaphore(%arg11 : memref<!tpu.dma_semaphore, #tpu.memory_space<semaphore_mem>>) {add = true}
      %dma_start3A_1480 = arith.constant 5 : i32
      %dma_start3A_1481 = arith.constant 0 : i32
      %dma_start3A_1482 = tpu.memref_slice %arg6[%dma_start3A_1480, %dma_start3A_1481] : memref<8x128xi32, #tpu.memory_space<vmem>> -> memref<1x128xi32, #tpu.memory_space<vmem>>
      %dma_start3A_1483 = tpu.memref_squeeze %dma_start3A_1482 : memref<1x128xi32, #tpu.memory_space<vmem>> -> memref<128xi32, #tpu.memory_space<vmem>>
      %dma_start3A_1484 = arith.constant 0 : i32
      %dma_start3A_1485 = arith.constant 0 : i32
      %dma_start3A_1486 = tpu.memref_slice %arg8[%dma_start3A_1484, %dma_start3A_1485] : memref<10112x16xf32, #tpu.memory_space<vmem_shared>> -> memref<10112x16xf32, #tpu.memory_space<vmem_shared>>
      tpu.enqueue_indirect_dma source(%arg7 : memref<128x16xf32, #tpu.memory_space<vmem>>) target(%dma_start3A_1486 : memref<10112x16xf32, #tpu.memory_space<vmem_shared>>) offsets(%dma_start3A_1483 : memref<128xi32, #tpu.memory_space<vmem>>) semaphore(%arg11 : memref<!tpu.dma_semaphore, #tpu.memory_space<semaphore_mem>>) {add = true}
      %dma_start3A_1487 = arith.constant 6 : i32
      %dma_start3A_1488 = arith.constant 0 : i32
      %dma_start3A_1489 = tpu.memref_slice %arg6[%dma_start3A_1487, %dma_start3A_1488] : memref<8x128xi32, #tpu.memory_space<vmem>> -> memref<1x128xi32, #tpu.memory_space<vmem>>
      %dma_start3A_1490 = tpu.memref_squeeze %dma_start3A_1489 : memref<1x128xi32, #tpu.memory_space<vmem>> -> memref<128xi32, #tpu.memory_space<vmem>>
      %dma_start3A_1491 = arith.constant 0 : i32
      %dma_start3A_1492 = arith.constant 0 : i32
      %dma_start3A_1493 = tpu.memref_slice %arg8[%dma_start3A_1491, %dma_start3A_1492] : memref<10112x16xf32, #tpu.memory_space<vmem_shared>> -> memref<10112x16xf32, #tpu.memory_space<vmem_shared>>
      tpu.enqueue_indirect_dma source(%arg7 : memref<128x16xf32, #tpu.memory_space<vmem>>) target(%dma_start3A_1493 : memref<10112x16xf32, #tpu.memory_space<vmem_shared>>) offsets(%dma_start3A_1490 : memref<128xi32, #tpu.memory_space<vmem>>) semaphore(%arg11 : memref<!tpu.dma_semaphore, #tpu.memory_space<semaphore_mem>>) {add = true}
      %dma_start3A_1494 = arith.constant 7 : i32
      %dma_start3A_1495 = arith.constant 0 : i32
      %dma_start3A_1496 = tpu.memref_slice %arg6[%dma_start3A_1494, %dma_start3A_1495] : memref<8x128xi32, #tpu.memory_space<vmem>> -> memref<1x128xi32, #tpu.memory_space<vmem>>
      %dma_start3A_1497 = tpu.memref_squeeze %dma_start3A_1496 : memref<1x128xi32, #tpu.memory_space<vmem>> -> memref<128xi32, #tpu.memory_space<vmem>>
      %dma_start3A_1498 = arith.constant 0 : i32
      %dma_start3A_1499 = arith.constant 0 : i32
      %dma_start3A_1500 = tpu.memref_slice %arg8[%dma_start3A_1498, %dma_start3A_1499] : memref<10112x16xf32, #tpu.memory_space<vmem_shared>> -> memref<10112x16xf32, #tpu.memory_space<vmem_shared>>
      tpu.enqueue_indirect_dma source(%arg7 : memref<128x16xf32, #tpu.memory_space<vmem>>) target(%dma_start3A_1500 : memref<10112x16xf32, #tpu.memory_space<vmem_shared>>) offsets(%dma_start3A_1497 : memref<128xi32, #tpu.memory_space<vmem>>) semaphore(%arg11 : memref<!tpu.dma_semaphore, #tpu.memory_space<semaphore_mem>>) {add = true}
      %dma_wait3A_1501 = arith.constant 0 : i32
      %dma_wait3A_1502 = arith.constant 0 : i32
      %dma_wait3A_1503 = tpu.memref_slice %arg6[%dma_wait3A_1501, %dma_wait3A_1502] : memref<8x128xi32, #tpu.memory_space<vmem>> -> memref<1x128xi32, #tpu.memory_space<vmem>>
      %dma_wait3A_1504 = tpu.memref_squeeze %dma_wait3A_1503 : memref<1x128xi32, #tpu.memory_space<vmem>> -> memref<128xi32, #tpu.memory_space<vmem>>
      %dma_wait3A_1505 = arith.constant 0 : i32
      %dma_wait3A_1506 = arith.constant 0 : i32
      %dma_wait3A_1507 = tpu.memref_slice %arg8[%dma_wait3A_1505, %dma_wait3A_1506] : memref<10112x16xf32, #tpu.memory_space<vmem_shared>> -> memref<10112x16xf32, #tpu.memory_space<vmem_shared>>
      tpu.wait_indirect_dma semaphore(%arg11 : memref<!tpu.dma_semaphore, #tpu.memory_space<semaphore_mem>>) src(%arg7 : memref<128x16xf32, #tpu.memory_space<vmem>>) dst(%dma_wait3A_1507 : memref<10112x16xf32, #tpu.memory_space<vmem_shared>>)
      %dma_wait3A_1508 = arith.constant 1 : i32
      %dma_wait3A_1509 = arith.constant 0 : i32
      %dma_wait3A_1510 = tpu.memref_slice %arg6[%dma_wait3A_1508, %dma_wait3A_1509] : memref<8x128xi32, #tpu.memory_space<vmem>> -> memref<1x128xi32, #tpu.memory_space<vmem>>
      %dma_wait3A_1511 = tpu.memref_squeeze %dma_wait3A_1510 : memref<1x128xi32, #tpu.memory_space<vmem>> -> memref<128xi32, #tpu.memory_space<vmem>>
      %dma_wait3A_1512 = arith.constant 0 : i32
      %dma_wait3A_1513 = arith.constant 0 : i32
      %dma_wait3A_1514 = tpu.memref_slice %arg8[%dma_wait3A_1512, %dma_wait3A_1513] : memref<10112x16xf32, #tpu.memory_space<vmem_shared>> -> memref<10112x16xf32, #tpu.memory_space<vmem_shared>>
      tpu.wait_indirect_dma semaphore(%arg11 : memref<!tpu.dma_semaphore, #tpu.memory_space<semaphore_mem>>) src(%arg7 : memref<128x16xf32, #tpu.memory_space<vmem>>) dst(%dma_wait3A_1514 : memref<10112x16xf32, #tpu.memory_space<vmem_shared>>)
      %dma_wait3A_1515 = arith.constant 2 : i32
      %dma_wait3A_1516 = arith.constant 0 : i32
      %dma_wait3A_1517 = tpu.memref_slice %arg6[%dma_wait3A_1515, %dma_wait3A_1516] : memref<8x128xi32, #tpu.memory_space<vmem>> -> memref<1x128xi32, #tpu.memory_space<vmem>>
      %dma_wait3A_1518 = tpu.memref_squeeze %dma_wait3A_1517 : memref<1x128xi32, #tpu.memory_space<vmem>> -> memref<128xi32, #tpu.memory_space<vmem>>
      %dma_wait3A_1519 = arith.constant 0 : i32
      %dma_wait3A_1520 = arith.constant 0 : i32
      %dma_wait3A_1521 = tpu.memref_slice %arg8[%dma_wait3A_1519, %dma_wait3A_1520] : memref<10112x16xf32, #tpu.memory_space<vmem_shared>> -> memref<10112x16xf32, #tpu.memory_space<vmem_shared>>
      tpu.wait_indirect_dma semaphore(%arg11 : memref<!tpu.dma_semaphore, #tpu.memory_space<semaphore_mem>>) src(%arg7 : memref<128x16xf32, #tpu.memory_space<vmem>>) dst(%dma_wait3A_1521 : memref<10112x16xf32, #tpu.memory_space<vmem_shared>>)
      %dma_wait3A_1522 = arith.constant 3 : i32
      %dma_wait3A_1523 = arith.constant 0 : i32
      %dma_wait3A_1524 = tpu.memref_slice %arg6[%dma_wait3A_1522, %dma_wait3A_1523] : memref<8x128xi32, #tpu.memory_space<vmem>> -> memref<1x128xi32, #tpu.memory_space<vmem>>
      %dma_wait3A_1525 = tpu.memref_squeeze %dma_wait3A_1524 : memref<1x128xi32, #tpu.memory_space<vmem>> -> memref<128xi32, #tpu.memory_space<vmem>>
      %dma_wait3A_1526 = arith.constant 0 : i32
      %dma_wait3A_1527 = arith.constant 0 : i32
      %dma_wait3A_1528 = tpu.memref_slice %arg8[%dma_wait3A_1526, %dma_wait3A_1527] : memref<10112x16xf32, #tpu.memory_space<vmem_shared>> -> memref<10112x16xf32, #tpu.memory_space<vmem_shared>>
      tpu.wait_indirect_dma semaphore(%arg11 : memref<!tpu.dma_semaphore, #tpu.memory_space<semaphore_mem>>) src(%arg7 : memref<128x16xf32, #tpu.memory_space<vmem>>) dst(%dma_wait3A_1528 : memref<10112x16xf32, #tpu.memory_space<vmem_shared>>)
      %dma_wait3A_1529 = arith.constant 4 : i32
      %dma_wait3A_1530 = arith.constant 0 : i32
      %dma_wait3A_1531 = tpu.memref_slice %arg6[%dma_wait3A_1529, %dma_wait3A_1530] : memref<8x128xi32, #tpu.memory_space<vmem>> -> memref<1x128xi32, #tpu.memory_space<vmem>>
      %dma_wait3A_1532 = tpu.memref_squeeze %dma_wait3A_1531 : memref<1x128xi32, #tpu.memory_space<vmem>> -> memref<128xi32, #tpu.memory_space<vmem>>
      %dma_wait3A_1533 = arith.constant 0 : i32
      %dma_wait3A_1534 = arith.constant 0 : i32
      %dma_wait3A_1535 = tpu.memref_slice %arg8[%dma_wait3A_1533, %dma_wait3A_1534] : memref<10112x16xf32, #tpu.memory_space<vmem_shared>> -> memref<10112x16xf32, #tpu.memory_space<vmem_shared>>
      tpu.wait_indirect_dma semaphore(%arg11 : memref<!tpu.dma_semaphore, #tpu.memory_space<semaphore_mem>>) src(%arg7 : memref<128x16xf32, #tpu.memory_space<vmem>>) dst(%dma_wait3A_1535 : memref<10112x16xf32, #tpu.memory_space<vmem_shared>>)
      %dma_wait3A_1536 = arith.constant 5 : i32
      %dma_wait3A_1537 = arith.constant 0 : i32
      %dma_wait3A_1538 = tpu.memref_slice %arg6[%dma_wait3A_1536, %dma_wait3A_1537] : memref<8x128xi32, #tpu.memory_space<vmem>> -> memref<1x128xi32, #tpu.memory_space<vmem>>
      %dma_wait3A_1539 = tpu.memref_squeeze %dma_wait3A_1538 : memref<1x128xi32, #tpu.memory_space<vmem>> -> memref<128xi32, #tpu.memory_space<vmem>>
      %dma_wait3A_1540 = arith.constant 0 : i32
      %dma_wait3A_1541 = arith.constant 0 : i32
      %dma_wait3A_1542 = tpu.memref_slice %arg8[%dma_wait3A_1540, %dma_wait3A_1541] : memref<10112x16xf32, #tpu.memory_space<vmem_shared>> -> memref<10112x16xf32, #tpu.memory_space<vmem_shared>>
      tpu.wait_indirect_dma semaphore(%arg11 : memref<!tpu.dma_semaphore, #tpu.memory_space<semaphore_mem>>) src(%arg7 : memref<128x16xf32, #tpu.memory_space<vmem>>) dst(%dma_wait3A_1542 : memref<10112x16xf32, #tpu.memory_space<vmem_shared>>)
      %dma_wait3A_1543 = arith.constant 6 : i32
      %dma_wait3A_1544 = arith.constant 0 : i32
      %dma_wait3A_1545 = tpu.memref_slice %arg6[%dma_wait3A_1543, %dma_wait3A_1544] : memref<8x128xi32, #tpu.memory_space<vmem>> -> memref<1x128xi32, #tpu.memory_space<vmem>>
      %dma_wait3A_1546 = tpu.memref_squeeze %dma_wait3A_1545 : memref<1x128xi32, #tpu.memory_space<vmem>> -> memref<128xi32, #tpu.memory_space<vmem>>
      %dma_wait3A_1547 = arith.constant 0 : i32
      %dma_wait3A_1548 = arith.constant 0 : i32
      %dma_wait3A_1549 = tpu.memref_slice %arg8[%dma_wait3A_1547, %dma_wait3A_1548] : memref<10112x16xf32, #tpu.memory_space<vmem_shared>> -> memref<10112x16xf32, #tpu.memory_space<vmem_shared>>
      tpu.wait_indirect_dma semaphore(%arg11 : memref<!tpu.dma_semaphore, #tpu.memory_space<semaphore_mem>>) src(%arg7 : memref<128x16xf32, #tpu.memory_space<vmem>>) dst(%dma_wait3A_1549 : memref<10112x16xf32, #tpu.memory_space<vmem_shared>>)
      %dma_wait3A_1550 = arith.constant 7 : i32
      %dma_wait3A_1551 = arith.constant 0 : i32
      %dma_wait3A_1552 = tpu.memref_slice %arg6[%dma_wait3A_1550, %dma_wait3A_1551] : memref<8x128xi32, #tpu.memory_space<vmem>> -> memref<1x128xi32, #tpu.memory_space<vmem>>
      %dma_wait3A_1553 = tpu.memref_squeeze %dma_wait3A_1552 : memref<1x128xi32, #tpu.memory_space<vmem>> -> memref<128xi32, #tpu.memory_space<vmem>>
      %dma_wait3A_1554 = arith.constant 0 : i32
      %dma_wait3A_1555 = arith.constant 0 : i32
      %dma_wait3A_1556 = tpu.memref_slice %arg8[%dma_wait3A_1554, %dma_wait3A_1555] : memref<10112x16xf32, #tpu.memory_space<vmem_shared>> -> memref<10112x16xf32, #tpu.memory_space<vmem_shared>>
      tpu.wait_indirect_dma semaphore(%arg11 : memref<!tpu.dma_semaphore, #tpu.memory_space<semaphore_mem>>) src(%arg7 : memref<128x16xf32, #tpu.memory_space<vmem>>) dst(%dma_wait3A_1556 : memref<10112x16xf32, #tpu.memory_space<vmem_shared>>)
    }
    %scan3A_1037 = arith.constant 4 : i32
    %dma_wait3A = arith.constant 8 : i32
    %dma_wait3A_1038 = arith.constant 0 : i32
    %dma_wait3A_1039 = arith.constant 0 : i32
    %dma_wait3A_1040 = tpu.memref_slice %arg2[%arg0, %arg1, %dma_wait3A, %dma_wait3A_1038, %dma_wait3A_1039] : memref<2x16x10x8x128xi32, #tpu.memory_space<hbm>> -> memref<1x1x1x8x128xi32, #tpu.memory_space<hbm>>
    %dma_wait3A_1041 = tpu.memref_squeeze %dma_wait3A_1040 : memref<1x1x1x8x128xi32, #tpu.memory_space<hbm>> -> memref<8x128xi32, #tpu.memory_space<hbm>>
    %dma_wait3A_1042 = arith.constant 0 : i32
    %dma_wait3A_1043 = arith.constant 0 : i32
    %dma_wait3A_1044 = tpu.memref_slice %arg2[%arg0, %arg1, %dma_wait3A, %dma_wait3A_1042, %dma_wait3A_1043] : memref<2x16x10x8x128xi32, #tpu.memory_space<hbm>> -> memref<1x1x1x8x128xi32, #tpu.memory_space<hbm>>
    %dma_wait3A_1045 = tpu.memref_squeeze %dma_wait3A_1044 : memref<1x1x1x8x128xi32, #tpu.memory_space<hbm>> -> memref<8x128xi32, #tpu.memory_space<hbm>>
    tpu.wait_dma2 semaphore(%arg9 : memref<!tpu.dma_semaphore, #tpu.memory_space<semaphore_mem>>) src(%dma_wait3A_1045 : memref<8x128xi32, #tpu.memory_space<hbm>>) dst(%arg5 : memref<8x128xi32, #tpu.memory_space<vmem>>)
    %dma_start3A_1046 = arith.constant 9 : i32
    %dma_start3A_1047 = arith.constant 0 : i32
    %dma_start3A_1048 = arith.constant 0 : i32
    %dma_start3A_1049 = tpu.memref_slice %arg2[%arg0, %arg1, %dma_start3A_1046, %dma_start3A_1047, %dma_start3A_1048] : memref<2x16x10x8x128xi32, #tpu.memory_space<hbm>> -> memref<1x1x1x8x128xi32, #tpu.memory_space<hbm>>
    %dma_start3A_1050 = tpu.memref_squeeze %dma_start3A_1049 : memref<1x1x1x8x128xi32, #tpu.memory_space<hbm>> -> memref<8x128xi32, #tpu.memory_space<hbm>>
    %dma_start3A_1051 = arith.constant 0 : i32
    %dma_start3A_1052 = arith.constant 0 : i32
    %dma_start3A_1053 = tpu.memref_slice %arg2[%arg0, %arg1, %dma_start3A_1046, %dma_start3A_1051, %dma_start3A_1052] : memref<2x16x10x8x128xi32, #tpu.memory_space<hbm>> -> memref<1x1x1x8x128xi32, #tpu.memory_space<hbm>>
    %dma_start3A_1054 = tpu.memref_squeeze %dma_start3A_1053 : memref<1x1x1x8x128xi32, #tpu.memory_space<hbm>> -> memref<8x128xi32, #tpu.memory_space<hbm>>
    tpu.enqueue_dma source(%dma_start3A_1054 : memref<8x128xi32, #tpu.memory_space<hbm>>) target(%arg6 : memref<8x128xi32, #tpu.memory_space<vmem>>) target_semaphore(%arg10 : memref<!tpu.dma_semaphore, #tpu.memory_space<semaphore_mem>>)
    %dma_start3A_1055 = arith.constant 0 : i32
    %dma_start3A_1056 = arith.constant 0 : i32
    %dma_start3A_1057 = tpu.memref_slice %arg5[%dma_start3A_1055, %dma_start3A_1056] : memref<8x128xi32, #tpu.memory_space<vmem>> -> memref<1x128xi32, #tpu.memory_space<vmem>>
    %dma_start3A_1058 = tpu.memref_squeeze %dma_start3A_1057 : memref<1x128xi32, #tpu.memory_space<vmem>> -> memref<128xi32, #tpu.memory_space<vmem>>
    %dma_start3A_1059 = arith.constant 0 : i32
    %dma_start3A_1060 = arith.constant 0 : i32
    %dma_start3A_1061 = tpu.memref_slice %arg8[%dma_start3A_1059, %dma_start3A_1060] : memref<10112x16xf32, #tpu.memory_space<vmem_shared>> -> memref<10112x16xf32, #tpu.memory_space<vmem_shared>>
    tpu.enqueue_indirect_dma source(%arg7 : memref<128x16xf32, #tpu.memory_space<vmem>>) target(%dma_start3A_1061 : memref<10112x16xf32, #tpu.memory_space<vmem_shared>>) offsets(%dma_start3A_1058 : memref<128xi32, #tpu.memory_space<vmem>>) semaphore(%arg11 : memref<!tpu.dma_semaphore, #tpu.memory_space<semaphore_mem>>) {add = true}
    %dma_start3A_1062 = arith.constant 1 : i32
    %dma_start3A_1063 = arith.constant 0 : i32
    %dma_start3A_1064 = tpu.memref_slice %arg5[%dma_start3A_1062, %dma_start3A_1063] : memref<8x128xi32, #tpu.memory_space<vmem>> -> memref<1x128xi32, #tpu.memory_space<vmem>>
    %dma_start3A_1065 = tpu.memref_squeeze %dma_start3A_1064 : memref<1x128xi32, #tpu.memory_space<vmem>> -> memref<128xi32, #tpu.memory_space<vmem>>
    %dma_start3A_1066 = arith.constant 0 : i32
    %dma_start3A_1067 = arith.constant 0 : i32
    %dma_start3A_1068 = tpu.memref_slice %arg8[%dma_start3A_1066, %dma_start3A_1067] : memref<10112x16xf32, #tpu.memory_space<vmem_shared>> -> memref<10112x16xf32, #tpu.memory_space<vmem_shared>>
    tpu.enqueue_indirect_dma source(%arg7 : memref<128x16xf32, #tpu.memory_space<vmem>>) target(%dma_start3A_1068 : memref<10112x16xf32, #tpu.memory_space<vmem_shared>>) offsets(%dma_start3A_1065 : memref<128xi32, #tpu.memory_space<vmem>>) semaphore(%arg11 : memref<!tpu.dma_semaphore, #tpu.memory_space<semaphore_mem>>) {add = true}
    %dma_start3A_1069 = arith.constant 2 : i32
    %dma_start3A_1070 = arith.constant 0 : i32
    %dma_start3A_1071 = tpu.memref_slice %arg5[%dma_start3A_1069, %dma_start3A_1070] : memref<8x128xi32, #tpu.memory_space<vmem>> -> memref<1x128xi32, #tpu.memory_space<vmem>>
    %dma_start3A_1072 = tpu.memref_squeeze %dma_start3A_1071 : memref<1x128xi32, #tpu.memory_space<vmem>> -> memref<128xi32, #tpu.memory_space<vmem>>
    %dma_start3A_1073 = arith.constant 0 : i32
    %dma_start3A_1074 = arith.constant 0 : i32
    %dma_start3A_1075 = tpu.memref_slice %arg8[%dma_start3A_1073, %dma_start3A_1074] : memref<10112x16xf32, #tpu.memory_space<vmem_shared>> -> memref<10112x16xf32, #tpu.memory_space<vmem_shared>>
    tpu.enqueue_indirect_dma source(%arg7 : memref<128x16xf32, #tpu.memory_space<vmem>>) target(%dma_start3A_1075 : memref<10112x16xf32, #tpu.memory_space<vmem_shared>>) offsets(%dma_start3A_1072 : memref<128xi32, #tpu.memory_space<vmem>>) semaphore(%arg11 : memref<!tpu.dma_semaphore, #tpu.memory_space<semaphore_mem>>) {add = true}
    %dma_start3A_1076 = arith.constant 3 : i32
    %dma_start3A_1077 = arith.constant 0 : i32
    %dma_start3A_1078 = tpu.memref_slice %arg5[%dma_start3A_1076, %dma_start3A_1077] : memref<8x128xi32, #tpu.memory_space<vmem>> -> memref<1x128xi32, #tpu.memory_space<vmem>>
    %dma_start3A_1079 = tpu.memref_squeeze %dma_start3A_1078 : memref<1x128xi32, #tpu.memory_space<vmem>> -> memref<128xi32, #tpu.memory_space<vmem>>
    %dma_start3A_1080 = arith.constant 0 : i32
    %dma_start3A_1081 = arith.constant 0 : i32
    %dma_start3A_1082 = tpu.memref_slice %arg8[%dma_start3A_1080, %dma_start3A_1081] : memref<10112x16xf32, #tpu.memory_space<vmem_shared>> -> memref<10112x16xf32, #tpu.memory_space<vmem_shared>>
    tpu.enqueue_indirect_dma source(%arg7 : memref<128x16xf32, #tpu.memory_space<vmem>>) target(%dma_start3A_1082 : memref<10112x16xf32, #tpu.memory_space<vmem_shared>>) offsets(%dma_start3A_1079 : memref<128xi32, #tpu.memory_space<vmem>>) semaphore(%arg11 : memref<!tpu.dma_semaphore, #tpu.memory_space<semaphore_mem>>) {add = true}
    %dma_start3A_1083 = arith.constant 4 : i32
    %dma_start3A_1084 = arith.constant 0 : i32
    %dma_start3A_1085 = tpu.memref_slice %arg5[%dma_start3A_1083, %dma_start3A_1084] : memref<8x128xi32, #tpu.memory_space<vmem>> -> memref<1x128xi32, #tpu.memory_space<vmem>>
    %dma_start3A_1086 = tpu.memref_squeeze %dma_start3A_1085 : memref<1x128xi32, #tpu.memory_space<vmem>> -> memref<128xi32, #tpu.memory_space<vmem>>
    %dma_start3A_1087 = arith.constant 0 : i32
    %dma_start3A_1088 = arith.constant 0 : i32
    %dma_start3A_1089 = tpu.memref_slice %arg8[%dma_start3A_1087, %dma_start3A_1088] : memref<10112x16xf32, #tpu.memory_space<vmem_shared>> -> memref<10112x16xf32, #tpu.memory_space<vmem_shared>>
    tpu.enqueue_indirect_dma source(%arg7 : memref<128x16xf32, #tpu.memory_space<vmem>>) target(%dma_start3A_1089 : memref<10112x16xf32, #tpu.memory_space<vmem_shared>>) offsets(%dma_start3A_1086 : memref<128xi32, #tpu.memory_space<vmem>>) semaphore(%arg11 : memref<!tpu.dma_semaphore, #tpu.memory_space<semaphore_mem>>) {add = true}
    %dma_start3A_1090 = arith.constant 5 : i32
    %dma_start3A_1091 = arith.constant 0 : i32
    %dma_start3A_1092 = tpu.memref_slice %arg5[%dma_start3A_1090, %dma_start3A_1091] : memref<8x128xi32, #tpu.memory_space<vmem>> -> memref<1x128xi32, #tpu.memory_space<vmem>>
    %dma_start3A_1093 = tpu.memref_squeeze %dma_start3A_1092 : memref<1x128xi32, #tpu.memory_space<vmem>> -> memref<128xi32, #tpu.memory_space<vmem>>
    %dma_start3A_1094 = arith.constant 0 : i32
    %dma_start3A_1095 = arith.constant 0 : i32
    %dma_start3A_1096 = tpu.memref_slice %arg8[%dma_start3A_1094, %dma_start3A_1095] : memref<10112x16xf32, #tpu.memory_space<vmem_shared>> -> memref<10112x16xf32, #tpu.memory_space<vmem_shared>>
    tpu.enqueue_indirect_dma source(%arg7 : memref<128x16xf32, #tpu.memory_space<vmem>>) target(%dma_start3A_1096 : memref<10112x16xf32, #tpu.memory_space<vmem_shared>>) offsets(%dma_start3A_1093 : memref<128xi32, #tpu.memory_space<vmem>>) semaphore(%arg11 : memref<!tpu.dma_semaphore, #tpu.memory_space<semaphore_mem>>) {add = true}
    %dma_start3A_1097 = arith.constant 6 : i32
    %dma_start3A_1098 = arith.constant 0 : i32
    %dma_start3A_1099 = tpu.memref_slice %arg5[%dma_start3A_1097, %dma_start3A_1098] : memref<8x128xi32, #tpu.memory_space<vmem>> -> memref<1x128xi32, #tpu.memory_space<vmem>>
    %dma_start3A_1100 = tpu.memref_squeeze %dma_start3A_1099 : memref<1x128xi32, #tpu.memory_space<vmem>> -> memref<128xi32, #tpu.memory_space<vmem>>
    %dma_start3A_1101 = arith.constant 0 : i32
    %dma_start3A_1102 = arith.constant 0 : i32
    %dma_start3A_1103 = tpu.memref_slice %arg8[%dma_start3A_1101, %dma_start3A_1102] : memref<10112x16xf32, #tpu.memory_space<vmem_shared>> -> memref<10112x16xf32, #tpu.memory_space<vmem_shared>>
    tpu.enqueue_indirect_dma source(%arg7 : memref<128x16xf32, #tpu.memory_space<vmem>>) target(%dma_start3A_1103 : memref<10112x16xf32, #tpu.memory_space<vmem_shared>>) offsets(%dma_start3A_1100 : memref<128xi32, #tpu.memory_space<vmem>>) semaphore(%arg11 : memref<!tpu.dma_semaphore, #tpu.memory_space<semaphore_mem>>) {add = true}
    %dma_start3A_1104 = arith.constant 7 : i32
    %dma_start3A_1105 = arith.constant 0 : i32
    %dma_start3A_1106 = tpu.memref_slice %arg5[%dma_start3A_1104, %dma_start3A_1105] : memref<8x128xi32, #tpu.memory_space<vmem>> -> memref<1x128xi32, #tpu.memory_space<vmem>>
    %dma_start3A_1107 = tpu.memref_squeeze %dma_start3A_1106 : memref<1x128xi32, #tpu.memory_space<vmem>> -> memref<128xi32, #tpu.memory_space<vmem>>
    %dma_start3A_1108 = arith.constant 0 : i32
    %dma_start3A_1109 = arith.constant 0 : i32
    %dma_start3A_1110 = tpu.memref_slice %arg8[%dma_start3A_1108, %dma_start3A_1109] : memref<10112x16xf32, #tpu.memory_space<vmem_shared>> -> memref<10112x16xf32, #tpu.memory_space<vmem_shared>>
    tpu.enqueue_indirect_dma source(%arg7 : memref<128x16xf32, #tpu.memory_space<vmem>>) target(%dma_start3A_1110 : memref<10112x16xf32, #tpu.memory_space<vmem_shared>>) offsets(%dma_start3A_1107 : memref<128xi32, #tpu.memory_space<vmem>>) semaphore(%arg11 : memref<!tpu.dma_semaphore, #tpu.memory_space<semaphore_mem>>) {add = true}
    %dma_wait3A_1111 = arith.constant 0 : i32
    %dma_wait3A_1112 = arith.constant 0 : i32
    %dma_wait3A_1113 = tpu.memref_slice %arg5[%dma_wait3A_1111, %dma_wait3A_1112] : memref<8x128xi32, #tpu.memory_space<vmem>> -> memref<1x128xi32, #tpu.memory_space<vmem>>
    %dma_wait3A_1114 = tpu.memref_squeeze %dma_wait3A_1113 : memref<1x128xi32, #tpu.memory_space<vmem>> -> memref<128xi32, #tpu.memory_space<vmem>>
    %dma_wait3A_1115 = arith.constant 0 : i32
    %dma_wait3A_1116 = arith.constant 0 : i32
    %dma_wait3A_1117 = tpu.memref_slice %arg8[%dma_wait3A_1115, %dma_wait3A_1116] : memref<10112x16xf32, #tpu.memory_space<vmem_shared>> -> memref<10112x16xf32, #tpu.memory_space<vmem_shared>>
    tpu.wait_indirect_dma semaphore(%arg11 : memref<!tpu.dma_semaphore, #tpu.memory_space<semaphore_mem>>) src(%arg7 : memref<128x16xf32, #tpu.memory_space<vmem>>) dst(%dma_wait3A_1117 : memref<10112x16xf32, #tpu.memory_space<vmem_shared>>)
    %dma_wait3A_1118 = arith.constant 1 : i32
    %dma_wait3A_1119 = arith.constant 0 : i32
    %dma_wait3A_1120 = tpu.memref_slice %arg5[%dma_wait3A_1118, %dma_wait3A_1119] : memref<8x128xi32, #tpu.memory_space<vmem>> -> memref<1x128xi32, #tpu.memory_space<vmem>>
    %dma_wait3A_1121 = tpu.memref_squeeze %dma_wait3A_1120 : memref<1x128xi32, #tpu.memory_space<vmem>> -> memref<128xi32, #tpu.memory_space<vmem>>
    %dma_wait3A_1122 = arith.constant 0 : i32
    %dma_wait3A_1123 = arith.constant 0 : i32
    %dma_wait3A_1124 = tpu.memref_slice %arg8[%dma_wait3A_1122, %dma_wait3A_1123] : memref<10112x16xf32, #tpu.memory_space<vmem_shared>> -> memref<10112x16xf32, #tpu.memory_space<vmem_shared>>
    tpu.wait_indirect_dma semaphore(%arg11 : memref<!tpu.dma_semaphore, #tpu.memory_space<semaphore_mem>>) src(%arg7 : memref<128x16xf32, #tpu.memory_space<vmem>>) dst(%dma_wait3A_1124 : memref<10112x16xf32, #tpu.memory_space<vmem_shared>>)
    %dma_wait3A_1125 = arith.constant 2 : i32
    %dma_wait3A_1126 = arith.constant 0 : i32
    %dma_wait3A_1127 = tpu.memref_slice %arg5[%dma_wait3A_1125, %dma_wait3A_1126] : memref<8x128xi32, #tpu.memory_space<vmem>> -> memref<1x128xi32, #tpu.memory_space<vmem>>
    %dma_wait3A_1128 = tpu.memref_squeeze %dma_wait3A_1127 : memref<1x128xi32, #tpu.memory_space<vmem>> -> memref<128xi32, #tpu.memory_space<vmem>>
    %dma_wait3A_1129 = arith.constant 0 : i32
    %dma_wait3A_1130 = arith.constant 0 : i32
    %dma_wait3A_1131 = tpu.memref_slice %arg8[%dma_wait3A_1129, %dma_wait3A_1130] : memref<10112x16xf32, #tpu.memory_space<vmem_shared>> -> memref<10112x16xf32, #tpu.memory_space<vmem_shared>>
    tpu.wait_indirect_dma semaphore(%arg11 : memref<!tpu.dma_semaphore, #tpu.memory_space<semaphore_mem>>) src(%arg7 : memref<128x16xf32, #tpu.memory_space<vmem>>) dst(%dma_wait3A_1131 : memref<10112x16xf32, #tpu.memory_space<vmem_shared>>)
    %dma_wait3A_1132 = arith.constant 3 : i32
    %dma_wait3A_1133 = arith.constant 0 : i32
    %dma_wait3A_1134 = tpu.memref_slice %arg5[%dma_wait3A_1132, %dma_wait3A_1133] : memref<8x128xi32, #tpu.memory_space<vmem>> -> memref<1x128xi32, #tpu.memory_space<vmem>>
    %dma_wait3A_1135 = tpu.memref_squeeze %dma_wait3A_1134 : memref<1x128xi32, #tpu.memory_space<vmem>> -> memref<128xi32, #tpu.memory_space<vmem>>
    %dma_wait3A_1136 = arith.constant 0 : i32
    %dma_wait3A_1137 = arith.constant 0 : i32
    %dma_wait3A_1138 = tpu.memref_slice %arg8[%dma_wait3A_1136, %dma_wait3A_1137] : memref<10112x16xf32, #tpu.memory_space<vmem_shared>> -> memref<10112x16xf32, #tpu.memory_space<vmem_shared>>
    tpu.wait_indirect_dma semaphore(%arg11 : memref<!tpu.dma_semaphore, #tpu.memory_space<semaphore_mem>>) src(%arg7 : memref<128x16xf32, #tpu.memory_space<vmem>>) dst(%dma_wait3A_1138 : memref<10112x16xf32, #tpu.memory_space<vmem_shared>>)
    %dma_wait3A_1139 = arith.constant 4 : i32
    %dma_wait3A_1140 = arith.constant 0 : i32
    %dma_wait3A_1141 = tpu.memref_slice %arg5[%dma_wait3A_1139, %dma_wait3A_1140] : memref<8x128xi32, #tpu.memory_space<vmem>> -> memref<1x128xi32, #tpu.memory_space<vmem>>
    %dma_wait3A_1142 = tpu.memref_squeeze %dma_wait3A_1141 : memref<1x128xi32, #tpu.memory_space<vmem>> -> memref<128xi32, #tpu.memory_space<vmem>>
    %dma_wait3A_1143 = arith.constant 0 : i32
    %dma_wait3A_1144 = arith.constant 0 : i32
    %dma_wait3A_1145 = tpu.memref_slice %arg8[%dma_wait3A_1143, %dma_wait3A_1144] : memref<10112x16xf32, #tpu.memory_space<vmem_shared>> -> memref<10112x16xf32, #tpu.memory_space<vmem_shared>>
    tpu.wait_indirect_dma semaphore(%arg11 : memref<!tpu.dma_semaphore, #tpu.memory_space<semaphore_mem>>) src(%arg7 : memref<128x16xf32, #tpu.memory_space<vmem>>) dst(%dma_wait3A_1145 : memref<10112x16xf32, #tpu.memory_space<vmem_shared>>)
    %dma_wait3A_1146 = arith.constant 5 : i32
    %dma_wait3A_1147 = arith.constant 0 : i32
    %dma_wait3A_1148 = tpu.memref_slice %arg5[%dma_wait3A_1146, %dma_wait3A_1147] : memref<8x128xi32, #tpu.memory_space<vmem>> -> memref<1x128xi32, #tpu.memory_space<vmem>>
    %dma_wait3A_1149 = tpu.memref_squeeze %dma_wait3A_1148 : memref<1x128xi32, #tpu.memory_space<vmem>> -> memref<128xi32, #tpu.memory_space<vmem>>
    %dma_wait3A_1150 = arith.constant 0 : i32
    %dma_wait3A_1151 = arith.constant 0 : i32
    %dma_wait3A_1152 = tpu.memref_slice %arg8[%dma_wait3A_1150, %dma_wait3A_1151] : memref<10112x16xf32, #tpu.memory_space<vmem_shared>> -> memref<10112x16xf32, #tpu.memory_space<vmem_shared>>
    tpu.wait_indirect_dma semaphore(%arg11 : memref<!tpu.dma_semaphore, #tpu.memory_space<semaphore_mem>>) src(%arg7 : memref<128x16xf32, #tpu.memory_space<vmem>>) dst(%dma_wait3A_1152 : memref<10112x16xf32, #tpu.memory_space<vmem_shared>>)
    %dma_wait3A_1153 = arith.constant 6 : i32
    %dma_wait3A_1154 = arith.constant 0 : i32
    %dma_wait3A_1155 = tpu.memref_slice %arg5[%dma_wait3A_1153, %dma_wait3A_1154] : memref<8x128xi32, #tpu.memory_space<vmem>> -> memref<1x128xi32, #tpu.memory_space<vmem>>
    %dma_wait3A_1156 = tpu.memref_squeeze %dma_wait3A_1155 : memref<1x128xi32, #tpu.memory_space<vmem>> -> memref<128xi32, #tpu.memory_space<vmem>>
    %dma_wait3A_1157 = arith.constant 0 : i32
    %dma_wait3A_1158 = arith.constant 0 : i32
    %dma_wait3A_1159 = tpu.memref_slice %arg8[%dma_wait3A_1157, %dma_wait3A_1158] : memref<10112x16xf32, #tpu.memory_space<vmem_shared>> -> memref<10112x16xf32, #tpu.memory_space<vmem_shared>>
    tpu.wait_indirect_dma semaphore(%arg11 : memref<!tpu.dma_semaphore, #tpu.memory_space<semaphore_mem>>) src(%arg7 : memref<128x16xf32, #tpu.memory_space<vmem>>) dst(%dma_wait3A_1159 : memref<10112x16xf32, #tpu.memory_space<vmem_shared>>)
    %dma_wait3A_1160 = arith.constant 7 : i32
    %dma_wait3A_1161 = arith.constant 0 : i32
    %dma_wait3A_1162 = tpu.memref_slice %arg5[%dma_wait3A_1160, %dma_wait3A_1161] : memref<8x128xi32, #tpu.memory_space<vmem>> -> memref<1x128xi32, #tpu.memory_space<vmem>>
    %dma_wait3A_1163 = tpu.memref_squeeze %dma_wait3A_1162 : memref<1x128xi32, #tpu.memory_space<vmem>> -> memref<128xi32, #tpu.memory_space<vmem>>
    %dma_wait3A_1164 = arith.constant 0 : i32
    %dma_wait3A_1165 = arith.constant 0 : i32
    %dma_wait3A_1166 = tpu.memref_slice %arg8[%dma_wait3A_1164, %dma_wait3A_1165] : memref<10112x16xf32, #tpu.memory_space<vmem_shared>> -> memref<10112x16xf32, #tpu.memory_space<vmem_shared>>
    tpu.wait_indirect_dma semaphore(%arg11 : memref<!tpu.dma_semaphore, #tpu.memory_space<semaphore_mem>>) src(%arg7 : memref<128x16xf32, #tpu.memory_space<vmem>>) dst(%dma_wait3A_1166 : memref<10112x16xf32, #tpu.memory_space<vmem_shared>>)
    %dma_wait3A_1167 = arith.constant 9 : i32
    %dma_wait3A_1168 = arith.constant 0 : i32
    %dma_wait3A_1169 = arith.constant 0 : i32
    %dma_wait3A_1170 = tpu.memref_slice %arg2[%arg0, %arg1, %dma_wait3A_1167, %dma_wait3A_1168, %dma_wait3A_1169] : memref<2x16x10x8x128xi32, #tpu.memory_space<hbm>> -> memref<1x1x1x8x128xi32, #tpu.memory_space<hbm>>
    %dma_wait3A_1171 = tpu.memref_squeeze %dma_wait3A_1170 : memref<1x1x1x8x128xi32, #tpu.memory_space<hbm>> -> memref<8x128xi32, #tpu.memory_space<hbm>>
    %dma_wait3A_1172 = arith.constant 0 : i32
    %dma_wait3A_1173 = arith.constant 0 : i32
    %dma_wait3A_1174 = tpu.memref_slice %arg2[%arg0, %arg1, %dma_wait3A_1167, %dma_wait3A_1172, %dma_wait3A_1173] : memref<2x16x10x8x128xi32, #tpu.memory_space<hbm>> -> memref<1x1x1x8x128xi32, #tpu.memory_space<hbm>>
    %dma_wait3A_1175 = tpu.memref_squeeze %dma_wait3A_1174 : memref<1x1x1x8x128xi32, #tpu.memory_space<hbm>> -> memref<8x128xi32, #tpu.memory_space<hbm>>
    tpu.wait_dma2 semaphore(%arg10 : memref<!tpu.dma_semaphore, #tpu.memory_space<semaphore_mem>>) src(%dma_wait3A_1175 : memref<8x128xi32, #tpu.memory_space<hbm>>) dst(%arg6 : memref<8x128xi32, #tpu.memory_space<vmem>>)
    %dma_start3A_1176 = arith.constant 0 : i32
    %dma_start3A_1177 = arith.constant 0 : i32
    %dma_start3A_1178 = tpu.memref_slice %arg6[%dma_start3A_1176, %dma_start3A_1177] : memref<8x128xi32, #tpu.memory_space<vmem>> -> memref<1x128xi32, #tpu.memory_space<vmem>>
    %dma_start3A_1179 = tpu.memref_squeeze %dma_start3A_1178 : memref<1x128xi32, #tpu.memory_space<vmem>> -> memref<128xi32, #tpu.memory_space<vmem>>
    %dma_start3A_1180 = arith.constant 0 : i32
    %dma_start3A_1181 = arith.constant 0 : i32
    %dma_start3A_1182 = tpu.memref_slice %arg8[%dma_start3A_1180, %dma_start3A_1181] : memref<10112x16xf32, #tpu.memory_space<vmem_shared>> -> memref<10112x16xf32, #tpu.memory_space<vmem_shared>>
    tpu.enqueue_indirect_dma source(%arg7 : memref<128x16xf32, #tpu.memory_space<vmem>>) target(%dma_start3A_1182 : memref<10112x16xf32, #tpu.memory_space<vmem_shared>>) offsets(%dma_start3A_1179 : memref<128xi32, #tpu.memory_space<vmem>>) semaphore(%arg11 : memref<!tpu.dma_semaphore, #tpu.memory_space<semaphore_mem>>) {add = true}
    %dma_start3A_1183 = arith.constant 1 : i32
    %dma_start3A_1184 = arith.constant 0 : i32
    %dma_start3A_1185 = tpu.memref_slice %arg6[%dma_start3A_1183, %dma_start3A_1184] : memref<8x128xi32, #tpu.memory_space<vmem>> -> memref<1x128xi32, #tpu.memory_space<vmem>>
    %dma_start3A_1186 = tpu.memref_squeeze %dma_start3A_1185 : memref<1x128xi32, #tpu.memory_space<vmem>> -> memref<128xi32, #tpu.memory_space<vmem>>
    %dma_start3A_1187 = arith.constant 0 : i32
    %dma_start3A_1188 = arith.constant 0 : i32
    %dma_start3A_1189 = tpu.memref_slice %arg8[%dma_start3A_1187, %dma_start3A_1188] : memref<10112x16xf32, #tpu.memory_space<vmem_shared>> -> memref<10112x16xf32, #tpu.memory_space<vmem_shared>>
    tpu.enqueue_indirect_dma source(%arg7 : memref<128x16xf32, #tpu.memory_space<vmem>>) target(%dma_start3A_1189 : memref<10112x16xf32, #tpu.memory_space<vmem_shared>>) offsets(%dma_start3A_1186 : memref<128xi32, #tpu.memory_space<vmem>>) semaphore(%arg11 : memref<!tpu.dma_semaphore, #tpu.memory_space<semaphore_mem>>) {add = true}
    %dma_start3A_1190 = arith.constant 2 : i32
    %dma_start3A_1191 = arith.constant 0 : i32
    %dma_start3A_1192 = tpu.memref_slice %arg6[%dma_start3A_1190, %dma_start3A_1191] : memref<8x128xi32, #tpu.memory_space<vmem>> -> memref<1x128xi32, #tpu.memory_space<vmem>>
    %dma_start3A_1193 = tpu.memref_squeeze %dma_start3A_1192 : memref<1x128xi32, #tpu.memory_space<vmem>> -> memref<128xi32, #tpu.memory_space<vmem>>
    %dma_start3A_1194 = arith.constant 0 : i32
    %dma_start3A_1195 = arith.constant 0 : i32
    %dma_start3A_1196 = tpu.memref_slice %arg8[%dma_start3A_1194, %dma_start3A_1195] : memref<10112x16xf32, #tpu.memory_space<vmem_shared>> -> memref<10112x16xf32, #tpu.memory_space<vmem_shared>>
    tpu.enqueue_indirect_dma source(%arg7 : memref<128x16xf32, #tpu.memory_space<vmem>>) target(%dma_start3A_1196 : memref<10112x16xf32, #tpu.memory_space<vmem_shared>>) offsets(%dma_start3A_1193 : memref<128xi32, #tpu.memory_space<vmem>>) semaphore(%arg11 : memref<!tpu.dma_semaphore, #tpu.memory_space<semaphore_mem>>) {add = true}
    %dma_start3A_1197 = arith.constant 3 : i32
    %dma_start3A_1198 = arith.constant 0 : i32
    %dma_start3A_1199 = tpu.memref_slice %arg6[%dma_start3A_1197, %dma_start3A_1198] : memref<8x128xi32, #tpu.memory_space<vmem>> -> memref<1x128xi32, #tpu.memory_space<vmem>>
    %dma_start3A_1200 = tpu.memref_squeeze %dma_start3A_1199 : memref<1x128xi32, #tpu.memory_space<vmem>> -> memref<128xi32, #tpu.memory_space<vmem>>
    %dma_start3A_1201 = arith.constant 0 : i32
    %dma_start3A_1202 = arith.constant 0 : i32
    %dma_start3A_1203 = tpu.memref_slice %arg8[%dma_start3A_1201, %dma_start3A_1202] : memref<10112x16xf32, #tpu.memory_space<vmem_shared>> -> memref<10112x16xf32, #tpu.memory_space<vmem_shared>>
    tpu.enqueue_indirect_dma source(%arg7 : memref<128x16xf32, #tpu.memory_space<vmem>>) target(%dma_start3A_1203 : memref<10112x16xf32, #tpu.memory_space<vmem_shared>>) offsets(%dma_start3A_1200 : memref<128xi32, #tpu.memory_space<vmem>>) semaphore(%arg11 : memref<!tpu.dma_semaphore, #tpu.memory_space<semaphore_mem>>) {add = true}
    %dma_start3A_1204 = arith.constant 4 : i32
    %dma_start3A_1205 = arith.constant 0 : i32
    %dma_start3A_1206 = tpu.memref_slice %arg6[%dma_start3A_1204, %dma_start3A_1205] : memref<8x128xi32, #tpu.memory_space<vmem>> -> memref<1x128xi32, #tpu.memory_space<vmem>>
    %dma_start3A_1207 = tpu.memref_squeeze %dma_start3A_1206 : memref<1x128xi32, #tpu.memory_space<vmem>> -> memref<128xi32, #tpu.memory_space<vmem>>
    %dma_start3A_1208 = arith.constant 0 : i32
    %dma_start3A_1209 = arith.constant 0 : i32
    %dma_start3A_1210 = tpu.memref_slice %arg8[%dma_start3A_1208, %dma_start3A_1209] : memref<10112x16xf32, #tpu.memory_space<vmem_shared>> -> memref<10112x16xf32, #tpu.memory_space<vmem_shared>>
    tpu.enqueue_indirect_dma source(%arg7 : memref<128x16xf32, #tpu.memory_space<vmem>>) target(%dma_start3A_1210 : memref<10112x16xf32, #tpu.memory_space<vmem_shared>>) offsets(%dma_start3A_1207 : memref<128xi32, #tpu.memory_space<vmem>>) semaphore(%arg11 : memref<!tpu.dma_semaphore, #tpu.memory_space<semaphore_mem>>) {add = true}
    %dma_start3A_1211 = arith.constant 5 : i32
    %dma_start3A_1212 = arith.constant 0 : i32
    %dma_start3A_1213 = tpu.memref_slice %arg6[%dma_start3A_1211, %dma_start3A_1212] : memref<8x128xi32, #tpu.memory_space<vmem>> -> memref<1x128xi32, #tpu.memory_space<vmem>>
    %dma_start3A_1214 = tpu.memref_squeeze %dma_start3A_1213 : memref<1x128xi32, #tpu.memory_space<vmem>> -> memref<128xi32, #tpu.memory_space<vmem>>
    %dma_start3A_1215 = arith.constant 0 : i32
    %dma_start3A_1216 = arith.constant 0 : i32
    %dma_start3A_1217 = tpu.memref_slice %arg8[%dma_start3A_1215, %dma_start3A_1216] : memref<10112x16xf32, #tpu.memory_space<vmem_shared>> -> memref<10112x16xf32, #tpu.memory_space<vmem_shared>>
    tpu.enqueue_indirect_dma source(%arg7 : memref<128x16xf32, #tpu.memory_space<vmem>>) target(%dma_start3A_1217 : memref<10112x16xf32, #tpu.memory_space<vmem_shared>>) offsets(%dma_start3A_1214 : memref<128xi32, #tpu.memory_space<vmem>>) semaphore(%arg11 : memref<!tpu.dma_semaphore, #tpu.memory_space<semaphore_mem>>) {add = true}
    %dma_start3A_1218 = arith.constant 6 : i32
    %dma_start3A_1219 = arith.constant 0 : i32
    %dma_start3A_1220 = tpu.memref_slice %arg6[%dma_start3A_1218, %dma_start3A_1219] : memref<8x128xi32, #tpu.memory_space<vmem>> -> memref<1x128xi32, #tpu.memory_space<vmem>>
    %dma_start3A_1221 = tpu.memref_squeeze %dma_start3A_1220 : memref<1x128xi32, #tpu.memory_space<vmem>> -> memref<128xi32, #tpu.memory_space<vmem>>
    %dma_start3A_1222 = arith.constant 0 : i32
    %dma_start3A_1223 = arith.constant 0 : i32
    %dma_start3A_1224 = tpu.memref_slice %arg8[%dma_start3A_1222, %dma_start3A_1223] : memref<10112x16xf32, #tpu.memory_space<vmem_shared>> -> memref<10112x16xf32, #tpu.memory_space<vmem_shared>>
    tpu.enqueue_indirect_dma source(%arg7 : memref<128x16xf32, #tpu.memory_space<vmem>>) target(%dma_start3A_1224 : memref<10112x16xf32, #tpu.memory_space<vmem_shared>>) offsets(%dma_start3A_1221 : memref<128xi32, #tpu.memory_space<vmem>>) semaphore(%arg11 : memref<!tpu.dma_semaphore, #tpu.memory_space<semaphore_mem>>) {add = true}
    %dma_start3A_1225 = arith.constant 7 : i32
    %dma_start3A_1226 = arith.constant 0 : i32
    %dma_start3A_1227 = tpu.memref_slice %arg6[%dma_start3A_1225, %dma_start3A_1226] : memref<8x128xi32, #tpu.memory_space<vmem>> -> memref<1x128xi32, #tpu.memory_space<vmem>>
    %dma_start3A_1228 = tpu.memref_squeeze %dma_start3A_1227 : memref<1x128xi32, #tpu.memory_space<vmem>> -> memref<128xi32, #tpu.memory_space<vmem>>
    %dma_start3A_1229 = arith.constant 0 : i32
    %dma_start3A_1230 = arith.constant 0 : i32
    %dma_start3A_1231 = tpu.memref_slice %arg8[%dma_start3A_1229, %dma_start3A_1230] : memref<10112x16xf32, #tpu.memory_space<vmem_shared>> -> memref<10112x16xf32, #tpu.memory_space<vmem_shared>>
    tpu.enqueue_indirect_dma source(%arg7 : memref<128x16xf32, #tpu.memory_space<vmem>>) target(%dma_start3A_1231 : memref<10112x16xf32, #tpu.memory_space<vmem_shared>>) offsets(%dma_start3A_1228 : memref<128xi32, #tpu.memory_space<vmem>>) semaphore(%arg11 : memref<!tpu.dma_semaphore, #tpu.memory_space<semaphore_mem>>) {add = true}
    %dma_wait3A_1232 = arith.constant 0 : i32
    %dma_wait3A_1233 = arith.constant 0 : i32
    %dma_wait3A_1234 = tpu.memref_slice %arg6[%dma_wait3A_1232, %dma_wait3A_1233] : memref<8x128xi32, #tpu.memory_space<vmem>> -> memref<1x128xi32, #tpu.memory_space<vmem>>
    %dma_wait3A_1235 = tpu.memref_squeeze %dma_wait3A_1234 : memref<1x128xi32, #tpu.memory_space<vmem>> -> memref<128xi32, #tpu.memory_space<vmem>>
    %dma_wait3A_1236 = arith.constant 0 : i32
    %dma_wait3A_1237 = arith.constant 0 : i32
    %dma_wait3A_1238 = tpu.memref_slice %arg8[%dma_wait3A_1236, %dma_wait3A_1237] : memref<10112x16xf32, #tpu.memory_space<vmem_shared>> -> memref<10112x16xf32, #tpu.memory_space<vmem_shared>>
    tpu.wait_indirect_dma semaphore(%arg11 : memref<!tpu.dma_semaphore, #tpu.memory_space<semaphore_mem>>) src(%arg7 : memref<128x16xf32, #tpu.memory_space<vmem>>) dst(%dma_wait3A_1238 : memref<10112x16xf32, #tpu.memory_space<vmem_shared>>)
    %dma_wait3A_1239 = arith.constant 1 : i32
    %dma_wait3A_1240 = arith.constant 0 : i32
    %dma_wait3A_1241 = tpu.memref_slice %arg6[%dma_wait3A_1239, %dma_wait3A_1240] : memref<8x128xi32, #tpu.memory_space<vmem>> -> memref<1x128xi32, #tpu.memory_space<vmem>>
    %dma_wait3A_1242 = tpu.memref_squeeze %dma_wait3A_1241 : memref<1x128xi32, #tpu.memory_space<vmem>> -> memref<128xi32, #tpu.memory_space<vmem>>
    %dma_wait3A_1243 = arith.constant 0 : i32
    %dma_wait3A_1244 = arith.constant 0 : i32
    %dma_wait3A_1245 = tpu.memref_slice %arg8[%dma_wait3A_1243, %dma_wait3A_1244] : memref<10112x16xf32, #tpu.memory_space<vmem_shared>> -> memref<10112x16xf32, #tpu.memory_space<vmem_shared>>
    tpu.wait_indirect_dma semaphore(%arg11 : memref<!tpu.dma_semaphore, #tpu.memory_space<semaphore_mem>>) src(%arg7 : memref<128x16xf32, #tpu.memory_space<vmem>>) dst(%dma_wait3A_1245 : memref<10112x16xf32, #tpu.memory_space<vmem_shared>>)
    %dma_wait3A_1246 = arith.constant 2 : i32
    %dma_wait3A_1247 = arith.constant 0 : i32
    %dma_wait3A_1248 = tpu.memref_slice %arg6[%dma_wait3A_1246, %dma_wait3A_1247] : memref<8x128xi32, #tpu.memory_space<vmem>> -> memref<1x128xi32, #tpu.memory_space<vmem>>
    %dma_wait3A_1249 = tpu.memref_squeeze %dma_wait3A_1248 : memref<1x128xi32, #tpu.memory_space<vmem>> -> memref<128xi32, #tpu.memory_space<vmem>>
    %dma_wait3A_1250 = arith.constant 0 : i32
    %dma_wait3A_1251 = arith.constant 0 : i32
    %dma_wait3A_1252 = tpu.memref_slice %arg8[%dma_wait3A_1250, %dma_wait3A_1251] : memref<10112x16xf32, #tpu.memory_space<vmem_shared>> -> memref<10112x16xf32, #tpu.memory_space<vmem_shared>>
    tpu.wait_indirect_dma semaphore(%arg11 : memref<!tpu.dma_semaphore, #tpu.memory_space<semaphore_mem>>) src(%arg7 : memref<128x16xf32, #tpu.memory_space<vmem>>) dst(%dma_wait3A_1252 : memref<10112x16xf32, #tpu.memory_space<vmem_shared>>)
    %dma_wait3A_1253 = arith.constant 3 : i32
    %dma_wait3A_1254 = arith.constant 0 : i32
    %dma_wait3A_1255 = tpu.memref_slice %arg6[%dma_wait3A_1253, %dma_wait3A_1254] : memref<8x128xi32, #tpu.memory_space<vmem>> -> memref<1x128xi32, #tpu.memory_space<vmem>>
    %dma_wait3A_1256 = tpu.memref_squeeze %dma_wait3A_1255 : memref<1x128xi32, #tpu.memory_space<vmem>> -> memref<128xi32, #tpu.memory_space<vmem>>
    %dma_wait3A_1257 = arith.constant 0 : i32
    %dma_wait3A_1258 = arith.constant 0 : i32
    %dma_wait3A_1259 = tpu.memref_slice %arg8[%dma_wait3A_1257, %dma_wait3A_1258] : memref<10112x16xf32, #tpu.memory_space<vmem_shared>> -> memref<10112x16xf32, #tpu.memory_space<vmem_shared>>
    tpu.wait_indirect_dma semaphore(%arg11 : memref<!tpu.dma_semaphore, #tpu.memory_space<semaphore_mem>>) src(%arg7 : memref<128x16xf32, #tpu.memory_space<vmem>>) dst(%dma_wait3A_1259 : memref<10112x16xf32, #tpu.memory_space<vmem_shared>>)
    %dma_wait3A_1260 = arith.constant 4 : i32
    %dma_wait3A_1261 = arith.constant 0 : i32
    %dma_wait3A_1262 = tpu.memref_slice %arg6[%dma_wait3A_1260, %dma_wait3A_1261] : memref<8x128xi32, #tpu.memory_space<vmem>> -> memref<1x128xi32, #tpu.memory_space<vmem>>
    %dma_wait3A_1263 = tpu.memref_squeeze %dma_wait3A_1262 : memref<1x128xi32, #tpu.memory_space<vmem>> -> memref<128xi32, #tpu.memory_space<vmem>>
    %dma_wait3A_1264 = arith.constant 0 : i32
    %dma_wait3A_1265 = arith.constant 0 : i32
    %dma_wait3A_1266 = tpu.memref_slice %arg8[%dma_wait3A_1264, %dma_wait3A_1265] : memref<10112x16xf32, #tpu.memory_space<vmem_shared>> -> memref<10112x16xf32, #tpu.memory_space<vmem_shared>>
    tpu.wait_indirect_dma semaphore(%arg11 : memref<!tpu.dma_semaphore, #tpu.memory_space<semaphore_mem>>) src(%arg7 : memref<128x16xf32, #tpu.memory_space<vmem>>) dst(%dma_wait3A_1266 : memref<10112x16xf32, #tpu.memory_space<vmem_shared>>)
    %dma_wait3A_1267 = arith.constant 5 : i32
    %dma_wait3A_1268 = arith.constant 0 : i32
    %dma_wait3A_1269 = tpu.memref_slice %arg6[%dma_wait3A_1267, %dma_wait3A_1268] : memref<8x128xi32, #tpu.memory_space<vmem>> -> memref<1x128xi32, #tpu.memory_space<vmem>>
    %dma_wait3A_1270 = tpu.memref_squeeze %dma_wait3A_1269 : memref<1x128xi32, #tpu.memory_space<vmem>> -> memref<128xi32, #tpu.memory_space<vmem>>
    %dma_wait3A_1271 = arith.constant 0 : i32
    %dma_wait3A_1272 = arith.constant 0 : i32
    %dma_wait3A_1273 = tpu.memref_slice %arg8[%dma_wait3A_1271, %dma_wait3A_1272] : memref<10112x16xf32, #tpu.memory_space<vmem_shared>> -> memref<10112x16xf32, #tpu.memory_space<vmem_shared>>
    tpu.wait_indirect_dma semaphore(%arg11 : memref<!tpu.dma_semaphore, #tpu.memory_space<semaphore_mem>>) src(%arg7 : memref<128x16xf32, #tpu.memory_space<vmem>>) dst(%dma_wait3A_1273 : memref<10112x16xf32, #tpu.memory_space<vmem_shared>>)
    %dma_wait3A_1274 = arith.constant 6 : i32
    %dma_wait3A_1275 = arith.constant 0 : i32
    %dma_wait3A_1276 = tpu.memref_slice %arg6[%dma_wait3A_1274, %dma_wait3A_1275] : memref<8x128xi32, #tpu.memory_space<vmem>> -> memref<1x128xi32, #tpu.memory_space<vmem>>
    %dma_wait3A_1277 = tpu.memref_squeeze %dma_wait3A_1276 : memref<1x128xi32, #tpu.memory_space<vmem>> -> memref<128xi32, #tpu.memory_space<vmem>>
    %dma_wait3A_1278 = arith.constant 0 : i32
    %dma_wait3A_1279 = arith.constant 0 : i32
    %dma_wait3A_1280 = tpu.memref_slice %arg8[%dma_wait3A_1278, %dma_wait3A_1279] : memref<10112x16xf32, #tpu.memory_space<vmem_shared>> -> memref<10112x16xf32, #tpu.memory_space<vmem_shared>>
    tpu.wait_indirect_dma semaphore(%arg11 : memref<!tpu.dma_semaphore, #tpu.memory_space<semaphore_mem>>) src(%arg7 : memref<128x16xf32, #tpu.memory_space<vmem>>) dst(%dma_wait3A_1280 : memref<10112x16xf32, #tpu.memory_space<vmem_shared>>)
    %dma_wait3A_1281 = arith.constant 7 : i32
    %dma_wait3A_1282 = arith.constant 0 : i32
    %dma_wait3A_1283 = tpu.memref_slice %arg6[%dma_wait3A_1281, %dma_wait3A_1282] : memref<8x128xi32, #tpu.memory_space<vmem>> -> memref<1x128xi32, #tpu.memory_space<vmem>>
    %dma_wait3A_1284 = tpu.memref_squeeze %dma_wait3A_1283 : memref<1x128xi32, #tpu.memory_space<vmem>> -> memref<128xi32, #tpu.memory_space<vmem>>
    %dma_wait3A_1285 = arith.constant 0 : i32
    %dma_wait3A_1286 = arith.constant 0 : i32
    %dma_wait3A_1287 = tpu.memref_slice %arg8[%dma_wait3A_1285, %dma_wait3A_1286] : memref<10112x16xf32, #tpu.memory_space<vmem_shared>> -> memref<10112x16xf32, #tpu.memory_space<vmem_shared>>
    tpu.wait_indirect_dma semaphore(%arg11 : memref<!tpu.dma_semaphore, #tpu.memory_space<semaphore_mem>>) src(%arg7 : memref<128x16xf32, #tpu.memory_space<vmem>>) dst(%dma_wait3A_1287 : memref<10112x16xf32, #tpu.memory_space<vmem_shared>>)
    %barrier3A_1288 = arith.constant 0 : index
    tpu.barrier barrier_id(%barrier3A_1288)
    %mul3A_1289 = arith.constant 632 : i32
    %mul3A_1290 = arith.muli %arg1, %mul3A_1289 : i32
    %mul3A_1291 = arith.constant 632 : i32
    %mul3A_1292 = arith.muli %arg1, %mul3A_1291 : i32
    "tpu.region"() ({
      %run_scoped3A = tpu.sem_alloc : memref<!tpu.dma_semaphore, #tpu.memory_space<semaphore_mem>>
      %dma_start3A_1293 = arith.constant 0 : i32
      %dma_start3A_1294 = tpu.memref_slice %arg4[%arg0, %mul3A_1292, %dma_start3A_1293] : memref<2x10112x16xf32, #tpu.memory_space<hbm>> -> memref<1x632x16xf32, #tpu.memory_space<hbm>>
      %dma_start3A_1295 = tpu.memref_squeeze %dma_start3A_1294 : memref<1x632x16xf32, #tpu.memory_space<hbm>> -> memref<632x16xf32, #tpu.memory_space<hbm>>
      %dma_start3A_1296 = arith.constant 0 : i32
      %dma_start3A_1297 = tpu.memref_slice %arg8[%mul3A_1290, %dma_start3A_1296] : memref<10112x16xf32, #tpu.memory_space<vmem_shared>> -> memref<632x16xf32, #tpu.memory_space<vmem_shared>>
      tpu.enqueue_dma source(%dma_start3A_1297 : memref<632x16xf32, #tpu.memory_space<vmem_shared>>) target(%dma_start3A_1295 : memref<632x16xf32, #tpu.memory_space<hbm>>) target_semaphore(%run_scoped3A : memref<!tpu.dma_semaphore, #tpu.memory_space<semaphore_mem>>)
      %dma_wait3A_1298 = arith.constant 0 : i32
      %dma_wait3A_1299 = tpu.memref_slice %arg4[%arg0, %mul3A_1292, %dma_wait3A_1298] : memref<2x10112x16xf32, #tpu.memory_space<hbm>> -> memref<1x632x16xf32, #tpu.memory_space<hbm>>
      %dma_wait3A_1300 = tpu.memref_squeeze %dma_wait3A_1299 : memref<1x632x16xf32, #tpu.memory_space<hbm>> -> memref<632x16xf32, #tpu.memory_space<hbm>>
      %dma_wait3A_1301 = arith.constant 0 : i32
      %dma_wait3A_1302 = tpu.memref_slice %arg8[%mul3A_1290, %dma_wait3A_1301] : memref<10112x16xf32, #tpu.memory_space<vmem_shared>> -> memref<632x16xf32, #tpu.memory_space<vmem_shared>>
      tpu.wait_dma2 semaphore(%run_scoped3A : memref<!tpu.dma_semaphore, #tpu.memory_space<semaphore_mem>>) src(%dma_wait3A_1302 : memref<632x16xf32, #tpu.memory_space<vmem_shared>>) dst(%dma_wait3A_1300 : memref<632x16xf32, #tpu.memory_space<hbm>>)
      tpu.yield
    }) : () -> ()
    return
  }
}

#map = affine_map<(d0, d1) -> (0, 0)>
#map1 = affine_map<(d0, d1) -> (0, 0, 0, 0, 0)>
#map2 = affine_map<(d0, d1) -> (0, 0, 0)>
module attributes {stable_mosaic.version = 14 : i64} {
  func.func @_edge_agg(%arg0: i32, %arg1: i32, %arg2: memref<10000x128xf32, #tpu.memory_space<hbm>>, %arg3: memref<2x16x15x8x128xi32, #tpu.memory_space<hbm>>, %arg4: memref<2x16x15x8x128xi32, #tpu.memory_space<hbm>>, %arg5: memref<10112x128xf32, #tpu.memory_space<hbm>>, %arg6: memref<2x10112x128xf32, #tpu.memory_space<hbm>>, %arg7: memref<8x128xi32, #tpu.memory_space<vmem>>, %arg8: memref<8x128xi32, #tpu.memory_space<vmem>>, %arg9: memref<128x128xf32, #tpu.memory_space<vmem>>, %arg10: memref<128x128xf32, #tpu.memory_space<vmem>>, %arg11: memref<10112x128xf32, #tpu.memory_space<vmem_shared>>, %arg12: memref<!tpu.dma_semaphore, #tpu.memory_space<semaphore_mem>>, %arg13: memref<!tpu.dma_semaphore, #tpu.memory_space<semaphore_mem>>, %arg14: memref<!tpu.dma_semaphore, #tpu.memory_space<semaphore_mem>>, %arg15: memref<!tpu.dma_semaphore, #tpu.memory_space<semaphore_mem>>) attributes {dimension_semantics = [#tpu.dimension_semantics<core_parallel>, #tpu.dimension_semantics<subcore_parallel>], iteration_bounds = array<i64: 2, 16>, scalar_prefetch = 0 : i64, scratch_operands = 9 : i64, tpu.core_type = #tpu.core_type<sc_vector_subcore>, window_params = [{transform_indices = #map}, {transform_indices = #map1}, {transform_indices = #map1}, {transform_indices = #map}, {transform_indices = #map2}]} {
    %mul3A = arith.constant 632 : i32
    %mul3A_0 = arith.muli %arg1, %mul3A : i32
    %mul3A_1 = arith.constant 632 : i32
    %mul3A_2 = arith.muli %arg1, %mul3A_1 : i32
    "tpu.region"() ({
      %run_scoped3A = tpu.sem_alloc : memref<!tpu.dma_semaphore, #tpu.memory_space<semaphore_mem>>
      %dma_start3A = arith.constant 0 : i32
      %dma_start3A_19 = tpu.memref_slice %arg11[%mul3A_2, %dma_start3A] : memref<10112x128xf32, #tpu.memory_space<vmem_shared>> -> memref<632x128xf32, #tpu.memory_space<vmem_shared>>
      %dma_start3A_20 = arith.constant 0 : i32
      %dma_start3A_21 = tpu.memref_slice %arg5[%mul3A_0, %dma_start3A_20] : memref<10112x128xf32, #tpu.memory_space<hbm>> -> memref<632x128xf32, #tpu.memory_space<hbm>>
      tpu.enqueue_dma source(%dma_start3A_21 : memref<632x128xf32, #tpu.memory_space<hbm>>) target(%dma_start3A_19 : memref<632x128xf32, #tpu.memory_space<vmem_shared>>) target_semaphore(%run_scoped3A : memref<!tpu.dma_semaphore, #tpu.memory_space<semaphore_mem>>)
      %dma_wait3A = arith.constant 0 : i32
      %dma_wait3A_22 = tpu.memref_slice %arg11[%mul3A_2, %dma_wait3A] : memref<10112x128xf32, #tpu.memory_space<vmem_shared>> -> memref<632x128xf32, #tpu.memory_space<vmem_shared>>
      %dma_wait3A_23 = arith.constant 0 : i32
      %dma_wait3A_24 = tpu.memref_slice %arg5[%mul3A_0, %dma_wait3A_23] : memref<10112x128xf32, #tpu.memory_space<hbm>> -> memref<632x128xf32, #tpu.memory_space<hbm>>
      tpu.wait_dma2 semaphore(%run_scoped3A : memref<!tpu.dma_semaphore, #tpu.memory_space<semaphore_mem>>) src(%dma_wait3A_24 : memref<632x128xf32, #tpu.memory_space<hbm>>) dst(%dma_wait3A_22 : memref<632x128xf32, #tpu.memory_space<vmem_shared>>)
      tpu.yield
    }) : () -> ()
    %barrier3A = arith.constant 0 : index
    tpu.barrier barrier_id(%barrier3A)
    %eq3A = arith.constant 0 : i32
    %eq3A_3 = arith.cmpi eq, %arg0, %eq3A : i32
    %jit3A = arith.constant 5 : i32
    %jit3A_4 = arith.constant 15 : i32
    %select_n3A = arith.select %eq3A_3, %jit3A, %jit3A_4 : i32
    %while3A = arith.constant 0 : i32
    %while3A_5 = arith.constant 0 : i32
    %while3A_6 = arith.subi %select_n3A, %while3A_5 : i32
    %while3A_7 = arith.addi %while3A_5, %while3A_6 : i32
    %while3A_8 = arith.constant 1 : i32
    %while3A_9 = arith.divsi %while3A_6, %while3A_8 : i32
    %while3A_10 = arith.muli %while3A_9, %while3A_8 : i32
    %while3A_11 = arith.addi %while3A_5, %while3A_10 : i32
    %while3A_12 = arith.constant 1 : i32
    scf.for %while3A_19 = %while3A_5 to %while3A_11 step %while3A_12  : i32 {
      "tpu.region"() ({
        %run_scoped3A = tpu.sem_alloc : memref<!tpu.dma_semaphore, #tpu.memory_space<semaphore_mem>>
        %dma_start3A_242 = arith.constant 0 : i32
        %dma_start3A_243 = arith.constant 0 : i32
        %dma_start3A_244 = tpu.memref_slice %arg3[%arg0, %arg1, %while3A_19, %dma_start3A_242, %dma_start3A_243] : memref<2x16x15x8x128xi32, #tpu.memory_space<hbm>> -> memref<1x1x1x8x128xi32, #tpu.memory_space<hbm>>
        %dma_start3A_245 = tpu.memref_squeeze %dma_start3A_244 : memref<1x1x1x8x128xi32, #tpu.memory_space<hbm>> -> memref<8x128xi32, #tpu.memory_space<hbm>>
        %dma_start3A_246 = arith.constant 0 : i32
        %dma_start3A_247 = arith.constant 0 : i32
        %dma_start3A_248 = tpu.memref_slice %arg3[%arg0, %arg1, %while3A_19, %dma_start3A_246, %dma_start3A_247] : memref<2x16x15x8x128xi32, #tpu.memory_space<hbm>> -> memref<1x1x1x8x128xi32, #tpu.memory_space<hbm>>
        %dma_start3A_249 = tpu.memref_squeeze %dma_start3A_248 : memref<1x1x1x8x128xi32, #tpu.memory_space<hbm>> -> memref<8x128xi32, #tpu.memory_space<hbm>>
        tpu.enqueue_dma source(%dma_start3A_249 : memref<8x128xi32, #tpu.memory_space<hbm>>) target(%arg7 : memref<8x128xi32, #tpu.memory_space<vmem>>) target_semaphore(%run_scoped3A : memref<!tpu.dma_semaphore, #tpu.memory_space<semaphore_mem>>)
        %dma_wait3A_250 = arith.constant 0 : i32
        %dma_wait3A_251 = arith.constant 0 : i32
        %dma_wait3A_252 = tpu.memref_slice %arg3[%arg0, %arg1, %while3A_19, %dma_wait3A_250, %dma_wait3A_251] : memref<2x16x15x8x128xi32, #tpu.memory_space<hbm>> -> memref<1x1x1x8x128xi32, #tpu.memory_space<hbm>>
        %dma_wait3A_253 = tpu.memref_squeeze %dma_wait3A_252 : memref<1x1x1x8x128xi32, #tpu.memory_space<hbm>> -> memref<8x128xi32, #tpu.memory_space<hbm>>
        %dma_wait3A_254 = arith.constant 0 : i32
        %dma_wait3A_255 = arith.constant 0 : i32
        %dma_wait3A_256 = tpu.memref_slice %arg3[%arg0, %arg1, %while3A_19, %dma_wait3A_254, %dma_wait3A_255] : memref<2x16x15x8x128xi32, #tpu.memory_space<hbm>> -> memref<1x1x1x8x128xi32, #tpu.memory_space<hbm>>
        %dma_wait3A_257 = tpu.memref_squeeze %dma_wait3A_256 : memref<1x1x1x8x128xi32, #tpu.memory_space<hbm>> -> memref<8x128xi32, #tpu.memory_space<hbm>>
        tpu.wait_dma2 semaphore(%run_scoped3A : memref<!tpu.dma_semaphore, #tpu.memory_space<semaphore_mem>>) src(%dma_wait3A_257 : memref<8x128xi32, #tpu.memory_space<hbm>>) dst(%arg7 : memref<8x128xi32, #tpu.memory_space<vmem>>)
        tpu.yield
      }) : () -> ()
      "tpu.region"() ({
        %run_scoped3A = tpu.sem_alloc : memref<!tpu.dma_semaphore, #tpu.memory_space<semaphore_mem>>
        %dma_start3A_242 = arith.constant 0 : i32
        %dma_start3A_243 = arith.constant 0 : i32
        %dma_start3A_244 = tpu.memref_slice %arg4[%arg0, %arg1, %while3A_19, %dma_start3A_242, %dma_start3A_243] : memref<2x16x15x8x128xi32, #tpu.memory_space<hbm>> -> memref<1x1x1x8x128xi32, #tpu.memory_space<hbm>>
        %dma_start3A_245 = tpu.memref_squeeze %dma_start3A_244 : memref<1x1x1x8x128xi32, #tpu.memory_space<hbm>> -> memref<8x128xi32, #tpu.memory_space<hbm>>
        %dma_start3A_246 = arith.constant 0 : i32
        %dma_start3A_247 = arith.constant 0 : i32
        %dma_start3A_248 = tpu.memref_slice %arg4[%arg0, %arg1, %while3A_19, %dma_start3A_246, %dma_start3A_247] : memref<2x16x15x8x128xi32, #tpu.memory_space<hbm>> -> memref<1x1x1x8x128xi32, #tpu.memory_space<hbm>>
        %dma_start3A_249 = tpu.memref_squeeze %dma_start3A_248 : memref<1x1x1x8x128xi32, #tpu.memory_space<hbm>> -> memref<8x128xi32, #tpu.memory_space<hbm>>
        tpu.enqueue_dma source(%dma_start3A_249 : memref<8x128xi32, #tpu.memory_space<hbm>>) target(%arg8 : memref<8x128xi32, #tpu.memory_space<vmem>>) target_semaphore(%run_scoped3A : memref<!tpu.dma_semaphore, #tpu.memory_space<semaphore_mem>>)
        %dma_wait3A_250 = arith.constant 0 : i32
        %dma_wait3A_251 = arith.constant 0 : i32
        %dma_wait3A_252 = tpu.memref_slice %arg4[%arg0, %arg1, %while3A_19, %dma_wait3A_250, %dma_wait3A_251] : memref<2x16x15x8x128xi32, #tpu.memory_space<hbm>> -> memref<1x1x1x8x128xi32, #tpu.memory_space<hbm>>
        %dma_wait3A_253 = tpu.memref_squeeze %dma_wait3A_252 : memref<1x1x1x8x128xi32, #tpu.memory_space<hbm>> -> memref<8x128xi32, #tpu.memory_space<hbm>>
        %dma_wait3A_254 = arith.constant 0 : i32
        %dma_wait3A_255 = arith.constant 0 : i32
        %dma_wait3A_256 = tpu.memref_slice %arg4[%arg0, %arg1, %while3A_19, %dma_wait3A_254, %dma_wait3A_255] : memref<2x16x15x8x128xi32, #tpu.memory_space<hbm>> -> memref<1x1x1x8x128xi32, #tpu.memory_space<hbm>>
        %dma_wait3A_257 = tpu.memref_squeeze %dma_wait3A_256 : memref<1x1x1x8x128xi32, #tpu.memory_space<hbm>> -> memref<8x128xi32, #tpu.memory_space<hbm>>
        tpu.wait_dma2 semaphore(%run_scoped3A : memref<!tpu.dma_semaphore, #tpu.memory_space<semaphore_mem>>) src(%dma_wait3A_257 : memref<8x128xi32, #tpu.memory_space<hbm>>) dst(%arg8 : memref<8x128xi32, #tpu.memory_space<vmem>>)
        tpu.yield
      }) : () -> ()
      %dma_start3A = arith.constant 0 : i32
      %dma_start3A_20 = arith.constant 0 : i32
      %dma_start3A_21 = tpu.memref_slice %arg7[%dma_start3A, %dma_start3A_20] : memref<8x128xi32, #tpu.memory_space<vmem>> -> memref<1x128xi32, #tpu.memory_space<vmem>>
      %dma_start3A_22 = tpu.memref_squeeze %dma_start3A_21 : memref<1x128xi32, #tpu.memory_space<vmem>> -> memref<128xi32, #tpu.memory_space<vmem>>
      %dma_start3A_23 = arith.constant 0 : i32
      %dma_start3A_24 = arith.constant 0 : i32
      %dma_start3A_25 = tpu.memref_slice %arg2[%dma_start3A_23, %dma_start3A_24] : memref<10000x128xf32, #tpu.memory_space<hbm>> -> memref<10000x128xf32, #tpu.memory_space<hbm>>
      tpu.enqueue_indirect_dma source(%dma_start3A_25 : memref<10000x128xf32, #tpu.memory_space<hbm>>) target(%arg9 : memref<128x128xf32, #tpu.memory_space<vmem>>) offsets(%dma_start3A_22 : memref<128xi32, #tpu.memory_space<vmem>>) semaphore(%arg12 : memref<!tpu.dma_semaphore, #tpu.memory_space<semaphore_mem>>)
      %dma_start3A_26 = arith.constant 1 : i32
      %dma_start3A_27 = arith.constant 0 : i32
      %dma_start3A_28 = tpu.memref_slice %arg7[%dma_start3A_26, %dma_start3A_27] : memref<8x128xi32, #tpu.memory_space<vmem>> -> memref<1x128xi32, #tpu.memory_space<vmem>>
      %dma_start3A_29 = tpu.memref_squeeze %dma_start3A_28 : memref<1x128xi32, #tpu.memory_space<vmem>> -> memref<128xi32, #tpu.memory_space<vmem>>
      %dma_start3A_30 = arith.constant 0 : i32
      %dma_start3A_31 = arith.constant 0 : i32
      %dma_start3A_32 = tpu.memref_slice %arg2[%dma_start3A_30, %dma_start3A_31] : memref<10000x128xf32, #tpu.memory_space<hbm>> -> memref<10000x128xf32, #tpu.memory_space<hbm>>
      tpu.enqueue_indirect_dma source(%dma_start3A_32 : memref<10000x128xf32, #tpu.memory_space<hbm>>) target(%arg10 : memref<128x128xf32, #tpu.memory_space<vmem>>) offsets(%dma_start3A_29 : memref<128xi32, #tpu.memory_space<vmem>>) semaphore(%arg13 : memref<!tpu.dma_semaphore, #tpu.memory_space<semaphore_mem>>)
      %dma_wait3A = arith.constant 0 : i32
      %dma_wait3A_33 = arith.constant 0 : i32
      %dma_wait3A_34 = tpu.memref_slice %arg7[%dma_wait3A, %dma_wait3A_33] : memref<8x128xi32, #tpu.memory_space<vmem>> -> memref<1x128xi32, #tpu.memory_space<vmem>>
      %dma_wait3A_35 = tpu.memref_squeeze %dma_wait3A_34 : memref<1x128xi32, #tpu.memory_space<vmem>> -> memref<128xi32, #tpu.memory_space<vmem>>
      %dma_wait3A_36 = arith.constant 0 : i32
      %dma_wait3A_37 = arith.constant 0 : i32
      %dma_wait3A_38 = tpu.memref_slice %arg2[%dma_wait3A_36, %dma_wait3A_37] : memref<10000x128xf32, #tpu.memory_space<hbm>> -> memref<10000x128xf32, #tpu.memory_space<hbm>>
      tpu.wait_indirect_dma semaphore(%arg12 : memref<!tpu.dma_semaphore, #tpu.memory_space<semaphore_mem>>) src(%dma_wait3A_38 : memref<10000x128xf32, #tpu.memory_space<hbm>>) dst(%arg9 : memref<128x128xf32, #tpu.memory_space<vmem>>)
      %dma_start3A_39 = arith.constant 0 : i32
      %dma_start3A_40 = arith.constant 0 : i32
      %dma_start3A_41 = tpu.memref_slice %arg8[%dma_start3A_39, %dma_start3A_40] : memref<8x128xi32, #tpu.memory_space<vmem>> -> memref<1x128xi32, #tpu.memory_space<vmem>>
      %dma_start3A_42 = tpu.memref_squeeze %dma_start3A_41 : memref<1x128xi32, #tpu.memory_space<vmem>> -> memref<128xi32, #tpu.memory_space<vmem>>
      %dma_start3A_43 = arith.constant 0 : i32
      %dma_start3A_44 = arith.constant 0 : i32
      %dma_start3A_45 = tpu.memref_slice %arg11[%dma_start3A_43, %dma_start3A_44] : memref<10112x128xf32, #tpu.memory_space<vmem_shared>> -> memref<10112x128xf32, #tpu.memory_space<vmem_shared>>
      tpu.enqueue_indirect_dma source(%arg9 : memref<128x128xf32, #tpu.memory_space<vmem>>) target(%dma_start3A_45 : memref<10112x128xf32, #tpu.memory_space<vmem_shared>>) offsets(%dma_start3A_42 : memref<128xi32, #tpu.memory_space<vmem>>) semaphore(%arg14 : memref<!tpu.dma_semaphore, #tpu.memory_space<semaphore_mem>>) {add = true}
      %dma_wait3A_46 = arith.constant 0 : i32
      %dma_wait3A_47 = arith.constant 0 : i32
      %dma_wait3A_48 = tpu.memref_slice %arg8[%dma_wait3A_46, %dma_wait3A_47] : memref<8x128xi32, #tpu.memory_space<vmem>> -> memref<1x128xi32, #tpu.memory_space<vmem>>
      %dma_wait3A_49 = tpu.memref_squeeze %dma_wait3A_48 : memref<1x128xi32, #tpu.memory_space<vmem>> -> memref<128xi32, #tpu.memory_space<vmem>>
      %dma_wait3A_50 = arith.constant 0 : i32
      %dma_wait3A_51 = arith.constant 0 : i32
      %dma_wait3A_52 = tpu.memref_slice %arg11[%dma_wait3A_50, %dma_wait3A_51] : memref<10112x128xf32, #tpu.memory_space<vmem_shared>> -> memref<10112x128xf32, #tpu.memory_space<vmem_shared>>
      tpu.wait_indirect_dma semaphore(%arg14 : memref<!tpu.dma_semaphore, #tpu.memory_space<semaphore_mem>>) src(%arg9 : memref<128x128xf32, #tpu.memory_space<vmem>>) dst(%dma_wait3A_52 : memref<10112x128xf32, #tpu.memory_space<vmem_shared>>)
      %dma_start3A_53 = arith.constant 2 : i32
      %dma_start3A_54 = arith.constant 0 : i32
      %dma_start3A_55 = tpu.memref_slice %arg7[%dma_start3A_53, %dma_start3A_54] : memref<8x128xi32, #tpu.memory_space<vmem>> -> memref<1x128xi32, #tpu.memory_space<vmem>>
      %dma_start3A_56 = tpu.memref_squeeze %dma_start3A_55 : memref<1x128xi32, #tpu.memory_space<vmem>> -> memref<128xi32, #tpu.memory_space<vmem>>
      %dma_start3A_57 = arith.constant 0 : i32
      %dma_start3A_58 = arith.constant 0 : i32
      %dma_start3A_59 = tpu.memref_slice %arg2[%dma_start3A_57, %dma_start3A_58] : memref<10000x128xf32, #tpu.memory_space<hbm>> -> memref<10000x128xf32, #tpu.memory_space<hbm>>
      tpu.enqueue_indirect_dma source(%dma_start3A_59 : memref<10000x128xf32, #tpu.memory_space<hbm>>) target(%arg9 : memref<128x128xf32, #tpu.memory_space<vmem>>) offsets(%dma_start3A_56 : memref<128xi32, #tpu.memory_space<vmem>>) semaphore(%arg12 : memref<!tpu.dma_semaphore, #tpu.memory_space<semaphore_mem>>)
      %dma_wait3A_60 = arith.constant 1 : i32
      %dma_wait3A_61 = arith.constant 0 : i32
      %dma_wait3A_62 = tpu.memref_slice %arg7[%dma_wait3A_60, %dma_wait3A_61] : memref<8x128xi32, #tpu.memory_space<vmem>> -> memref<1x128xi32, #tpu.memory_space<vmem>>
      %dma_wait3A_63 = tpu.memref_squeeze %dma_wait3A_62 : memref<1x128xi32, #tpu.memory_space<vmem>> -> memref<128xi32, #tpu.memory_space<vmem>>
      %dma_wait3A_64 = arith.constant 0 : i32
      %dma_wait3A_65 = arith.constant 0 : i32
      %dma_wait3A_66 = tpu.memref_slice %arg2[%dma_wait3A_64, %dma_wait3A_65] : memref<10000x128xf32, #tpu.memory_space<hbm>> -> memref<10000x128xf32, #tpu.memory_space<hbm>>
      tpu.wait_indirect_dma semaphore(%arg13 : memref<!tpu.dma_semaphore, #tpu.memory_space<semaphore_mem>>) src(%dma_wait3A_66 : memref<10000x128xf32, #tpu.memory_space<hbm>>) dst(%arg10 : memref<128x128xf32, #tpu.memory_space<vmem>>)
      %dma_start3A_67 = arith.constant 1 : i32
      %dma_start3A_68 = arith.constant 0 : i32
      %dma_start3A_69 = tpu.memref_slice %arg8[%dma_start3A_67, %dma_start3A_68] : memref<8x128xi32, #tpu.memory_space<vmem>> -> memref<1x128xi32, #tpu.memory_space<vmem>>
      %dma_start3A_70 = tpu.memref_squeeze %dma_start3A_69 : memref<1x128xi32, #tpu.memory_space<vmem>> -> memref<128xi32, #tpu.memory_space<vmem>>
      %dma_start3A_71 = arith.constant 0 : i32
      %dma_start3A_72 = arith.constant 0 : i32
      %dma_start3A_73 = tpu.memref_slice %arg11[%dma_start3A_71, %dma_start3A_72] : memref<10112x128xf32, #tpu.memory_space<vmem_shared>> -> memref<10112x128xf32, #tpu.memory_space<vmem_shared>>
      tpu.enqueue_indirect_dma source(%arg10 : memref<128x128xf32, #tpu.memory_space<vmem>>) target(%dma_start3A_73 : memref<10112x128xf32, #tpu.memory_space<vmem_shared>>) offsets(%dma_start3A_70 : memref<128xi32, #tpu.memory_space<vmem>>) semaphore(%arg15 : memref<!tpu.dma_semaphore, #tpu.memory_space<semaphore_mem>>) {add = true}
      %dma_wait3A_74 = arith.constant 1 : i32
      %dma_wait3A_75 = arith.constant 0 : i32
      %dma_wait3A_76 = tpu.memref_slice %arg8[%dma_wait3A_74, %dma_wait3A_75] : memref<8x128xi32, #tpu.memory_space<vmem>> -> memref<1x128xi32, #tpu.memory_space<vmem>>
      %dma_wait3A_77 = tpu.memref_squeeze %dma_wait3A_76 : memref<1x128xi32, #tpu.memory_space<vmem>> -> memref<128xi32, #tpu.memory_space<vmem>>
      %dma_wait3A_78 = arith.constant 0 : i32
      %dma_wait3A_79 = arith.constant 0 : i32
      %dma_wait3A_80 = tpu.memref_slice %arg11[%dma_wait3A_78, %dma_wait3A_79] : memref<10112x128xf32, #tpu.memory_space<vmem_shared>> -> memref<10112x128xf32, #tpu.memory_space<vmem_shared>>
      tpu.wait_indirect_dma semaphore(%arg15 : memref<!tpu.dma_semaphore, #tpu.memory_space<semaphore_mem>>) src(%arg10 : memref<128x128xf32, #tpu.memory_space<vmem>>) dst(%dma_wait3A_80 : memref<10112x128xf32, #tpu.memory_space<vmem_shared>>)
      %dma_start3A_81 = arith.constant 3 : i32
      %dma_start3A_82 = arith.constant 0 : i32
      %dma_start3A_83 = tpu.memref_slice %arg7[%dma_start3A_81, %dma_start3A_82] : memref<8x128xi32, #tpu.memory_space<vmem>> -> memref<1x128xi32, #tpu.memory_space<vmem>>
      %dma_start3A_84 = tpu.memref_squeeze %dma_start3A_83 : memref<1x128xi32, #tpu.memory_space<vmem>> -> memref<128xi32, #tpu.memory_space<vmem>>
      %dma_start3A_85 = arith.constant 0 : i32
      %dma_start3A_86 = arith.constant 0 : i32
      %dma_start3A_87 = tpu.memref_slice %arg2[%dma_start3A_85, %dma_start3A_86] : memref<10000x128xf32, #tpu.memory_space<hbm>> -> memref<10000x128xf32, #tpu.memory_space<hbm>>
      tpu.enqueue_indirect_dma source(%dma_start3A_87 : memref<10000x128xf32, #tpu.memory_space<hbm>>) target(%arg10 : memref<128x128xf32, #tpu.memory_space<vmem>>) offsets(%dma_start3A_84 : memref<128xi32, #tpu.memory_space<vmem>>) semaphore(%arg13 : memref<!tpu.dma_semaphore, #tpu.memory_space<semaphore_mem>>)
      %dma_wait3A_88 = arith.constant 2 : i32
      %dma_wait3A_89 = arith.constant 0 : i32
      %dma_wait3A_90 = tpu.memref_slice %arg7[%dma_wait3A_88, %dma_wait3A_89] : memref<8x128xi32, #tpu.memory_space<vmem>> -> memref<1x128xi32, #tpu.memory_space<vmem>>
      %dma_wait3A_91 = tpu.memref_squeeze %dma_wait3A_90 : memref<1x128xi32, #tpu.memory_space<vmem>> -> memref<128xi32, #tpu.memory_space<vmem>>
      %dma_wait3A_92 = arith.constant 0 : i32
      %dma_wait3A_93 = arith.constant 0 : i32
      %dma_wait3A_94 = tpu.memref_slice %arg2[%dma_wait3A_92, %dma_wait3A_93] : memref<10000x128xf32, #tpu.memory_space<hbm>> -> memref<10000x128xf32, #tpu.memory_space<hbm>>
      tpu.wait_indirect_dma semaphore(%arg12 : memref<!tpu.dma_semaphore, #tpu.memory_space<semaphore_mem>>) src(%dma_wait3A_94 : memref<10000x128xf32, #tpu.memory_space<hbm>>) dst(%arg9 : memref<128x128xf32, #tpu.memory_space<vmem>>)
      %dma_start3A_95 = arith.constant 2 : i32
      %dma_start3A_96 = arith.constant 0 : i32
      %dma_start3A_97 = tpu.memref_slice %arg8[%dma_start3A_95, %dma_start3A_96] : memref<8x128xi32, #tpu.memory_space<vmem>> -> memref<1x128xi32, #tpu.memory_space<vmem>>
      %dma_start3A_98 = tpu.memref_squeeze %dma_start3A_97 : memref<1x128xi32, #tpu.memory_space<vmem>> -> memref<128xi32, #tpu.memory_space<vmem>>
      %dma_start3A_99 = arith.constant 0 : i32
      %dma_start3A_100 = arith.constant 0 : i32
      %dma_start3A_101 = tpu.memref_slice %arg11[%dma_start3A_99, %dma_start3A_100] : memref<10112x128xf32, #tpu.memory_space<vmem_shared>> -> memref<10112x128xf32, #tpu.memory_space<vmem_shared>>
      tpu.enqueue_indirect_dma source(%arg9 : memref<128x128xf32, #tpu.memory_space<vmem>>) target(%dma_start3A_101 : memref<10112x128xf32, #tpu.memory_space<vmem_shared>>) offsets(%dma_start3A_98 : memref<128xi32, #tpu.memory_space<vmem>>) semaphore(%arg14 : memref<!tpu.dma_semaphore, #tpu.memory_space<semaphore_mem>>) {add = true}
      %dma_wait3A_102 = arith.constant 2 : i32
      %dma_wait3A_103 = arith.constant 0 : i32
      %dma_wait3A_104 = tpu.memref_slice %arg8[%dma_wait3A_102, %dma_wait3A_103] : memref<8x128xi32, #tpu.memory_space<vmem>> -> memref<1x128xi32, #tpu.memory_space<vmem>>
      %dma_wait3A_105 = tpu.memref_squeeze %dma_wait3A_104 : memref<1x128xi32, #tpu.memory_space<vmem>> -> memref<128xi32, #tpu.memory_space<vmem>>
      %dma_wait3A_106 = arith.constant 0 : i32
      %dma_wait3A_107 = arith.constant 0 : i32
      %dma_wait3A_108 = tpu.memref_slice %arg11[%dma_wait3A_106, %dma_wait3A_107] : memref<10112x128xf32, #tpu.memory_space<vmem_shared>> -> memref<10112x128xf32, #tpu.memory_space<vmem_shared>>
      tpu.wait_indirect_dma semaphore(%arg14 : memref<!tpu.dma_semaphore, #tpu.memory_space<semaphore_mem>>) src(%arg9 : memref<128x128xf32, #tpu.memory_space<vmem>>) dst(%dma_wait3A_108 : memref<10112x128xf32, #tpu.memory_space<vmem_shared>>)
      %dma_start3A_109 = arith.constant 4 : i32
      %dma_start3A_110 = arith.constant 0 : i32
      %dma_start3A_111 = tpu.memref_slice %arg7[%dma_start3A_109, %dma_start3A_110] : memref<8x128xi32, #tpu.memory_space<vmem>> -> memref<1x128xi32, #tpu.memory_space<vmem>>
      %dma_start3A_112 = tpu.memref_squeeze %dma_start3A_111 : memref<1x128xi32, #tpu.memory_space<vmem>> -> memref<128xi32, #tpu.memory_space<vmem>>
      %dma_start3A_113 = arith.constant 0 : i32
      %dma_start3A_114 = arith.constant 0 : i32
      %dma_start3A_115 = tpu.memref_slice %arg2[%dma_start3A_113, %dma_start3A_114] : memref<10000x128xf32, #tpu.memory_space<hbm>> -> memref<10000x128xf32, #tpu.memory_space<hbm>>
      tpu.enqueue_indirect_dma source(%dma_start3A_115 : memref<10000x128xf32, #tpu.memory_space<hbm>>) target(%arg9 : memref<128x128xf32, #tpu.memory_space<vmem>>) offsets(%dma_start3A_112 : memref<128xi32, #tpu.memory_space<vmem>>) semaphore(%arg12 : memref<!tpu.dma_semaphore, #tpu.memory_space<semaphore_mem>>)
      %dma_wait3A_116 = arith.constant 3 : i32
      %dma_wait3A_117 = arith.constant 0 : i32
      %dma_wait3A_118 = tpu.memref_slice %arg7[%dma_wait3A_116, %dma_wait3A_117] : memref<8x128xi32, #tpu.memory_space<vmem>> -> memref<1x128xi32, #tpu.memory_space<vmem>>
      %dma_wait3A_119 = tpu.memref_squeeze %dma_wait3A_118 : memref<1x128xi32, #tpu.memory_space<vmem>> -> memref<128xi32, #tpu.memory_space<vmem>>
      %dma_wait3A_120 = arith.constant 0 : i32
      %dma_wait3A_121 = arith.constant 0 : i32
      %dma_wait3A_122 = tpu.memref_slice %arg2[%dma_wait3A_120, %dma_wait3A_121] : memref<10000x128xf32, #tpu.memory_space<hbm>> -> memref<10000x128xf32, #tpu.memory_space<hbm>>
      tpu.wait_indirect_dma semaphore(%arg13 : memref<!tpu.dma_semaphore, #tpu.memory_space<semaphore_mem>>) src(%dma_wait3A_122 : memref<10000x128xf32, #tpu.memory_space<hbm>>) dst(%arg10 : memref<128x128xf32, #tpu.memory_space<vmem>>)
      %dma_start3A_123 = arith.constant 3 : i32
      %dma_start3A_124 = arith.constant 0 : i32
      %dma_start3A_125 = tpu.memref_slice %arg8[%dma_start3A_123, %dma_start3A_124] : memref<8x128xi32, #tpu.memory_space<vmem>> -> memref<1x128xi32, #tpu.memory_space<vmem>>
      %dma_start3A_126 = tpu.memref_squeeze %dma_start3A_125 : memref<1x128xi32, #tpu.memory_space<vmem>> -> memref<128xi32, #tpu.memory_space<vmem>>
      %dma_start3A_127 = arith.constant 0 : i32
      %dma_start3A_128 = arith.constant 0 : i32
      %dma_start3A_129 = tpu.memref_slice %arg11[%dma_start3A_127, %dma_start3A_128] : memref<10112x128xf32, #tpu.memory_space<vmem_shared>> -> memref<10112x128xf32, #tpu.memory_space<vmem_shared>>
      tpu.enqueue_indirect_dma source(%arg10 : memref<128x128xf32, #tpu.memory_space<vmem>>) target(%dma_start3A_129 : memref<10112x128xf32, #tpu.memory_space<vmem_shared>>) offsets(%dma_start3A_126 : memref<128xi32, #tpu.memory_space<vmem>>) semaphore(%arg15 : memref<!tpu.dma_semaphore, #tpu.memory_space<semaphore_mem>>) {add = true}
      %dma_wait3A_130 = arith.constant 3 : i32
      %dma_wait3A_131 = arith.constant 0 : i32
      %dma_wait3A_132 = tpu.memref_slice %arg8[%dma_wait3A_130, %dma_wait3A_131] : memref<8x128xi32, #tpu.memory_space<vmem>> -> memref<1x128xi32, #tpu.memory_space<vmem>>
      %dma_wait3A_133 = tpu.memref_squeeze %dma_wait3A_132 : memref<1x128xi32, #tpu.memory_space<vmem>> -> memref<128xi32, #tpu.memory_space<vmem>>
      %dma_wait3A_134 = arith.constant 0 : i32
      %dma_wait3A_135 = arith.constant 0 : i32
      %dma_wait3A_136 = tpu.memref_slice %arg11[%dma_wait3A_134, %dma_wait3A_135] : memref<10112x128xf32, #tpu.memory_space<vmem_shared>> -> memref<10112x128xf32, #tpu.memory_space<vmem_shared>>
      tpu.wait_indirect_dma semaphore(%arg15 : memref<!tpu.dma_semaphore, #tpu.memory_space<semaphore_mem>>) src(%arg10 : memref<128x128xf32, #tpu.memory_space<vmem>>) dst(%dma_wait3A_136 : memref<10112x128xf32, #tpu.memory_space<vmem_shared>>)
      %dma_start3A_137 = arith.constant 5 : i32
      %dma_start3A_138 = arith.constant 0 : i32
      %dma_start3A_139 = tpu.memref_slice %arg7[%dma_start3A_137, %dma_start3A_138] : memref<8x128xi32, #tpu.memory_space<vmem>> -> memref<1x128xi32, #tpu.memory_space<vmem>>
      %dma_start3A_140 = tpu.memref_squeeze %dma_start3A_139 : memref<1x128xi32, #tpu.memory_space<vmem>> -> memref<128xi32, #tpu.memory_space<vmem>>
      %dma_start3A_141 = arith.constant 0 : i32
      %dma_start3A_142 = arith.constant 0 : i32
      %dma_start3A_143 = tpu.memref_slice %arg2[%dma_start3A_141, %dma_start3A_142] : memref<10000x128xf32, #tpu.memory_space<hbm>> -> memref<10000x128xf32, #tpu.memory_space<hbm>>
      tpu.enqueue_indirect_dma source(%dma_start3A_143 : memref<10000x128xf32, #tpu.memory_space<hbm>>) target(%arg10 : memref<128x128xf32, #tpu.memory_space<vmem>>) offsets(%dma_start3A_140 : memref<128xi32, #tpu.memory_space<vmem>>) semaphore(%arg13 : memref<!tpu.dma_semaphore, #tpu.memory_space<semaphore_mem>>)
      %dma_wait3A_144 = arith.constant 4 : i32
      %dma_wait3A_145 = arith.constant 0 : i32
      %dma_wait3A_146 = tpu.memref_slice %arg7[%dma_wait3A_144, %dma_wait3A_145] : memref<8x128xi32, #tpu.memory_space<vmem>> -> memref<1x128xi32, #tpu.memory_space<vmem>>
      %dma_wait3A_147 = tpu.memref_squeeze %dma_wait3A_146 : memref<1x128xi32, #tpu.memory_space<vmem>> -> memref<128xi32, #tpu.memory_space<vmem>>
      %dma_wait3A_148 = arith.constant 0 : i32
      %dma_wait3A_149 = arith.constant 0 : i32
      %dma_wait3A_150 = tpu.memref_slice %arg2[%dma_wait3A_148, %dma_wait3A_149] : memref<10000x128xf32, #tpu.memory_space<hbm>> -> memref<10000x128xf32, #tpu.memory_space<hbm>>
      tpu.wait_indirect_dma semaphore(%arg12 : memref<!tpu.dma_semaphore, #tpu.memory_space<semaphore_mem>>) src(%dma_wait3A_150 : memref<10000x128xf32, #tpu.memory_space<hbm>>) dst(%arg9 : memref<128x128xf32, #tpu.memory_space<vmem>>)
      %dma_start3A_151 = arith.constant 4 : i32
      %dma_start3A_152 = arith.constant 0 : i32
      %dma_start3A_153 = tpu.memref_slice %arg8[%dma_start3A_151, %dma_start3A_152] : memref<8x128xi32, #tpu.memory_space<vmem>> -> memref<1x128xi32, #tpu.memory_space<vmem>>
      %dma_start3A_154 = tpu.memref_squeeze %dma_start3A_153 : memref<1x128xi32, #tpu.memory_space<vmem>> -> memref<128xi32, #tpu.memory_space<vmem>>
      %dma_start3A_155 = arith.constant 0 : i32
      %dma_start3A_156 = arith.constant 0 : i32
      %dma_start3A_157 = tpu.memref_slice %arg11[%dma_start3A_155, %dma_start3A_156] : memref<10112x128xf32, #tpu.memory_space<vmem_shared>> -> memref<10112x128xf32, #tpu.memory_space<vmem_shared>>
      tpu.enqueue_indirect_dma source(%arg9 : memref<128x128xf32, #tpu.memory_space<vmem>>) target(%dma_start3A_157 : memref<10112x128xf32, #tpu.memory_space<vmem_shared>>) offsets(%dma_start3A_154 : memref<128xi32, #tpu.memory_space<vmem>>) semaphore(%arg14 : memref<!tpu.dma_semaphore, #tpu.memory_space<semaphore_mem>>) {add = true}
      %dma_wait3A_158 = arith.constant 4 : i32
      %dma_wait3A_159 = arith.constant 0 : i32
      %dma_wait3A_160 = tpu.memref_slice %arg8[%dma_wait3A_158, %dma_wait3A_159] : memref<8x128xi32, #tpu.memory_space<vmem>> -> memref<1x128xi32, #tpu.memory_space<vmem>>
      %dma_wait3A_161 = tpu.memref_squeeze %dma_wait3A_160 : memref<1x128xi32, #tpu.memory_space<vmem>> -> memref<128xi32, #tpu.memory_space<vmem>>
      %dma_wait3A_162 = arith.constant 0 : i32
      %dma_wait3A_163 = arith.constant 0 : i32
      %dma_wait3A_164 = tpu.memref_slice %arg11[%dma_wait3A_162, %dma_wait3A_163] : memref<10112x128xf32, #tpu.memory_space<vmem_shared>> -> memref<10112x128xf32, #tpu.memory_space<vmem_shared>>
      tpu.wait_indirect_dma semaphore(%arg14 : memref<!tpu.dma_semaphore, #tpu.memory_space<semaphore_mem>>) src(%arg9 : memref<128x128xf32, #tpu.memory_space<vmem>>) dst(%dma_wait3A_164 : memref<10112x128xf32, #tpu.memory_space<vmem_shared>>)
      %dma_start3A_165 = arith.constant 6 : i32
      %dma_start3A_166 = arith.constant 0 : i32
      %dma_start3A_167 = tpu.memref_slice %arg7[%dma_start3A_165, %dma_start3A_166] : memref<8x128xi32, #tpu.memory_space<vmem>> -> memref<1x128xi32, #tpu.memory_space<vmem>>
      %dma_start3A_168 = tpu.memref_squeeze %dma_start3A_167 : memref<1x128xi32, #tpu.memory_space<vmem>> -> memref<128xi32, #tpu.memory_space<vmem>>
      %dma_start3A_169 = arith.constant 0 : i32
      %dma_start3A_170 = arith.constant 0 : i32
      %dma_start3A_171 = tpu.memref_slice %arg2[%dma_start3A_169, %dma_start3A_170] : memref<10000x128xf32, #tpu.memory_space<hbm>> -> memref<10000x128xf32, #tpu.memory_space<hbm>>
      tpu.enqueue_indirect_dma source(%dma_start3A_171 : memref<10000x128xf32, #tpu.memory_space<hbm>>) target(%arg9 : memref<128x128xf32, #tpu.memory_space<vmem>>) offsets(%dma_start3A_168 : memref<128xi32, #tpu.memory_space<vmem>>) semaphore(%arg12 : memref<!tpu.dma_semaphore, #tpu.memory_space<semaphore_mem>>)
      %dma_wait3A_172 = arith.constant 5 : i32
      %dma_wait3A_173 = arith.constant 0 : i32
      %dma_wait3A_174 = tpu.memref_slice %arg7[%dma_wait3A_172, %dma_wait3A_173] : memref<8x128xi32, #tpu.memory_space<vmem>> -> memref<1x128xi32, #tpu.memory_space<vmem>>
      %dma_wait3A_175 = tpu.memref_squeeze %dma_wait3A_174 : memref<1x128xi32, #tpu.memory_space<vmem>> -> memref<128xi32, #tpu.memory_space<vmem>>
      %dma_wait3A_176 = arith.constant 0 : i32
      %dma_wait3A_177 = arith.constant 0 : i32
      %dma_wait3A_178 = tpu.memref_slice %arg2[%dma_wait3A_176, %dma_wait3A_177] : memref<10000x128xf32, #tpu.memory_space<hbm>> -> memref<10000x128xf32, #tpu.memory_space<hbm>>
      tpu.wait_indirect_dma semaphore(%arg13 : memref<!tpu.dma_semaphore, #tpu.memory_space<semaphore_mem>>) src(%dma_wait3A_178 : memref<10000x128xf32, #tpu.memory_space<hbm>>) dst(%arg10 : memref<128x128xf32, #tpu.memory_space<vmem>>)
      %dma_start3A_179 = arith.constant 5 : i32
      %dma_start3A_180 = arith.constant 0 : i32
      %dma_start3A_181 = tpu.memref_slice %arg8[%dma_start3A_179, %dma_start3A_180] : memref<8x128xi32, #tpu.memory_space<vmem>> -> memref<1x128xi32, #tpu.memory_space<vmem>>
      %dma_start3A_182 = tpu.memref_squeeze %dma_start3A_181 : memref<1x128xi32, #tpu.memory_space<vmem>> -> memref<128xi32, #tpu.memory_space<vmem>>
      %dma_start3A_183 = arith.constant 0 : i32
      %dma_start3A_184 = arith.constant 0 : i32
      %dma_start3A_185 = tpu.memref_slice %arg11[%dma_start3A_183, %dma_start3A_184] : memref<10112x128xf32, #tpu.memory_space<vmem_shared>> -> memref<10112x128xf32, #tpu.memory_space<vmem_shared>>
      tpu.enqueue_indirect_dma source(%arg10 : memref<128x128xf32, #tpu.memory_space<vmem>>) target(%dma_start3A_185 : memref<10112x128xf32, #tpu.memory_space<vmem_shared>>) offsets(%dma_start3A_182 : memref<128xi32, #tpu.memory_space<vmem>>) semaphore(%arg15 : memref<!tpu.dma_semaphore, #tpu.memory_space<semaphore_mem>>) {add = true}
      %dma_wait3A_186 = arith.constant 5 : i32
      %dma_wait3A_187 = arith.constant 0 : i32
      %dma_wait3A_188 = tpu.memref_slice %arg8[%dma_wait3A_186, %dma_wait3A_187] : memref<8x128xi32, #tpu.memory_space<vmem>> -> memref<1x128xi32, #tpu.memory_space<vmem>>
      %dma_wait3A_189 = tpu.memref_squeeze %dma_wait3A_188 : memref<1x128xi32, #tpu.memory_space<vmem>> -> memref<128xi32, #tpu.memory_space<vmem>>
      %dma_wait3A_190 = arith.constant 0 : i32
      %dma_wait3A_191 = arith.constant 0 : i32
      %dma_wait3A_192 = tpu.memref_slice %arg11[%dma_wait3A_190, %dma_wait3A_191] : memref<10112x128xf32, #tpu.memory_space<vmem_shared>> -> memref<10112x128xf32, #tpu.memory_space<vmem_shared>>
      tpu.wait_indirect_dma semaphore(%arg15 : memref<!tpu.dma_semaphore, #tpu.memory_space<semaphore_mem>>) src(%arg10 : memref<128x128xf32, #tpu.memory_space<vmem>>) dst(%dma_wait3A_192 : memref<10112x128xf32, #tpu.memory_space<vmem_shared>>)
      %dma_start3A_193 = arith.constant 7 : i32
      %dma_start3A_194 = arith.constant 0 : i32
      %dma_start3A_195 = tpu.memref_slice %arg7[%dma_start3A_193, %dma_start3A_194] : memref<8x128xi32, #tpu.memory_space<vmem>> -> memref<1x128xi32, #tpu.memory_space<vmem>>
      %dma_start3A_196 = tpu.memref_squeeze %dma_start3A_195 : memref<1x128xi32, #tpu.memory_space<vmem>> -> memref<128xi32, #tpu.memory_space<vmem>>
      %dma_start3A_197 = arith.constant 0 : i32
      %dma_start3A_198 = arith.constant 0 : i32
      %dma_start3A_199 = tpu.memref_slice %arg2[%dma_start3A_197, %dma_start3A_198] : memref<10000x128xf32, #tpu.memory_space<hbm>> -> memref<10000x128xf32, #tpu.memory_space<hbm>>
      tpu.enqueue_indirect_dma source(%dma_start3A_199 : memref<10000x128xf32, #tpu.memory_space<hbm>>) target(%arg10 : memref<128x128xf32, #tpu.memory_space<vmem>>) offsets(%dma_start3A_196 : memref<128xi32, #tpu.memory_space<vmem>>) semaphore(%arg13 : memref<!tpu.dma_semaphore, #tpu.memory_space<semaphore_mem>>)
      %dma_wait3A_200 = arith.constant 6 : i32
      %dma_wait3A_201 = arith.constant 0 : i32
      %dma_wait3A_202 = tpu.memref_slice %arg7[%dma_wait3A_200, %dma_wait3A_201] : memref<8x128xi32, #tpu.memory_space<vmem>> -> memref<1x128xi32, #tpu.memory_space<vmem>>
      %dma_wait3A_203 = tpu.memref_squeeze %dma_wait3A_202 : memref<1x128xi32, #tpu.memory_space<vmem>> -> memref<128xi32, #tpu.memory_space<vmem>>
      %dma_wait3A_204 = arith.constant 0 : i32
      %dma_wait3A_205 = arith.constant 0 : i32
      %dma_wait3A_206 = tpu.memref_slice %arg2[%dma_wait3A_204, %dma_wait3A_205] : memref<10000x128xf32, #tpu.memory_space<hbm>> -> memref<10000x128xf32, #tpu.memory_space<hbm>>
      tpu.wait_indirect_dma semaphore(%arg12 : memref<!tpu.dma_semaphore, #tpu.memory_space<semaphore_mem>>) src(%dma_wait3A_206 : memref<10000x128xf32, #tpu.memory_space<hbm>>) dst(%arg9 : memref<128x128xf32, #tpu.memory_space<vmem>>)
      %dma_start3A_207 = arith.constant 6 : i32
      %dma_start3A_208 = arith.constant 0 : i32
      %dma_start3A_209 = tpu.memref_slice %arg8[%dma_start3A_207, %dma_start3A_208] : memref<8x128xi32, #tpu.memory_space<vmem>> -> memref<1x128xi32, #tpu.memory_space<vmem>>
      %dma_start3A_210 = tpu.memref_squeeze %dma_start3A_209 : memref<1x128xi32, #tpu.memory_space<vmem>> -> memref<128xi32, #tpu.memory_space<vmem>>
      %dma_start3A_211 = arith.constant 0 : i32
      %dma_start3A_212 = arith.constant 0 : i32
      %dma_start3A_213 = tpu.memref_slice %arg11[%dma_start3A_211, %dma_start3A_212] : memref<10112x128xf32, #tpu.memory_space<vmem_shared>> -> memref<10112x128xf32, #tpu.memory_space<vmem_shared>>
      tpu.enqueue_indirect_dma source(%arg9 : memref<128x128xf32, #tpu.memory_space<vmem>>) target(%dma_start3A_213 : memref<10112x128xf32, #tpu.memory_space<vmem_shared>>) offsets(%dma_start3A_210 : memref<128xi32, #tpu.memory_space<vmem>>) semaphore(%arg14 : memref<!tpu.dma_semaphore, #tpu.memory_space<semaphore_mem>>) {add = true}
      %dma_wait3A_214 = arith.constant 6 : i32
      %dma_wait3A_215 = arith.constant 0 : i32
      %dma_wait3A_216 = tpu.memref_slice %arg8[%dma_wait3A_214, %dma_wait3A_215] : memref<8x128xi32, #tpu.memory_space<vmem>> -> memref<1x128xi32, #tpu.memory_space<vmem>>
      %dma_wait3A_217 = tpu.memref_squeeze %dma_wait3A_216 : memref<1x128xi32, #tpu.memory_space<vmem>> -> memref<128xi32, #tpu.memory_space<vmem>>
      %dma_wait3A_218 = arith.constant 0 : i32
      %dma_wait3A_219 = arith.constant 0 : i32
      %dma_wait3A_220 = tpu.memref_slice %arg11[%dma_wait3A_218, %dma_wait3A_219] : memref<10112x128xf32, #tpu.memory_space<vmem_shared>> -> memref<10112x128xf32, #tpu.memory_space<vmem_shared>>
      tpu.wait_indirect_dma semaphore(%arg14 : memref<!tpu.dma_semaphore, #tpu.memory_space<semaphore_mem>>) src(%arg9 : memref<128x128xf32, #tpu.memory_space<vmem>>) dst(%dma_wait3A_220 : memref<10112x128xf32, #tpu.memory_space<vmem_shared>>)
      %dma_wait3A_221 = arith.constant 7 : i32
      %dma_wait3A_222 = arith.constant 0 : i32
      %dma_wait3A_223 = tpu.memref_slice %arg7[%dma_wait3A_221, %dma_wait3A_222] : memref<8x128xi32, #tpu.memory_space<vmem>> -> memref<1x128xi32, #tpu.memory_space<vmem>>
      %dma_wait3A_224 = tpu.memref_squeeze %dma_wait3A_223 : memref<1x128xi32, #tpu.memory_space<vmem>> -> memref<128xi32, #tpu.memory_space<vmem>>
      %dma_wait3A_225 = arith.constant 0 : i32
      %dma_wait3A_226 = arith.constant 0 : i32
      %dma_wait3A_227 = tpu.memref_slice %arg2[%dma_wait3A_225, %dma_wait3A_226] : memref<10000x128xf32, #tpu.memory_space<hbm>> -> memref<10000x128xf32, #tpu.memory_space<hbm>>
      tpu.wait_indirect_dma semaphore(%arg13 : memref<!tpu.dma_semaphore, #tpu.memory_space<semaphore_mem>>) src(%dma_wait3A_227 : memref<10000x128xf32, #tpu.memory_space<hbm>>) dst(%arg10 : memref<128x128xf32, #tpu.memory_space<vmem>>)
      %dma_start3A_228 = arith.constant 7 : i32
      %dma_start3A_229 = arith.constant 0 : i32
      %dma_start3A_230 = tpu.memref_slice %arg8[%dma_start3A_228, %dma_start3A_229] : memref<8x128xi32, #tpu.memory_space<vmem>> -> memref<1x128xi32, #tpu.memory_space<vmem>>
      %dma_start3A_231 = tpu.memref_squeeze %dma_start3A_230 : memref<1x128xi32, #tpu.memory_space<vmem>> -> memref<128xi32, #tpu.memory_space<vmem>>
      %dma_start3A_232 = arith.constant 0 : i32
      %dma_start3A_233 = arith.constant 0 : i32
      %dma_start3A_234 = tpu.memref_slice %arg11[%dma_start3A_232, %dma_start3A_233] : memref<10112x128xf32, #tpu.memory_space<vmem_shared>> -> memref<10112x128xf32, #tpu.memory_space<vmem_shared>>
      tpu.enqueue_indirect_dma source(%arg10 : memref<128x128xf32, #tpu.memory_space<vmem>>) target(%dma_start3A_234 : memref<10112x128xf32, #tpu.memory_space<vmem_shared>>) offsets(%dma_start3A_231 : memref<128xi32, #tpu.memory_space<vmem>>) semaphore(%arg15 : memref<!tpu.dma_semaphore, #tpu.memory_space<semaphore_mem>>) {add = true}
      %dma_wait3A_235 = arith.constant 7 : i32
      %dma_wait3A_236 = arith.constant 0 : i32
      %dma_wait3A_237 = tpu.memref_slice %arg8[%dma_wait3A_235, %dma_wait3A_236] : memref<8x128xi32, #tpu.memory_space<vmem>> -> memref<1x128xi32, #tpu.memory_space<vmem>>
      %dma_wait3A_238 = tpu.memref_squeeze %dma_wait3A_237 : memref<1x128xi32, #tpu.memory_space<vmem>> -> memref<128xi32, #tpu.memory_space<vmem>>
      %dma_wait3A_239 = arith.constant 0 : i32
      %dma_wait3A_240 = arith.constant 0 : i32
      %dma_wait3A_241 = tpu.memref_slice %arg11[%dma_wait3A_239, %dma_wait3A_240] : memref<10112x128xf32, #tpu.memory_space<vmem_shared>> -> memref<10112x128xf32, #tpu.memory_space<vmem_shared>>
      tpu.wait_indirect_dma semaphore(%arg15 : memref<!tpu.dma_semaphore, #tpu.memory_space<semaphore_mem>>) src(%arg10 : memref<128x128xf32, #tpu.memory_space<vmem>>) dst(%dma_wait3A_241 : memref<10112x128xf32, #tpu.memory_space<vmem_shared>>)
    }
    %while3A_13 = arith.constant 1 : i32
    scf.for %while3A_19 = %while3A_11 to %while3A_7 step %while3A_13  : i32 {
      "tpu.region"() ({
        %run_scoped3A = tpu.sem_alloc : memref<!tpu.dma_semaphore, #tpu.memory_space<semaphore_mem>>
        %dma_start3A_242 = arith.constant 0 : i32
        %dma_start3A_243 = arith.constant 0 : i32
        %dma_start3A_244 = tpu.memref_slice %arg3[%arg0, %arg1, %while3A_19, %dma_start3A_242, %dma_start3A_243] : memref<2x16x15x8x128xi32, #tpu.memory_space<hbm>> -> memref<1x1x1x8x128xi32, #tpu.memory_space<hbm>>
        %dma_start3A_245 = tpu.memref_squeeze %dma_start3A_244 : memref<1x1x1x8x128xi32, #tpu.memory_space<hbm>> -> memref<8x128xi32, #tpu.memory_space<hbm>>
        %dma_start3A_246 = arith.constant 0 : i32
        %dma_start3A_247 = arith.constant 0 : i32
        %dma_start3A_248 = tpu.memref_slice %arg3[%arg0, %arg1, %while3A_19, %dma_start3A_246, %dma_start3A_247] : memref<2x16x15x8x128xi32, #tpu.memory_space<hbm>> -> memref<1x1x1x8x128xi32, #tpu.memory_space<hbm>>
        %dma_start3A_249 = tpu.memref_squeeze %dma_start3A_248 : memref<1x1x1x8x128xi32, #tpu.memory_space<hbm>> -> memref<8x128xi32, #tpu.memory_space<hbm>>
        tpu.enqueue_dma source(%dma_start3A_249 : memref<8x128xi32, #tpu.memory_space<hbm>>) target(%arg7 : memref<8x128xi32, #tpu.memory_space<vmem>>) target_semaphore(%run_scoped3A : memref<!tpu.dma_semaphore, #tpu.memory_space<semaphore_mem>>)
        %dma_wait3A_250 = arith.constant 0 : i32
        %dma_wait3A_251 = arith.constant 0 : i32
        %dma_wait3A_252 = tpu.memref_slice %arg3[%arg0, %arg1, %while3A_19, %dma_wait3A_250, %dma_wait3A_251] : memref<2x16x15x8x128xi32, #tpu.memory_space<hbm>> -> memref<1x1x1x8x128xi32, #tpu.memory_space<hbm>>
        %dma_wait3A_253 = tpu.memref_squeeze %dma_wait3A_252 : memref<1x1x1x8x128xi32, #tpu.memory_space<hbm>> -> memref<8x128xi32, #tpu.memory_space<hbm>>
        %dma_wait3A_254 = arith.constant 0 : i32
        %dma_wait3A_255 = arith.constant 0 : i32
        %dma_wait3A_256 = tpu.memref_slice %arg3[%arg0, %arg1, %while3A_19, %dma_wait3A_254, %dma_wait3A_255] : memref<2x16x15x8x128xi32, #tpu.memory_space<hbm>> -> memref<1x1x1x8x128xi32, #tpu.memory_space<hbm>>
        %dma_wait3A_257 = tpu.memref_squeeze %dma_wait3A_256 : memref<1x1x1x8x128xi32, #tpu.memory_space<hbm>> -> memref<8x128xi32, #tpu.memory_space<hbm>>
        tpu.wait_dma2 semaphore(%run_scoped3A : memref<!tpu.dma_semaphore, #tpu.memory_space<semaphore_mem>>) src(%dma_wait3A_257 : memref<8x128xi32, #tpu.memory_space<hbm>>) dst(%arg7 : memref<8x128xi32, #tpu.memory_space<vmem>>)
        tpu.yield
      }) : () -> ()
      "tpu.region"() ({
        %run_scoped3A = tpu.sem_alloc : memref<!tpu.dma_semaphore, #tpu.memory_space<semaphore_mem>>
        %dma_start3A_242 = arith.constant 0 : i32
        %dma_start3A_243 = arith.constant 0 : i32
        %dma_start3A_244 = tpu.memref_slice %arg4[%arg0, %arg1, %while3A_19, %dma_start3A_242, %dma_start3A_243] : memref<2x16x15x8x128xi32, #tpu.memory_space<hbm>> -> memref<1x1x1x8x128xi32, #tpu.memory_space<hbm>>
        %dma_start3A_245 = tpu.memref_squeeze %dma_start3A_244 : memref<1x1x1x8x128xi32, #tpu.memory_space<hbm>> -> memref<8x128xi32, #tpu.memory_space<hbm>>
        %dma_start3A_246 = arith.constant 0 : i32
        %dma_start3A_247 = arith.constant 0 : i32
        %dma_start3A_248 = tpu.memref_slice %arg4[%arg0, %arg1, %while3A_19, %dma_start3A_246, %dma_start3A_247] : memref<2x16x15x8x128xi32, #tpu.memory_space<hbm>> -> memref<1x1x1x8x128xi32, #tpu.memory_space<hbm>>
        %dma_start3A_249 = tpu.memref_squeeze %dma_start3A_248 : memref<1x1x1x8x128xi32, #tpu.memory_space<hbm>> -> memref<8x128xi32, #tpu.memory_space<hbm>>
        tpu.enqueue_dma source(%dma_start3A_249 : memref<8x128xi32, #tpu.memory_space<hbm>>) target(%arg8 : memref<8x128xi32, #tpu.memory_space<vmem>>) target_semaphore(%run_scoped3A : memref<!tpu.dma_semaphore, #tpu.memory_space<semaphore_mem>>)
        %dma_wait3A_250 = arith.constant 0 : i32
        %dma_wait3A_251 = arith.constant 0 : i32
        %dma_wait3A_252 = tpu.memref_slice %arg4[%arg0, %arg1, %while3A_19, %dma_wait3A_250, %dma_wait3A_251] : memref<2x16x15x8x128xi32, #tpu.memory_space<hbm>> -> memref<1x1x1x8x128xi32, #tpu.memory_space<hbm>>
        %dma_wait3A_253 = tpu.memref_squeeze %dma_wait3A_252 : memref<1x1x1x8x128xi32, #tpu.memory_space<hbm>> -> memref<8x128xi32, #tpu.memory_space<hbm>>
        %dma_wait3A_254 = arith.constant 0 : i32
        %dma_wait3A_255 = arith.constant 0 : i32
        %dma_wait3A_256 = tpu.memref_slice %arg4[%arg0, %arg1, %while3A_19, %dma_wait3A_254, %dma_wait3A_255] : memref<2x16x15x8x128xi32, #tpu.memory_space<hbm>> -> memref<1x1x1x8x128xi32, #tpu.memory_space<hbm>>
        %dma_wait3A_257 = tpu.memref_squeeze %dma_wait3A_256 : memref<1x1x1x8x128xi32, #tpu.memory_space<hbm>> -> memref<8x128xi32, #tpu.memory_space<hbm>>
        tpu.wait_dma2 semaphore(%run_scoped3A : memref<!tpu.dma_semaphore, #tpu.memory_space<semaphore_mem>>) src(%dma_wait3A_257 : memref<8x128xi32, #tpu.memory_space<hbm>>) dst(%arg8 : memref<8x128xi32, #tpu.memory_space<vmem>>)
        tpu.yield
      }) : () -> ()
      %dma_start3A = arith.constant 0 : i32
      %dma_start3A_20 = arith.constant 0 : i32
      %dma_start3A_21 = tpu.memref_slice %arg7[%dma_start3A, %dma_start3A_20] : memref<8x128xi32, #tpu.memory_space<vmem>> -> memref<1x128xi32, #tpu.memory_space<vmem>>
      %dma_start3A_22 = tpu.memref_squeeze %dma_start3A_21 : memref<1x128xi32, #tpu.memory_space<vmem>> -> memref<128xi32, #tpu.memory_space<vmem>>
      %dma_start3A_23 = arith.constant 0 : i32
      %dma_start3A_24 = arith.constant 0 : i32
      %dma_start3A_25 = tpu.memref_slice %arg2[%dma_start3A_23, %dma_start3A_24] : memref<10000x128xf32, #tpu.memory_space<hbm>> -> memref<10000x128xf32, #tpu.memory_space<hbm>>
      tpu.enqueue_indirect_dma source(%dma_start3A_25 : memref<10000x128xf32, #tpu.memory_space<hbm>>) target(%arg9 : memref<128x128xf32, #tpu.memory_space<vmem>>) offsets(%dma_start3A_22 : memref<128xi32, #tpu.memory_space<vmem>>) semaphore(%arg12 : memref<!tpu.dma_semaphore, #tpu.memory_space<semaphore_mem>>)
      %dma_start3A_26 = arith.constant 1 : i32
      %dma_start3A_27 = arith.constant 0 : i32
      %dma_start3A_28 = tpu.memref_slice %arg7[%dma_start3A_26, %dma_start3A_27] : memref<8x128xi32, #tpu.memory_space<vmem>> -> memref<1x128xi32, #tpu.memory_space<vmem>>
      %dma_start3A_29 = tpu.memref_squeeze %dma_start3A_28 : memref<1x128xi32, #tpu.memory_space<vmem>> -> memref<128xi32, #tpu.memory_space<vmem>>
      %dma_start3A_30 = arith.constant 0 : i32
      %dma_start3A_31 = arith.constant 0 : i32
      %dma_start3A_32 = tpu.memref_slice %arg2[%dma_start3A_30, %dma_start3A_31] : memref<10000x128xf32, #tpu.memory_space<hbm>> -> memref<10000x128xf32, #tpu.memory_space<hbm>>
      tpu.enqueue_indirect_dma source(%dma_start3A_32 : memref<10000x128xf32, #tpu.memory_space<hbm>>) target(%arg10 : memref<128x128xf32, #tpu.memory_space<vmem>>) offsets(%dma_start3A_29 : memref<128xi32, #tpu.memory_space<vmem>>) semaphore(%arg13 : memref<!tpu.dma_semaphore, #tpu.memory_space<semaphore_mem>>)
      %dma_wait3A = arith.constant 0 : i32
      %dma_wait3A_33 = arith.constant 0 : i32
      %dma_wait3A_34 = tpu.memref_slice %arg7[%dma_wait3A, %dma_wait3A_33] : memref<8x128xi32, #tpu.memory_space<vmem>> -> memref<1x128xi32, #tpu.memory_space<vmem>>
      %dma_wait3A_35 = tpu.memref_squeeze %dma_wait3A_34 : memref<1x128xi32, #tpu.memory_space<vmem>> -> memref<128xi32, #tpu.memory_space<vmem>>
      %dma_wait3A_36 = arith.constant 0 : i32
      %dma_wait3A_37 = arith.constant 0 : i32
      %dma_wait3A_38 = tpu.memref_slice %arg2[%dma_wait3A_36, %dma_wait3A_37] : memref<10000x128xf32, #tpu.memory_space<hbm>> -> memref<10000x128xf32, #tpu.memory_space<hbm>>
      tpu.wait_indirect_dma semaphore(%arg12 : memref<!tpu.dma_semaphore, #tpu.memory_space<semaphore_mem>>) src(%dma_wait3A_38 : memref<10000x128xf32, #tpu.memory_space<hbm>>) dst(%arg9 : memref<128x128xf32, #tpu.memory_space<vmem>>)
      %dma_start3A_39 = arith.constant 0 : i32
      %dma_start3A_40 = arith.constant 0 : i32
      %dma_start3A_41 = tpu.memref_slice %arg8[%dma_start3A_39, %dma_start3A_40] : memref<8x128xi32, #tpu.memory_space<vmem>> -> memref<1x128xi32, #tpu.memory_space<vmem>>
      %dma_start3A_42 = tpu.memref_squeeze %dma_start3A_41 : memref<1x128xi32, #tpu.memory_space<vmem>> -> memref<128xi32, #tpu.memory_space<vmem>>
      %dma_start3A_43 = arith.constant 0 : i32
      %dma_start3A_44 = arith.constant 0 : i32
      %dma_start3A_45 = tpu.memref_slice %arg11[%dma_start3A_43, %dma_start3A_44] : memref<10112x128xf32, #tpu.memory_space<vmem_shared>> -> memref<10112x128xf32, #tpu.memory_space<vmem_shared>>
      tpu.enqueue_indirect_dma source(%arg9 : memref<128x128xf32, #tpu.memory_space<vmem>>) target(%dma_start3A_45 : memref<10112x128xf32, #tpu.memory_space<vmem_shared>>) offsets(%dma_start3A_42 : memref<128xi32, #tpu.memory_space<vmem>>) semaphore(%arg14 : memref<!tpu.dma_semaphore, #tpu.memory_space<semaphore_mem>>) {add = true}
      %dma_wait3A_46 = arith.constant 0 : i32
      %dma_wait3A_47 = arith.constant 0 : i32
      %dma_wait3A_48 = tpu.memref_slice %arg8[%dma_wait3A_46, %dma_wait3A_47] : memref<8x128xi32, #tpu.memory_space<vmem>> -> memref<1x128xi32, #tpu.memory_space<vmem>>
      %dma_wait3A_49 = tpu.memref_squeeze %dma_wait3A_48 : memref<1x128xi32, #tpu.memory_space<vmem>> -> memref<128xi32, #tpu.memory_space<vmem>>
      %dma_wait3A_50 = arith.constant 0 : i32
      %dma_wait3A_51 = arith.constant 0 : i32
      %dma_wait3A_52 = tpu.memref_slice %arg11[%dma_wait3A_50, %dma_wait3A_51] : memref<10112x128xf32, #tpu.memory_space<vmem_shared>> -> memref<10112x128xf32, #tpu.memory_space<vmem_shared>>
      tpu.wait_indirect_dma semaphore(%arg14 : memref<!tpu.dma_semaphore, #tpu.memory_space<semaphore_mem>>) src(%arg9 : memref<128x128xf32, #tpu.memory_space<vmem>>) dst(%dma_wait3A_52 : memref<10112x128xf32, #tpu.memory_space<vmem_shared>>)
      %dma_start3A_53 = arith.constant 2 : i32
      %dma_start3A_54 = arith.constant 0 : i32
      %dma_start3A_55 = tpu.memref_slice %arg7[%dma_start3A_53, %dma_start3A_54] : memref<8x128xi32, #tpu.memory_space<vmem>> -> memref<1x128xi32, #tpu.memory_space<vmem>>
      %dma_start3A_56 = tpu.memref_squeeze %dma_start3A_55 : memref<1x128xi32, #tpu.memory_space<vmem>> -> memref<128xi32, #tpu.memory_space<vmem>>
      %dma_start3A_57 = arith.constant 0 : i32
      %dma_start3A_58 = arith.constant 0 : i32
      %dma_start3A_59 = tpu.memref_slice %arg2[%dma_start3A_57, %dma_start3A_58] : memref<10000x128xf32, #tpu.memory_space<hbm>> -> memref<10000x128xf32, #tpu.memory_space<hbm>>
      tpu.enqueue_indirect_dma source(%dma_start3A_59 : memref<10000x128xf32, #tpu.memory_space<hbm>>) target(%arg9 : memref<128x128xf32, #tpu.memory_space<vmem>>) offsets(%dma_start3A_56 : memref<128xi32, #tpu.memory_space<vmem>>) semaphore(%arg12 : memref<!tpu.dma_semaphore, #tpu.memory_space<semaphore_mem>>)
      %dma_wait3A_60 = arith.constant 1 : i32
      %dma_wait3A_61 = arith.constant 0 : i32
      %dma_wait3A_62 = tpu.memref_slice %arg7[%dma_wait3A_60, %dma_wait3A_61] : memref<8x128xi32, #tpu.memory_space<vmem>> -> memref<1x128xi32, #tpu.memory_space<vmem>>
      %dma_wait3A_63 = tpu.memref_squeeze %dma_wait3A_62 : memref<1x128xi32, #tpu.memory_space<vmem>> -> memref<128xi32, #tpu.memory_space<vmem>>
      %dma_wait3A_64 = arith.constant 0 : i32
      %dma_wait3A_65 = arith.constant 0 : i32
      %dma_wait3A_66 = tpu.memref_slice %arg2[%dma_wait3A_64, %dma_wait3A_65] : memref<10000x128xf32, #tpu.memory_space<hbm>> -> memref<10000x128xf32, #tpu.memory_space<hbm>>
      tpu.wait_indirect_dma semaphore(%arg13 : memref<!tpu.dma_semaphore, #tpu.memory_space<semaphore_mem>>) src(%dma_wait3A_66 : memref<10000x128xf32, #tpu.memory_space<hbm>>) dst(%arg10 : memref<128x128xf32, #tpu.memory_space<vmem>>)
      %dma_start3A_67 = arith.constant 1 : i32
      %dma_start3A_68 = arith.constant 0 : i32
      %dma_start3A_69 = tpu.memref_slice %arg8[%dma_start3A_67, %dma_start3A_68] : memref<8x128xi32, #tpu.memory_space<vmem>> -> memref<1x128xi32, #tpu.memory_space<vmem>>
      %dma_start3A_70 = tpu.memref_squeeze %dma_start3A_69 : memref<1x128xi32, #tpu.memory_space<vmem>> -> memref<128xi32, #tpu.memory_space<vmem>>
      %dma_start3A_71 = arith.constant 0 : i32
      %dma_start3A_72 = arith.constant 0 : i32
      %dma_start3A_73 = tpu.memref_slice %arg11[%dma_start3A_71, %dma_start3A_72] : memref<10112x128xf32, #tpu.memory_space<vmem_shared>> -> memref<10112x128xf32, #tpu.memory_space<vmem_shared>>
      tpu.enqueue_indirect_dma source(%arg10 : memref<128x128xf32, #tpu.memory_space<vmem>>) target(%dma_start3A_73 : memref<10112x128xf32, #tpu.memory_space<vmem_shared>>) offsets(%dma_start3A_70 : memref<128xi32, #tpu.memory_space<vmem>>) semaphore(%arg15 : memref<!tpu.dma_semaphore, #tpu.memory_space<semaphore_mem>>) {add = true}
      %dma_wait3A_74 = arith.constant 1 : i32
      %dma_wait3A_75 = arith.constant 0 : i32
      %dma_wait3A_76 = tpu.memref_slice %arg8[%dma_wait3A_74, %dma_wait3A_75] : memref<8x128xi32, #tpu.memory_space<vmem>> -> memref<1x128xi32, #tpu.memory_space<vmem>>
      %dma_wait3A_77 = tpu.memref_squeeze %dma_wait3A_76 : memref<1x128xi32, #tpu.memory_space<vmem>> -> memref<128xi32, #tpu.memory_space<vmem>>
      %dma_wait3A_78 = arith.constant 0 : i32
      %dma_wait3A_79 = arith.constant 0 : i32
      %dma_wait3A_80 = tpu.memref_slice %arg11[%dma_wait3A_78, %dma_wait3A_79] : memref<10112x128xf32, #tpu.memory_space<vmem_shared>> -> memref<10112x128xf32, #tpu.memory_space<vmem_shared>>
      tpu.wait_indirect_dma semaphore(%arg15 : memref<!tpu.dma_semaphore, #tpu.memory_space<semaphore_mem>>) src(%arg10 : memref<128x128xf32, #tpu.memory_space<vmem>>) dst(%dma_wait3A_80 : memref<10112x128xf32, #tpu.memory_space<vmem_shared>>)
      %dma_start3A_81 = arith.constant 3 : i32
      %dma_start3A_82 = arith.constant 0 : i32
      %dma_start3A_83 = tpu.memref_slice %arg7[%dma_start3A_81, %dma_start3A_82] : memref<8x128xi32, #tpu.memory_space<vmem>> -> memref<1x128xi32, #tpu.memory_space<vmem>>
      %dma_start3A_84 = tpu.memref_squeeze %dma_start3A_83 : memref<1x128xi32, #tpu.memory_space<vmem>> -> memref<128xi32, #tpu.memory_space<vmem>>
      %dma_start3A_85 = arith.constant 0 : i32
      %dma_start3A_86 = arith.constant 0 : i32
      %dma_start3A_87 = tpu.memref_slice %arg2[%dma_start3A_85, %dma_start3A_86] : memref<10000x128xf32, #tpu.memory_space<hbm>> -> memref<10000x128xf32, #tpu.memory_space<hbm>>
      tpu.enqueue_indirect_dma source(%dma_start3A_87 : memref<10000x128xf32, #tpu.memory_space<hbm>>) target(%arg10 : memref<128x128xf32, #tpu.memory_space<vmem>>) offsets(%dma_start3A_84 : memref<128xi32, #tpu.memory_space<vmem>>) semaphore(%arg13 : memref<!tpu.dma_semaphore, #tpu.memory_space<semaphore_mem>>)
      %dma_wait3A_88 = arith.constant 2 : i32
      %dma_wait3A_89 = arith.constant 0 : i32
      %dma_wait3A_90 = tpu.memref_slice %arg7[%dma_wait3A_88, %dma_wait3A_89] : memref<8x128xi32, #tpu.memory_space<vmem>> -> memref<1x128xi32, #tpu.memory_space<vmem>>
      %dma_wait3A_91 = tpu.memref_squeeze %dma_wait3A_90 : memref<1x128xi32, #tpu.memory_space<vmem>> -> memref<128xi32, #tpu.memory_space<vmem>>
      %dma_wait3A_92 = arith.constant 0 : i32
      %dma_wait3A_93 = arith.constant 0 : i32
      %dma_wait3A_94 = tpu.memref_slice %arg2[%dma_wait3A_92, %dma_wait3A_93] : memref<10000x128xf32, #tpu.memory_space<hbm>> -> memref<10000x128xf32, #tpu.memory_space<hbm>>
      tpu.wait_indirect_dma semaphore(%arg12 : memref<!tpu.dma_semaphore, #tpu.memory_space<semaphore_mem>>) src(%dma_wait3A_94 : memref<10000x128xf32, #tpu.memory_space<hbm>>) dst(%arg9 : memref<128x128xf32, #tpu.memory_space<vmem>>)
      %dma_start3A_95 = arith.constant 2 : i32
      %dma_start3A_96 = arith.constant 0 : i32
      %dma_start3A_97 = tpu.memref_slice %arg8[%dma_start3A_95, %dma_start3A_96] : memref<8x128xi32, #tpu.memory_space<vmem>> -> memref<1x128xi32, #tpu.memory_space<vmem>>
      %dma_start3A_98 = tpu.memref_squeeze %dma_start3A_97 : memref<1x128xi32, #tpu.memory_space<vmem>> -> memref<128xi32, #tpu.memory_space<vmem>>
      %dma_start3A_99 = arith.constant 0 : i32
      %dma_start3A_100 = arith.constant 0 : i32
      %dma_start3A_101 = tpu.memref_slice %arg11[%dma_start3A_99, %dma_start3A_100] : memref<10112x128xf32, #tpu.memory_space<vmem_shared>> -> memref<10112x128xf32, #tpu.memory_space<vmem_shared>>
      tpu.enqueue_indirect_dma source(%arg9 : memref<128x128xf32, #tpu.memory_space<vmem>>) target(%dma_start3A_101 : memref<10112x128xf32, #tpu.memory_space<vmem_shared>>) offsets(%dma_start3A_98 : memref<128xi32, #tpu.memory_space<vmem>>) semaphore(%arg14 : memref<!tpu.dma_semaphore, #tpu.memory_space<semaphore_mem>>) {add = true}
      %dma_wait3A_102 = arith.constant 2 : i32
      %dma_wait3A_103 = arith.constant 0 : i32
      %dma_wait3A_104 = tpu.memref_slice %arg8[%dma_wait3A_102, %dma_wait3A_103] : memref<8x128xi32, #tpu.memory_space<vmem>> -> memref<1x128xi32, #tpu.memory_space<vmem>>
      %dma_wait3A_105 = tpu.memref_squeeze %dma_wait3A_104 : memref<1x128xi32, #tpu.memory_space<vmem>> -> memref<128xi32, #tpu.memory_space<vmem>>
      %dma_wait3A_106 = arith.constant 0 : i32
      %dma_wait3A_107 = arith.constant 0 : i32
      %dma_wait3A_108 = tpu.memref_slice %arg11[%dma_wait3A_106, %dma_wait3A_107] : memref<10112x128xf32, #tpu.memory_space<vmem_shared>> -> memref<10112x128xf32, #tpu.memory_space<vmem_shared>>
      tpu.wait_indirect_dma semaphore(%arg14 : memref<!tpu.dma_semaphore, #tpu.memory_space<semaphore_mem>>) src(%arg9 : memref<128x128xf32, #tpu.memory_space<vmem>>) dst(%dma_wait3A_108 : memref<10112x128xf32, #tpu.memory_space<vmem_shared>>)
      %dma_start3A_109 = arith.constant 4 : i32
      %dma_start3A_110 = arith.constant 0 : i32
      %dma_start3A_111 = tpu.memref_slice %arg7[%dma_start3A_109, %dma_start3A_110] : memref<8x128xi32, #tpu.memory_space<vmem>> -> memref<1x128xi32, #tpu.memory_space<vmem>>
      %dma_start3A_112 = tpu.memref_squeeze %dma_start3A_111 : memref<1x128xi32, #tpu.memory_space<vmem>> -> memref<128xi32, #tpu.memory_space<vmem>>
      %dma_start3A_113 = arith.constant 0 : i32
      %dma_start3A_114 = arith.constant 0 : i32
      %dma_start3A_115 = tpu.memref_slice %arg2[%dma_start3A_113, %dma_start3A_114] : memref<10000x128xf32, #tpu.memory_space<hbm>> -> memref<10000x128xf32, #tpu.memory_space<hbm>>
      tpu.enqueue_indirect_dma source(%dma_start3A_115 : memref<10000x128xf32, #tpu.memory_space<hbm>>) target(%arg9 : memref<128x128xf32, #tpu.memory_space<vmem>>) offsets(%dma_start3A_112 : memref<128xi32, #tpu.memory_space<vmem>>) semaphore(%arg12 : memref<!tpu.dma_semaphore, #tpu.memory_space<semaphore_mem>>)
      %dma_wait3A_116 = arith.constant 3 : i32
      %dma_wait3A_117 = arith.constant 0 : i32
      %dma_wait3A_118 = tpu.memref_slice %arg7[%dma_wait3A_116, %dma_wait3A_117] : memref<8x128xi32, #tpu.memory_space<vmem>> -> memref<1x128xi32, #tpu.memory_space<vmem>>
      %dma_wait3A_119 = tpu.memref_squeeze %dma_wait3A_118 : memref<1x128xi32, #tpu.memory_space<vmem>> -> memref<128xi32, #tpu.memory_space<vmem>>
      %dma_wait3A_120 = arith.constant 0 : i32
      %dma_wait3A_121 = arith.constant 0 : i32
      %dma_wait3A_122 = tpu.memref_slice %arg2[%dma_wait3A_120, %dma_wait3A_121] : memref<10000x128xf32, #tpu.memory_space<hbm>> -> memref<10000x128xf32, #tpu.memory_space<hbm>>
      tpu.wait_indirect_dma semaphore(%arg13 : memref<!tpu.dma_semaphore, #tpu.memory_space<semaphore_mem>>) src(%dma_wait3A_122 : memref<10000x128xf32, #tpu.memory_space<hbm>>) dst(%arg10 : memref<128x128xf32, #tpu.memory_space<vmem>>)
      %dma_start3A_123 = arith.constant 3 : i32
      %dma_start3A_124 = arith.constant 0 : i32
      %dma_start3A_125 = tpu.memref_slice %arg8[%dma_start3A_123, %dma_start3A_124] : memref<8x128xi32, #tpu.memory_space<vmem>> -> memref<1x128xi32, #tpu.memory_space<vmem>>
      %dma_start3A_126 = tpu.memref_squeeze %dma_start3A_125 : memref<1x128xi32, #tpu.memory_space<vmem>> -> memref<128xi32, #tpu.memory_space<vmem>>
      %dma_start3A_127 = arith.constant 0 : i32
      %dma_start3A_128 = arith.constant 0 : i32
      %dma_start3A_129 = tpu.memref_slice %arg11[%dma_start3A_127, %dma_start3A_128] : memref<10112x128xf32, #tpu.memory_space<vmem_shared>> -> memref<10112x128xf32, #tpu.memory_space<vmem_shared>>
      tpu.enqueue_indirect_dma source(%arg10 : memref<128x128xf32, #tpu.memory_space<vmem>>) target(%dma_start3A_129 : memref<10112x128xf32, #tpu.memory_space<vmem_shared>>) offsets(%dma_start3A_126 : memref<128xi32, #tpu.memory_space<vmem>>) semaphore(%arg15 : memref<!tpu.dma_semaphore, #tpu.memory_space<semaphore_mem>>) {add = true}
      %dma_wait3A_130 = arith.constant 3 : i32
      %dma_wait3A_131 = arith.constant 0 : i32
      %dma_wait3A_132 = tpu.memref_slice %arg8[%dma_wait3A_130, %dma_wait3A_131] : memref<8x128xi32, #tpu.memory_space<vmem>> -> memref<1x128xi32, #tpu.memory_space<vmem>>
      %dma_wait3A_133 = tpu.memref_squeeze %dma_wait3A_132 : memref<1x128xi32, #tpu.memory_space<vmem>> -> memref<128xi32, #tpu.memory_space<vmem>>
      %dma_wait3A_134 = arith.constant 0 : i32
      %dma_wait3A_135 = arith.constant 0 : i32
      %dma_wait3A_136 = tpu.memref_slice %arg11[%dma_wait3A_134, %dma_wait3A_135] : memref<10112x128xf32, #tpu.memory_space<vmem_shared>> -> memref<10112x128xf32, #tpu.memory_space<vmem_shared>>
      tpu.wait_indirect_dma semaphore(%arg15 : memref<!tpu.dma_semaphore, #tpu.memory_space<semaphore_mem>>) src(%arg10 : memref<128x128xf32, #tpu.memory_space<vmem>>) dst(%dma_wait3A_136 : memref<10112x128xf32, #tpu.memory_space<vmem_shared>>)
      %dma_start3A_137 = arith.constant 5 : i32
      %dma_start3A_138 = arith.constant 0 : i32
      %dma_start3A_139 = tpu.memref_slice %arg7[%dma_start3A_137, %dma_start3A_138] : memref<8x128xi32, #tpu.memory_space<vmem>> -> memref<1x128xi32, #tpu.memory_space<vmem>>
      %dma_start3A_140 = tpu.memref_squeeze %dma_start3A_139 : memref<1x128xi32, #tpu.memory_space<vmem>> -> memref<128xi32, #tpu.memory_space<vmem>>
      %dma_start3A_141 = arith.constant 0 : i32
      %dma_start3A_142 = arith.constant 0 : i32
      %dma_start3A_143 = tpu.memref_slice %arg2[%dma_start3A_141, %dma_start3A_142] : memref<10000x128xf32, #tpu.memory_space<hbm>> -> memref<10000x128xf32, #tpu.memory_space<hbm>>
      tpu.enqueue_indirect_dma source(%dma_start3A_143 : memref<10000x128xf32, #tpu.memory_space<hbm>>) target(%arg10 : memref<128x128xf32, #tpu.memory_space<vmem>>) offsets(%dma_start3A_140 : memref<128xi32, #tpu.memory_space<vmem>>) semaphore(%arg13 : memref<!tpu.dma_semaphore, #tpu.memory_space<semaphore_mem>>)
      %dma_wait3A_144 = arith.constant 4 : i32
      %dma_wait3A_145 = arith.constant 0 : i32
      %dma_wait3A_146 = tpu.memref_slice %arg7[%dma_wait3A_144, %dma_wait3A_145] : memref<8x128xi32, #tpu.memory_space<vmem>> -> memref<1x128xi32, #tpu.memory_space<vmem>>
      %dma_wait3A_147 = tpu.memref_squeeze %dma_wait3A_146 : memref<1x128xi32, #tpu.memory_space<vmem>> -> memref<128xi32, #tpu.memory_space<vmem>>
      %dma_wait3A_148 = arith.constant 0 : i32
      %dma_wait3A_149 = arith.constant 0 : i32
      %dma_wait3A_150 = tpu.memref_slice %arg2[%dma_wait3A_148, %dma_wait3A_149] : memref<10000x128xf32, #tpu.memory_space<hbm>> -> memref<10000x128xf32, #tpu.memory_space<hbm>>
      tpu.wait_indirect_dma semaphore(%arg12 : memref<!tpu.dma_semaphore, #tpu.memory_space<semaphore_mem>>) src(%dma_wait3A_150 : memref<10000x128xf32, #tpu.memory_space<hbm>>) dst(%arg9 : memref<128x128xf32, #tpu.memory_space<vmem>>)
      %dma_start3A_151 = arith.constant 4 : i32
      %dma_start3A_152 = arith.constant 0 : i32
      %dma_start3A_153 = tpu.memref_slice %arg8[%dma_start3A_151, %dma_start3A_152] : memref<8x128xi32, #tpu.memory_space<vmem>> -> memref<1x128xi32, #tpu.memory_space<vmem>>
      %dma_start3A_154 = tpu.memref_squeeze %dma_start3A_153 : memref<1x128xi32, #tpu.memory_space<vmem>> -> memref<128xi32, #tpu.memory_space<vmem>>
      %dma_start3A_155 = arith.constant 0 : i32
      %dma_start3A_156 = arith.constant 0 : i32
      %dma_start3A_157 = tpu.memref_slice %arg11[%dma_start3A_155, %dma_start3A_156] : memref<10112x128xf32, #tpu.memory_space<vmem_shared>> -> memref<10112x128xf32, #tpu.memory_space<vmem_shared>>
      tpu.enqueue_indirect_dma source(%arg9 : memref<128x128xf32, #tpu.memory_space<vmem>>) target(%dma_start3A_157 : memref<10112x128xf32, #tpu.memory_space<vmem_shared>>) offsets(%dma_start3A_154 : memref<128xi32, #tpu.memory_space<vmem>>) semaphore(%arg14 : memref<!tpu.dma_semaphore, #tpu.memory_space<semaphore_mem>>) {add = true}
      %dma_wait3A_158 = arith.constant 4 : i32
      %dma_wait3A_159 = arith.constant 0 : i32
      %dma_wait3A_160 = tpu.memref_slice %arg8[%dma_wait3A_158, %dma_wait3A_159] : memref<8x128xi32, #tpu.memory_space<vmem>> -> memref<1x128xi32, #tpu.memory_space<vmem>>
      %dma_wait3A_161 = tpu.memref_squeeze %dma_wait3A_160 : memref<1x128xi32, #tpu.memory_space<vmem>> -> memref<128xi32, #tpu.memory_space<vmem>>
      %dma_wait3A_162 = arith.constant 0 : i32
      %dma_wait3A_163 = arith.constant 0 : i32
      %dma_wait3A_164 = tpu.memref_slice %arg11[%dma_wait3A_162, %dma_wait3A_163] : memref<10112x128xf32, #tpu.memory_space<vmem_shared>> -> memref<10112x128xf32, #tpu.memory_space<vmem_shared>>
      tpu.wait_indirect_dma semaphore(%arg14 : memref<!tpu.dma_semaphore, #tpu.memory_space<semaphore_mem>>) src(%arg9 : memref<128x128xf32, #tpu.memory_space<vmem>>) dst(%dma_wait3A_164 : memref<10112x128xf32, #tpu.memory_space<vmem_shared>>)
      %dma_start3A_165 = arith.constant 6 : i32
      %dma_start3A_166 = arith.constant 0 : i32
      %dma_start3A_167 = tpu.memref_slice %arg7[%dma_start3A_165, %dma_start3A_166] : memref<8x128xi32, #tpu.memory_space<vmem>> -> memref<1x128xi32, #tpu.memory_space<vmem>>
      %dma_start3A_168 = tpu.memref_squeeze %dma_start3A_167 : memref<1x128xi32, #tpu.memory_space<vmem>> -> memref<128xi32, #tpu.memory_space<vmem>>
      %dma_start3A_169 = arith.constant 0 : i32
      %dma_start3A_170 = arith.constant 0 : i32
      %dma_start3A_171 = tpu.memref_slice %arg2[%dma_start3A_169, %dma_start3A_170] : memref<10000x128xf32, #tpu.memory_space<hbm>> -> memref<10000x128xf32, #tpu.memory_space<hbm>>
      tpu.enqueue_indirect_dma source(%dma_start3A_171 : memref<10000x128xf32, #tpu.memory_space<hbm>>) target(%arg9 : memref<128x128xf32, #tpu.memory_space<vmem>>) offsets(%dma_start3A_168 : memref<128xi32, #tpu.memory_space<vmem>>) semaphore(%arg12 : memref<!tpu.dma_semaphore, #tpu.memory_space<semaphore_mem>>)
      %dma_wait3A_172 = arith.constant 5 : i32
      %dma_wait3A_173 = arith.constant 0 : i32
      %dma_wait3A_174 = tpu.memref_slice %arg7[%dma_wait3A_172, %dma_wait3A_173] : memref<8x128xi32, #tpu.memory_space<vmem>> -> memref<1x128xi32, #tpu.memory_space<vmem>>
      %dma_wait3A_175 = tpu.memref_squeeze %dma_wait3A_174 : memref<1x128xi32, #tpu.memory_space<vmem>> -> memref<128xi32, #tpu.memory_space<vmem>>
      %dma_wait3A_176 = arith.constant 0 : i32
      %dma_wait3A_177 = arith.constant 0 : i32
      %dma_wait3A_178 = tpu.memref_slice %arg2[%dma_wait3A_176, %dma_wait3A_177] : memref<10000x128xf32, #tpu.memory_space<hbm>> -> memref<10000x128xf32, #tpu.memory_space<hbm>>
      tpu.wait_indirect_dma semaphore(%arg13 : memref<!tpu.dma_semaphore, #tpu.memory_space<semaphore_mem>>) src(%dma_wait3A_178 : memref<10000x128xf32, #tpu.memory_space<hbm>>) dst(%arg10 : memref<128x128xf32, #tpu.memory_space<vmem>>)
      %dma_start3A_179 = arith.constant 5 : i32
      %dma_start3A_180 = arith.constant 0 : i32
      %dma_start3A_181 = tpu.memref_slice %arg8[%dma_start3A_179, %dma_start3A_180] : memref<8x128xi32, #tpu.memory_space<vmem>> -> memref<1x128xi32, #tpu.memory_space<vmem>>
      %dma_start3A_182 = tpu.memref_squeeze %dma_start3A_181 : memref<1x128xi32, #tpu.memory_space<vmem>> -> memref<128xi32, #tpu.memory_space<vmem>>
      %dma_start3A_183 = arith.constant 0 : i32
      %dma_start3A_184 = arith.constant 0 : i32
      %dma_start3A_185 = tpu.memref_slice %arg11[%dma_start3A_183, %dma_start3A_184] : memref<10112x128xf32, #tpu.memory_space<vmem_shared>> -> memref<10112x128xf32, #tpu.memory_space<vmem_shared>>
      tpu.enqueue_indirect_dma source(%arg10 : memref<128x128xf32, #tpu.memory_space<vmem>>) target(%dma_start3A_185 : memref<10112x128xf32, #tpu.memory_space<vmem_shared>>) offsets(%dma_start3A_182 : memref<128xi32, #tpu.memory_space<vmem>>) semaphore(%arg15 : memref<!tpu.dma_semaphore, #tpu.memory_space<semaphore_mem>>) {add = true}
      %dma_wait3A_186 = arith.constant 5 : i32
      %dma_wait3A_187 = arith.constant 0 : i32
      %dma_wait3A_188 = tpu.memref_slice %arg8[%dma_wait3A_186, %dma_wait3A_187] : memref<8x128xi32, #tpu.memory_space<vmem>> -> memref<1x128xi32, #tpu.memory_space<vmem>>
      %dma_wait3A_189 = tpu.memref_squeeze %dma_wait3A_188 : memref<1x128xi32, #tpu.memory_space<vmem>> -> memref<128xi32, #tpu.memory_space<vmem>>
      %dma_wait3A_190 = arith.constant 0 : i32
      %dma_wait3A_191 = arith.constant 0 : i32
      %dma_wait3A_192 = tpu.memref_slice %arg11[%dma_wait3A_190, %dma_wait3A_191] : memref<10112x128xf32, #tpu.memory_space<vmem_shared>> -> memref<10112x128xf32, #tpu.memory_space<vmem_shared>>
      tpu.wait_indirect_dma semaphore(%arg15 : memref<!tpu.dma_semaphore, #tpu.memory_space<semaphore_mem>>) src(%arg10 : memref<128x128xf32, #tpu.memory_space<vmem>>) dst(%dma_wait3A_192 : memref<10112x128xf32, #tpu.memory_space<vmem_shared>>)
      %dma_start3A_193 = arith.constant 7 : i32
      %dma_start3A_194 = arith.constant 0 : i32
      %dma_start3A_195 = tpu.memref_slice %arg7[%dma_start3A_193, %dma_start3A_194] : memref<8x128xi32, #tpu.memory_space<vmem>> -> memref<1x128xi32, #tpu.memory_space<vmem>>
      %dma_start3A_196 = tpu.memref_squeeze %dma_start3A_195 : memref<1x128xi32, #tpu.memory_space<vmem>> -> memref<128xi32, #tpu.memory_space<vmem>>
      %dma_start3A_197 = arith.constant 0 : i32
      %dma_start3A_198 = arith.constant 0 : i32
      %dma_start3A_199 = tpu.memref_slice %arg2[%dma_start3A_197, %dma_start3A_198] : memref<10000x128xf32, #tpu.memory_space<hbm>> -> memref<10000x128xf32, #tpu.memory_space<hbm>>
      tpu.enqueue_indirect_dma source(%dma_start3A_199 : memref<10000x128xf32, #tpu.memory_space<hbm>>) target(%arg10 : memref<128x128xf32, #tpu.memory_space<vmem>>) offsets(%dma_start3A_196 : memref<128xi32, #tpu.memory_space<vmem>>) semaphore(%arg13 : memref<!tpu.dma_semaphore, #tpu.memory_space<semaphore_mem>>)
      %dma_wait3A_200 = arith.constant 6 : i32
      %dma_wait3A_201 = arith.constant 0 : i32
      %dma_wait3A_202 = tpu.memref_slice %arg7[%dma_wait3A_200, %dma_wait3A_201] : memref<8x128xi32, #tpu.memory_space<vmem>> -> memref<1x128xi32, #tpu.memory_space<vmem>>
      %dma_wait3A_203 = tpu.memref_squeeze %dma_wait3A_202 : memref<1x128xi32, #tpu.memory_space<vmem>> -> memref<128xi32, #tpu.memory_space<vmem>>
      %dma_wait3A_204 = arith.constant 0 : i32
      %dma_wait3A_205 = arith.constant 0 : i32
      %dma_wait3A_206 = tpu.memref_slice %arg2[%dma_wait3A_204, %dma_wait3A_205] : memref<10000x128xf32, #tpu.memory_space<hbm>> -> memref<10000x128xf32, #tpu.memory_space<hbm>>
      tpu.wait_indirect_dma semaphore(%arg12 : memref<!tpu.dma_semaphore, #tpu.memory_space<semaphore_mem>>) src(%dma_wait3A_206 : memref<10000x128xf32, #tpu.memory_space<hbm>>) dst(%arg9 : memref<128x128xf32, #tpu.memory_space<vmem>>)
      %dma_start3A_207 = arith.constant 6 : i32
      %dma_start3A_208 = arith.constant 0 : i32
      %dma_start3A_209 = tpu.memref_slice %arg8[%dma_start3A_207, %dma_start3A_208] : memref<8x128xi32, #tpu.memory_space<vmem>> -> memref<1x128xi32, #tpu.memory_space<vmem>>
      %dma_start3A_210 = tpu.memref_squeeze %dma_start3A_209 : memref<1x128xi32, #tpu.memory_space<vmem>> -> memref<128xi32, #tpu.memory_space<vmem>>
      %dma_start3A_211 = arith.constant 0 : i32
      %dma_start3A_212 = arith.constant 0 : i32
      %dma_start3A_213 = tpu.memref_slice %arg11[%dma_start3A_211, %dma_start3A_212] : memref<10112x128xf32, #tpu.memory_space<vmem_shared>> -> memref<10112x128xf32, #tpu.memory_space<vmem_shared>>
      tpu.enqueue_indirect_dma source(%arg9 : memref<128x128xf32, #tpu.memory_space<vmem>>) target(%dma_start3A_213 : memref<10112x128xf32, #tpu.memory_space<vmem_shared>>) offsets(%dma_start3A_210 : memref<128xi32, #tpu.memory_space<vmem>>) semaphore(%arg14 : memref<!tpu.dma_semaphore, #tpu.memory_space<semaphore_mem>>) {add = true}
      %dma_wait3A_214 = arith.constant 6 : i32
      %dma_wait3A_215 = arith.constant 0 : i32
      %dma_wait3A_216 = tpu.memref_slice %arg8[%dma_wait3A_214, %dma_wait3A_215] : memref<8x128xi32, #tpu.memory_space<vmem>> -> memref<1x128xi32, #tpu.memory_space<vmem>>
      %dma_wait3A_217 = tpu.memref_squeeze %dma_wait3A_216 : memref<1x128xi32, #tpu.memory_space<vmem>> -> memref<128xi32, #tpu.memory_space<vmem>>
      %dma_wait3A_218 = arith.constant 0 : i32
      %dma_wait3A_219 = arith.constant 0 : i32
      %dma_wait3A_220 = tpu.memref_slice %arg11[%dma_wait3A_218, %dma_wait3A_219] : memref<10112x128xf32, #tpu.memory_space<vmem_shared>> -> memref<10112x128xf32, #tpu.memory_space<vmem_shared>>
      tpu.wait_indirect_dma semaphore(%arg14 : memref<!tpu.dma_semaphore, #tpu.memory_space<semaphore_mem>>) src(%arg9 : memref<128x128xf32, #tpu.memory_space<vmem>>) dst(%dma_wait3A_220 : memref<10112x128xf32, #tpu.memory_space<vmem_shared>>)
      %dma_wait3A_221 = arith.constant 7 : i32
      %dma_wait3A_222 = arith.constant 0 : i32
      %dma_wait3A_223 = tpu.memref_slice %arg7[%dma_wait3A_221, %dma_wait3A_222] : memref<8x128xi32, #tpu.memory_space<vmem>> -> memref<1x128xi32, #tpu.memory_space<vmem>>
      %dma_wait3A_224 = tpu.memref_squeeze %dma_wait3A_223 : memref<1x128xi32, #tpu.memory_space<vmem>> -> memref<128xi32, #tpu.memory_space<vmem>>
      %dma_wait3A_225 = arith.constant 0 : i32
      %dma_wait3A_226 = arith.constant 0 : i32
      %dma_wait3A_227 = tpu.memref_slice %arg2[%dma_wait3A_225, %dma_wait3A_226] : memref<10000x128xf32, #tpu.memory_space<hbm>> -> memref<10000x128xf32, #tpu.memory_space<hbm>>
      tpu.wait_indirect_dma semaphore(%arg13 : memref<!tpu.dma_semaphore, #tpu.memory_space<semaphore_mem>>) src(%dma_wait3A_227 : memref<10000x128xf32, #tpu.memory_space<hbm>>) dst(%arg10 : memref<128x128xf32, #tpu.memory_space<vmem>>)
      %dma_start3A_228 = arith.constant 7 : i32
      %dma_start3A_229 = arith.constant 0 : i32
      %dma_start3A_230 = tpu.memref_slice %arg8[%dma_start3A_228, %dma_start3A_229] : memref<8x128xi32, #tpu.memory_space<vmem>> -> memref<1x128xi32, #tpu.memory_space<vmem>>
      %dma_start3A_231 = tpu.memref_squeeze %dma_start3A_230 : memref<1x128xi32, #tpu.memory_space<vmem>> -> memref<128xi32, #tpu.memory_space<vmem>>
      %dma_start3A_232 = arith.constant 0 : i32
      %dma_start3A_233 = arith.constant 0 : i32
      %dma_start3A_234 = tpu.memref_slice %arg11[%dma_start3A_232, %dma_start3A_233] : memref<10112x128xf32, #tpu.memory_space<vmem_shared>> -> memref<10112x128xf32, #tpu.memory_space<vmem_shared>>
      tpu.enqueue_indirect_dma source(%arg10 : memref<128x128xf32, #tpu.memory_space<vmem>>) target(%dma_start3A_234 : memref<10112x128xf32, #tpu.memory_space<vmem_shared>>) offsets(%dma_start3A_231 : memref<128xi32, #tpu.memory_space<vmem>>) semaphore(%arg15 : memref<!tpu.dma_semaphore, #tpu.memory_space<semaphore_mem>>) {add = true}
      %dma_wait3A_235 = arith.constant 7 : i32
      %dma_wait3A_236 = arith.constant 0 : i32
      %dma_wait3A_237 = tpu.memref_slice %arg8[%dma_wait3A_235, %dma_wait3A_236] : memref<8x128xi32, #tpu.memory_space<vmem>> -> memref<1x128xi32, #tpu.memory_space<vmem>>
      %dma_wait3A_238 = tpu.memref_squeeze %dma_wait3A_237 : memref<1x128xi32, #tpu.memory_space<vmem>> -> memref<128xi32, #tpu.memory_space<vmem>>
      %dma_wait3A_239 = arith.constant 0 : i32
      %dma_wait3A_240 = arith.constant 0 : i32
      %dma_wait3A_241 = tpu.memref_slice %arg11[%dma_wait3A_239, %dma_wait3A_240] : memref<10112x128xf32, #tpu.memory_space<vmem_shared>> -> memref<10112x128xf32, #tpu.memory_space<vmem_shared>>
      tpu.wait_indirect_dma semaphore(%arg15 : memref<!tpu.dma_semaphore, #tpu.memory_space<semaphore_mem>>) src(%arg10 : memref<128x128xf32, #tpu.memory_space<vmem>>) dst(%dma_wait3A_241 : memref<10112x128xf32, #tpu.memory_space<vmem_shared>>)
    }
    %barrier3A_14 = arith.constant 0 : index
    tpu.barrier barrier_id(%barrier3A_14)
    %mul3A_15 = arith.constant 632 : i32
    %mul3A_16 = arith.muli %arg1, %mul3A_15 : i32
    %mul3A_17 = arith.constant 632 : i32
    %mul3A_18 = arith.muli %arg1, %mul3A_17 : i32
    "tpu.region"() ({
      %run_scoped3A = tpu.sem_alloc : memref<!tpu.dma_semaphore, #tpu.memory_space<semaphore_mem>>
      %dma_start3A = arith.constant 0 : i32
      %dma_start3A_19 = tpu.memref_slice %arg6[%arg0, %mul3A_18, %dma_start3A] : memref<2x10112x128xf32, #tpu.memory_space<hbm>> -> memref<1x632x128xf32, #tpu.memory_space<hbm>>
      %dma_start3A_20 = tpu.memref_squeeze %dma_start3A_19 : memref<1x632x128xf32, #tpu.memory_space<hbm>> -> memref<632x128xf32, #tpu.memory_space<hbm>>
      %dma_start3A_21 = arith.constant 0 : i32
      %dma_start3A_22 = tpu.memref_slice %arg11[%mul3A_16, %dma_start3A_21] : memref<10112x128xf32, #tpu.memory_space<vmem_shared>> -> memref<632x128xf32, #tpu.memory_space<vmem_shared>>
      tpu.enqueue_dma source(%dma_start3A_22 : memref<632x128xf32, #tpu.memory_space<vmem_shared>>) target(%dma_start3A_20 : memref<632x128xf32, #tpu.memory_space<hbm>>) target_semaphore(%run_scoped3A : memref<!tpu.dma_semaphore, #tpu.memory_space<semaphore_mem>>)
      %dma_wait3A = arith.constant 0 : i32
      %dma_wait3A_23 = tpu.memref_slice %arg6[%arg0, %mul3A_18, %dma_wait3A] : memref<2x10112x128xf32, #tpu.memory_space<hbm>> -> memref<1x632x128xf32, #tpu.memory_space<hbm>>
      %dma_wait3A_24 = tpu.memref_squeeze %dma_wait3A_23 : memref<1x632x128xf32, #tpu.memory_space<hbm>> -> memref<632x128xf32, #tpu.memory_space<hbm>>
      %dma_wait3A_25 = arith.constant 0 : i32
      %dma_wait3A_26 = tpu.memref_slice %arg11[%mul3A_16, %dma_wait3A_25] : memref<10112x128xf32, #tpu.memory_space<vmem_shared>> -> memref<632x128xf32, #tpu.memory_space<vmem_shared>>
      tpu.wait_dma2 semaphore(%run_scoped3A : memref<!tpu.dma_semaphore, #tpu.memory_space<semaphore_mem>>) src(%dma_wait3A_26 : memref<632x128xf32, #tpu.memory_space<vmem_shared>>) dst(%dma_wait3A_24 : memref<632x128xf32, #tpu.memory_space<hbm>>)
      tpu.yield
    }) : () -> ()
    return
  }
}

#map = affine_map<(d0, d1) -> (0, 0)>
#map1 = affine_map<(d0, d1) -> (0, 0, 0, 0, 0)>
#map2 = affine_map<(d0, d1) -> (0, 0, 0)>
module attributes {stable_mosaic.version = 14 : i64} {
  func.func @_edge_agg(%arg0: i32, %arg1: i32, %arg2: memref<10000x128xf32, #tpu.memory_space<hbm>>, %arg3: memref<2x16x15x8x128xi32, #tpu.memory_space<hbm>>, %arg4: memref<2x16x15x8x128xi32, #tpu.memory_space<hbm>>, %arg5: memref<10112x128xf32, #tpu.memory_space<hbm>>, %arg6: memref<2x10112x128xf32, #tpu.memory_space<hbm>>, %arg7: memref<8x128xi32, #tpu.memory_space<vmem>>, %arg8: memref<8x128xi32, #tpu.memory_space<vmem>>, %arg9: memref<128x128xf32, #tpu.memory_space<vmem>>, %arg10: memref<128x128xf32, #tpu.memory_space<vmem>>, %arg11: memref<10112x128xf32, #tpu.memory_space<vmem_shared>>, %arg12: memref<!tpu.dma_semaphore, #tpu.memory_space<semaphore_mem>>, %arg13: memref<!tpu.dma_semaphore, #tpu.memory_space<semaphore_mem>>, %arg14: memref<!tpu.dma_semaphore, #tpu.memory_space<semaphore_mem>>, %arg15: memref<!tpu.dma_semaphore, #tpu.memory_space<semaphore_mem>>) attributes {dimension_semantics = [#tpu.dimension_semantics<core_parallel>, #tpu.dimension_semantics<subcore_parallel>], iteration_bounds = array<i64: 2, 16>, scalar_prefetch = 0 : i64, scratch_operands = 9 : i64, tpu.core_type = #tpu.core_type<sc_vector_subcore>, window_params = [{transform_indices = #map}, {transform_indices = #map1}, {transform_indices = #map1}, {transform_indices = #map}, {transform_indices = #map2}]} {
    %mul3A = arith.constant 632 : i32
    %mul3A_0 = arith.muli %arg1, %mul3A : i32
    %mul3A_1 = arith.constant 632 : i32
    %mul3A_2 = arith.muli %arg1, %mul3A_1 : i32
    "tpu.region"() ({
      %run_scoped3A = tpu.sem_alloc : memref<!tpu.dma_semaphore, #tpu.memory_space<semaphore_mem>>
      %dma_start3A = arith.constant 0 : i32
      %dma_start3A_19 = tpu.memref_slice %arg11[%mul3A_2, %dma_start3A] : memref<10112x128xf32, #tpu.memory_space<vmem_shared>> -> memref<632x128xf32, #tpu.memory_space<vmem_shared>>
      %dma_start3A_20 = arith.constant 0 : i32
      %dma_start3A_21 = tpu.memref_slice %arg5[%mul3A_0, %dma_start3A_20] : memref<10112x128xf32, #tpu.memory_space<hbm>> -> memref<632x128xf32, #tpu.memory_space<hbm>>
      tpu.enqueue_dma source(%dma_start3A_21 : memref<632x128xf32, #tpu.memory_space<hbm>>) target(%dma_start3A_19 : memref<632x128xf32, #tpu.memory_space<vmem_shared>>) target_semaphore(%run_scoped3A : memref<!tpu.dma_semaphore, #tpu.memory_space<semaphore_mem>>)
      %dma_wait3A = arith.constant 0 : i32
      %dma_wait3A_22 = tpu.memref_slice %arg11[%mul3A_2, %dma_wait3A] : memref<10112x128xf32, #tpu.memory_space<vmem_shared>> -> memref<632x128xf32, #tpu.memory_space<vmem_shared>>
      %dma_wait3A_23 = arith.constant 0 : i32
      %dma_wait3A_24 = tpu.memref_slice %arg5[%mul3A_0, %dma_wait3A_23] : memref<10112x128xf32, #tpu.memory_space<hbm>> -> memref<632x128xf32, #tpu.memory_space<hbm>>
      tpu.wait_dma2 semaphore(%run_scoped3A : memref<!tpu.dma_semaphore, #tpu.memory_space<semaphore_mem>>) src(%dma_wait3A_24 : memref<632x128xf32, #tpu.memory_space<hbm>>) dst(%dma_wait3A_22 : memref<632x128xf32, #tpu.memory_space<vmem_shared>>)
      tpu.yield
    }) : () -> ()
    %barrier3A = arith.constant 0 : index
    tpu.barrier barrier_id(%barrier3A)
    %eq3A = arith.constant 0 : i32
    %eq3A_3 = arith.cmpi eq, %arg0, %eq3A : i32
    %jit3A = arith.constant 5 : i32
    %jit3A_4 = arith.constant 15 : i32
    %select_n3A = arith.select %eq3A_3, %jit3A, %jit3A_4 : i32
    %while3A = arith.constant 0 : i32
    %while3A_5 = arith.constant 0 : i32
    %while3A_6 = arith.subi %select_n3A, %while3A_5 : i32
    %while3A_7 = arith.addi %while3A_5, %while3A_6 : i32
    %while3A_8 = arith.constant 1 : i32
    %while3A_9 = arith.divsi %while3A_6, %while3A_8 : i32
    %while3A_10 = arith.muli %while3A_9, %while3A_8 : i32
    %while3A_11 = arith.addi %while3A_5, %while3A_10 : i32
    %while3A_12 = arith.constant 1 : i32
    scf.for %while3A_19 = %while3A_5 to %while3A_11 step %while3A_12  : i32 {
      "tpu.region"() ({
        %run_scoped3A = tpu.sem_alloc : memref<!tpu.dma_semaphore, #tpu.memory_space<semaphore_mem>>
        %dma_start3A_242 = arith.constant 0 : i32
        %dma_start3A_243 = arith.constant 0 : i32
        %dma_start3A_244 = tpu.memref_slice %arg3[%arg0, %arg1, %while3A_19, %dma_start3A_242, %dma_start3A_243] : memref<2x16x15x8x128xi32, #tpu.memory_space<hbm>> -> memref<1x1x1x8x128xi32, #tpu.memory_space<hbm>>
        %dma_start3A_245 = tpu.memref_squeeze %dma_start3A_244 : memref<1x1x1x8x128xi32, #tpu.memory_space<hbm>> -> memref<8x128xi32, #tpu.memory_space<hbm>>
        %dma_start3A_246 = arith.constant 0 : i32
        %dma_start3A_247 = arith.constant 0 : i32
        %dma_start3A_248 = tpu.memref_slice %arg3[%arg0, %arg1, %while3A_19, %dma_start3A_246, %dma_start3A_247] : memref<2x16x15x8x128xi32, #tpu.memory_space<hbm>> -> memref<1x1x1x8x128xi32, #tpu.memory_space<hbm>>
        %dma_start3A_249 = tpu.memref_squeeze %dma_start3A_248 : memref<1x1x1x8x128xi32, #tpu.memory_space<hbm>> -> memref<8x128xi32, #tpu.memory_space<hbm>>
        tpu.enqueue_dma source(%dma_start3A_249 : memref<8x128xi32, #tpu.memory_space<hbm>>) target(%arg7 : memref<8x128xi32, #tpu.memory_space<vmem>>) target_semaphore(%run_scoped3A : memref<!tpu.dma_semaphore, #tpu.memory_space<semaphore_mem>>)
        %dma_wait3A_250 = arith.constant 0 : i32
        %dma_wait3A_251 = arith.constant 0 : i32
        %dma_wait3A_252 = tpu.memref_slice %arg3[%arg0, %arg1, %while3A_19, %dma_wait3A_250, %dma_wait3A_251] : memref<2x16x15x8x128xi32, #tpu.memory_space<hbm>> -> memref<1x1x1x8x128xi32, #tpu.memory_space<hbm>>
        %dma_wait3A_253 = tpu.memref_squeeze %dma_wait3A_252 : memref<1x1x1x8x128xi32, #tpu.memory_space<hbm>> -> memref<8x128xi32, #tpu.memory_space<hbm>>
        %dma_wait3A_254 = arith.constant 0 : i32
        %dma_wait3A_255 = arith.constant 0 : i32
        %dma_wait3A_256 = tpu.memref_slice %arg3[%arg0, %arg1, %while3A_19, %dma_wait3A_254, %dma_wait3A_255] : memref<2x16x15x8x128xi32, #tpu.memory_space<hbm>> -> memref<1x1x1x8x128xi32, #tpu.memory_space<hbm>>
        %dma_wait3A_257 = tpu.memref_squeeze %dma_wait3A_256 : memref<1x1x1x8x128xi32, #tpu.memory_space<hbm>> -> memref<8x128xi32, #tpu.memory_space<hbm>>
        tpu.wait_dma2 semaphore(%run_scoped3A : memref<!tpu.dma_semaphore, #tpu.memory_space<semaphore_mem>>) src(%dma_wait3A_257 : memref<8x128xi32, #tpu.memory_space<hbm>>) dst(%arg7 : memref<8x128xi32, #tpu.memory_space<vmem>>)
        tpu.yield
      }) : () -> ()
      "tpu.region"() ({
        %run_scoped3A = tpu.sem_alloc : memref<!tpu.dma_semaphore, #tpu.memory_space<semaphore_mem>>
        %dma_start3A_242 = arith.constant 0 : i32
        %dma_start3A_243 = arith.constant 0 : i32
        %dma_start3A_244 = tpu.memref_slice %arg4[%arg0, %arg1, %while3A_19, %dma_start3A_242, %dma_start3A_243] : memref<2x16x15x8x128xi32, #tpu.memory_space<hbm>> -> memref<1x1x1x8x128xi32, #tpu.memory_space<hbm>>
        %dma_start3A_245 = tpu.memref_squeeze %dma_start3A_244 : memref<1x1x1x8x128xi32, #tpu.memory_space<hbm>> -> memref<8x128xi32, #tpu.memory_space<hbm>>
        %dma_start3A_246 = arith.constant 0 : i32
        %dma_start3A_247 = arith.constant 0 : i32
        %dma_start3A_248 = tpu.memref_slice %arg4[%arg0, %arg1, %while3A_19, %dma_start3A_246, %dma_start3A_247] : memref<2x16x15x8x128xi32, #tpu.memory_space<hbm>> -> memref<1x1x1x8x128xi32, #tpu.memory_space<hbm>>
        %dma_start3A_249 = tpu.memref_squeeze %dma_start3A_248 : memref<1x1x1x8x128xi32, #tpu.memory_space<hbm>> -> memref<8x128xi32, #tpu.memory_space<hbm>>
        tpu.enqueue_dma source(%dma_start3A_249 : memref<8x128xi32, #tpu.memory_space<hbm>>) target(%arg8 : memref<8x128xi32, #tpu.memory_space<vmem>>) target_semaphore(%run_scoped3A : memref<!tpu.dma_semaphore, #tpu.memory_space<semaphore_mem>>)
        %dma_wait3A_250 = arith.constant 0 : i32
        %dma_wait3A_251 = arith.constant 0 : i32
        %dma_wait3A_252 = tpu.memref_slice %arg4[%arg0, %arg1, %while3A_19, %dma_wait3A_250, %dma_wait3A_251] : memref<2x16x15x8x128xi32, #tpu.memory_space<hbm>> -> memref<1x1x1x8x128xi32, #tpu.memory_space<hbm>>
        %dma_wait3A_253 = tpu.memref_squeeze %dma_wait3A_252 : memref<1x1x1x8x128xi32, #tpu.memory_space<hbm>> -> memref<8x128xi32, #tpu.memory_space<hbm>>
        %dma_wait3A_254 = arith.constant 0 : i32
        %dma_wait3A_255 = arith.constant 0 : i32
        %dma_wait3A_256 = tpu.memref_slice %arg4[%arg0, %arg1, %while3A_19, %dma_wait3A_254, %dma_wait3A_255] : memref<2x16x15x8x128xi32, #tpu.memory_space<hbm>> -> memref<1x1x1x8x128xi32, #tpu.memory_space<hbm>>
        %dma_wait3A_257 = tpu.memref_squeeze %dma_wait3A_256 : memref<1x1x1x8x128xi32, #tpu.memory_space<hbm>> -> memref<8x128xi32, #tpu.memory_space<hbm>>
        tpu.wait_dma2 semaphore(%run_scoped3A : memref<!tpu.dma_semaphore, #tpu.memory_space<semaphore_mem>>) src(%dma_wait3A_257 : memref<8x128xi32, #tpu.memory_space<hbm>>) dst(%arg8 : memref<8x128xi32, #tpu.memory_space<vmem>>)
        tpu.yield
      }) : () -> ()
      %dma_start3A = arith.constant 0 : i32
      %dma_start3A_20 = arith.constant 0 : i32
      %dma_start3A_21 = tpu.memref_slice %arg7[%dma_start3A, %dma_start3A_20] : memref<8x128xi32, #tpu.memory_space<vmem>> -> memref<1x128xi32, #tpu.memory_space<vmem>>
      %dma_start3A_22 = tpu.memref_squeeze %dma_start3A_21 : memref<1x128xi32, #tpu.memory_space<vmem>> -> memref<128xi32, #tpu.memory_space<vmem>>
      %dma_start3A_23 = arith.constant 0 : i32
      %dma_start3A_24 = arith.constant 0 : i32
      %dma_start3A_25 = tpu.memref_slice %arg2[%dma_start3A_23, %dma_start3A_24] : memref<10000x128xf32, #tpu.memory_space<hbm>> -> memref<10000x128xf32, #tpu.memory_space<hbm>>
      tpu.enqueue_indirect_dma source(%dma_start3A_25 : memref<10000x128xf32, #tpu.memory_space<hbm>>) target(%arg9 : memref<128x128xf32, #tpu.memory_space<vmem>>) offsets(%dma_start3A_22 : memref<128xi32, #tpu.memory_space<vmem>>) semaphore(%arg12 : memref<!tpu.dma_semaphore, #tpu.memory_space<semaphore_mem>>)
      %dma_start3A_26 = arith.constant 1 : i32
      %dma_start3A_27 = arith.constant 0 : i32
      %dma_start3A_28 = tpu.memref_slice %arg7[%dma_start3A_26, %dma_start3A_27] : memref<8x128xi32, #tpu.memory_space<vmem>> -> memref<1x128xi32, #tpu.memory_space<vmem>>
      %dma_start3A_29 = tpu.memref_squeeze %dma_start3A_28 : memref<1x128xi32, #tpu.memory_space<vmem>> -> memref<128xi32, #tpu.memory_space<vmem>>
      %dma_start3A_30 = arith.constant 0 : i32
      %dma_start3A_31 = arith.constant 0 : i32
      %dma_start3A_32 = tpu.memref_slice %arg2[%dma_start3A_30, %dma_start3A_31] : memref<10000x128xf32, #tpu.memory_space<hbm>> -> memref<10000x128xf32, #tpu.memory_space<hbm>>
      tpu.enqueue_indirect_dma source(%dma_start3A_32 : memref<10000x128xf32, #tpu.memory_space<hbm>>) target(%arg10 : memref<128x128xf32, #tpu.memory_space<vmem>>) offsets(%dma_start3A_29 : memref<128xi32, #tpu.memory_space<vmem>>) semaphore(%arg13 : memref<!tpu.dma_semaphore, #tpu.memory_space<semaphore_mem>>)
      %dma_wait3A = arith.constant 0 : i32
      %dma_wait3A_33 = arith.constant 0 : i32
      %dma_wait3A_34 = tpu.memref_slice %arg7[%dma_wait3A, %dma_wait3A_33] : memref<8x128xi32, #tpu.memory_space<vmem>> -> memref<1x128xi32, #tpu.memory_space<vmem>>
      %dma_wait3A_35 = tpu.memref_squeeze %dma_wait3A_34 : memref<1x128xi32, #tpu.memory_space<vmem>> -> memref<128xi32, #tpu.memory_space<vmem>>
      %dma_wait3A_36 = arith.constant 0 : i32
      %dma_wait3A_37 = arith.constant 0 : i32
      %dma_wait3A_38 = tpu.memref_slice %arg2[%dma_wait3A_36, %dma_wait3A_37] : memref<10000x128xf32, #tpu.memory_space<hbm>> -> memref<10000x128xf32, #tpu.memory_space<hbm>>
      tpu.wait_indirect_dma semaphore(%arg12 : memref<!tpu.dma_semaphore, #tpu.memory_space<semaphore_mem>>) src(%dma_wait3A_38 : memref<10000x128xf32, #tpu.memory_space<hbm>>) dst(%arg9 : memref<128x128xf32, #tpu.memory_space<vmem>>)
      %dma_start3A_39 = arith.constant 0 : i32
      %dma_start3A_40 = arith.constant 0 : i32
      %dma_start3A_41 = tpu.memref_slice %arg8[%dma_start3A_39, %dma_start3A_40] : memref<8x128xi32, #tpu.memory_space<vmem>> -> memref<1x128xi32, #tpu.memory_space<vmem>>
      %dma_start3A_42 = tpu.memref_squeeze %dma_start3A_41 : memref<1x128xi32, #tpu.memory_space<vmem>> -> memref<128xi32, #tpu.memory_space<vmem>>
      %dma_start3A_43 = arith.constant 0 : i32
      %dma_start3A_44 = arith.constant 0 : i32
      %dma_start3A_45 = tpu.memref_slice %arg11[%dma_start3A_43, %dma_start3A_44] : memref<10112x128xf32, #tpu.memory_space<vmem_shared>> -> memref<10112x128xf32, #tpu.memory_space<vmem_shared>>
      tpu.enqueue_indirect_dma source(%arg9 : memref<128x128xf32, #tpu.memory_space<vmem>>) target(%dma_start3A_45 : memref<10112x128xf32, #tpu.memory_space<vmem_shared>>) offsets(%dma_start3A_42 : memref<128xi32, #tpu.memory_space<vmem>>) semaphore(%arg14 : memref<!tpu.dma_semaphore, #tpu.memory_space<semaphore_mem>>) {add = true}
      %dma_wait3A_46 = arith.constant 0 : i32
      %dma_wait3A_47 = arith.constant 0 : i32
      %dma_wait3A_48 = tpu.memref_slice %arg8[%dma_wait3A_46, %dma_wait3A_47] : memref<8x128xi32, #tpu.memory_space<vmem>> -> memref<1x128xi32, #tpu.memory_space<vmem>>
      %dma_wait3A_49 = tpu.memref_squeeze %dma_wait3A_48 : memref<1x128xi32, #tpu.memory_space<vmem>> -> memref<128xi32, #tpu.memory_space<vmem>>
      %dma_wait3A_50 = arith.constant 0 : i32
      %dma_wait3A_51 = arith.constant 0 : i32
      %dma_wait3A_52 = tpu.memref_slice %arg11[%dma_wait3A_50, %dma_wait3A_51] : memref<10112x128xf32, #tpu.memory_space<vmem_shared>> -> memref<10112x128xf32, #tpu.memory_space<vmem_shared>>
      tpu.wait_indirect_dma semaphore(%arg14 : memref<!tpu.dma_semaphore, #tpu.memory_space<semaphore_mem>>) src(%arg9 : memref<128x128xf32, #tpu.memory_space<vmem>>) dst(%dma_wait3A_52 : memref<10112x128xf32, #tpu.memory_space<vmem_shared>>)
      %dma_start3A_53 = arith.constant 2 : i32
      %dma_start3A_54 = arith.constant 0 : i32
      %dma_start3A_55 = tpu.memref_slice %arg7[%dma_start3A_53, %dma_start3A_54] : memref<8x128xi32, #tpu.memory_space<vmem>> -> memref<1x128xi32, #tpu.memory_space<vmem>>
      %dma_start3A_56 = tpu.memref_squeeze %dma_start3A_55 : memref<1x128xi32, #tpu.memory_space<vmem>> -> memref<128xi32, #tpu.memory_space<vmem>>
      %dma_start3A_57 = arith.constant 0 : i32
      %dma_start3A_58 = arith.constant 0 : i32
      %dma_start3A_59 = tpu.memref_slice %arg2[%dma_start3A_57, %dma_start3A_58] : memref<10000x128xf32, #tpu.memory_space<hbm>> -> memref<10000x128xf32, #tpu.memory_space<hbm>>
      tpu.enqueue_indirect_dma source(%dma_start3A_59 : memref<10000x128xf32, #tpu.memory_space<hbm>>) target(%arg9 : memref<128x128xf32, #tpu.memory_space<vmem>>) offsets(%dma_start3A_56 : memref<128xi32, #tpu.memory_space<vmem>>) semaphore(%arg12 : memref<!tpu.dma_semaphore, #tpu.memory_space<semaphore_mem>>)
      %dma_wait3A_60 = arith.constant 1 : i32
      %dma_wait3A_61 = arith.constant 0 : i32
      %dma_wait3A_62 = tpu.memref_slice %arg7[%dma_wait3A_60, %dma_wait3A_61] : memref<8x128xi32, #tpu.memory_space<vmem>> -> memref<1x128xi32, #tpu.memory_space<vmem>>
      %dma_wait3A_63 = tpu.memref_squeeze %dma_wait3A_62 : memref<1x128xi32, #tpu.memory_space<vmem>> -> memref<128xi32, #tpu.memory_space<vmem>>
      %dma_wait3A_64 = arith.constant 0 : i32
      %dma_wait3A_65 = arith.constant 0 : i32
      %dma_wait3A_66 = tpu.memref_slice %arg2[%dma_wait3A_64, %dma_wait3A_65] : memref<10000x128xf32, #tpu.memory_space<hbm>> -> memref<10000x128xf32, #tpu.memory_space<hbm>>
      tpu.wait_indirect_dma semaphore(%arg13 : memref<!tpu.dma_semaphore, #tpu.memory_space<semaphore_mem>>) src(%dma_wait3A_66 : memref<10000x128xf32, #tpu.memory_space<hbm>>) dst(%arg10 : memref<128x128xf32, #tpu.memory_space<vmem>>)
      %dma_start3A_67 = arith.constant 1 : i32
      %dma_start3A_68 = arith.constant 0 : i32
      %dma_start3A_69 = tpu.memref_slice %arg8[%dma_start3A_67, %dma_start3A_68] : memref<8x128xi32, #tpu.memory_space<vmem>> -> memref<1x128xi32, #tpu.memory_space<vmem>>
      %dma_start3A_70 = tpu.memref_squeeze %dma_start3A_69 : memref<1x128xi32, #tpu.memory_space<vmem>> -> memref<128xi32, #tpu.memory_space<vmem>>
      %dma_start3A_71 = arith.constant 0 : i32
      %dma_start3A_72 = arith.constant 0 : i32
      %dma_start3A_73 = tpu.memref_slice %arg11[%dma_start3A_71, %dma_start3A_72] : memref<10112x128xf32, #tpu.memory_space<vmem_shared>> -> memref<10112x128xf32, #tpu.memory_space<vmem_shared>>
      tpu.enqueue_indirect_dma source(%arg10 : memref<128x128xf32, #tpu.memory_space<vmem>>) target(%dma_start3A_73 : memref<10112x128xf32, #tpu.memory_space<vmem_shared>>) offsets(%dma_start3A_70 : memref<128xi32, #tpu.memory_space<vmem>>) semaphore(%arg15 : memref<!tpu.dma_semaphore, #tpu.memory_space<semaphore_mem>>) {add = true}
      %dma_wait3A_74 = arith.constant 1 : i32
      %dma_wait3A_75 = arith.constant 0 : i32
      %dma_wait3A_76 = tpu.memref_slice %arg8[%dma_wait3A_74, %dma_wait3A_75] : memref<8x128xi32, #tpu.memory_space<vmem>> -> memref<1x128xi32, #tpu.memory_space<vmem>>
      %dma_wait3A_77 = tpu.memref_squeeze %dma_wait3A_76 : memref<1x128xi32, #tpu.memory_space<vmem>> -> memref<128xi32, #tpu.memory_space<vmem>>
      %dma_wait3A_78 = arith.constant 0 : i32
      %dma_wait3A_79 = arith.constant 0 : i32
      %dma_wait3A_80 = tpu.memref_slice %arg11[%dma_wait3A_78, %dma_wait3A_79] : memref<10112x128xf32, #tpu.memory_space<vmem_shared>> -> memref<10112x128xf32, #tpu.memory_space<vmem_shared>>
      tpu.wait_indirect_dma semaphore(%arg15 : memref<!tpu.dma_semaphore, #tpu.memory_space<semaphore_mem>>) src(%arg10 : memref<128x128xf32, #tpu.memory_space<vmem>>) dst(%dma_wait3A_80 : memref<10112x128xf32, #tpu.memory_space<vmem_shared>>)
      %dma_start3A_81 = arith.constant 3 : i32
      %dma_start3A_82 = arith.constant 0 : i32
      %dma_start3A_83 = tpu.memref_slice %arg7[%dma_start3A_81, %dma_start3A_82] : memref<8x128xi32, #tpu.memory_space<vmem>> -> memref<1x128xi32, #tpu.memory_space<vmem>>
      %dma_start3A_84 = tpu.memref_squeeze %dma_start3A_83 : memref<1x128xi32, #tpu.memory_space<vmem>> -> memref<128xi32, #tpu.memory_space<vmem>>
      %dma_start3A_85 = arith.constant 0 : i32
      %dma_start3A_86 = arith.constant 0 : i32
      %dma_start3A_87 = tpu.memref_slice %arg2[%dma_start3A_85, %dma_start3A_86] : memref<10000x128xf32, #tpu.memory_space<hbm>> -> memref<10000x128xf32, #tpu.memory_space<hbm>>
      tpu.enqueue_indirect_dma source(%dma_start3A_87 : memref<10000x128xf32, #tpu.memory_space<hbm>>) target(%arg10 : memref<128x128xf32, #tpu.memory_space<vmem>>) offsets(%dma_start3A_84 : memref<128xi32, #tpu.memory_space<vmem>>) semaphore(%arg13 : memref<!tpu.dma_semaphore, #tpu.memory_space<semaphore_mem>>)
      %dma_wait3A_88 = arith.constant 2 : i32
      %dma_wait3A_89 = arith.constant 0 : i32
      %dma_wait3A_90 = tpu.memref_slice %arg7[%dma_wait3A_88, %dma_wait3A_89] : memref<8x128xi32, #tpu.memory_space<vmem>> -> memref<1x128xi32, #tpu.memory_space<vmem>>
      %dma_wait3A_91 = tpu.memref_squeeze %dma_wait3A_90 : memref<1x128xi32, #tpu.memory_space<vmem>> -> memref<128xi32, #tpu.memory_space<vmem>>
      %dma_wait3A_92 = arith.constant 0 : i32
      %dma_wait3A_93 = arith.constant 0 : i32
      %dma_wait3A_94 = tpu.memref_slice %arg2[%dma_wait3A_92, %dma_wait3A_93] : memref<10000x128xf32, #tpu.memory_space<hbm>> -> memref<10000x128xf32, #tpu.memory_space<hbm>>
      tpu.wait_indirect_dma semaphore(%arg12 : memref<!tpu.dma_semaphore, #tpu.memory_space<semaphore_mem>>) src(%dma_wait3A_94 : memref<10000x128xf32, #tpu.memory_space<hbm>>) dst(%arg9 : memref<128x128xf32, #tpu.memory_space<vmem>>)
      %dma_start3A_95 = arith.constant 2 : i32
      %dma_start3A_96 = arith.constant 0 : i32
      %dma_start3A_97 = tpu.memref_slice %arg8[%dma_start3A_95, %dma_start3A_96] : memref<8x128xi32, #tpu.memory_space<vmem>> -> memref<1x128xi32, #tpu.memory_space<vmem>>
      %dma_start3A_98 = tpu.memref_squeeze %dma_start3A_97 : memref<1x128xi32, #tpu.memory_space<vmem>> -> memref<128xi32, #tpu.memory_space<vmem>>
      %dma_start3A_99 = arith.constant 0 : i32
      %dma_start3A_100 = arith.constant 0 : i32
      %dma_start3A_101 = tpu.memref_slice %arg11[%dma_start3A_99, %dma_start3A_100] : memref<10112x128xf32, #tpu.memory_space<vmem_shared>> -> memref<10112x128xf32, #tpu.memory_space<vmem_shared>>
      tpu.enqueue_indirect_dma source(%arg9 : memref<128x128xf32, #tpu.memory_space<vmem>>) target(%dma_start3A_101 : memref<10112x128xf32, #tpu.memory_space<vmem_shared>>) offsets(%dma_start3A_98 : memref<128xi32, #tpu.memory_space<vmem>>) semaphore(%arg14 : memref<!tpu.dma_semaphore, #tpu.memory_space<semaphore_mem>>) {add = true}
      %dma_wait3A_102 = arith.constant 2 : i32
      %dma_wait3A_103 = arith.constant 0 : i32
      %dma_wait3A_104 = tpu.memref_slice %arg8[%dma_wait3A_102, %dma_wait3A_103] : memref<8x128xi32, #tpu.memory_space<vmem>> -> memref<1x128xi32, #tpu.memory_space<vmem>>
      %dma_wait3A_105 = tpu.memref_squeeze %dma_wait3A_104 : memref<1x128xi32, #tpu.memory_space<vmem>> -> memref<128xi32, #tpu.memory_space<vmem>>
      %dma_wait3A_106 = arith.constant 0 : i32
      %dma_wait3A_107 = arith.constant 0 : i32
      %dma_wait3A_108 = tpu.memref_slice %arg11[%dma_wait3A_106, %dma_wait3A_107] : memref<10112x128xf32, #tpu.memory_space<vmem_shared>> -> memref<10112x128xf32, #tpu.memory_space<vmem_shared>>
      tpu.wait_indirect_dma semaphore(%arg14 : memref<!tpu.dma_semaphore, #tpu.memory_space<semaphore_mem>>) src(%arg9 : memref<128x128xf32, #tpu.memory_space<vmem>>) dst(%dma_wait3A_108 : memref<10112x128xf32, #tpu.memory_space<vmem_shared>>)
      %dma_start3A_109 = arith.constant 4 : i32
      %dma_start3A_110 = arith.constant 0 : i32
      %dma_start3A_111 = tpu.memref_slice %arg7[%dma_start3A_109, %dma_start3A_110] : memref<8x128xi32, #tpu.memory_space<vmem>> -> memref<1x128xi32, #tpu.memory_space<vmem>>
      %dma_start3A_112 = tpu.memref_squeeze %dma_start3A_111 : memref<1x128xi32, #tpu.memory_space<vmem>> -> memref<128xi32, #tpu.memory_space<vmem>>
      %dma_start3A_113 = arith.constant 0 : i32
      %dma_start3A_114 = arith.constant 0 : i32
      %dma_start3A_115 = tpu.memref_slice %arg2[%dma_start3A_113, %dma_start3A_114] : memref<10000x128xf32, #tpu.memory_space<hbm>> -> memref<10000x128xf32, #tpu.memory_space<hbm>>
      tpu.enqueue_indirect_dma source(%dma_start3A_115 : memref<10000x128xf32, #tpu.memory_space<hbm>>) target(%arg9 : memref<128x128xf32, #tpu.memory_space<vmem>>) offsets(%dma_start3A_112 : memref<128xi32, #tpu.memory_space<vmem>>) semaphore(%arg12 : memref<!tpu.dma_semaphore, #tpu.memory_space<semaphore_mem>>)
      %dma_wait3A_116 = arith.constant 3 : i32
      %dma_wait3A_117 = arith.constant 0 : i32
      %dma_wait3A_118 = tpu.memref_slice %arg7[%dma_wait3A_116, %dma_wait3A_117] : memref<8x128xi32, #tpu.memory_space<vmem>> -> memref<1x128xi32, #tpu.memory_space<vmem>>
      %dma_wait3A_119 = tpu.memref_squeeze %dma_wait3A_118 : memref<1x128xi32, #tpu.memory_space<vmem>> -> memref<128xi32, #tpu.memory_space<vmem>>
      %dma_wait3A_120 = arith.constant 0 : i32
      %dma_wait3A_121 = arith.constant 0 : i32
      %dma_wait3A_122 = tpu.memref_slice %arg2[%dma_wait3A_120, %dma_wait3A_121] : memref<10000x128xf32, #tpu.memory_space<hbm>> -> memref<10000x128xf32, #tpu.memory_space<hbm>>
      tpu.wait_indirect_dma semaphore(%arg13 : memref<!tpu.dma_semaphore, #tpu.memory_space<semaphore_mem>>) src(%dma_wait3A_122 : memref<10000x128xf32, #tpu.memory_space<hbm>>) dst(%arg10 : memref<128x128xf32, #tpu.memory_space<vmem>>)
      %dma_start3A_123 = arith.constant 3 : i32
      %dma_start3A_124 = arith.constant 0 : i32
      %dma_start3A_125 = tpu.memref_slice %arg8[%dma_start3A_123, %dma_start3A_124] : memref<8x128xi32, #tpu.memory_space<vmem>> -> memref<1x128xi32, #tpu.memory_space<vmem>>
      %dma_start3A_126 = tpu.memref_squeeze %dma_start3A_125 : memref<1x128xi32, #tpu.memory_space<vmem>> -> memref<128xi32, #tpu.memory_space<vmem>>
      %dma_start3A_127 = arith.constant 0 : i32
      %dma_start3A_128 = arith.constant 0 : i32
      %dma_start3A_129 = tpu.memref_slice %arg11[%dma_start3A_127, %dma_start3A_128] : memref<10112x128xf32, #tpu.memory_space<vmem_shared>> -> memref<10112x128xf32, #tpu.memory_space<vmem_shared>>
      tpu.enqueue_indirect_dma source(%arg10 : memref<128x128xf32, #tpu.memory_space<vmem>>) target(%dma_start3A_129 : memref<10112x128xf32, #tpu.memory_space<vmem_shared>>) offsets(%dma_start3A_126 : memref<128xi32, #tpu.memory_space<vmem>>) semaphore(%arg15 : memref<!tpu.dma_semaphore, #tpu.memory_space<semaphore_mem>>) {add = true}
      %dma_wait3A_130 = arith.constant 3 : i32
      %dma_wait3A_131 = arith.constant 0 : i32
      %dma_wait3A_132 = tpu.memref_slice %arg8[%dma_wait3A_130, %dma_wait3A_131] : memref<8x128xi32, #tpu.memory_space<vmem>> -> memref<1x128xi32, #tpu.memory_space<vmem>>
      %dma_wait3A_133 = tpu.memref_squeeze %dma_wait3A_132 : memref<1x128xi32, #tpu.memory_space<vmem>> -> memref<128xi32, #tpu.memory_space<vmem>>
      %dma_wait3A_134 = arith.constant 0 : i32
      %dma_wait3A_135 = arith.constant 0 : i32
      %dma_wait3A_136 = tpu.memref_slice %arg11[%dma_wait3A_134, %dma_wait3A_135] : memref<10112x128xf32, #tpu.memory_space<vmem_shared>> -> memref<10112x128xf32, #tpu.memory_space<vmem_shared>>
      tpu.wait_indirect_dma semaphore(%arg15 : memref<!tpu.dma_semaphore, #tpu.memory_space<semaphore_mem>>) src(%arg10 : memref<128x128xf32, #tpu.memory_space<vmem>>) dst(%dma_wait3A_136 : memref<10112x128xf32, #tpu.memory_space<vmem_shared>>)
      %dma_start3A_137 = arith.constant 5 : i32
      %dma_start3A_138 = arith.constant 0 : i32
      %dma_start3A_139 = tpu.memref_slice %arg7[%dma_start3A_137, %dma_start3A_138] : memref<8x128xi32, #tpu.memory_space<vmem>> -> memref<1x128xi32, #tpu.memory_space<vmem>>
      %dma_start3A_140 = tpu.memref_squeeze %dma_start3A_139 : memref<1x128xi32, #tpu.memory_space<vmem>> -> memref<128xi32, #tpu.memory_space<vmem>>
      %dma_start3A_141 = arith.constant 0 : i32
      %dma_start3A_142 = arith.constant 0 : i32
      %dma_start3A_143 = tpu.memref_slice %arg2[%dma_start3A_141, %dma_start3A_142] : memref<10000x128xf32, #tpu.memory_space<hbm>> -> memref<10000x128xf32, #tpu.memory_space<hbm>>
      tpu.enqueue_indirect_dma source(%dma_start3A_143 : memref<10000x128xf32, #tpu.memory_space<hbm>>) target(%arg10 : memref<128x128xf32, #tpu.memory_space<vmem>>) offsets(%dma_start3A_140 : memref<128xi32, #tpu.memory_space<vmem>>) semaphore(%arg13 : memref<!tpu.dma_semaphore, #tpu.memory_space<semaphore_mem>>)
      %dma_wait3A_144 = arith.constant 4 : i32
      %dma_wait3A_145 = arith.constant 0 : i32
      %dma_wait3A_146 = tpu.memref_slice %arg7[%dma_wait3A_144, %dma_wait3A_145] : memref<8x128xi32, #tpu.memory_space<vmem>> -> memref<1x128xi32, #tpu.memory_space<vmem>>
      %dma_wait3A_147 = tpu.memref_squeeze %dma_wait3A_146 : memref<1x128xi32, #tpu.memory_space<vmem>> -> memref<128xi32, #tpu.memory_space<vmem>>
      %dma_wait3A_148 = arith.constant 0 : i32
      %dma_wait3A_149 = arith.constant 0 : i32
      %dma_wait3A_150 = tpu.memref_slice %arg2[%dma_wait3A_148, %dma_wait3A_149] : memref<10000x128xf32, #tpu.memory_space<hbm>> -> memref<10000x128xf32, #tpu.memory_space<hbm>>
      tpu.wait_indirect_dma semaphore(%arg12 : memref<!tpu.dma_semaphore, #tpu.memory_space<semaphore_mem>>) src(%dma_wait3A_150 : memref<10000x128xf32, #tpu.memory_space<hbm>>) dst(%arg9 : memref<128x128xf32, #tpu.memory_space<vmem>>)
      %dma_start3A_151 = arith.constant 4 : i32
      %dma_start3A_152 = arith.constant 0 : i32
      %dma_start3A_153 = tpu.memref_slice %arg8[%dma_start3A_151, %dma_start3A_152] : memref<8x128xi32, #tpu.memory_space<vmem>> -> memref<1x128xi32, #tpu.memory_space<vmem>>
      %dma_start3A_154 = tpu.memref_squeeze %dma_start3A_153 : memref<1x128xi32, #tpu.memory_space<vmem>> -> memref<128xi32, #tpu.memory_space<vmem>>
      %dma_start3A_155 = arith.constant 0 : i32
      %dma_start3A_156 = arith.constant 0 : i32
      %dma_start3A_157 = tpu.memref_slice %arg11[%dma_start3A_155, %dma_start3A_156] : memref<10112x128xf32, #tpu.memory_space<vmem_shared>> -> memref<10112x128xf32, #tpu.memory_space<vmem_shared>>
      tpu.enqueue_indirect_dma source(%arg9 : memref<128x128xf32, #tpu.memory_space<vmem>>) target(%dma_start3A_157 : memref<10112x128xf32, #tpu.memory_space<vmem_shared>>) offsets(%dma_start3A_154 : memref<128xi32, #tpu.memory_space<vmem>>) semaphore(%arg14 : memref<!tpu.dma_semaphore, #tpu.memory_space<semaphore_mem>>) {add = true}
      %dma_wait3A_158 = arith.constant 4 : i32
      %dma_wait3A_159 = arith.constant 0 : i32
      %dma_wait3A_160 = tpu.memref_slice %arg8[%dma_wait3A_158, %dma_wait3A_159] : memref<8x128xi32, #tpu.memory_space<vmem>> -> memref<1x128xi32, #tpu.memory_space<vmem>>
      %dma_wait3A_161 = tpu.memref_squeeze %dma_wait3A_160 : memref<1x128xi32, #tpu.memory_space<vmem>> -> memref<128xi32, #tpu.memory_space<vmem>>
      %dma_wait3A_162 = arith.constant 0 : i32
      %dma_wait3A_163 = arith.constant 0 : i32
      %dma_wait3A_164 = tpu.memref_slice %arg11[%dma_wait3A_162, %dma_wait3A_163] : memref<10112x128xf32, #tpu.memory_space<vmem_shared>> -> memref<10112x128xf32, #tpu.memory_space<vmem_shared>>
      tpu.wait_indirect_dma semaphore(%arg14 : memref<!tpu.dma_semaphore, #tpu.memory_space<semaphore_mem>>) src(%arg9 : memref<128x128xf32, #tpu.memory_space<vmem>>) dst(%dma_wait3A_164 : memref<10112x128xf32, #tpu.memory_space<vmem_shared>>)
      %dma_start3A_165 = arith.constant 6 : i32
      %dma_start3A_166 = arith.constant 0 : i32
      %dma_start3A_167 = tpu.memref_slice %arg7[%dma_start3A_165, %dma_start3A_166] : memref<8x128xi32, #tpu.memory_space<vmem>> -> memref<1x128xi32, #tpu.memory_space<vmem>>
      %dma_start3A_168 = tpu.memref_squeeze %dma_start3A_167 : memref<1x128xi32, #tpu.memory_space<vmem>> -> memref<128xi32, #tpu.memory_space<vmem>>
      %dma_start3A_169 = arith.constant 0 : i32
      %dma_start3A_170 = arith.constant 0 : i32
      %dma_start3A_171 = tpu.memref_slice %arg2[%dma_start3A_169, %dma_start3A_170] : memref<10000x128xf32, #tpu.memory_space<hbm>> -> memref<10000x128xf32, #tpu.memory_space<hbm>>
      tpu.enqueue_indirect_dma source(%dma_start3A_171 : memref<10000x128xf32, #tpu.memory_space<hbm>>) target(%arg9 : memref<128x128xf32, #tpu.memory_space<vmem>>) offsets(%dma_start3A_168 : memref<128xi32, #tpu.memory_space<vmem>>) semaphore(%arg12 : memref<!tpu.dma_semaphore, #tpu.memory_space<semaphore_mem>>)
      %dma_wait3A_172 = arith.constant 5 : i32
      %dma_wait3A_173 = arith.constant 0 : i32
      %dma_wait3A_174 = tpu.memref_slice %arg7[%dma_wait3A_172, %dma_wait3A_173] : memref<8x128xi32, #tpu.memory_space<vmem>> -> memref<1x128xi32, #tpu.memory_space<vmem>>
      %dma_wait3A_175 = tpu.memref_squeeze %dma_wait3A_174 : memref<1x128xi32, #tpu.memory_space<vmem>> -> memref<128xi32, #tpu.memory_space<vmem>>
      %dma_wait3A_176 = arith.constant 0 : i32
      %dma_wait3A_177 = arith.constant 0 : i32
      %dma_wait3A_178 = tpu.memref_slice %arg2[%dma_wait3A_176, %dma_wait3A_177] : memref<10000x128xf32, #tpu.memory_space<hbm>> -> memref<10000x128xf32, #tpu.memory_space<hbm>>
      tpu.wait_indirect_dma semaphore(%arg13 : memref<!tpu.dma_semaphore, #tpu.memory_space<semaphore_mem>>) src(%dma_wait3A_178 : memref<10000x128xf32, #tpu.memory_space<hbm>>) dst(%arg10 : memref<128x128xf32, #tpu.memory_space<vmem>>)
      %dma_start3A_179 = arith.constant 5 : i32
      %dma_start3A_180 = arith.constant 0 : i32
      %dma_start3A_181 = tpu.memref_slice %arg8[%dma_start3A_179, %dma_start3A_180] : memref<8x128xi32, #tpu.memory_space<vmem>> -> memref<1x128xi32, #tpu.memory_space<vmem>>
      %dma_start3A_182 = tpu.memref_squeeze %dma_start3A_181 : memref<1x128xi32, #tpu.memory_space<vmem>> -> memref<128xi32, #tpu.memory_space<vmem>>
      %dma_start3A_183 = arith.constant 0 : i32
      %dma_start3A_184 = arith.constant 0 : i32
      %dma_start3A_185 = tpu.memref_slice %arg11[%dma_start3A_183, %dma_start3A_184] : memref<10112x128xf32, #tpu.memory_space<vmem_shared>> -> memref<10112x128xf32, #tpu.memory_space<vmem_shared>>
      tpu.enqueue_indirect_dma source(%arg10 : memref<128x128xf32, #tpu.memory_space<vmem>>) target(%dma_start3A_185 : memref<10112x128xf32, #tpu.memory_space<vmem_shared>>) offsets(%dma_start3A_182 : memref<128xi32, #tpu.memory_space<vmem>>) semaphore(%arg15 : memref<!tpu.dma_semaphore, #tpu.memory_space<semaphore_mem>>) {add = true}
      %dma_wait3A_186 = arith.constant 5 : i32
      %dma_wait3A_187 = arith.constant 0 : i32
      %dma_wait3A_188 = tpu.memref_slice %arg8[%dma_wait3A_186, %dma_wait3A_187] : memref<8x128xi32, #tpu.memory_space<vmem>> -> memref<1x128xi32, #tpu.memory_space<vmem>>
      %dma_wait3A_189 = tpu.memref_squeeze %dma_wait3A_188 : memref<1x128xi32, #tpu.memory_space<vmem>> -> memref<128xi32, #tpu.memory_space<vmem>>
      %dma_wait3A_190 = arith.constant 0 : i32
      %dma_wait3A_191 = arith.constant 0 : i32
      %dma_wait3A_192 = tpu.memref_slice %arg11[%dma_wait3A_190, %dma_wait3A_191] : memref<10112x128xf32, #tpu.memory_space<vmem_shared>> -> memref<10112x128xf32, #tpu.memory_space<vmem_shared>>
      tpu.wait_indirect_dma semaphore(%arg15 : memref<!tpu.dma_semaphore, #tpu.memory_space<semaphore_mem>>) src(%arg10 : memref<128x128xf32, #tpu.memory_space<vmem>>) dst(%dma_wait3A_192 : memref<10112x128xf32, #tpu.memory_space<vmem_shared>>)
      %dma_start3A_193 = arith.constant 7 : i32
      %dma_start3A_194 = arith.constant 0 : i32
      %dma_start3A_195 = tpu.memref_slice %arg7[%dma_start3A_193, %dma_start3A_194] : memref<8x128xi32, #tpu.memory_space<vmem>> -> memref<1x128xi32, #tpu.memory_space<vmem>>
      %dma_start3A_196 = tpu.memref_squeeze %dma_start3A_195 : memref<1x128xi32, #tpu.memory_space<vmem>> -> memref<128xi32, #tpu.memory_space<vmem>>
      %dma_start3A_197 = arith.constant 0 : i32
      %dma_start3A_198 = arith.constant 0 : i32
      %dma_start3A_199 = tpu.memref_slice %arg2[%dma_start3A_197, %dma_start3A_198] : memref<10000x128xf32, #tpu.memory_space<hbm>> -> memref<10000x128xf32, #tpu.memory_space<hbm>>
      tpu.enqueue_indirect_dma source(%dma_start3A_199 : memref<10000x128xf32, #tpu.memory_space<hbm>>) target(%arg10 : memref<128x128xf32, #tpu.memory_space<vmem>>) offsets(%dma_start3A_196 : memref<128xi32, #tpu.memory_space<vmem>>) semaphore(%arg13 : memref<!tpu.dma_semaphore, #tpu.memory_space<semaphore_mem>>)
      %dma_wait3A_200 = arith.constant 6 : i32
      %dma_wait3A_201 = arith.constant 0 : i32
      %dma_wait3A_202 = tpu.memref_slice %arg7[%dma_wait3A_200, %dma_wait3A_201] : memref<8x128xi32, #tpu.memory_space<vmem>> -> memref<1x128xi32, #tpu.memory_space<vmem>>
      %dma_wait3A_203 = tpu.memref_squeeze %dma_wait3A_202 : memref<1x128xi32, #tpu.memory_space<vmem>> -> memref<128xi32, #tpu.memory_space<vmem>>
      %dma_wait3A_204 = arith.constant 0 : i32
      %dma_wait3A_205 = arith.constant 0 : i32
      %dma_wait3A_206 = tpu.memref_slice %arg2[%dma_wait3A_204, %dma_wait3A_205] : memref<10000x128xf32, #tpu.memory_space<hbm>> -> memref<10000x128xf32, #tpu.memory_space<hbm>>
      tpu.wait_indirect_dma semaphore(%arg12 : memref<!tpu.dma_semaphore, #tpu.memory_space<semaphore_mem>>) src(%dma_wait3A_206 : memref<10000x128xf32, #tpu.memory_space<hbm>>) dst(%arg9 : memref<128x128xf32, #tpu.memory_space<vmem>>)
      %dma_start3A_207 = arith.constant 6 : i32
      %dma_start3A_208 = arith.constant 0 : i32
      %dma_start3A_209 = tpu.memref_slice %arg8[%dma_start3A_207, %dma_start3A_208] : memref<8x128xi32, #tpu.memory_space<vmem>> -> memref<1x128xi32, #tpu.memory_space<vmem>>
      %dma_start3A_210 = tpu.memref_squeeze %dma_start3A_209 : memref<1x128xi32, #tpu.memory_space<vmem>> -> memref<128xi32, #tpu.memory_space<vmem>>
      %dma_start3A_211 = arith.constant 0 : i32
      %dma_start3A_212 = arith.constant 0 : i32
      %dma_start3A_213 = tpu.memref_slice %arg11[%dma_start3A_211, %dma_start3A_212] : memref<10112x128xf32, #tpu.memory_space<vmem_shared>> -> memref<10112x128xf32, #tpu.memory_space<vmem_shared>>
      tpu.enqueue_indirect_dma source(%arg9 : memref<128x128xf32, #tpu.memory_space<vmem>>) target(%dma_start3A_213 : memref<10112x128xf32, #tpu.memory_space<vmem_shared>>) offsets(%dma_start3A_210 : memref<128xi32, #tpu.memory_space<vmem>>) semaphore(%arg14 : memref<!tpu.dma_semaphore, #tpu.memory_space<semaphore_mem>>) {add = true}
      %dma_wait3A_214 = arith.constant 6 : i32
      %dma_wait3A_215 = arith.constant 0 : i32
      %dma_wait3A_216 = tpu.memref_slice %arg8[%dma_wait3A_214, %dma_wait3A_215] : memref<8x128xi32, #tpu.memory_space<vmem>> -> memref<1x128xi32, #tpu.memory_space<vmem>>
      %dma_wait3A_217 = tpu.memref_squeeze %dma_wait3A_216 : memref<1x128xi32, #tpu.memory_space<vmem>> -> memref<128xi32, #tpu.memory_space<vmem>>
      %dma_wait3A_218 = arith.constant 0 : i32
      %dma_wait3A_219 = arith.constant 0 : i32
      %dma_wait3A_220 = tpu.memref_slice %arg11[%dma_wait3A_218, %dma_wait3A_219] : memref<10112x128xf32, #tpu.memory_space<vmem_shared>> -> memref<10112x128xf32, #tpu.memory_space<vmem_shared>>
      tpu.wait_indirect_dma semaphore(%arg14 : memref<!tpu.dma_semaphore, #tpu.memory_space<semaphore_mem>>) src(%arg9 : memref<128x128xf32, #tpu.memory_space<vmem>>) dst(%dma_wait3A_220 : memref<10112x128xf32, #tpu.memory_space<vmem_shared>>)
      %dma_wait3A_221 = arith.constant 7 : i32
      %dma_wait3A_222 = arith.constant 0 : i32
      %dma_wait3A_223 = tpu.memref_slice %arg7[%dma_wait3A_221, %dma_wait3A_222] : memref<8x128xi32, #tpu.memory_space<vmem>> -> memref<1x128xi32, #tpu.memory_space<vmem>>
      %dma_wait3A_224 = tpu.memref_squeeze %dma_wait3A_223 : memref<1x128xi32, #tpu.memory_space<vmem>> -> memref<128xi32, #tpu.memory_space<vmem>>
      %dma_wait3A_225 = arith.constant 0 : i32
      %dma_wait3A_226 = arith.constant 0 : i32
      %dma_wait3A_227 = tpu.memref_slice %arg2[%dma_wait3A_225, %dma_wait3A_226] : memref<10000x128xf32, #tpu.memory_space<hbm>> -> memref<10000x128xf32, #tpu.memory_space<hbm>>
      tpu.wait_indirect_dma semaphore(%arg13 : memref<!tpu.dma_semaphore, #tpu.memory_space<semaphore_mem>>) src(%dma_wait3A_227 : memref<10000x128xf32, #tpu.memory_space<hbm>>) dst(%arg10 : memref<128x128xf32, #tpu.memory_space<vmem>>)
      %dma_start3A_228 = arith.constant 7 : i32
      %dma_start3A_229 = arith.constant 0 : i32
      %dma_start3A_230 = tpu.memref_slice %arg8[%dma_start3A_228, %dma_start3A_229] : memref<8x128xi32, #tpu.memory_space<vmem>> -> memref<1x128xi32, #tpu.memory_space<vmem>>
      %dma_start3A_231 = tpu.memref_squeeze %dma_start3A_230 : memref<1x128xi32, #tpu.memory_space<vmem>> -> memref<128xi32, #tpu.memory_space<vmem>>
      %dma_start3A_232 = arith.constant 0 : i32
      %dma_start3A_233 = arith.constant 0 : i32
      %dma_start3A_234 = tpu.memref_slice %arg11[%dma_start3A_232, %dma_start3A_233] : memref<10112x128xf32, #tpu.memory_space<vmem_shared>> -> memref<10112x128xf32, #tpu.memory_space<vmem_shared>>
      tpu.enqueue_indirect_dma source(%arg10 : memref<128x128xf32, #tpu.memory_space<vmem>>) target(%dma_start3A_234 : memref<10112x128xf32, #tpu.memory_space<vmem_shared>>) offsets(%dma_start3A_231 : memref<128xi32, #tpu.memory_space<vmem>>) semaphore(%arg15 : memref<!tpu.dma_semaphore, #tpu.memory_space<semaphore_mem>>) {add = true}
      %dma_wait3A_235 = arith.constant 7 : i32
      %dma_wait3A_236 = arith.constant 0 : i32
      %dma_wait3A_237 = tpu.memref_slice %arg8[%dma_wait3A_235, %dma_wait3A_236] : memref<8x128xi32, #tpu.memory_space<vmem>> -> memref<1x128xi32, #tpu.memory_space<vmem>>
      %dma_wait3A_238 = tpu.memref_squeeze %dma_wait3A_237 : memref<1x128xi32, #tpu.memory_space<vmem>> -> memref<128xi32, #tpu.memory_space<vmem>>
      %dma_wait3A_239 = arith.constant 0 : i32
      %dma_wait3A_240 = arith.constant 0 : i32
      %dma_wait3A_241 = tpu.memref_slice %arg11[%dma_wait3A_239, %dma_wait3A_240] : memref<10112x128xf32, #tpu.memory_space<vmem_shared>> -> memref<10112x128xf32, #tpu.memory_space<vmem_shared>>
      tpu.wait_indirect_dma semaphore(%arg15 : memref<!tpu.dma_semaphore, #tpu.memory_space<semaphore_mem>>) src(%arg10 : memref<128x128xf32, #tpu.memory_space<vmem>>) dst(%dma_wait3A_241 : memref<10112x128xf32, #tpu.memory_space<vmem_shared>>)
    }
    %while3A_13 = arith.constant 1 : i32
    scf.for %while3A_19 = %while3A_11 to %while3A_7 step %while3A_13  : i32 {
      "tpu.region"() ({
        %run_scoped3A = tpu.sem_alloc : memref<!tpu.dma_semaphore, #tpu.memory_space<semaphore_mem>>
        %dma_start3A_242 = arith.constant 0 : i32
        %dma_start3A_243 = arith.constant 0 : i32
        %dma_start3A_244 = tpu.memref_slice %arg3[%arg0, %arg1, %while3A_19, %dma_start3A_242, %dma_start3A_243] : memref<2x16x15x8x128xi32, #tpu.memory_space<hbm>> -> memref<1x1x1x8x128xi32, #tpu.memory_space<hbm>>
        %dma_start3A_245 = tpu.memref_squeeze %dma_start3A_244 : memref<1x1x1x8x128xi32, #tpu.memory_space<hbm>> -> memref<8x128xi32, #tpu.memory_space<hbm>>
        %dma_start3A_246 = arith.constant 0 : i32
        %dma_start3A_247 = arith.constant 0 : i32
        %dma_start3A_248 = tpu.memref_slice %arg3[%arg0, %arg1, %while3A_19, %dma_start3A_246, %dma_start3A_247] : memref<2x16x15x8x128xi32, #tpu.memory_space<hbm>> -> memref<1x1x1x8x128xi32, #tpu.memory_space<hbm>>
        %dma_start3A_249 = tpu.memref_squeeze %dma_start3A_248 : memref<1x1x1x8x128xi32, #tpu.memory_space<hbm>> -> memref<8x128xi32, #tpu.memory_space<hbm>>
        tpu.enqueue_dma source(%dma_start3A_249 : memref<8x128xi32, #tpu.memory_space<hbm>>) target(%arg7 : memref<8x128xi32, #tpu.memory_space<vmem>>) target_semaphore(%run_scoped3A : memref<!tpu.dma_semaphore, #tpu.memory_space<semaphore_mem>>)
        %dma_wait3A_250 = arith.constant 0 : i32
        %dma_wait3A_251 = arith.constant 0 : i32
        %dma_wait3A_252 = tpu.memref_slice %arg3[%arg0, %arg1, %while3A_19, %dma_wait3A_250, %dma_wait3A_251] : memref<2x16x15x8x128xi32, #tpu.memory_space<hbm>> -> memref<1x1x1x8x128xi32, #tpu.memory_space<hbm>>
        %dma_wait3A_253 = tpu.memref_squeeze %dma_wait3A_252 : memref<1x1x1x8x128xi32, #tpu.memory_space<hbm>> -> memref<8x128xi32, #tpu.memory_space<hbm>>
        %dma_wait3A_254 = arith.constant 0 : i32
        %dma_wait3A_255 = arith.constant 0 : i32
        %dma_wait3A_256 = tpu.memref_slice %arg3[%arg0, %arg1, %while3A_19, %dma_wait3A_254, %dma_wait3A_255] : memref<2x16x15x8x128xi32, #tpu.memory_space<hbm>> -> memref<1x1x1x8x128xi32, #tpu.memory_space<hbm>>
        %dma_wait3A_257 = tpu.memref_squeeze %dma_wait3A_256 : memref<1x1x1x8x128xi32, #tpu.memory_space<hbm>> -> memref<8x128xi32, #tpu.memory_space<hbm>>
        tpu.wait_dma2 semaphore(%run_scoped3A : memref<!tpu.dma_semaphore, #tpu.memory_space<semaphore_mem>>) src(%dma_wait3A_257 : memref<8x128xi32, #tpu.memory_space<hbm>>) dst(%arg7 : memref<8x128xi32, #tpu.memory_space<vmem>>)
        tpu.yield
      }) : () -> ()
      "tpu.region"() ({
        %run_scoped3A = tpu.sem_alloc : memref<!tpu.dma_semaphore, #tpu.memory_space<semaphore_mem>>
        %dma_start3A_242 = arith.constant 0 : i32
        %dma_start3A_243 = arith.constant 0 : i32
        %dma_start3A_244 = tpu.memref_slice %arg4[%arg0, %arg1, %while3A_19, %dma_start3A_242, %dma_start3A_243] : memref<2x16x15x8x128xi32, #tpu.memory_space<hbm>> -> memref<1x1x1x8x128xi32, #tpu.memory_space<hbm>>
        %dma_start3A_245 = tpu.memref_squeeze %dma_start3A_244 : memref<1x1x1x8x128xi32, #tpu.memory_space<hbm>> -> memref<8x128xi32, #tpu.memory_space<hbm>>
        %dma_start3A_246 = arith.constant 0 : i32
        %dma_start3A_247 = arith.constant 0 : i32
        %dma_start3A_248 = tpu.memref_slice %arg4[%arg0, %arg1, %while3A_19, %dma_start3A_246, %dma_start3A_247] : memref<2x16x15x8x128xi32, #tpu.memory_space<hbm>> -> memref<1x1x1x8x128xi32, #tpu.memory_space<hbm>>
        %dma_start3A_249 = tpu.memref_squeeze %dma_start3A_248 : memref<1x1x1x8x128xi32, #tpu.memory_space<hbm>> -> memref<8x128xi32, #tpu.memory_space<hbm>>
        tpu.enqueue_dma source(%dma_start3A_249 : memref<8x128xi32, #tpu.memory_space<hbm>>) target(%arg8 : memref<8x128xi32, #tpu.memory_space<vmem>>) target_semaphore(%run_scoped3A : memref<!tpu.dma_semaphore, #tpu.memory_space<semaphore_mem>>)
        %dma_wait3A_250 = arith.constant 0 : i32
        %dma_wait3A_251 = arith.constant 0 : i32
        %dma_wait3A_252 = tpu.memref_slice %arg4[%arg0, %arg1, %while3A_19, %dma_wait3A_250, %dma_wait3A_251] : memref<2x16x15x8x128xi32, #tpu.memory_space<hbm>> -> memref<1x1x1x8x128xi32, #tpu.memory_space<hbm>>
        %dma_wait3A_253 = tpu.memref_squeeze %dma_wait3A_252 : memref<1x1x1x8x128xi32, #tpu.memory_space<hbm>> -> memref<8x128xi32, #tpu.memory_space<hbm>>
        %dma_wait3A_254 = arith.constant 0 : i32
        %dma_wait3A_255 = arith.constant 0 : i32
        %dma_wait3A_256 = tpu.memref_slice %arg4[%arg0, %arg1, %while3A_19, %dma_wait3A_254, %dma_wait3A_255] : memref<2x16x15x8x128xi32, #tpu.memory_space<hbm>> -> memref<1x1x1x8x128xi32, #tpu.memory_space<hbm>>
        %dma_wait3A_257 = tpu.memref_squeeze %dma_wait3A_256 : memref<1x1x1x8x128xi32, #tpu.memory_space<hbm>> -> memref<8x128xi32, #tpu.memory_space<hbm>>
        tpu.wait_dma2 semaphore(%run_scoped3A : memref<!tpu.dma_semaphore, #tpu.memory_space<semaphore_mem>>) src(%dma_wait3A_257 : memref<8x128xi32, #tpu.memory_space<hbm>>) dst(%arg8 : memref<8x128xi32, #tpu.memory_space<vmem>>)
        tpu.yield
      }) : () -> ()
      %dma_start3A = arith.constant 0 : i32
      %dma_start3A_20 = arith.constant 0 : i32
      %dma_start3A_21 = tpu.memref_slice %arg7[%dma_start3A, %dma_start3A_20] : memref<8x128xi32, #tpu.memory_space<vmem>> -> memref<1x128xi32, #tpu.memory_space<vmem>>
      %dma_start3A_22 = tpu.memref_squeeze %dma_start3A_21 : memref<1x128xi32, #tpu.memory_space<vmem>> -> memref<128xi32, #tpu.memory_space<vmem>>
      %dma_start3A_23 = arith.constant 0 : i32
      %dma_start3A_24 = arith.constant 0 : i32
      %dma_start3A_25 = tpu.memref_slice %arg2[%dma_start3A_23, %dma_start3A_24] : memref<10000x128xf32, #tpu.memory_space<hbm>> -> memref<10000x128xf32, #tpu.memory_space<hbm>>
      tpu.enqueue_indirect_dma source(%dma_start3A_25 : memref<10000x128xf32, #tpu.memory_space<hbm>>) target(%arg9 : memref<128x128xf32, #tpu.memory_space<vmem>>) offsets(%dma_start3A_22 : memref<128xi32, #tpu.memory_space<vmem>>) semaphore(%arg12 : memref<!tpu.dma_semaphore, #tpu.memory_space<semaphore_mem>>)
      %dma_start3A_26 = arith.constant 1 : i32
      %dma_start3A_27 = arith.constant 0 : i32
      %dma_start3A_28 = tpu.memref_slice %arg7[%dma_start3A_26, %dma_start3A_27] : memref<8x128xi32, #tpu.memory_space<vmem>> -> memref<1x128xi32, #tpu.memory_space<vmem>>
      %dma_start3A_29 = tpu.memref_squeeze %dma_start3A_28 : memref<1x128xi32, #tpu.memory_space<vmem>> -> memref<128xi32, #tpu.memory_space<vmem>>
      %dma_start3A_30 = arith.constant 0 : i32
      %dma_start3A_31 = arith.constant 0 : i32
      %dma_start3A_32 = tpu.memref_slice %arg2[%dma_start3A_30, %dma_start3A_31] : memref<10000x128xf32, #tpu.memory_space<hbm>> -> memref<10000x128xf32, #tpu.memory_space<hbm>>
      tpu.enqueue_indirect_dma source(%dma_start3A_32 : memref<10000x128xf32, #tpu.memory_space<hbm>>) target(%arg10 : memref<128x128xf32, #tpu.memory_space<vmem>>) offsets(%dma_start3A_29 : memref<128xi32, #tpu.memory_space<vmem>>) semaphore(%arg13 : memref<!tpu.dma_semaphore, #tpu.memory_space<semaphore_mem>>)
      %dma_wait3A = arith.constant 0 : i32
      %dma_wait3A_33 = arith.constant 0 : i32
      %dma_wait3A_34 = tpu.memref_slice %arg7[%dma_wait3A, %dma_wait3A_33] : memref<8x128xi32, #tpu.memory_space<vmem>> -> memref<1x128xi32, #tpu.memory_space<vmem>>
      %dma_wait3A_35 = tpu.memref_squeeze %dma_wait3A_34 : memref<1x128xi32, #tpu.memory_space<vmem>> -> memref<128xi32, #tpu.memory_space<vmem>>
      %dma_wait3A_36 = arith.constant 0 : i32
      %dma_wait3A_37 = arith.constant 0 : i32
      %dma_wait3A_38 = tpu.memref_slice %arg2[%dma_wait3A_36, %dma_wait3A_37] : memref<10000x128xf32, #tpu.memory_space<hbm>> -> memref<10000x128xf32, #tpu.memory_space<hbm>>
      tpu.wait_indirect_dma semaphore(%arg12 : memref<!tpu.dma_semaphore, #tpu.memory_space<semaphore_mem>>) src(%dma_wait3A_38 : memref<10000x128xf32, #tpu.memory_space<hbm>>) dst(%arg9 : memref<128x128xf32, #tpu.memory_space<vmem>>)
      %dma_start3A_39 = arith.constant 0 : i32
      %dma_start3A_40 = arith.constant 0 : i32
      %dma_start3A_41 = tpu.memref_slice %arg8[%dma_start3A_39, %dma_start3A_40] : memref<8x128xi32, #tpu.memory_space<vmem>> -> memref<1x128xi32, #tpu.memory_space<vmem>>
      %dma_start3A_42 = tpu.memref_squeeze %dma_start3A_41 : memref<1x128xi32, #tpu.memory_space<vmem>> -> memref<128xi32, #tpu.memory_space<vmem>>
      %dma_start3A_43 = arith.constant 0 : i32
      %dma_start3A_44 = arith.constant 0 : i32
      %dma_start3A_45 = tpu.memref_slice %arg11[%dma_start3A_43, %dma_start3A_44] : memref<10112x128xf32, #tpu.memory_space<vmem_shared>> -> memref<10112x128xf32, #tpu.memory_space<vmem_shared>>
      tpu.enqueue_indirect_dma source(%arg9 : memref<128x128xf32, #tpu.memory_space<vmem>>) target(%dma_start3A_45 : memref<10112x128xf32, #tpu.memory_space<vmem_shared>>) offsets(%dma_start3A_42 : memref<128xi32, #tpu.memory_space<vmem>>) semaphore(%arg14 : memref<!tpu.dma_semaphore, #tpu.memory_space<semaphore_mem>>) {add = true}
      %dma_wait3A_46 = arith.constant 0 : i32
      %dma_wait3A_47 = arith.constant 0 : i32
      %dma_wait3A_48 = tpu.memref_slice %arg8[%dma_wait3A_46, %dma_wait3A_47] : memref<8x128xi32, #tpu.memory_space<vmem>> -> memref<1x128xi32, #tpu.memory_space<vmem>>
      %dma_wait3A_49 = tpu.memref_squeeze %dma_wait3A_48 : memref<1x128xi32, #tpu.memory_space<vmem>> -> memref<128xi32, #tpu.memory_space<vmem>>
      %dma_wait3A_50 = arith.constant 0 : i32
      %dma_wait3A_51 = arith.constant 0 : i32
      %dma_wait3A_52 = tpu.memref_slice %arg11[%dma_wait3A_50, %dma_wait3A_51] : memref<10112x128xf32, #tpu.memory_space<vmem_shared>> -> memref<10112x128xf32, #tpu.memory_space<vmem_shared>>
      tpu.wait_indirect_dma semaphore(%arg14 : memref<!tpu.dma_semaphore, #tpu.memory_space<semaphore_mem>>) src(%arg9 : memref<128x128xf32, #tpu.memory_space<vmem>>) dst(%dma_wait3A_52 : memref<10112x128xf32, #tpu.memory_space<vmem_shared>>)
      %dma_start3A_53 = arith.constant 2 : i32
      %dma_start3A_54 = arith.constant 0 : i32
      %dma_start3A_55 = tpu.memref_slice %arg7[%dma_start3A_53, %dma_start3A_54] : memref<8x128xi32, #tpu.memory_space<vmem>> -> memref<1x128xi32, #tpu.memory_space<vmem>>
      %dma_start3A_56 = tpu.memref_squeeze %dma_start3A_55 : memref<1x128xi32, #tpu.memory_space<vmem>> -> memref<128xi32, #tpu.memory_space<vmem>>
      %dma_start3A_57 = arith.constant 0 : i32
      %dma_start3A_58 = arith.constant 0 : i32
      %dma_start3A_59 = tpu.memref_slice %arg2[%dma_start3A_57, %dma_start3A_58] : memref<10000x128xf32, #tpu.memory_space<hbm>> -> memref<10000x128xf32, #tpu.memory_space<hbm>>
      tpu.enqueue_indirect_dma source(%dma_start3A_59 : memref<10000x128xf32, #tpu.memory_space<hbm>>) target(%arg9 : memref<128x128xf32, #tpu.memory_space<vmem>>) offsets(%dma_start3A_56 : memref<128xi32, #tpu.memory_space<vmem>>) semaphore(%arg12 : memref<!tpu.dma_semaphore, #tpu.memory_space<semaphore_mem>>)
      %dma_wait3A_60 = arith.constant 1 : i32
      %dma_wait3A_61 = arith.constant 0 : i32
      %dma_wait3A_62 = tpu.memref_slice %arg7[%dma_wait3A_60, %dma_wait3A_61] : memref<8x128xi32, #tpu.memory_space<vmem>> -> memref<1x128xi32, #tpu.memory_space<vmem>>
      %dma_wait3A_63 = tpu.memref_squeeze %dma_wait3A_62 : memref<1x128xi32, #tpu.memory_space<vmem>> -> memref<128xi32, #tpu.memory_space<vmem>>
      %dma_wait3A_64 = arith.constant 0 : i32
      %dma_wait3A_65 = arith.constant 0 : i32
      %dma_wait3A_66 = tpu.memref_slice %arg2[%dma_wait3A_64, %dma_wait3A_65] : memref<10000x128xf32, #tpu.memory_space<hbm>> -> memref<10000x128xf32, #tpu.memory_space<hbm>>
      tpu.wait_indirect_dma semaphore(%arg13 : memref<!tpu.dma_semaphore, #tpu.memory_space<semaphore_mem>>) src(%dma_wait3A_66 : memref<10000x128xf32, #tpu.memory_space<hbm>>) dst(%arg10 : memref<128x128xf32, #tpu.memory_space<vmem>>)
      %dma_start3A_67 = arith.constant 1 : i32
      %dma_start3A_68 = arith.constant 0 : i32
      %dma_start3A_69 = tpu.memref_slice %arg8[%dma_start3A_67, %dma_start3A_68] : memref<8x128xi32, #tpu.memory_space<vmem>> -> memref<1x128xi32, #tpu.memory_space<vmem>>
      %dma_start3A_70 = tpu.memref_squeeze %dma_start3A_69 : memref<1x128xi32, #tpu.memory_space<vmem>> -> memref<128xi32, #tpu.memory_space<vmem>>
      %dma_start3A_71 = arith.constant 0 : i32
      %dma_start3A_72 = arith.constant 0 : i32
      %dma_start3A_73 = tpu.memref_slice %arg11[%dma_start3A_71, %dma_start3A_72] : memref<10112x128xf32, #tpu.memory_space<vmem_shared>> -> memref<10112x128xf32, #tpu.memory_space<vmem_shared>>
      tpu.enqueue_indirect_dma source(%arg10 : memref<128x128xf32, #tpu.memory_space<vmem>>) target(%dma_start3A_73 : memref<10112x128xf32, #tpu.memory_space<vmem_shared>>) offsets(%dma_start3A_70 : memref<128xi32, #tpu.memory_space<vmem>>) semaphore(%arg15 : memref<!tpu.dma_semaphore, #tpu.memory_space<semaphore_mem>>) {add = true}
      %dma_wait3A_74 = arith.constant 1 : i32
      %dma_wait3A_75 = arith.constant 0 : i32
      %dma_wait3A_76 = tpu.memref_slice %arg8[%dma_wait3A_74, %dma_wait3A_75] : memref<8x128xi32, #tpu.memory_space<vmem>> -> memref<1x128xi32, #tpu.memory_space<vmem>>
      %dma_wait3A_77 = tpu.memref_squeeze %dma_wait3A_76 : memref<1x128xi32, #tpu.memory_space<vmem>> -> memref<128xi32, #tpu.memory_space<vmem>>
      %dma_wait3A_78 = arith.constant 0 : i32
      %dma_wait3A_79 = arith.constant 0 : i32
      %dma_wait3A_80 = tpu.memref_slice %arg11[%dma_wait3A_78, %dma_wait3A_79] : memref<10112x128xf32, #tpu.memory_space<vmem_shared>> -> memref<10112x128xf32, #tpu.memory_space<vmem_shared>>
      tpu.wait_indirect_dma semaphore(%arg15 : memref<!tpu.dma_semaphore, #tpu.memory_space<semaphore_mem>>) src(%arg10 : memref<128x128xf32, #tpu.memory_space<vmem>>) dst(%dma_wait3A_80 : memref<10112x128xf32, #tpu.memory_space<vmem_shared>>)
      %dma_start3A_81 = arith.constant 3 : i32
      %dma_start3A_82 = arith.constant 0 : i32
      %dma_start3A_83 = tpu.memref_slice %arg7[%dma_start3A_81, %dma_start3A_82] : memref<8x128xi32, #tpu.memory_space<vmem>> -> memref<1x128xi32, #tpu.memory_space<vmem>>
      %dma_start3A_84 = tpu.memref_squeeze %dma_start3A_83 : memref<1x128xi32, #tpu.memory_space<vmem>> -> memref<128xi32, #tpu.memory_space<vmem>>
      %dma_start3A_85 = arith.constant 0 : i32
      %dma_start3A_86 = arith.constant 0 : i32
      %dma_start3A_87 = tpu.memref_slice %arg2[%dma_start3A_85, %dma_start3A_86] : memref<10000x128xf32, #tpu.memory_space<hbm>> -> memref<10000x128xf32, #tpu.memory_space<hbm>>
      tpu.enqueue_indirect_dma source(%dma_start3A_87 : memref<10000x128xf32, #tpu.memory_space<hbm>>) target(%arg10 : memref<128x128xf32, #tpu.memory_space<vmem>>) offsets(%dma_start3A_84 : memref<128xi32, #tpu.memory_space<vmem>>) semaphore(%arg13 : memref<!tpu.dma_semaphore, #tpu.memory_space<semaphore_mem>>)
      %dma_wait3A_88 = arith.constant 2 : i32
      %dma_wait3A_89 = arith.constant 0 : i32
      %dma_wait3A_90 = tpu.memref_slice %arg7[%dma_wait3A_88, %dma_wait3A_89] : memref<8x128xi32, #tpu.memory_space<vmem>> -> memref<1x128xi32, #tpu.memory_space<vmem>>
      %dma_wait3A_91 = tpu.memref_squeeze %dma_wait3A_90 : memref<1x128xi32, #tpu.memory_space<vmem>> -> memref<128xi32, #tpu.memory_space<vmem>>
      %dma_wait3A_92 = arith.constant 0 : i32
      %dma_wait3A_93 = arith.constant 0 : i32
      %dma_wait3A_94 = tpu.memref_slice %arg2[%dma_wait3A_92, %dma_wait3A_93] : memref<10000x128xf32, #tpu.memory_space<hbm>> -> memref<10000x128xf32, #tpu.memory_space<hbm>>
      tpu.wait_indirect_dma semaphore(%arg12 : memref<!tpu.dma_semaphore, #tpu.memory_space<semaphore_mem>>) src(%dma_wait3A_94 : memref<10000x128xf32, #tpu.memory_space<hbm>>) dst(%arg9 : memref<128x128xf32, #tpu.memory_space<vmem>>)
      %dma_start3A_95 = arith.constant 2 : i32
      %dma_start3A_96 = arith.constant 0 : i32
      %dma_start3A_97 = tpu.memref_slice %arg8[%dma_start3A_95, %dma_start3A_96] : memref<8x128xi32, #tpu.memory_space<vmem>> -> memref<1x128xi32, #tpu.memory_space<vmem>>
      %dma_start3A_98 = tpu.memref_squeeze %dma_start3A_97 : memref<1x128xi32, #tpu.memory_space<vmem>> -> memref<128xi32, #tpu.memory_space<vmem>>
      %dma_start3A_99 = arith.constant 0 : i32
      %dma_start3A_100 = arith.constant 0 : i32
      %dma_start3A_101 = tpu.memref_slice %arg11[%dma_start3A_99, %dma_start3A_100] : memref<10112x128xf32, #tpu.memory_space<vmem_shared>> -> memref<10112x128xf32, #tpu.memory_space<vmem_shared>>
      tpu.enqueue_indirect_dma source(%arg9 : memref<128x128xf32, #tpu.memory_space<vmem>>) target(%dma_start3A_101 : memref<10112x128xf32, #tpu.memory_space<vmem_shared>>) offsets(%dma_start3A_98 : memref<128xi32, #tpu.memory_space<vmem>>) semaphore(%arg14 : memref<!tpu.dma_semaphore, #tpu.memory_space<semaphore_mem>>) {add = true}
      %dma_wait3A_102 = arith.constant 2 : i32
      %dma_wait3A_103 = arith.constant 0 : i32
      %dma_wait3A_104 = tpu.memref_slice %arg8[%dma_wait3A_102, %dma_wait3A_103] : memref<8x128xi32, #tpu.memory_space<vmem>> -> memref<1x128xi32, #tpu.memory_space<vmem>>
      %dma_wait3A_105 = tpu.memref_squeeze %dma_wait3A_104 : memref<1x128xi32, #tpu.memory_space<vmem>> -> memref<128xi32, #tpu.memory_space<vmem>>
      %dma_wait3A_106 = arith.constant 0 : i32
      %dma_wait3A_107 = arith.constant 0 : i32
      %dma_wait3A_108 = tpu.memref_slice %arg11[%dma_wait3A_106, %dma_wait3A_107] : memref<10112x128xf32, #tpu.memory_space<vmem_shared>> -> memref<10112x128xf32, #tpu.memory_space<vmem_shared>>
      tpu.wait_indirect_dma semaphore(%arg14 : memref<!tpu.dma_semaphore, #tpu.memory_space<semaphore_mem>>) src(%arg9 : memref<128x128xf32, #tpu.memory_space<vmem>>) dst(%dma_wait3A_108 : memref<10112x128xf32, #tpu.memory_space<vmem_shared>>)
      %dma_start3A_109 = arith.constant 4 : i32
      %dma_start3A_110 = arith.constant 0 : i32
      %dma_start3A_111 = tpu.memref_slice %arg7[%dma_start3A_109, %dma_start3A_110] : memref<8x128xi32, #tpu.memory_space<vmem>> -> memref<1x128xi32, #tpu.memory_space<vmem>>
      %dma_start3A_112 = tpu.memref_squeeze %dma_start3A_111 : memref<1x128xi32, #tpu.memory_space<vmem>> -> memref<128xi32, #tpu.memory_space<vmem>>
      %dma_start3A_113 = arith.constant 0 : i32
      %dma_start3A_114 = arith.constant 0 : i32
      %dma_start3A_115 = tpu.memref_slice %arg2[%dma_start3A_113, %dma_start3A_114] : memref<10000x128xf32, #tpu.memory_space<hbm>> -> memref<10000x128xf32, #tpu.memory_space<hbm>>
      tpu.enqueue_indirect_dma source(%dma_start3A_115 : memref<10000x128xf32, #tpu.memory_space<hbm>>) target(%arg9 : memref<128x128xf32, #tpu.memory_space<vmem>>) offsets(%dma_start3A_112 : memref<128xi32, #tpu.memory_space<vmem>>) semaphore(%arg12 : memref<!tpu.dma_semaphore, #tpu.memory_space<semaphore_mem>>)
      %dma_wait3A_116 = arith.constant 3 : i32
      %dma_wait3A_117 = arith.constant 0 : i32
      %dma_wait3A_118 = tpu.memref_slice %arg7[%dma_wait3A_116, %dma_wait3A_117] : memref<8x128xi32, #tpu.memory_space<vmem>> -> memref<1x128xi32, #tpu.memory_space<vmem>>
      %dma_wait3A_119 = tpu.memref_squeeze %dma_wait3A_118 : memref<1x128xi32, #tpu.memory_space<vmem>> -> memref<128xi32, #tpu.memory_space<vmem>>
      %dma_wait3A_120 = arith.constant 0 : i32
      %dma_wait3A_121 = arith.constant 0 : i32
      %dma_wait3A_122 = tpu.memref_slice %arg2[%dma_wait3A_120, %dma_wait3A_121] : memref<10000x128xf32, #tpu.memory_space<hbm>> -> memref<10000x128xf32, #tpu.memory_space<hbm>>
      tpu.wait_indirect_dma semaphore(%arg13 : memref<!tpu.dma_semaphore, #tpu.memory_space<semaphore_mem>>) src(%dma_wait3A_122 : memref<10000x128xf32, #tpu.memory_space<hbm>>) dst(%arg10 : memref<128x128xf32, #tpu.memory_space<vmem>>)
      %dma_start3A_123 = arith.constant 3 : i32
      %dma_start3A_124 = arith.constant 0 : i32
      %dma_start3A_125 = tpu.memref_slice %arg8[%dma_start3A_123, %dma_start3A_124] : memref<8x128xi32, #tpu.memory_space<vmem>> -> memref<1x128xi32, #tpu.memory_space<vmem>>
      %dma_start3A_126 = tpu.memref_squeeze %dma_start3A_125 : memref<1x128xi32, #tpu.memory_space<vmem>> -> memref<128xi32, #tpu.memory_space<vmem>>
      %dma_start3A_127 = arith.constant 0 : i32
      %dma_start3A_128 = arith.constant 0 : i32
      %dma_start3A_129 = tpu.memref_slice %arg11[%dma_start3A_127, %dma_start3A_128] : memref<10112x128xf32, #tpu.memory_space<vmem_shared>> -> memref<10112x128xf32, #tpu.memory_space<vmem_shared>>
      tpu.enqueue_indirect_dma source(%arg10 : memref<128x128xf32, #tpu.memory_space<vmem>>) target(%dma_start3A_129 : memref<10112x128xf32, #tpu.memory_space<vmem_shared>>) offsets(%dma_start3A_126 : memref<128xi32, #tpu.memory_space<vmem>>) semaphore(%arg15 : memref<!tpu.dma_semaphore, #tpu.memory_space<semaphore_mem>>) {add = true}
      %dma_wait3A_130 = arith.constant 3 : i32
      %dma_wait3A_131 = arith.constant 0 : i32
      %dma_wait3A_132 = tpu.memref_slice %arg8[%dma_wait3A_130, %dma_wait3A_131] : memref<8x128xi32, #tpu.memory_space<vmem>> -> memref<1x128xi32, #tpu.memory_space<vmem>>
      %dma_wait3A_133 = tpu.memref_squeeze %dma_wait3A_132 : memref<1x128xi32, #tpu.memory_space<vmem>> -> memref<128xi32, #tpu.memory_space<vmem>>
      %dma_wait3A_134 = arith.constant 0 : i32
      %dma_wait3A_135 = arith.constant 0 : i32
      %dma_wait3A_136 = tpu.memref_slice %arg11[%dma_wait3A_134, %dma_wait3A_135] : memref<10112x128xf32, #tpu.memory_space<vmem_shared>> -> memref<10112x128xf32, #tpu.memory_space<vmem_shared>>
      tpu.wait_indirect_dma semaphore(%arg15 : memref<!tpu.dma_semaphore, #tpu.memory_space<semaphore_mem>>) src(%arg10 : memref<128x128xf32, #tpu.memory_space<vmem>>) dst(%dma_wait3A_136 : memref<10112x128xf32, #tpu.memory_space<vmem_shared>>)
      %dma_start3A_137 = arith.constant 5 : i32
      %dma_start3A_138 = arith.constant 0 : i32
      %dma_start3A_139 = tpu.memref_slice %arg7[%dma_start3A_137, %dma_start3A_138] : memref<8x128xi32, #tpu.memory_space<vmem>> -> memref<1x128xi32, #tpu.memory_space<vmem>>
      %dma_start3A_140 = tpu.memref_squeeze %dma_start3A_139 : memref<1x128xi32, #tpu.memory_space<vmem>> -> memref<128xi32, #tpu.memory_space<vmem>>
      %dma_start3A_141 = arith.constant 0 : i32
      %dma_start3A_142 = arith.constant 0 : i32
      %dma_start3A_143 = tpu.memref_slice %arg2[%dma_start3A_141, %dma_start3A_142] : memref<10000x128xf32, #tpu.memory_space<hbm>> -> memref<10000x128xf32, #tpu.memory_space<hbm>>
      tpu.enqueue_indirect_dma source(%dma_start3A_143 : memref<10000x128xf32, #tpu.memory_space<hbm>>) target(%arg10 : memref<128x128xf32, #tpu.memory_space<vmem>>) offsets(%dma_start3A_140 : memref<128xi32, #tpu.memory_space<vmem>>) semaphore(%arg13 : memref<!tpu.dma_semaphore, #tpu.memory_space<semaphore_mem>>)
      %dma_wait3A_144 = arith.constant 4 : i32
      %dma_wait3A_145 = arith.constant 0 : i32
      %dma_wait3A_146 = tpu.memref_slice %arg7[%dma_wait3A_144, %dma_wait3A_145] : memref<8x128xi32, #tpu.memory_space<vmem>> -> memref<1x128xi32, #tpu.memory_space<vmem>>
      %dma_wait3A_147 = tpu.memref_squeeze %dma_wait3A_146 : memref<1x128xi32, #tpu.memory_space<vmem>> -> memref<128xi32, #tpu.memory_space<vmem>>
      %dma_wait3A_148 = arith.constant 0 : i32
      %dma_wait3A_149 = arith.constant 0 : i32
      %dma_wait3A_150 = tpu.memref_slice %arg2[%dma_wait3A_148, %dma_wait3A_149] : memref<10000x128xf32, #tpu.memory_space<hbm>> -> memref<10000x128xf32, #tpu.memory_space<hbm>>
      tpu.wait_indirect_dma semaphore(%arg12 : memref<!tpu.dma_semaphore, #tpu.memory_space<semaphore_mem>>) src(%dma_wait3A_150 : memref<10000x128xf32, #tpu.memory_space<hbm>>) dst(%arg9 : memref<128x128xf32, #tpu.memory_space<vmem>>)
      %dma_start3A_151 = arith.constant 4 : i32
      %dma_start3A_152 = arith.constant 0 : i32
      %dma_start3A_153 = tpu.memref_slice %arg8[%dma_start3A_151, %dma_start3A_152] : memref<8x128xi32, #tpu.memory_space<vmem>> -> memref<1x128xi32, #tpu.memory_space<vmem>>
      %dma_start3A_154 = tpu.memref_squeeze %dma_start3A_153 : memref<1x128xi32, #tpu.memory_space<vmem>> -> memref<128xi32, #tpu.memory_space<vmem>>
      %dma_start3A_155 = arith.constant 0 : i32
      %dma_start3A_156 = arith.constant 0 : i32
      %dma_start3A_157 = tpu.memref_slice %arg11[%dma_start3A_155, %dma_start3A_156] : memref<10112x128xf32, #tpu.memory_space<vmem_shared>> -> memref<10112x128xf32, #tpu.memory_space<vmem_shared>>
      tpu.enqueue_indirect_dma source(%arg9 : memref<128x128xf32, #tpu.memory_space<vmem>>) target(%dma_start3A_157 : memref<10112x128xf32, #tpu.memory_space<vmem_shared>>) offsets(%dma_start3A_154 : memref<128xi32, #tpu.memory_space<vmem>>) semaphore(%arg14 : memref<!tpu.dma_semaphore, #tpu.memory_space<semaphore_mem>>) {add = true}
      %dma_wait3A_158 = arith.constant 4 : i32
      %dma_wait3A_159 = arith.constant 0 : i32
      %dma_wait3A_160 = tpu.memref_slice %arg8[%dma_wait3A_158, %dma_wait3A_159] : memref<8x128xi32, #tpu.memory_space<vmem>> -> memref<1x128xi32, #tpu.memory_space<vmem>>
      %dma_wait3A_161 = tpu.memref_squeeze %dma_wait3A_160 : memref<1x128xi32, #tpu.memory_space<vmem>> -> memref<128xi32, #tpu.memory_space<vmem>>
      %dma_wait3A_162 = arith.constant 0 : i32
      %dma_wait3A_163 = arith.constant 0 : i32
      %dma_wait3A_164 = tpu.memref_slice %arg11[%dma_wait3A_162, %dma_wait3A_163] : memref<10112x128xf32, #tpu.memory_space<vmem_shared>> -> memref<10112x128xf32, #tpu.memory_space<vmem_shared>>
      tpu.wait_indirect_dma semaphore(%arg14 : memref<!tpu.dma_semaphore, #tpu.memory_space<semaphore_mem>>) src(%arg9 : memref<128x128xf32, #tpu.memory_space<vmem>>) dst(%dma_wait3A_164 : memref<10112x128xf32, #tpu.memory_space<vmem_shared>>)
      %dma_start3A_165 = arith.constant 6 : i32
      %dma_start3A_166 = arith.constant 0 : i32
      %dma_start3A_167 = tpu.memref_slice %arg7[%dma_start3A_165, %dma_start3A_166] : memref<8x128xi32, #tpu.memory_space<vmem>> -> memref<1x128xi32, #tpu.memory_space<vmem>>
      %dma_start3A_168 = tpu.memref_squeeze %dma_start3A_167 : memref<1x128xi32, #tpu.memory_space<vmem>> -> memref<128xi32, #tpu.memory_space<vmem>>
      %dma_start3A_169 = arith.constant 0 : i32
      %dma_start3A_170 = arith.constant 0 : i32
      %dma_start3A_171 = tpu.memref_slice %arg2[%dma_start3A_169, %dma_start3A_170] : memref<10000x128xf32, #tpu.memory_space<hbm>> -> memref<10000x128xf32, #tpu.memory_space<hbm>>
      tpu.enqueue_indirect_dma source(%dma_start3A_171 : memref<10000x128xf32, #tpu.memory_space<hbm>>) target(%arg9 : memref<128x128xf32, #tpu.memory_space<vmem>>) offsets(%dma_start3A_168 : memref<128xi32, #tpu.memory_space<vmem>>) semaphore(%arg12 : memref<!tpu.dma_semaphore, #tpu.memory_space<semaphore_mem>>)
      %dma_wait3A_172 = arith.constant 5 : i32
      %dma_wait3A_173 = arith.constant 0 : i32
      %dma_wait3A_174 = tpu.memref_slice %arg7[%dma_wait3A_172, %dma_wait3A_173] : memref<8x128xi32, #tpu.memory_space<vmem>> -> memref<1x128xi32, #tpu.memory_space<vmem>>
      %dma_wait3A_175 = tpu.memref_squeeze %dma_wait3A_174 : memref<1x128xi32, #tpu.memory_space<vmem>> -> memref<128xi32, #tpu.memory_space<vmem>>
      %dma_wait3A_176 = arith.constant 0 : i32
      %dma_wait3A_177 = arith.constant 0 : i32
      %dma_wait3A_178 = tpu.memref_slice %arg2[%dma_wait3A_176, %dma_wait3A_177] : memref<10000x128xf32, #tpu.memory_space<hbm>> -> memref<10000x128xf32, #tpu.memory_space<hbm>>
      tpu.wait_indirect_dma semaphore(%arg13 : memref<!tpu.dma_semaphore, #tpu.memory_space<semaphore_mem>>) src(%dma_wait3A_178 : memref<10000x128xf32, #tpu.memory_space<hbm>>) dst(%arg10 : memref<128x128xf32, #tpu.memory_space<vmem>>)
      %dma_start3A_179 = arith.constant 5 : i32
      %dma_start3A_180 = arith.constant 0 : i32
      %dma_start3A_181 = tpu.memref_slice %arg8[%dma_start3A_179, %dma_start3A_180] : memref<8x128xi32, #tpu.memory_space<vmem>> -> memref<1x128xi32, #tpu.memory_space<vmem>>
      %dma_start3A_182 = tpu.memref_squeeze %dma_start3A_181 : memref<1x128xi32, #tpu.memory_space<vmem>> -> memref<128xi32, #tpu.memory_space<vmem>>
      %dma_start3A_183 = arith.constant 0 : i32
      %dma_start3A_184 = arith.constant 0 : i32
      %dma_start3A_185 = tpu.memref_slice %arg11[%dma_start3A_183, %dma_start3A_184] : memref<10112x128xf32, #tpu.memory_space<vmem_shared>> -> memref<10112x128xf32, #tpu.memory_space<vmem_shared>>
      tpu.enqueue_indirect_dma source(%arg10 : memref<128x128xf32, #tpu.memory_space<vmem>>) target(%dma_start3A_185 : memref<10112x128xf32, #tpu.memory_space<vmem_shared>>) offsets(%dma_start3A_182 : memref<128xi32, #tpu.memory_space<vmem>>) semaphore(%arg15 : memref<!tpu.dma_semaphore, #tpu.memory_space<semaphore_mem>>) {add = true}
      %dma_wait3A_186 = arith.constant 5 : i32
      %dma_wait3A_187 = arith.constant 0 : i32
      %dma_wait3A_188 = tpu.memref_slice %arg8[%dma_wait3A_186, %dma_wait3A_187] : memref<8x128xi32, #tpu.memory_space<vmem>> -> memref<1x128xi32, #tpu.memory_space<vmem>>
      %dma_wait3A_189 = tpu.memref_squeeze %dma_wait3A_188 : memref<1x128xi32, #tpu.memory_space<vmem>> -> memref<128xi32, #tpu.memory_space<vmem>>
      %dma_wait3A_190 = arith.constant 0 : i32
      %dma_wait3A_191 = arith.constant 0 : i32
      %dma_wait3A_192 = tpu.memref_slice %arg11[%dma_wait3A_190, %dma_wait3A_191] : memref<10112x128xf32, #tpu.memory_space<vmem_shared>> -> memref<10112x128xf32, #tpu.memory_space<vmem_shared>>
      tpu.wait_indirect_dma semaphore(%arg15 : memref<!tpu.dma_semaphore, #tpu.memory_space<semaphore_mem>>) src(%arg10 : memref<128x128xf32, #tpu.memory_space<vmem>>) dst(%dma_wait3A_192 : memref<10112x128xf32, #tpu.memory_space<vmem_shared>>)
      %dma_start3A_193 = arith.constant 7 : i32
      %dma_start3A_194 = arith.constant 0 : i32
      %dma_start3A_195 = tpu.memref_slice %arg7[%dma_start3A_193, %dma_start3A_194] : memref<8x128xi32, #tpu.memory_space<vmem>> -> memref<1x128xi32, #tpu.memory_space<vmem>>
      %dma_start3A_196 = tpu.memref_squeeze %dma_start3A_195 : memref<1x128xi32, #tpu.memory_space<vmem>> -> memref<128xi32, #tpu.memory_space<vmem>>
      %dma_start3A_197 = arith.constant 0 : i32
      %dma_start3A_198 = arith.constant 0 : i32
      %dma_start3A_199 = tpu.memref_slice %arg2[%dma_start3A_197, %dma_start3A_198] : memref<10000x128xf32, #tpu.memory_space<hbm>> -> memref<10000x128xf32, #tpu.memory_space<hbm>>
      tpu.enqueue_indirect_dma source(%dma_start3A_199 : memref<10000x128xf32, #tpu.memory_space<hbm>>) target(%arg10 : memref<128x128xf32, #tpu.memory_space<vmem>>) offsets(%dma_start3A_196 : memref<128xi32, #tpu.memory_space<vmem>>) semaphore(%arg13 : memref<!tpu.dma_semaphore, #tpu.memory_space<semaphore_mem>>)
      %dma_wait3A_200 = arith.constant 6 : i32
      %dma_wait3A_201 = arith.constant 0 : i32
      %dma_wait3A_202 = tpu.memref_slice %arg7[%dma_wait3A_200, %dma_wait3A_201] : memref<8x128xi32, #tpu.memory_space<vmem>> -> memref<1x128xi32, #tpu.memory_space<vmem>>
      %dma_wait3A_203 = tpu.memref_squeeze %dma_wait3A_202 : memref<1x128xi32, #tpu.memory_space<vmem>> -> memref<128xi32, #tpu.memory_space<vmem>>
      %dma_wait3A_204 = arith.constant 0 : i32
      %dma_wait3A_205 = arith.constant 0 : i32
      %dma_wait3A_206 = tpu.memref_slice %arg2[%dma_wait3A_204, %dma_wait3A_205] : memref<10000x128xf32, #tpu.memory_space<hbm>> -> memref<10000x128xf32, #tpu.memory_space<hbm>>
      tpu.wait_indirect_dma semaphore(%arg12 : memref<!tpu.dma_semaphore, #tpu.memory_space<semaphore_mem>>) src(%dma_wait3A_206 : memref<10000x128xf32, #tpu.memory_space<hbm>>) dst(%arg9 : memref<128x128xf32, #tpu.memory_space<vmem>>)
      %dma_start3A_207 = arith.constant 6 : i32
      %dma_start3A_208 = arith.constant 0 : i32
      %dma_start3A_209 = tpu.memref_slice %arg8[%dma_start3A_207, %dma_start3A_208] : memref<8x128xi32, #tpu.memory_space<vmem>> -> memref<1x128xi32, #tpu.memory_space<vmem>>
      %dma_start3A_210 = tpu.memref_squeeze %dma_start3A_209 : memref<1x128xi32, #tpu.memory_space<vmem>> -> memref<128xi32, #tpu.memory_space<vmem>>
      %dma_start3A_211 = arith.constant 0 : i32
      %dma_start3A_212 = arith.constant 0 : i32
      %dma_start3A_213 = tpu.memref_slice %arg11[%dma_start3A_211, %dma_start3A_212] : memref<10112x128xf32, #tpu.memory_space<vmem_shared>> -> memref<10112x128xf32, #tpu.memory_space<vmem_shared>>
      tpu.enqueue_indirect_dma source(%arg9 : memref<128x128xf32, #tpu.memory_space<vmem>>) target(%dma_start3A_213 : memref<10112x128xf32, #tpu.memory_space<vmem_shared>>) offsets(%dma_start3A_210 : memref<128xi32, #tpu.memory_space<vmem>>) semaphore(%arg14 : memref<!tpu.dma_semaphore, #tpu.memory_space<semaphore_mem>>) {add = true}
      %dma_wait3A_214 = arith.constant 6 : i32
      %dma_wait3A_215 = arith.constant 0 : i32
      %dma_wait3A_216 = tpu.memref_slice %arg8[%dma_wait3A_214, %dma_wait3A_215] : memref<8x128xi32, #tpu.memory_space<vmem>> -> memref<1x128xi32, #tpu.memory_space<vmem>>
      %dma_wait3A_217 = tpu.memref_squeeze %dma_wait3A_216 : memref<1x128xi32, #tpu.memory_space<vmem>> -> memref<128xi32, #tpu.memory_space<vmem>>
      %dma_wait3A_218 = arith.constant 0 : i32
      %dma_wait3A_219 = arith.constant 0 : i32
      %dma_wait3A_220 = tpu.memref_slice %arg11[%dma_wait3A_218, %dma_wait3A_219] : memref<10112x128xf32, #tpu.memory_space<vmem_shared>> -> memref<10112x128xf32, #tpu.memory_space<vmem_shared>>
      tpu.wait_indirect_dma semaphore(%arg14 : memref<!tpu.dma_semaphore, #tpu.memory_space<semaphore_mem>>) src(%arg9 : memref<128x128xf32, #tpu.memory_space<vmem>>) dst(%dma_wait3A_220 : memref<10112x128xf32, #tpu.memory_space<vmem_shared>>)
      %dma_wait3A_221 = arith.constant 7 : i32
      %dma_wait3A_222 = arith.constant 0 : i32
      %dma_wait3A_223 = tpu.memref_slice %arg7[%dma_wait3A_221, %dma_wait3A_222] : memref<8x128xi32, #tpu.memory_space<vmem>> -> memref<1x128xi32, #tpu.memory_space<vmem>>
      %dma_wait3A_224 = tpu.memref_squeeze %dma_wait3A_223 : memref<1x128xi32, #tpu.memory_space<vmem>> -> memref<128xi32, #tpu.memory_space<vmem>>
      %dma_wait3A_225 = arith.constant 0 : i32
      %dma_wait3A_226 = arith.constant 0 : i32
      %dma_wait3A_227 = tpu.memref_slice %arg2[%dma_wait3A_225, %dma_wait3A_226] : memref<10000x128xf32, #tpu.memory_space<hbm>> -> memref<10000x128xf32, #tpu.memory_space<hbm>>
      tpu.wait_indirect_dma semaphore(%arg13 : memref<!tpu.dma_semaphore, #tpu.memory_space<semaphore_mem>>) src(%dma_wait3A_227 : memref<10000x128xf32, #tpu.memory_space<hbm>>) dst(%arg10 : memref<128x128xf32, #tpu.memory_space<vmem>>)
      %dma_start3A_228 = arith.constant 7 : i32
      %dma_start3A_229 = arith.constant 0 : i32
      %dma_start3A_230 = tpu.memref_slice %arg8[%dma_start3A_228, %dma_start3A_229] : memref<8x128xi32, #tpu.memory_space<vmem>> -> memref<1x128xi32, #tpu.memory_space<vmem>>
      %dma_start3A_231 = tpu.memref_squeeze %dma_start3A_230 : memref<1x128xi32, #tpu.memory_space<vmem>> -> memref<128xi32, #tpu.memory_space<vmem>>
      %dma_start3A_232 = arith.constant 0 : i32
      %dma_start3A_233 = arith.constant 0 : i32
      %dma_start3A_234 = tpu.memref_slice %arg11[%dma_start3A_232, %dma_start3A_233] : memref<10112x128xf32, #tpu.memory_space<vmem_shared>> -> memref<10112x128xf32, #tpu.memory_space<vmem_shared>>
      tpu.enqueue_indirect_dma source(%arg10 : memref<128x128xf32, #tpu.memory_space<vmem>>) target(%dma_start3A_234 : memref<10112x128xf32, #tpu.memory_space<vmem_shared>>) offsets(%dma_start3A_231 : memref<128xi32, #tpu.memory_space<vmem>>) semaphore(%arg15 : memref<!tpu.dma_semaphore, #tpu.memory_space<semaphore_mem>>) {add = true}
      %dma_wait3A_235 = arith.constant 7 : i32
      %dma_wait3A_236 = arith.constant 0 : i32
      %dma_wait3A_237 = tpu.memref_slice %arg8[%dma_wait3A_235, %dma_wait3A_236] : memref<8x128xi32, #tpu.memory_space<vmem>> -> memref<1x128xi32, #tpu.memory_space<vmem>>
      %dma_wait3A_238 = tpu.memref_squeeze %dma_wait3A_237 : memref<1x128xi32, #tpu.memory_space<vmem>> -> memref<128xi32, #tpu.memory_space<vmem>>
      %dma_wait3A_239 = arith.constant 0 : i32
      %dma_wait3A_240 = arith.constant 0 : i32
      %dma_wait3A_241 = tpu.memref_slice %arg11[%dma_wait3A_239, %dma_wait3A_240] : memref<10112x128xf32, #tpu.memory_space<vmem_shared>> -> memref<10112x128xf32, #tpu.memory_space<vmem_shared>>
      tpu.wait_indirect_dma semaphore(%arg15 : memref<!tpu.dma_semaphore, #tpu.memory_space<semaphore_mem>>) src(%arg10 : memref<128x128xf32, #tpu.memory_space<vmem>>) dst(%dma_wait3A_241 : memref<10112x128xf32, #tpu.memory_space<vmem_shared>>)
    }
    %barrier3A_14 = arith.constant 0 : index
    tpu.barrier barrier_id(%barrier3A_14)
    %mul3A_15 = arith.constant 632 : i32
    %mul3A_16 = arith.muli %arg1, %mul3A_15 : i32
    %mul3A_17 = arith.constant 632 : i32
    %mul3A_18 = arith.muli %arg1, %mul3A_17 : i32
    "tpu.region"() ({
      %run_scoped3A = tpu.sem_alloc : memref<!tpu.dma_semaphore, #tpu.memory_space<semaphore_mem>>
      %dma_start3A = arith.constant 0 : i32
      %dma_start3A_19 = tpu.memref_slice %arg6[%arg0, %mul3A_18, %dma_start3A] : memref<2x10112x128xf32, #tpu.memory_space<hbm>> -> memref<1x632x128xf32, #tpu.memory_space<hbm>>
      %dma_start3A_20 = tpu.memref_squeeze %dma_start3A_19 : memref<1x632x128xf32, #tpu.memory_space<hbm>> -> memref<632x128xf32, #tpu.memory_space<hbm>>
      %dma_start3A_21 = arith.constant 0 : i32
      %dma_start3A_22 = tpu.memref_slice %arg11[%mul3A_16, %dma_start3A_21] : memref<10112x128xf32, #tpu.memory_space<vmem_shared>> -> memref<632x128xf32, #tpu.memory_space<vmem_shared>>
      tpu.enqueue_dma source(%dma_start3A_22 : memref<632x128xf32, #tpu.memory_space<vmem_shared>>) target(%dma_start3A_20 : memref<632x128xf32, #tpu.memory_space<hbm>>) target_semaphore(%run_scoped3A : memref<!tpu.dma_semaphore, #tpu.memory_space<semaphore_mem>>)
      %dma_wait3A = arith.constant 0 : i32
      %dma_wait3A_23 = tpu.memref_slice %arg6[%arg0, %mul3A_18, %dma_wait3A] : memref<2x10112x128xf32, #tpu.memory_space<hbm>> -> memref<1x632x128xf32, #tpu.memory_space<hbm>>
      %dma_wait3A_24 = tpu.memref_squeeze %dma_wait3A_23 : memref<1x632x128xf32, #tpu.memory_space<hbm>> -> memref<632x128xf32, #tpu.memory_space<hbm>>
      %dma_wait3A_25 = arith.constant 0 : i32
      %dma_wait3A_26 = tpu.memref_slice %arg11[%mul3A_16, %dma_wait3A_25] : memref<10112x128xf32, #tpu.memory_space<vmem_shared>> -> memref<632x128xf32, #tpu.memory_space<vmem_shared>>
      tpu.wait_dma2 semaphore(%run_scoped3A : memref<!tpu.dma_semaphore, #tpu.memory_space<semaphore_mem>>) src(%dma_wait3A_26 : memref<632x128xf32, #tpu.memory_space<vmem_shared>>) dst(%dma_wait3A_24 : memref<632x128xf32, #tpu.memory_space<hbm>>)
      tpu.yield
    }) : () -> ()
    return
  }
}

module attributes {stable_mosaic.version = 14 : i64} {
  func.func @_mm_scale_body(%arg0: i32, %arg1: memref<1000x128xf32, #tpu.memory_space<vmem>>, %arg2: memref<128x128xf32, #tpu.memory_space<vmem>>, %arg3: memref<1x1000x1xf32, #tpu.memory_space<vmem>>, %arg4: memref<1x1000x1xf32, #tpu.memory_space<vmem>>, %arg5: memref<1000x128xf32, #tpu.memory_space<vmem>>, %arg6: memref<1000x128xf32, #tpu.memory_space<vmem>>) attributes {dimension_semantics = [#tpu.dimension_semantics<arbitrary>], iteration_bounds = array<i64: 10>, scalar_prefetch = 0 : i64, scratch_operands = 0 : i64, tpu.core_type = #tpu.core_type<tc>, window_params = [{transform_indices = @transform_0, window_bounds = array<i64: 1000, 128>}, {pipeline_mode = #tpu.pipeline_mode<synchronous>, transform_indices = @transform_1, window_bounds = array<i64: 128, 128>}, {transform_indices = @transform_2, window_bounds = array<i64: 1, 1000, 1>}, {transform_indices = @transform_3, window_bounds = array<i64: 1, 1000, 1>}, {transform_indices = @transform_4, window_bounds = array<i64: 1000, 128>}, {transform_indices = @transform_5, window_bounds = array<i64: 1000, 128>}]} {
    %get3A = arith.constant 0 : index
    %get3A_0 = arith.constant 0 : index
    %get3A_1 = vector.load %arg1[%get3A, %get3A_0] : memref<1000x128xf32, #tpu.memory_space<vmem>>, vector<1000x128xf32>
    %get3A_2 = arith.constant 0 : index
    %get3A_3 = arith.constant 0 : index
    %get3A_4 = vector.load %arg2[%get3A_2, %get3A_3] : memref<128x128xf32, #tpu.memory_space<vmem>>, vector<128x128xf32>
    %dot_general3A = arith.constant dense<0.000000e+00> : vector<1000x128xf32>
    %dot_general3A_5 = tpu.matmul %get3A_1, %get3A_4, %dot_general3A {dimension_numbers = #tpu.dot_dimension_numbers<[1], [0], [0], [1], [0, 0, 1, 1], [], []>, transpose_lhs_hint = false} : vector<1000x128xf32>, vector<128x128xf32>, vector<1000x128xf32> -> vector<1000x128xf32>
    %get3A_6 = arith.constant 0 : index
    %get3A_7 = arith.constant 0 : index
    %get3A_8 = arith.constant 0 : index
    %get3A_9 = vector.load %arg3[%get3A_6, %get3A_7, %get3A_8] : memref<1x1000x1xf32, #tpu.memory_space<vmem>>, vector<1x1000x1xf32>
    %get3A_10 = vector.shape_cast %get3A_9 : vector<1x1000x1xf32> to vector<1000x1xf32>
    %get3A_11 = arith.constant 0 : index
    %get3A_12 = arith.constant 0 : index
    %get3A_13 = arith.constant 0 : index
    %get3A_14 = vector.load %arg4[%get3A_11, %get3A_12, %get3A_13] : memref<1x1000x1xf32, #tpu.memory_space<vmem>>, vector<1x1000x1xf32>
    %get3A_15 = vector.shape_cast %get3A_14 : vector<1x1000x1xf32> to vector<1000x1xf32>
    %add3A = arith.addf %get3A_10, %get3A_15 : vector<1000x1xf32>
    %add3A_16 = arith.constant 2.000000e+00 : f32
    %add3A_17 = vector.broadcast %add3A_16 : f32 to vector<1000x1xf32>
    %add3A_18 = arith.addf %add3A, %add3A_17 : vector<1000x1xf32>
    %rsqrt3A = math.rsqrt %add3A_18 : vector<1000x1xf32>
    %swap3A = arith.constant 0 : index
    %swap3A_19 = arith.constant 0 : index
    %swap3A_20 = vector.load %arg5[%swap3A, %swap3A_19] : memref<1000x128xf32, #tpu.memory_space<vmem>>, vector<1000x128xf32>
    tpu.vector_store %arg5[%swap3A, %swap3A_19], %dot_general3A_5 {strides = array<i32>} : memref<1000x128xf32, #tpu.memory_space<vmem>>, vector<1000x128xf32>,
    %mul3A = vector.broadcast %rsqrt3A : vector<1000x1xf32> to vector<1000x128xf32>
    %mul3A_21 = arith.mulf %dot_general3A_5, %mul3A : vector<1000x128xf32>
    %swap3A_22 = arith.constant 0 : index
    %swap3A_23 = arith.constant 0 : index
    %swap3A_24 = vector.load %arg6[%swap3A_22, %swap3A_23] : memref<1000x128xf32, #tpu.memory_space<vmem>>, vector<1000x128xf32>
    tpu.vector_store %arg6[%swap3A_22, %swap3A_23], %mul3A_21 {strides = array<i32>} : memref<1000x128xf32, #tpu.memory_space<vmem>>, vector<1000x128xf32>,
    return
  }
  func.func @transform_0(%arg0: i32) -> (i32, i32) {
    %c0_i32 = arith.constant 0 : i32
    %c0_i32_0 = arith.constant 0 : i32
    return %arg0, %c0_i32 : i32, i32
  }
  func.func @transform_1(%arg0: i32) -> (i32, i32) {
    %c0_i32 = arith.constant 0 : i32
    %c0_i32_0 = arith.constant 0 : i32
    %c0_i32_1 = arith.constant 0 : i32
    return %c0_i32, %c0_i32_0 : i32, i32
  }
  func.func @transform_2(%arg0: i32) -> (i32, i32, i32) {
    %c0_i32 = arith.constant 0 : i32
    %c0_i32_0 = arith.constant 0 : i32
    %c0_i32_1 = arith.constant 0 : i32
    return %c0_i32, %arg0, %c0_i32_0 : i32, i32, i32
  }
  func.func @transform_3(%arg0: i32) -> (i32, i32, i32) {
    %c1_i32 = arith.constant 1 : i32
    %c0_i32 = arith.constant 0 : i32
    %c0_i32_0 = arith.constant 0 : i32
    return %c1_i32, %arg0, %c0_i32 : i32, i32, i32
  }
  func.func @transform_4(%arg0: i32) -> (i32, i32) {
    %c0_i32 = arith.constant 0 : i32
    %c0_i32_0 = arith.constant 0 : i32
    return %arg0, %c0_i32 : i32, i32
  }
  func.func @transform_5(%arg0: i32) -> (i32, i32) {
    %c0_i32 = arith.constant 0 : i32
    %c0_i32_0 = arith.constant 0 : i32
    return %arg0, %c0_i32 : i32, i32
  }
}

module attributes {stable_mosaic.version = 14 : i64} {
  func.func @_combine_mm_body(%arg0: i32, %arg1: memref<2x1000x128xf32, #tpu.memory_space<vmem>>, %arg2: memref<1000x128xf32, #tpu.memory_space<vmem>>, %arg3: memref<1x1000x1xf32, #tpu.memory_space<vmem>>, %arg4: memref<1x1000x1xf32, #tpu.memory_space<vmem>>, %arg5: memref<1x128xf32, #tpu.memory_space<vmem>>, %arg6: memref<128x128xf32, #tpu.memory_space<vmem>>, %arg7: memref<1000x128xf32, #tpu.memory_space<vmem>>, %arg8: memref<1000x128xf32, #tpu.memory_space<vmem>>, %arg9: memref<1000x128xf32, #tpu.memory_space<vmem>>) attributes {dimension_semantics = [#tpu.dimension_semantics<arbitrary>], iteration_bounds = array<i64: 10>, scalar_prefetch = 0 : i64, scratch_operands = 0 : i64, tpu.core_type = #tpu.core_type<tc>, window_params = [{transform_indices = @transform_0, window_bounds = array<i64: 2, 1000, 128>}, {transform_indices = @transform_1, window_bounds = array<i64: 1000, 128>}, {transform_indices = @transform_2, window_bounds = array<i64: 1, 1000, 1>}, {transform_indices = @transform_3, window_bounds = array<i64: 1, 1000, 1>}, {pipeline_mode = #tpu.pipeline_mode<synchronous>, transform_indices = @transform_4, window_bounds = array<i64: 1, 128>}, {pipeline_mode = #tpu.pipeline_mode<synchronous>, transform_indices = @transform_5, window_bounds = array<i64: 128, 128>}, {transform_indices = @transform_6, window_bounds = array<i64: 1000, 128>}, {transform_indices = @transform_7, window_bounds = array<i64: 1000, 128>}, {transform_indices = @transform_8, window_bounds = array<i64: 1000, 128>}]} {
    %get3A = arith.constant 0 : index
    %get3A_0 = arith.constant 0 : index
    %get3A_1 = arith.constant 0 : index
    %get3A_2 = vector.load %arg3[%get3A, %get3A_0, %get3A_1] : memref<1x1000x1xf32, #tpu.memory_space<vmem>>, vector<1x1000x1xf32>
    %get3A_3 = vector.shape_cast %get3A_2 : vector<1x1000x1xf32> to vector<1000x1xf32>
    %get3A_4 = arith.constant 0 : index
    %get3A_5 = arith.constant 0 : index
    %get3A_6 = arith.constant 0 : index
    %get3A_7 = vector.load %arg4[%get3A_4, %get3A_5, %get3A_6] : memref<1x1000x1xf32, #tpu.memory_space<vmem>>, vector<1x1000x1xf32>
    %get3A_8 = vector.shape_cast %get3A_7 : vector<1x1000x1xf32> to vector<1000x1xf32>
    %add3A = arith.addf %get3A_3, %get3A_8 : vector<1000x1xf32>
    %add3A_9 = arith.constant 2.000000e+00 : f32
    %add3A_10 = vector.broadcast %add3A_9 : f32 to vector<1000x1xf32>
    %add3A_11 = arith.addf %add3A, %add3A_10 : vector<1000x1xf32>
    %rsqrt3A = math.rsqrt %add3A_11 : vector<1000x1xf32>
    %get3A_12 = arith.constant 0 : index
    %get3A_13 = arith.constant 0 : index
    %get3A_14 = arith.constant 0 : index
    %get3A_15 = vector.load %arg1[%get3A_12, %get3A_13, %get3A_14] : memref<2x1000x128xf32, #tpu.memory_space<vmem>>, vector<1x1000x128xf32>
    %get3A_16 = vector.shape_cast %get3A_15 : vector<1x1000x128xf32> to vector<1000x128xf32>
    %get3A_17 = arith.constant 1 : index
    %get3A_18 = arith.constant 0 : index
    %get3A_19 = arith.constant 0 : index
    %get3A_20 = vector.load %arg1[%get3A_17, %get3A_18, %get3A_19] : memref<2x1000x128xf32, #tpu.memory_space<vmem>>, vector<1x1000x128xf32>
    %get3A_21 = vector.shape_cast %get3A_20 : vector<1x1000x128xf32> to vector<1000x128xf32>
    %add3A_22 = arith.addf %get3A_16, %get3A_21 : vector<1000x128xf32>
    %mul3A = vector.broadcast %rsqrt3A : vector<1000x1xf32> to vector<1000x128xf32>
    %mul3A_23 = arith.mulf %add3A_22, %mul3A : vector<1000x128xf32>
    %get3A_24 = arith.constant 0 : index
    %get3A_25 = arith.constant 0 : index
    %get3A_26 = vector.load %arg2[%get3A_24, %get3A_25] : memref<1000x128xf32, #tpu.memory_space<vmem>>, vector<1000x128xf32>
    %mul3A_27 = arith.constant 2.000000e+00 : f32
    %mul3A_28 = vector.broadcast %mul3A_27 : f32 to vector<1000x1xf32>
    %mul3A_29 = arith.mulf %mul3A_28, %rsqrt3A : vector<1000x1xf32>
    %mul3A_30 = arith.mulf %mul3A_29, %rsqrt3A : vector<1000x1xf32>
    %mul3A_31 = vector.broadcast %mul3A_30 : vector<1000x1xf32> to vector<1000x128xf32>
    %mul3A_32 = arith.mulf %get3A_26, %mul3A_31 : vector<1000x128xf32>
    %add3A_33 = arith.addf %mul3A_23, %mul3A_32 : vector<1000x128xf32>
    %get3A_34 = arith.constant 0 : index
    %get3A_35 = arith.constant 0 : index
    %get3A_36 = vector.load %arg5[%get3A_34, %get3A_35] : memref<1x128xf32, #tpu.memory_space<vmem>>, vector<1x128xf32>
    %add3A_37 = vector.broadcast %get3A_36 : vector<1x128xf32> to vector<1000x128xf32>
    %add3A_38 = arith.addf %add3A_33, %add3A_37 : vector<1000x128xf32>
    %max3A = arith.constant 0.000000e+00 : f32
    %max3A_39 = vector.broadcast %max3A : f32 to vector<1000x128xf32>
    %max3A_40 = arith.maximumf %add3A_38, %max3A_39 : vector<1000x128xf32>
    %get3A_41 = arith.constant 0 : index
    %get3A_42 = arith.constant 0 : index
    %get3A_43 = vector.load %arg6[%get3A_41, %get3A_42] : memref<128x128xf32, #tpu.memory_space<vmem>>, vector<128x128xf32>
    %dot_general3A = arith.constant dense<0.000000e+00> : vector<1000x128xf32>
    %dot_general3A_44 = tpu.matmul %max3A_40, %get3A_43, %dot_general3A {dimension_numbers = #tpu.dot_dimension_numbers<[1], [0], [0], [1], [0, 0, 1, 1], [], []>, transpose_lhs_hint = false} : vector<1000x128xf32>, vector<128x128xf32>, vector<1000x128xf32> -> vector<1000x128xf32>
    %swap3A = arith.constant 0 : index
    %swap3A_45 = arith.constant 0 : index
    %swap3A_46 = vector.load %arg7[%swap3A, %swap3A_45] : memref<1000x128xf32, #tpu.memory_space<vmem>>, vector<1000x128xf32>
    tpu.vector_store %arg7[%swap3A, %swap3A_45], %max3A_40 {strides = array<i32>} : memref<1000x128xf32, #tpu.memory_space<vmem>>, vector<1000x128xf32>,
    %swap3A_47 = arith.constant 0 : index
    %swap3A_48 = arith.constant 0 : index
    %swap3A_49 = vector.load %arg8[%swap3A_47, %swap3A_48] : memref<1000x128xf32, #tpu.memory_space<vmem>>, vector<1000x128xf32>
    tpu.vector_store %arg8[%swap3A_47, %swap3A_48], %dot_general3A_44 {strides = array<i32>} : memref<1000x128xf32, #tpu.memory_space<vmem>>, vector<1000x128xf32>,
    %mul3A_50 = vector.broadcast %rsqrt3A : vector<1000x1xf32> to vector<1000x128xf32>
    %mul3A_51 = arith.mulf %dot_general3A_44, %mul3A_50 : vector<1000x128xf32>
    %swap3A_52 = arith.constant 0 : index
    %swap3A_53 = arith.constant 0 : index
    %swap3A_54 = vector.load %arg9[%swap3A_52, %swap3A_53] : memref<1000x128xf32, #tpu.memory_space<vmem>>, vector<1000x128xf32>
    tpu.vector_store %arg9[%swap3A_52, %swap3A_53], %mul3A_51 {strides = array<i32>} : memref<1000x128xf32, #tpu.memory_space<vmem>>, vector<1000x128xf32>,
    return
  }
  func.func @transform_0(%arg0: i32) -> (i32, i32, i32) {
    %c0_i32 = arith.constant 0 : i32
    %c0_i32_0 = arith.constant 0 : i32
    %c0_i32_1 = arith.constant 0 : i32
    return %c0_i32, %arg0, %c0_i32_0 : i32, i32, i32
  }
  func.func @transform_1(%arg0: i32) -> (i32, i32) {
    %c0_i32 = arith.constant 0 : i32
    %c0_i32_0 = arith.constant 0 : i32
    return %arg0, %c0_i32 : i32, i32
  }
  func.func @transform_2(%arg0: i32) -> (i32, i32, i32) {
    %c0_i32 = arith.constant 0 : i32
    %c0_i32_0 = arith.constant 0 : i32
    %c0_i32_1 = arith.constant 0 : i32
    return %c0_i32, %arg0, %c0_i32_0 : i32, i32, i32
  }
  func.func @transform_3(%arg0: i32) -> (i32, i32, i32) {
    %c1_i32 = arith.constant 1 : i32
    %c0_i32 = arith.constant 0 : i32
    %c0_i32_0 = arith.constant 0 : i32
    return %c1_i32, %arg0, %c0_i32 : i32, i32, i32
  }
  func.func @transform_4(%arg0: i32) -> (i32, i32) {
    %c0_i32 = arith.constant 0 : i32
    %c0_i32_0 = arith.constant 0 : i32
    %c0_i32_1 = arith.constant 0 : i32
    return %c0_i32, %c0_i32_0 : i32, i32
  }
  func.func @transform_5(%arg0: i32) -> (i32, i32) {
    %c0_i32 = arith.constant 0 : i32
    %c0_i32_0 = arith.constant 0 : i32
    %c0_i32_1 = arith.constant 0 : i32
    return %c0_i32, %c0_i32_0 : i32, i32
  }
  func.func @transform_6(%arg0: i32) -> (i32, i32) {
    %c0_i32 = arith.constant 0 : i32
    %c0_i32_0 = arith.constant 0 : i32
    return %arg0, %c0_i32 : i32, i32
  }
  func.func @transform_7(%arg0: i32) -> (i32, i32) {
    %c0_i32 = arith.constant 0 : i32
    %c0_i32_0 = arith.constant 0 : i32
    return %arg0, %c0_i32 : i32, i32
  }
  func.func @transform_8(%arg0: i32) -> (i32, i32) {
    %c0_i32 = arith.constant 0 : i32
    %c0_i32_0 = arith.constant 0 : i32
    return %arg0, %c0_i32 : i32, i32
  }
}

module attributes {stable_mosaic.version = 14 : i64} {
  func.func @_final_body(%arg0: i32, %arg1: memref<2x1000x128xf32, #tpu.memory_space<vmem>>, %arg2: memref<1000x128xf32, #tpu.memory_space<vmem>>, %arg3: memref<1x1000x1xf32, #tpu.memory_space<vmem>>, %arg4: memref<1x1000x1xf32, #tpu.memory_space<vmem>>, %arg5: memref<1x128xf32, #tpu.memory_space<vmem>>, %arg6: memref<1000x128xf32, #tpu.memory_space<vmem>>) attributes {dimension_semantics = [#tpu.dimension_semantics<arbitrary>], iteration_bounds = array<i64: 10>, scalar_prefetch = 0 : i64, scratch_operands = 0 : i64, tpu.core_type = #tpu.core_type<tc>, window_params = [{transform_indices = @transform_0, window_bounds = array<i64: 2, 1000, 128>}, {transform_indices = @transform_1, window_bounds = array<i64: 1000, 128>}, {transform_indices = @transform_2, window_bounds = array<i64: 1, 1000, 1>}, {transform_indices = @transform_3, window_bounds = array<i64: 1, 1000, 1>}, {pipeline_mode = #tpu.pipeline_mode<synchronous>, transform_indices = @transform_4, window_bounds = array<i64: 1, 128>}, {transform_indices = @transform_5, window_bounds = array<i64: 1000, 128>}]} {
    %get3A = arith.constant 0 : index
    %get3A_0 = arith.constant 0 : index
    %get3A_1 = arith.constant 0 : index
    %get3A_2 = vector.load %arg3[%get3A, %get3A_0, %get3A_1] : memref<1x1000x1xf32, #tpu.memory_space<vmem>>, vector<1x1000x1xf32>
    %get3A_3 = vector.shape_cast %get3A_2 : vector<1x1000x1xf32> to vector<1000x1xf32>
    %get3A_4 = arith.constant 0 : index
    %get3A_5 = arith.constant 0 : index
    %get3A_6 = arith.constant 0 : index
    %get3A_7 = vector.load %arg4[%get3A_4, %get3A_5, %get3A_6] : memref<1x1000x1xf32, #tpu.memory_space<vmem>>, vector<1x1000x1xf32>
    %get3A_8 = vector.shape_cast %get3A_7 : vector<1x1000x1xf32> to vector<1000x1xf32>
    %add3A = arith.addf %get3A_3, %get3A_8 : vector<1000x1xf32>
    %add3A_9 = arith.constant 2.000000e+00 : f32
    %add3A_10 = vector.broadcast %add3A_9 : f32 to vector<1000x1xf32>
    %add3A_11 = arith.addf %add3A, %add3A_10 : vector<1000x1xf32>
    %rsqrt3A = math.rsqrt %add3A_11 : vector<1000x1xf32>
    %get3A_12 = arith.constant 0 : index
    %get3A_13 = arith.constant 0 : index
    %get3A_14 = arith.constant 0 : index
    %get3A_15 = vector.load %arg1[%get3A_12, %get3A_13, %get3A_14] : memref<2x1000x128xf32, #tpu.memory_space<vmem>>, vector<1x1000x128xf32>
    %get3A_16 = vector.shape_cast %get3A_15 : vector<1x1000x128xf32> to vector<1000x128xf32>
    %get3A_17 = arith.constant 1 : index
    %get3A_18 = arith.constant 0 : index
    %get3A_19 = arith.constant 0 : index
    %get3A_20 = vector.load %arg1[%get3A_17, %get3A_18, %get3A_19] : memref<2x1000x128xf32, #tpu.memory_space<vmem>>, vector<1x1000x128xf32>
    %get3A_21 = vector.shape_cast %get3A_20 : vector<1x1000x128xf32> to vector<1000x128xf32>
    %add3A_22 = arith.addf %get3A_16, %get3A_21 : vector<1000x128xf32>
    %mul3A = vector.broadcast %rsqrt3A : vector<1000x1xf32> to vector<1000x128xf32>
    %mul3A_23 = arith.mulf %add3A_22, %mul3A : vector<1000x128xf32>
    %get3A_24 = arith.constant 0 : index
    %get3A_25 = arith.constant 0 : index
    %get3A_26 = vector.load %arg2[%get3A_24, %get3A_25] : memref<1000x128xf32, #tpu.memory_space<vmem>>, vector<1000x128xf32>
    %mul3A_27 = arith.constant 2.000000e+00 : f32
    %mul3A_28 = vector.broadcast %mul3A_27 : f32 to vector<1000x1xf32>
    %mul3A_29 = arith.mulf %mul3A_28, %rsqrt3A : vector<1000x1xf32>
    %mul3A_30 = arith.mulf %mul3A_29, %rsqrt3A : vector<1000x1xf32>
    %mul3A_31 = vector.broadcast %mul3A_30 : vector<1000x1xf32> to vector<1000x128xf32>
    %mul3A_32 = arith.mulf %get3A_26, %mul3A_31 : vector<1000x128xf32>
    %add3A_33 = arith.addf %mul3A_23, %mul3A_32 : vector<1000x128xf32>
    %get3A_34 = arith.constant 0 : index
    %get3A_35 = arith.constant 0 : index
    %get3A_36 = vector.load %arg5[%get3A_34, %get3A_35] : memref<1x128xf32, #tpu.memory_space<vmem>>, vector<1x128xf32>
    %add3A_37 = vector.broadcast %get3A_36 : vector<1x128xf32> to vector<1000x128xf32>
    %add3A_38 = arith.addf %add3A_33, %add3A_37 : vector<1000x128xf32>
    %swap3A = arith.constant 0 : index
    %swap3A_39 = arith.constant 0 : index
    %swap3A_40 = vector.load %arg6[%swap3A, %swap3A_39] : memref<1000x128xf32, #tpu.memory_space<vmem>>, vector<1000x128xf32>
    tpu.vector_store %arg6[%swap3A, %swap3A_39], %add3A_38 {strides = array<i32>} : memref<1000x128xf32, #tpu.memory_space<vmem>>, vector<1000x128xf32>,
    return
  }
  func.func @transform_0(%arg0: i32) -> (i32, i32, i32) {
    %c0_i32 = arith.constant 0 : i32
    %c0_i32_0 = arith.constant 0 : i32
    %c0_i32_1 = arith.constant 0 : i32
    return %c0_i32, %arg0, %c0_i32_0 : i32, i32, i32
  }
  func.func @transform_1(%arg0: i32) -> (i32, i32) {
    %c0_i32 = arith.constant 0 : i32
    %c0_i32_0 = arith.constant 0 : i32
    return %arg0, %c0_i32 : i32, i32
  }
  func.func @transform_2(%arg0: i32) -> (i32, i32, i32) {
    %c0_i32 = arith.constant 0 : i32
    %c0_i32_0 = arith.constant 0 : i32
    %c0_i32_1 = arith.constant 0 : i32
    return %c0_i32, %arg0, %c0_i32_0 : i32, i32, i32
  }
  func.func @transform_3(%arg0: i32) -> (i32, i32, i32) {
    %c1_i32 = arith.constant 1 : i32
    %c0_i32 = arith.constant 0 : i32
    %c0_i32_0 = arith.constant 0 : i32
    return %c1_i32, %arg0, %c0_i32 : i32, i32, i32
  }
  func.func @transform_4(%arg0: i32) -> (i32, i32) {
    %c0_i32 = arith.constant 0 : i32
    %c0_i32_0 = arith.constant 0 : i32
    %c0_i32_1 = arith.constant 0 : i32
    return %c0_i32, %c0_i32_0 : i32, i32
  }
  func.func @transform_5(%arg0: i32) -> (i32, i32) {
    %c0_i32 = arith.constant 0 : i32
    %c0_i32_0 = arith.constant 0 : i32
    return %arg0, %c0_i32 : i32, i32
  }
}

</mosaic_0001>

<sc_bundles>
// kernel: kernel.11.cloned.1.call-start
scs
__scs_entry_jumppad:
0x0: {  	(pc) =	sbr.rel $0x88, $3  }
0x1: {  	(tag) =	ssettag $0x0;
	lr =	simm.s32 $0x1  }
0x2: {  	[smem:$0x3F9B] =	sst lr;
	_ =	strace $0xD0000000  }
0x3: {  	_ = 	snop  }
0x4: {  	_ = 	snop  }
0x5: {  	_ = 	snop  }
0x6: {  	_ = 	snop  }
0x7: {  	_ = 	snop  }
__scs_overlays_trampoline_lowered:
0x8: {  	[smem:$0x3FAA] =	sst s0  }
0x9: {  	[smem:$0x3FAB] =	sst s1  }
0xa: {  	[smem:$0x3FAC] =	sst s2  }
0xb: {  	[smem:$0x3FAD] =	sst s3  }
0xc: {  	[smem:$0x3FAE] =	sst s4  }
0xd: {  	[smem:$0x3FAF] =	sst s5  }
0xe: {  	[smem:$0x3FB0] =	sst s6  }
0xf: {  	[smem:$0x3FB1] =	sst s7  }
0x10: {  	[smem:$0x3FB2] =	sst s8  }
0x11: {  	[smem:$0x3FB3] =	sst s9;
	s0 =	simm.s32 @!p0 $0x0  }
0x12: {  	s1 =	sld [smem:$0x3F99];
	s0 =	simm.s32 @p0 $0x1  }
0x13: {  	[smem:$0x3FB4] =	sst s0;
	s0 =	simm.s32 @!p1 $0x0  }
0x14: {  	s2 =	sld [smem:$0x3F98];
	s0 =	simm.s32 @p1 $0x1  }
0x15: {  	[smem:$0x3FB5] =	sst s0;
	s0 =	simm.s32 @!p2 $0x0  }
0x16: {  	s3 =	sld [smem:$0x3FDB];
	s0 =	simm.s32 @p2 $0x1  }
0x17: {  	s4 =	simm.s32 $0x1BF5;
	[smem:$0x3FB7] =	sst s0  }
0x18: {  	s0 =	sld [smem:$0x3F9A];
	_ =	swait.ge [sflag:s4], $0x0  }
0x19: {  	s7 =	sld [smem:$0x3F9B]  }
0x1a: {  	s8 =	sadd.s32 $0xFFFFE003, lr  }
0x1b: {  	s9 =	sadd.s32 $0xFFFFFEF7, lr;
	s5 =	simm.s32 $0xFFFFFFFF;
	p2 =	slt.u32 s8, $0xFFFFF086  }
0x1c: {  	p1 =	slt.u32 s9, $0xF7A;
	s5 =	simm.s32 @!p2 $0x0  }
0x1d: {  	s5 =	simm.s32 @p1 $0x1;
	p0 =	seq.s32 s7, s2  }
0x1e: {  	s7 =	smul.u32 @!p0 $0xF7A, s2;
	p2 =	seq.s32 @!p0 s5, $0x0  }
0x1f: {  	s9 =	smul.u32 $0xF7A, s1;
	s8 =	simm.s32 @!p0 $0x1BF5;
	p2 =	por !p2, p0  }
0x20: {  	[sflag:s8] =	ssyncset.s32 @!p0 $0xFFFFF086;
	s6 =	sadd.s32 @!p0 s3, s7;
	s7 =	simm.s32 @!p0 $0x108  }
0x21: {  	s3 =	sadd.s32 s3, s9;
	s6 =	sadd.s32 @!p0 $0x88, s6;
	s7 =	simm.s32 @p2 $0x1082  }
0x22: {  	[simem:s7], [sflag:s8] =	dma.local @!p0 [hbm:s6], $0xF7A  }
0x23: {  	s9 =	sor.u32 $0xD0000000, s2;
	s6 =	simm.s32 $0x108;
	_ =	swait.ge @!p0 [sflag:s8], $0x0  }
0x24: {  	s3 =	sadd.s32 $0x88, s3;
	s6 =	simm.s32 @!p1 $0x1082;
	[sflag:s4] =	ssyncset.s32 $0xFFFFF086  }
0x25: {  	[simem:s6], [sflag:s4] =	dma.local [hbm:s3], $0xF7A  }
0x26: {  	[smem:$0x3F9B] =	sst s1;
	(tag) =	ssettag s2;
	_ =	strace s9  }
0x27: {  	s1 =	sld [smem:$0x3FAB]  }
0x28: {  	s2 =	sld [smem:$0x3FAC]  }
0x29: {  	s4 =	sld [smem:$0x3FAE]  }
0x2a: {  	p0 =	seq.s32 s5, $0x0;
	s5 =	sld [smem:$0x3FAF]  }
0x2b: {  	s6 =	sld [smem:$0x3FB0]  }
0x2c: {  	s7 =	sld [smem:$0x3FB1]  }
0x2d: {  	s3 =	simm.s32 $0x108;
	s8 =	sld [smem:$0x3FB2]  }
0x2e: {  	s3 =	simm.s32 @!p0 $0x1082;
	s9 =	sld [smem:$0x3FB3]  }
0x2f: {  	lr =	sadd.s32 s0, s3;
	s0 =	sld [smem:$0x3FAA]  }
0x30: {  	s3 =	sld [smem:$0x3FAD]  }
0x31: {  	[smem:$0x3FB6] =	sst s10  }
0x32: {  	s10 =	sld [smem:$0x3FB4];
	_ =	sdelay $0x3  }
0x33: {  	p0 =	seq.s32 s10, $0x1;
	s10 =	sld [smem:$0x3FB6];
	_ =	sdelay $0x3  }
0x34: {  	[smem:$0x3FB6] =	sst s10  }
0x35: {  	s10 =	sld [smem:$0x3FB5];
	_ =	sdelay $0x3  }
0x36: {  	p1 =	seq.s32 s10, $0x1;
	s10 =	sld [smem:$0x3FB6];
	_ =	sdelay $0x3  }
0x37: {  	[smem:$0x3FB6] =	sst s10  }
0x38: {  	s10 =	sld [smem:$0x3FB7]  }
0x39: {  	_ = 	snop;
	(pc) =	sbr.ind lr, $3  }
0x3a: {  	_ = 	snop  }
0x3b: {  	_ = 	snop  }
0x3c: {  	p2 =	seq.s32 s10, $0x1;
	s10 =	sld [smem:$0x3FB6]  }
0x3d: {  	_ =	shalt  }
0x3e: {  	_ =	shalt  }
0x3f: {  	_ =	shalt  }
0x40: {  	_ =	shalt  }
0x41: {  	_ =	shalt  }
0x42: {  	_ =	shalt  }
0x43: {  	_ =	shalt  }
0x44: {  	_ =	shalt  }
0x45: {  	_ =	shalt  }
0x46: {  	_ =	shalt  }
0x47: {  	_ =	shalt  }
0x48: {  	_ =	shalt  }
0x49: {  	_ =	shalt  }
0x4a: {  	_ =	shalt  }
0x4b: {  	_ =	shalt  }
0x4c: {  	_ =	shalt  }
0x4d: {  	_ =	shalt  }
0x4e: {  	_ =	shalt  }
0x4f: {  	_ =	shalt  }
0x50: {  	_ =	shalt  }
0x51: {  	_ =	shalt  }
0x52: {  	_ =	shalt  }
0x53: {  	_ =	shalt  }
0x54: {  	_ =	shalt  }
0x55: {  	_ =	shalt  }
0x56: {  	_ =	shalt  }
0x57: {  	_ =	shalt  }
0x58: {  	_ =	shalt  }
0x59: {  	_ =	shalt  }
0x5a: {  	_ =	shalt  }
0x5b: {  	_ =	shalt  }
0x5c: {  	_ =	shalt  }
0x5d: {  	_ =	shalt  }
0x5e: {  	_ =	shalt  }
0x5f: {  	_ =	shalt  }
0x60: {  	_ =	shalt  }
0x61: {  	_ =	shalt  }
0x62: {  	_ =	shalt  }
0x63: {  	_ =	shalt  }
0x64: {  	_ =	shalt  }
0x65: {  	_ =	shalt  }
0x66: {  	_ =	shalt  }
0x67: {  	_ =	shalt  }
0x68: {  	_ =	shalt  }
0x69: {  	_ =	shalt  }
0x6a: {  	_ =	shalt  }
0x6b: {  	_ =	shalt  }
0x6c: {  	_ =	shalt  }
0x6d: {  	_ =	shalt  }
0x6e: {  	_ =	shalt  }
0x6f: {  	_ =	shalt  }
0x70: {  	_ =	shalt  }
0x71: {  	_ =	shalt  }
0x72: {  	_ =	shalt  }
0x73: {  	_ =	shalt  }
0x74: {  	_ =	shalt  }
0x75: {  	_ =	shalt  }
0x76: {  	_ =	shalt  }
0x77: {  	_ =	shalt  }
0x78: {  	_ =	shalt  }
0x79: {  	_ =	shalt  }
0x7a: {  	_ =	shalt  }
0x7b: {  	_ =	shalt  }
0x7c: {  	_ =	shalt  }
0x7d: {  	_ =	shalt  }
0x7e: {  	_ =	shalt  }
0x7f: {  	_ =	shalt  }
0x80: {  	_ =	shalt  }
0x81: {  	_ =	shalt  }
0x82: {  	_ =	shalt  }
0x83: {  	_ =	shalt  }
0x84: {  	_ =	shalt  }
0x85: {  	_ =	shalt  }
0x86: {  	_ =	shalt  }
0x87: {  	_ =	shalt  }
.Lfunc_end0:
.L_simem_size_0:
called_computation.1_lowered:
.L_overlay_start_0:
0x88: {  	s2 =	sld [smem:$0x3FD9]  }
0x89: {  	s3 =	sld [smem:$0x3FFE];
	_ =	sdelay $0x1  }
0x8a: {  	s1 =	srdreg.scid  }
0x8b: {  	s0 =	sand.u32 $0x1, s1  }
0x8c: {  	s14 =	sshll.u32 s0, $0xA;
	s2 =	sadd.s32 s3, s2  }
0x8d: {  	s2 =	sadd.s32 s2, s14  }
0x8e: {  	[smem:$0x3FC2] =	sst s2  }
0x8f: {  	_ = 	snop  }
0x90: {  	s2 =	sld [smem:$0x3FD0];
	_ =	sdelay $0x2  }
0x91: {  	s15 =	simm.s32 $0xA;
	s4 =	simm.s32 $0x10  }
0x92: {  	[smem:s4], [sflag:s15] =	dma.local [hbm:s2], $0x1  }
0x93: {  	_ =	swait.eq [sflag:s15], $0x1  }
0x94: {  	[sflag:s15] =	ssyncset.done $0x0  }
0x95: {  	[sflag:s15] =	ssyncadd.s32 $0xFFFFFFFF  }
0x96: {  	s16 =	sld [smem:$0x10];
	(tm) =	ssettm $0x1  }
0x97: {  	s17 =	sld [smem:$0x3FFB];
	_ =	sdelay $0x3  }
0x98: {  	_ =	strace s17  }
0x99: {  	s3 =	sld [smem:$0x3FFC];
	_ =	sdelay $0x3  }
0x9a: {  	_ =	strace s3  }
0x9b: {  	s3 =	sld [smem:$0x3FFD];
	_ =	sdelay $0x3  }
0x9c: {  	_ =	strace s3  }
0x9d: {  	_ =	strace $0x8FFFFFFF  }
0x9e: {  	s18 =	sld [smem:$0x3FDB];
	_ =	sdelay $0x1  }
0x9f: {  	s19 =	simm.s32 $_scs_section_size  }
0xa0: {  	s5 =	simm.s32 $_size__tile_overlayer_lowered;
	s6 =	simm.s32 $_tile_overlayer_lowered  }
0xa1: {  	s22 =	simm.s32 $0x1BFF;
	s21 =	sshll.u32 s6, $0x1;
	s3 =	sadd.s32 s19, s18  }
0xa2: {  	s7 =	simm.s32 $0x0;
	s20 =	sshll.u32 s5, $0x1;
	s5 =	sadd.s32 s21, s3  }
0xa3: {  	[timem:s7], [sflag:s22] =	dma.local [hbm:s5], s20  }
0xa4: {  	_ =	swait.ge [sflag:s22], s20  }
0xa5: {  	s4 =	ssub.s32 $0x0, s20;
	[sflag:s22] =	ssyncset.done $0x0  }
0xa6: {  	[sflag:s22] =	ssyncadd.s32 s4;
	_ =	sdelay $0x1  }
0xa7: {  	s23 =	simm.s32 $0x1B8B  }
0xa8: {  	_ =	swait.ge [sflag:s23], $0x1  }
0xa9: {  	[sflag:s23] =	ssyncset.done $0x0  }
0xaa: {  	s25 =	simm.s32 $0x1B8E;
	s24 =	sld [smem:$0x3FFE];
	[sflag:s23] =	ssyncadd.s32 $0xFFFFFFFF  }
0xab: {  	s26 =	simm.s32 $execute0_lowered;
	[smem:$0x3FD2] =	sst s25  }
0xac: {  	s5 =	sshll.u32 s26, $0x1;
	_ =	strace $0x80000049;
	[dreg:$0x1] =	wrdreg $0xFFFFFFFF  }
0xad: {  	s28 =	simm.s32 $_size_execute0_lowered;
	s3 =	sadd.s32 s3, s5;
	[dreg:$0x0] =	wrdreg $0x0  }
0xae: {  	s5 =	sshll.u32 s28, $0x1;
	[dreg:$0x2] =	wrdreg s3  }
0xaf: {  	[dreg:$0x3] =	wrdreg s5  }
0xb0: {  	[dreg:$0x4] =	wrdreg $0xC0  }
0xb1: {  	_ =	task [dreg:s7], $0x5FFFF  }
0xb2: {  	[dreg:$0x1] =	wrdreg $0xFFFFFFFF  }
0xb3: {  	[dreg:$0x0] =	wrdreg $0x60  }
0xb4: {  	[dreg:$0x2] =	wrdreg s16  }
0xb5: {  	[dreg:$0x3] =	wrdreg s24  }
0xb6: {  	[dreg:$0x4] =	wrdreg $0x88000  }
0xb7: {  	[dreg:$0x5] =	wrdreg $0x9  }
0xb8: {  	_ =	task.clear_ibuf [dreg:s7], $0x6FFFF;
	_ =	strace $0x90000049  }
0xb9: {  	s29 =	simm.s32 $0x9;
	_ =	strace $0x8000004B  }
0xba: {  	_ =	swait.ge [sflag:s29], $0x1  }
0xbb: {  	[sflag:s29] =	ssyncadd.s32 $0xFFFFFFFF  }
0xbc: {  	_ =	strace $0x9000004B  }
0xbd: {  	_ =	sfence  }
0xbe: {  	s30 =	sld [smem:$0x0];
	_ =	sdelay $0x2  }
0xbf: {  	s31 =	sshll.u32 s1, $0xD;
	s1 =	sshrl.u32 s1, $0x2  }
0xc0: {  	s3 =	sand.u32 $0x4000, s31;
	s1 =	sadd.s32 s1, s30  }
0xc1: {  	s0 =	sor.u32 s3, s0;
	s1 =	sshll.u32 s1, $0x11  }
0xc2: {  	s0 =	sor.u32 s1, s0  }
0xc3: {  	s0 =	sadd.s32 $0x8F2B, s0  }
0xc4: {  	[sflag:s0] =	ssyncadd.remote.s32 $0x1  }
0xc5: {  	_ =	sfence.sel $0xFFFF  }
0xc6: {  	[dreg:$0x0] =	wrdreg $0xFFFFFFFF;
	(pc) =	sbr.abs _section_cstart, $3  }
0xc7: {  	[dreg:$0x1] =	wrdreg $0xFFFFFFFF  }
0xc8: {  	_ =	task.clear_ibuf [dreg:s7], $0x2FFFF;
	_ =	strace $0x9FFFFFFF  }
0xc9: {  	(tm) =	ssettm $0x7FFFFFFF  }
tec
execute0_lowered:
.L_overlay_start_1:
0x0: {  	(tag) =	ssettag $0x1  }
0x1: {  	s1 =	rddreg [dreg:$0x0]  }
0x2: {  	s0 =	srdreg.scid;
	s2 =	rddreg [dreg:$0x1]  }
0x3: {  	s11 =	stileid.u32;
	s3 =	rddreg [dreg:$0x2]  }
0x4: {  	s4 =	simm.s32 $0x0;
	s14 =	simm.s32 $0x400;
	s15 =	simm.s32 $0x80  }
0x5: {  	s26 =	simm.s32 $0x100;
	s28 =	simm.s32 $0x280;
	s6 =	smul.u32 $0x3C00, s11  }
0x6: {  	s29 =	simm.s32 $0x600;
	s30 =	simm.s32 $0x300;
	s16 =	smul.u32 $0x13C00, s11  }
0x7: {  	s31 =	simm.s32 $0x680;
	s0 =	sand.u32 $0x1, s0;
	s9 =	smul.u32 $0x4F000, s11  }
0x8: {  	[smem:$0x7FF] =	sst s4;
	s21 =	sshll.u32 s11, $0x6;
	s5 =	smul.u32 $0x3C000, s0  }
0x9: {  	s7 =	smul.u32 $0x13C000, s0;
	_ =	strace $0x8000004A;
	s17 =	ssub.s32 $0x2, s0  }
0xa: {  	p0 =	seq.s32 s0, $0x0;
	s0 =	simm.s32 $0x5;
	[dreg:$0x4] =	wrdreg s26  }
0xb: {  	s26 =	simm.s32 $0x580;
	s8 =	sshrl.u32 s16, $0x3;
	s10 =	sshrl.u32 s17, $0x1  }
0xc: {  	s19 =	sshrl.u32 s9, $0x2;
	s0 =	simm.s32 @!p0 $0xF;
	s5 =	sadd.s32 s6, s5  }
0xd: {  	s6 =	sadd.s32 s16, s7;
	s8 =	sadd.s32 s8, s2;
	s18 =	ssub.s32 s17, s10  }
0xe: {  	s9 =	sadd.s32 s19, s3;
	s10 =	sor.u32 $0x1C05, s21;
	[dreg:$0xa] =	wrdreg s0  }
0xf: {  	s16 =	simm.s32 $0x800;
	s17 =	simm.s32 $0x4800;
	s19 =	simm.s32 $0x3  }
0x10: {  	s21 =	simm.s32 $0x480;
	s0 =	simm.s32 $0x700;
	s5 =	sshrl.u32 s5, $0x3  }
0x11: {  	s6 =	sshrl.u32 s6, $0x3;
	s20 =	sadd.s32 $0x2400, s8;
	s8 =	simm.s32 $0x5  }
0x12: {  	s23 =	smax.u32 s18, $0x1;
	s11 =	sshrl.u32 s9, $0x3;
	s18 =	simm.s32 $0x1  }
0x13: {  	s5 =	sadd.s32 s5, s2;
	s2 =	sadd.s32 s6, s2;
	[dreg:$0x5] =	wrdreg s20  }
0x14: {  	s9 =	simm.s32 $0x0;
	[dreg:$0x7] =	wrdreg s23;
	s22 =	sadd.s32 $0x96C00, s2  }
0x15: {  	s20 =	simm.s32 $0x2;
	s24 =	sadd.s32 $0x87C00, s5;
	[dreg:$0x6] =	wrdreg s22  }
0x16: {  	s23 =	simm.s32 $0x180;
	s25 =	sadd.s32 $0x78C00, s5;
	[dreg:$0x8] =	wrdreg s24  }
0x17: {  	s2 =	simm.s32 $0x380;
	s5 =	simm.s32 $0x780;
	[dreg:$0x9] =	wrdreg s25  }
0x18: {  	s22 =	simm.s32 $0x4;
	s24 =	simm.s32 $0x500;
	s25 =	simm.s32 $0x200  }
.LBB2_1:
0x19: {  	s6 =	rddreg [dreg:$0x5]  }
0x1a: {  	[spmem:s11], [sflag:s10] =	dma.local [hbm:s6], $0x2780  }
0x1b: {  	_ =	swait.ge [sflag:s8], $0x2780  }
0x1c: {  	[sflag:s8] =	ssyncset.done $0x0  }
0x1d: {  	[sflag:s8] =	ssyncadd.s32 $0xFFFFD880  }
0x1e: {  	[bflag:$0x0] =	sbarrier.arrive $0xFFFF  }
0x1f: {  	s12 =	rddreg [dreg:$0x9]  }
0x20: {  	[tilespmem:s4], [sflag:$0x5] =	stream.linear.gather [hbm4b:s12+s4], $0x400, $0x38;
	[tilespmem:$0x1C400] =	vst v63  }
0x21: {  	_ =	swait.ge [sflag:s8], $0x400  }
0x22: {  	[sflag:s8] =	ssyncset.done $0x0  }
0x23: {  	s7 =	smov.u32 s11;
	s11 =	rddreg [dreg:$0x8];
	[sflag:s8] =	ssyncadd.s32 $0xFFFFFC00  }
0x24: {  	[tilespmem:s14], [sflag:$0x5] =	stream.linear.gather [hbm4b:s11+s4], $0x400, $0x38;
	[tilespmem:$0x1C400] =	vst v63  }
0x25: {  	_ =	swait.ge [sflag:s8], $0x400  }
0x26: {  	[sflag:s8] =	ssyncset.done $0x0  }
0x27: {  	[sflag:s8] =	ssyncadd.s32 $0xFFFFFC00  }
0x28: {  	[tilespmem:s16], [sflag:$0x1] =	stream.indirect.gather [hbm4b:s1+s15], $0x80, s4, s15, $0xb8;
	[tilespmem:$0x1C400] =	vst v63  }
0x29: {  	_ = 	snop  }
0x2a: {  	[tilespmem:s17], [sflag:$0x2] =	stream.indirect.gather [hbm4b:s1+s15], $0x80, s15, s15, $0xb8;
	[tilespmem:$0x1C400] =	vst v63  }
0x2b: {  	_ =	swait.ge [sflag:s18], $0x4000  }
0x2c: {  	[sflag:s18] =	ssyncset.done $0x0  }
0x2d: {  	[sflag:s18] =	ssyncadd.s32 $0xFFFFC000  }
0x2e: {  	[spmem:s3] =	stream.indirect.scatter.add.f32 [tilespmem:s16], [sflag:$0x3], $0x80, s14, s15, $0xb8;
	[tilespmem:$0x1C400] =	vst v63  }
0x2f: {  	_ =	swait.ge [sflag:s19], $0x4000  }
0x30: {  	[sflag:s19] =	ssyncset.done $0x0  }
0x31: {  	s6 =	rddreg [dreg:$0x4];
	[sflag:s19] =	ssyncadd.s32 $0xFFFFC000  }
0x32: {  	[tilespmem:s16], [sflag:$0x1] =	stream.indirect.gather [hbm4b:s1+s15], $0x80, s6, s15, $0xb8;
	[tilespmem:$0x1C400] =	vst v63  }
0x33: {  	_ =	swait.ge [sflag:s20], $0x4000  }
0x34: {  	[sflag:s20] =	ssyncset.done $0x0  }
0x35: {  	[sflag:s20] =	ssyncadd.s32 $0xFFFFC000  }
0x36: {  	[spmem:s3] =	stream.indirect.scatter.add.f32 [tilespmem:s17], [sflag:$0x4], $0x80, s21, s15, $0xb8;
	[tilespmem:$0x1C400] =	vst v63  }
0x37: {  	_ =	swait.ge [sflag:s22], $0x4000  }
0x38: {  	[sflag:s22] =	ssyncset.done $0x0  }
0x39: {  	[sflag:s22] =	ssyncadd.s32 $0xFFFFC000  }
0x3a: {  	[tilespmem:s17], [sflag:$0x2] =	stream.indirect.gather [hbm4b:s1+s15], $0x80, s23, s15, $0xb8;
	[tilespmem:$0x1C400] =	vst v63  }
0x3b: {  	_ =	swait.ge [sflag:s18], $0x4000  }
0x3c: {  	[sflag:s18] =	ssyncset.done $0x0  }
0x3d: {  	[sflag:s18] =	ssyncadd.s32 $0xFFFFC000  }
0x3e: {  	[spmem:s3] =	stream.indirect.scatter.add.f32 [tilespmem:s16], [sflag:$0x3], $0x80, s24, s15, $0xb8;
	[tilespmem:$0x1C400] =	vst v63  }
0x3f: {  	_ =	swait.ge [sflag:s19], $0x4000  }
0x40: {  	[sflag:s19] =	ssyncset.done $0x0  }
0x41: {  	[sflag:s19] =	ssyncadd.s32 $0xFFFFC000  }
0x42: {  	[tilespmem:s16], [sflag:$0x1] =	stream.indirect.gather [hbm4b:s1+s15], $0x80, s25, s15, $0xb8;
	[tilespmem:$0x1C400] =	vst v63  }
0x43: {  	_ =	swait.ge [sflag:s20], $0x4000  }
0x44: {  	[sflag:s20] =	ssyncset.done $0x0  }
0x45: {  	[sflag:s20] =	ssyncadd.s32 $0xFFFFC000  }
0x46: {  	[spmem:s3] =	stream.indirect.scatter.add.f32 [tilespmem:s17], [sflag:$0x4], $0x80, s26, s15, $0xb8;
	[tilespmem:$0x1C400] =	vst v63  }
0x47: {  	_ =	swait.ge [sflag:s22], $0x4000  }
0x48: {  	[sflag:s22] =	ssyncset.done $0x0  }
0x49: {  	[sflag:s22] =	ssyncadd.s32 $0xFFFFC000  }
0x4a: {  	[tilespmem:s17], [sflag:$0x2] =	stream.indirect.gather [hbm4b:s1+s15], $0x80, s28, s15, $0xb8;
	[tilespmem:$0x1C400] =	vst v63  }
0x4b: {  	_ =	swait.ge [sflag:s18], $0x4000  }
0x4c: {  	[sflag:s18] =	ssyncset.done $0x0  }
0x4d: {  	[sflag:s18] =	ssyncadd.s32 $0xFFFFC000  }
0x4e: {  	[spmem:s3] =	stream.indirect.scatter.add.f32 [tilespmem:s16], [sflag:$0x3], $0x80, s29, s15, $0xb8;
	[tilespmem:$0x1C400] =	vst v63  }
0x4f: {  	_ =	swait.ge [sflag:s19], $0x4000  }
0x50: {  	[sflag:s19] =	ssyncset.done $0x0  }
0x51: {  	[sflag:s19] =	ssyncadd.s32 $0xFFFFC000  }
0x52: {  	[tilespmem:s16], [sflag:$0x1] =	stream.indirect.gather [hbm4b:s1+s15], $0x80, s30, s15, $0xb8;
	[tilespmem:$0x1C400] =	vst v63  }
0x53: {  	_ =	swait.ge [sflag:s20], $0x4000  }
0x54: {  	[sflag:s20] =	ssyncset.done $0x0  }
0x55: {  	[sflag:s20] =	ssyncadd.s32 $0xFFFFC000  }
0x56: {  	[spmem:s3] =	stream.indirect.scatter.add.f32 [tilespmem:s17], [sflag:$0x4], $0x80, s31, s15, $0xb8;
	[tilespmem:$0x1C400] =	vst v63  }
0x57: {  	_ =	swait.ge [sflag:s22], $0x4000  }
0x58: {  	[sflag:s22] =	ssyncset.done $0x0  }
0x59: {  	[sflag:s22] =	ssyncadd.s32 $0xFFFFC000  }
0x5a: {  	[tilespmem:s17], [sflag:$0x2] =	stream.indirect.gather [hbm4b:s1+s15], $0x80, s2, s15, $0xb8;
	[tilespmem:$0x1C400] =	vst v63  }
0x5b: {  	_ =	swait.ge [sflag:s18], $0x4000  }
0x5c: {  	[sflag:s18] =	ssyncset.done $0x0  }
0x5d: {  	[sflag:s18] =	ssyncadd.s32 $0xFFFFC000  }
0x5e: {  	[spmem:s3] =	stream.indirect.scatter.add.f32 [tilespmem:s16], [sflag:$0x3], $0x80, s0, s15, $0xb8;
	[tilespmem:$0x1C400] =	vst v63  }
0x5f: {  	_ =	swait.ge [sflag:s19], $0x4000  }
0x60: {  	[sflag:s19] =	ssyncset.done $0x0  }
0x61: {  	[sflag:s19] =	ssyncadd.s32 $0xFFFFC000  }
0x62: {  	_ =	swait.ge [sflag:s20], $0x4000  }
0x63: {  	s13 =	smov.u32 s10;
	s10 =	rddreg [dreg:$0xa]  }
0x64: {  	p0 =	sne.s32 s10, $0x1  }
.Ltmp0:
0x65: {  	[sflag:s20] =	ssyncset.done $0x0;
	(pc) =	sbr.rel @!p0 .LBB2_3-.Ltmp0, $4  }
0x66: {  	[sflag:s20] =	ssyncadd.s32 $0xFFFFC000  }
0x67: {  	[spmem:s3] =	stream.indirect.scatter.add.f32 [tilespmem:s17], [sflag:$0x4], $0x80, s5, s15, $0xb8;
	[tilespmem:$0x1C400] =	vst v63  }
0x68: {  	_ =	swait.ge [sflag:s22], $0x4000  }
0x69: {  	s10 =	sadd.s32 $0xFFFFFFFF, s10;
	[sflag:s22] =	ssyncset.done $0x0  }
.LBB2_2:
0x6a: {  	[sflag:s22] =	ssyncadd.s32 $0xFFFFC000;
	s12 =	sadd.s32 $0x80, s12  }
0x6b: {  	[tilespmem:s4], [sflag:$0x5] =	stream.linear.gather [hbm4b:s12+s4], $0x400, $0x38;
	[tilespmem:$0x1C400] =	vst v63  }
0x6c: {  	_ =	swait.ge [sflag:s8], $0x400  }
0x6d: {  	[sflag:s8] =	ssyncset.done $0x0  }
0x6e: {  	s11 =	sadd.s32 $0x80, s11;
	[sflag:s8] =	ssyncadd.s32 $0xFFFFFC00  }
0x6f: {  	[tilespmem:s14], [sflag:$0x5] =	stream.linear.gather [hbm4b:s11+s4], $0x400, $0x38;
	[tilespmem:$0x1C400] =	vst v63  }
0x70: {  	_ =	swait.ge [sflag:s8], $0x400  }
0x71: {  	[sflag:s8] =	ssyncset.done $0x0  }
0x72: {  	[sflag:s8] =	ssyncadd.s32 $0xFFFFFC00  }
0x73: {  	[tilespmem:s16], [sflag:$0x1] =	stream.indirect.gather [hbm4b:s1+s15], $0x80, s4, s15, $0xb8;
	[tilespmem:$0x1C400] =	vst v63  }
0x74: {  	_ = 	snop  }
0x75: {  	[tilespmem:s17], [sflag:$0x2] =	stream.indirect.gather [hbm4b:s1+s15], $0x80, s15, s15, $0xb8;
	[tilespmem:$0x1C400] =	vst v63  }
0x76: {  	_ =	swait.ge [sflag:s18], $0x4000  }
0x77: {  	[sflag:s18] =	ssyncset.done $0x0  }
0x78: {  	[sflag:s18] =	ssyncadd.s32 $0xFFFFC000  }
0x79: {  	[spmem:s3] =	stream.indirect.scatter.add.f32 [tilespmem:s16], [sflag:$0x3], $0x80, s14, s15, $0xb8;
	[tilespmem:$0x1C400] =	vst v63  }
0x7a: {  	_ =	swait.ge [sflag:s19], $0x4000  }
0x7b: {  	[sflag:s19] =	ssyncset.done $0x0  }
0x7c: {  	s6 =	rddreg [dreg:$0x4];
	[sflag:s19] =	ssyncadd.s32 $0xFFFFC000  }
0x7d: {  	[tilespmem:s16], [sflag:$0x1] =	stream.indirect.gather [hbm4b:s1+s15], $0x80, s6, s15, $0xb8;
	[tilespmem:$0x1C400] =	vst v63  }
0x7e: {  	_ =	swait.ge [sflag:s20], $0x4000  }
0x7f: {  	[sflag:s20] =	ssyncset.done $0x0  }
0x80: {  	[sflag:s20] =	ssyncadd.s32 $0xFFFFC000  }
0x81: {  	[spmem:s3] =	stream.indirect.scatter.add.f32 [tilespmem:s17], [sflag:$0x4], $0x80, s21, s15, $0xb8;
	[tilespmem:$0x1C400] =	vst v63  }
0x82: {  	_ =	swait.ge [sflag:s22], $0x4000  }
0x83: {  	[sflag:s22] =	ssyncset.done $0x0  }
0x84: {  	[sflag:s22] =	ssyncadd.s32 $0xFFFFC000  }
0x85: {  	[tilespmem:s17], [sflag:$0x2] =	stream.indirect.gather [hbm4b:s1+s15], $0x80, s23, s15, $0xb8;
	[tilespmem:$0x1C400] =	vst v63  }
0x86: {  	_ =	swait.ge [sflag:s18], $0x4000  }
0x87: {  	[sflag:s18] =	ssyncset.done $0x0  }
0x88: {  	[sflag:s18] =	ssyncadd.s32 $0xFFFFC000  }
0x89: {  	[spmem:s3] =	stream.indirect.scatter.add.f32 [tilespmem:s16], [sflag:$0x3], $0x80, s24, s15, $0xb8;
	[tilespmem:$0x1C400] =	vst v63  }
0x8a: {  	_ =	swait.ge [sflag:s19], $0x4000  }
0x8b: {  	[sflag:s19] =	ssyncset.done $0x0  }
0x8c: {  	[sflag:s19] =	ssyncadd.s32 $0xFFFFC000  }
0x8d: {  	[tilespmem:s16], [sflag:$0x1] =	stream.indirect.gather [hbm4b:s1+s15], $0x80, s25, s15, $0xb8;
	[tilespmem:$0x1C400] =	vst v63  }
0x8e: {  	_ =	swait.ge [sflag:s20], $0x4000  }
0x8f: {  	[sflag:s20] =	ssyncset.done $0x0  }
0x90: {  	[sflag:s20] =	ssyncadd.s32 $0xFFFFC000  }
0x91: {  	[spmem:s3] =	stream.indirect.scatter.add.f32 [tilespmem:s17], [sflag:$0x4], $0x80, s26, s15, $0xb8;
	[tilespmem:$0x1C400] =	vst v63  }
0x92: {  	_ =	swait.ge [sflag:s22], $0x4000  }
0x93: {  	[sflag:s22] =	ssyncset.done $0x0  }
0x94: {  	[sflag:s22] =	ssyncadd.s32 $0xFFFFC000  }
0x95: {  	[tilespmem:s17], [sflag:$0x2] =	stream.indirect.gather [hbm4b:s1+s15], $0x80, s28, s15, $0xb8;
	[tilespmem:$0x1C400] =	vst v63  }
0x96: {  	_ =	swait.ge [sflag:s18], $0x4000  }
0x97: {  	[sflag:s18] =	ssyncset.done $0x0  }
0x98: {  	[sflag:s18] =	ssyncadd.s32 $0xFFFFC000  }
0x99: {  	[spmem:s3] =	stream.indirect.scatter.add.f32 [tilespmem:s16], [sflag:$0x3], $0x80, s29, s15, $0xb8;
	[tilespmem:$0x1C400] =	vst v63  }
0x9a: {  	_ =	swait.ge [sflag:s19], $0x4000  }
0x9b: {  	[sflag:s19] =	ssyncset.done $0x0  }
0x9c: {  	[sflag:s19] =	ssyncadd.s32 $0xFFFFC000  }
0x9d: {  	[tilespmem:s16], [sflag:$0x1] =	stream.indirect.gather [hbm4b:s1+s15], $0x80, s30, s15, $0xb8;
	[tilespmem:$0x1C400] =	vst v63  }
0x9e: {  	_ =	swait.ge [sflag:s20], $0x4000  }
0x9f: {  	[sflag:s20] =	ssyncset.done $0x0  }
0xa0: {  	[sflag:s20] =	ssyncadd.s32 $0xFFFFC000  }
0xa1: {  	[spmem:s3] =	stream.indirect.scatter.add.f32 [tilespmem:s17], [sflag:$0x4], $0x80, s31, s15, $0xb8;
	[tilespmem:$0x1C400] =	vst v63  }
0xa2: {  	_ =	swait.ge [sflag:s22], $0x4000  }
0xa3: {  	[sflag:s22] =	ssyncset.done $0x0  }
0xa4: {  	[sflag:s22] =	ssyncadd.s32 $0xFFFFC000  }
0xa5: {  	[tilespmem:s17], [sflag:$0x2] =	stream.indirect.gather [hbm4b:s1+s15], $0x80, s2, s15, $0xb8;
	[tilespmem:$0x1C400] =	vst v63  }
0xa6: {  	_ =	swait.ge [sflag:s18], $0x4000  }
0xa7: {  	[sflag:s18] =	ssyncset.done $0x0  }
0xa8: {  	[sflag:s18] =	ssyncadd.s32 $0xFFFFC000  }
0xa9: {  	[spmem:s3] =	stream.indirect.scatter.add.f32 [tilespmem:s16], [sflag:$0x3], $0x80, s0, s15, $0xb8;
	[tilespmem:$0x1C400] =	vst v63  }
0xaa: {  	_ =	swait.ge [sflag:s19], $0x4000  }
0xab: {  	[sflag:s19] =	ssyncset.done $0x0  }
0xac: {  	[sflag:s19] =	ssyncadd.s32 $0xFFFFC000  }
0xad: {  	p0 =	sne.s32 s10, $0x1;
	_ =	swait.ge [sflag:s20], $0x4000  }
.Ltmp1:
0xae: {  	[sflag:s20] =	ssyncset.done $0x0;
	(pc) =	sbr.rel @p0 .LBB2_2-.Ltmp1, $4  }
0xaf: {  	[sflag:s20] =	ssyncadd.s32 $0xFFFFC000  }
0xb0: {  	[spmem:s3] =	stream.indirect.scatter.add.f32 [tilespmem:s17], [sflag:$0x4], $0x80, s5, s15, $0xb8;
	[tilespmem:$0x1C400] =	vst v63  }
0xb1: {  	_ =	swait.ge [sflag:s22], $0x4000  }
0xb2: {  	s10 =	sadd.s32 $0xFFFFFFFF, s10;
	[sflag:s22] =	ssyncset.done $0x0  }
.LBB2_3:
0xb3: {  	[sflag:s22] =	ssyncadd.s32 $0xFFFFC000  }
0xb4: {  	[bflag:$0x0] =	sbarrier.arrive $0xFFFF  }
0xb5: {  	s6 =	rddreg [dreg:$0x6]  }
0xb6: {  	[hbm:s6], [sflag:s13] =	dma.local [spmem:s7], $0x2780  }
0xb7: {  	_ =	swait.ge [sflag:s8], $0x2780  }
0xb8: {  	s10 =	smov.u32 s13;
	s9 =	sadd.s32 $0x1, s9;
	s13 =	rddreg [dreg:$0x7]  }
0xb9: {  	p0 =	sne.s32 s9, s13  }
.Ltmp2:
0xba: {  	_ = 	snop;
	(pc) =	sbr.rel @p0 .LBB2_1-.Ltmp2, $3  }
0xbb: {  	_ =	sdelay $0x1  }
0xbc: {  	[sflag:s8] =	ssyncset.done $0x0  }
0xbd: {  	s11 =	smov.u32 s7;
	[sflag:s8] =	ssyncadd.s32 $0xFFFFD880  }
0xbe: {  	_ =	sfence.sel $0x180000  }
0xbf: {  	[bflag:$0x0] =	sbarrier.arrive $0xFFFF  }
0xc0: {  	_ =	strace $0x9000004A  }
0xc1: {  	s0 =	stileid.u32;
	[bflag:$0x2] =	sbarrier.arrive $0xFFFF  }
0xc2: {  	p0 =	sne.s32 s0, $0x0;
	s0 =	rddreg [dreg:$0x3]  }
0xc3: {  	s0 =	sadd.s32 @!p0 $0x100000, s0  }
0xc4: {  	[sflag:s0] =	ssyncadd.tile.s32 @!p0 $0x1;
	_ =	shalt  }
.Lfunc_end2:
_tile_overlayer_lowered:
.L_overlay_start_2:
0xc5: {  	(tag) =	ssettag $0x2  }
0xc6: {  	s0 =	rddreg [dreg:$0x0];
	s2 =	stileid.u32  }
0xc7: {  	s1 =	rddreg [dreg:$0x1];
	p0 =	sne.s32 s2, $0x0  }
0xc8: {  	s3 =	rddreg [dreg:$0x2];
	[bflag:$0x3] =	sbarrier.arrive $0xFFFF;
	s2 =	simm.s32 @!p0 $0x1C05  }
0xc9: {  	[timem:s3], [sflag:s2] =	dma.local @!p0 [hbm:s0], s1  }
0xca: {  	s0 =	simm.s32 @!p0 $0x5  }
0xcb: {  	_ =	swait.ge @!p0 [sflag:s0], s1  }
0xcc: {  	s1 =	ssub.s32 @!p0 $0x0, s1;
	[sflag:s0] =	ssyncset.done @!p0 $0x0  }
0xcd: {  	[sflag:s0] =	ssyncadd.s32 @!p0 s1  }
0xce: {  	[bflag:$0x3] =	sbarrier.arrive $0xFFFF  }
0xcf: {  	_ =	shalt  }

// kernel: kernel.14.cloned.1.call-start
scs
__scs_entry_jumppad:
0x0: {  	(pc) =	sbr.rel $0x88, $3  }
0x1: {  	(tag) =	ssettag $0x0;
	lr =	simm.s32 $0x1  }
0x2: {  	[smem:$0x3F9B] =	sst lr;
	_ =	strace $0xD0000000  }
0x3: {  	_ = 	snop  }
0x4: {  	_ = 	snop  }
0x5: {  	_ = 	snop  }
0x6: {  	_ = 	snop  }
0x7: {  	_ = 	snop  }
__scs_overlays_trampoline_lowered:
0x8: {  	[smem:$0x3FAA] =	sst s0  }
0x9: {  	[smem:$0x3FAB] =	sst s1  }
0xa: {  	[smem:$0x3FAC] =	sst s2  }
0xb: {  	[smem:$0x3FAD] =	sst s3  }
0xc: {  	[smem:$0x3FAE] =	sst s4  }
0xd: {  	[smem:$0x3FAF] =	sst s5  }
0xe: {  	[smem:$0x3FB0] =	sst s6  }
0xf: {  	[smem:$0x3FB1] =	sst s7  }
0x10: {  	[smem:$0x3FB2] =	sst s8  }
0x11: {  	[smem:$0x3FB3] =	sst s9;
	s0 =	simm.s32 @!p0 $0x0  }
0x12: {  	s1 =	sld [smem:$0x3F99];
	s0 =	simm.s32 @p0 $0x1  }
0x13: {  	[smem:$0x3FB4] =	sst s0;
	s0 =	simm.s32 @!p1 $0x0  }
0x14: {  	s2 =	sld [smem:$0x3F98];
	s0 =	simm.s32 @p1 $0x1  }
0x15: {  	[smem:$0x3FB5] =	sst s0;
	s0 =	simm.s32 @!p2 $0x0  }
0x16: {  	s3 =	sld [smem:$0x3FDB];
	s0 =	simm.s32 @p2 $0x1  }
0x17: {  	s4 =	simm.s32 $0x1BF5;
	[smem:$0x3FB7] =	sst s0  }
0x18: {  	s0 =	sld [smem:$0x3F9A];
	_ =	swait.ge [sflag:s4], $0x0  }
0x19: {  	s7 =	sld [smem:$0x3F9B]  }
0x1a: {  	s8 =	sadd.s32 $0xFFFFE003, lr  }
0x1b: {  	s9 =	sadd.s32 $0xFFFFFEF7, lr;
	s5 =	simm.s32 $0xFFFFFFFF;
	p2 =	slt.u32 s8, $0xFFFFF086  }
0x1c: {  	p1 =	slt.u32 s9, $0xF7A;
	s5 =	simm.s32 @!p2 $0x0  }
0x1d: {  	s5 =	simm.s32 @p1 $0x1;
	p0 =	seq.s32 s7, s2  }
0x1e: {  	s7 =	smul.u32 @!p0 $0xF7A, s2;
	p2 =	seq.s32 @!p0 s5, $0x0  }
0x1f: {  	s9 =	smul.u32 $0xF7A, s1;
	s8 =	simm.s32 @!p0 $0x1BF5;
	p2 =	por !p2, p0  }
0x20: {  	[sflag:s8] =	ssyncset.s32 @!p0 $0xFFFFF086;
	s6 =	sadd.s32 @!p0 s3, s7;
	s7 =	simm.s32 @!p0 $0x108  }
0x21: {  	s3 =	sadd.s32 s3, s9;
	s6 =	sadd.s32 @!p0 $0x88, s6;
	s7 =	simm.s32 @p2 $0x1082  }
0x22: {  	[simem:s7], [sflag:s8] =	dma.local @!p0 [hbm:s6], $0xF7A  }
0x23: {  	s9 =	sor.u32 $0xD0000000, s2;
	s6 =	simm.s32 $0x108;
	_ =	swait.ge @!p0 [sflag:s8], $0x0  }
0x24: {  	s3 =	sadd.s32 $0x88, s3;
	s6 =	simm.s32 @!p1 $0x1082;
	[sflag:s4] =	ssyncset.s32 $0xFFFFF086  }
0x25: {  	[simem:s6], [sflag:s4] =	dma.local [hbm:s3], $0xF7A  }
0x26: {  	[smem:$0x3F9B] =	sst s1;
	(tag) =	ssettag s2;
	_ =	strace s9  }
0x27: {  	s1 =	sld [smem:$0x3FAB]  }
0x28: {  	s2 =	sld [smem:$0x3FAC]  }
0x29: {  	s4 =	sld [smem:$0x3FAE]  }
0x2a: {  	p0 =	seq.s32 s5, $0x0;
	s5 =	sld [smem:$0x3FAF]  }
0x2b: {  	s6 =	sld [smem:$0x3FB0]  }
0x2c: {  	s7 =	sld [smem:$0x3FB1]  }
0x2d: {  	s3 =	simm.s32 $0x108;
	s8 =	sld [smem:$0x3FB2]  }
0x2e: {  	s3 =	simm.s32 @!p0 $0x1082;
	s9 =	sld [smem:$0x3FB3]  }
0x2f: {  	lr =	sadd.s32 s0, s3;
	s0 =	sld [smem:$0x3FAA]  }
0x30: {  	s3 =	sld [smem:$0x3FAD]  }
0x31: {  	[smem:$0x3FB6] =	sst s10  }
0x32: {  	s10 =	sld [smem:$0x3FB4];
	_ =	sdelay $0x3  }
0x33: {  	p0 =	seq.s32 s10, $0x1;
	s10 =	sld [smem:$0x3FB6];
	_ =	sdelay $0x3  }
0x34: {  	[smem:$0x3FB6] =	sst s10  }
0x35: {  	s10 =	sld [smem:$0x3FB5];
	_ =	sdelay $0x3  }
0x36: {  	p1 =	seq.s32 s10, $0x1;
	s10 =	sld [smem:$0x3FB6];
	_ =	sdelay $0x3  }
0x37: {  	[smem:$0x3FB6] =	sst s10  }
0x38: {  	s10 =	sld [smem:$0x3FB7]  }
0x39: {  	_ = 	snop;
	(pc) =	sbr.ind lr, $3  }
0x3a: {  	_ = 	snop  }
0x3b: {  	_ = 	snop  }
0x3c: {  	p2 =	seq.s32 s10, $0x1;
	s10 =	sld [smem:$0x3FB6]  }
0x3d: {  	_ =	shalt  }
0x3e: {  	_ =	shalt  }
0x3f: {  	_ =	shalt  }
0x40: {  	_ =	shalt  }
0x41: {  	_ =	shalt  }
0x42: {  	_ =	shalt  }
0x43: {  	_ =	shalt  }
0x44: {  	_ =	shalt  }
0x45: {  	_ =	shalt  }
0x46: {  	_ =	shalt  }
0x47: {  	_ =	shalt  }
0x48: {  	_ =	shalt  }
0x49: {  	_ =	shalt  }
0x4a: {  	_ =	shalt  }
0x4b: {  	_ =	shalt  }
0x4c: {  	_ =	shalt  }
0x4d: {  	_ =	shalt  }
0x4e: {  	_ =	shalt  }
0x4f: {  	_ =	shalt  }
0x50: {  	_ =	shalt  }
0x51: {  	_ =	shalt  }
0x52: {  	_ =	shalt  }
0x53: {  	_ =	shalt  }
0x54: {  	_ =	shalt  }
0x55: {  	_ =	shalt  }
0x56: {  	_ =	shalt  }
0x57: {  	_ =	shalt  }
0x58: {  	_ =	shalt  }
0x59: {  	_ =	shalt  }
0x5a: {  	_ =	shalt  }
0x5b: {  	_ =	shalt  }
0x5c: {  	_ =	shalt  }
0x5d: {  	_ =	shalt  }
0x5e: {  	_ =	shalt  }
0x5f: {  	_ =	shalt  }
0x60: {  	_ =	shalt  }
0x61: {  	_ =	shalt  }
0x62: {  	_ =	shalt  }
0x63: {  	_ =	shalt  }
0x64: {  	_ =	shalt  }
0x65: {  	_ =	shalt  }
0x66: {  	_ =	shalt  }
0x67: {  	_ =	shalt  }
0x68: {  	_ =	shalt  }
0x69: {  	_ =	shalt  }
0x6a: {  	_ =	shalt  }
0x6b: {  	_ =	shalt  }
0x6c: {  	_ =	shalt  }
0x6d: {  	_ =	shalt  }
0x6e: {  	_ =	shalt  }
0x6f: {  	_ =	shalt  }
0x70: {  	_ =	shalt  }
0x71: {  	_ =	shalt  }
0x72: {  	_ =	shalt  }
0x73: {  	_ =	shalt  }
0x74: {  	_ =	shalt  }
0x75: {  	_ =	shalt  }
0x76: {  	_ =	shalt  }
0x77: {  	_ =	shalt  }
0x78: {  	_ =	shalt  }
0x79: {  	_ =	shalt  }
0x7a: {  	_ =	shalt  }
0x7b: {  	_ =	shalt  }
0x7c: {  	_ =	shalt  }
0x7d: {  	_ =	shalt  }
0x7e: {  	_ =	shalt  }
0x7f: {  	_ =	shalt  }
0x80: {  	_ =	shalt  }
0x81: {  	_ =	shalt  }
0x82: {  	_ =	shalt  }
0x83: {  	_ =	shalt  }
0x84: {  	_ =	shalt  }
0x85: {  	_ =	shalt  }
0x86: {  	_ =	shalt  }
0x87: {  	_ =	shalt  }
.Lfunc_end0:
.L_simem_size_0:
called_computation.2_lowered:
.L_overlay_start_0:
0x88: {  	s2 =	sld [smem:$0x3FD9]  }
0x89: {  	s3 =	sld [smem:$0x3FFE];
	_ =	sdelay $0x1  }
0x8a: {  	s1 =	srdreg.scid  }
0x8b: {  	s0 =	sand.u32 $0x1, s1  }
0x8c: {  	s14 =	sshll.u32 s0, $0xA;
	s2 =	sadd.s32 s3, s2  }
0x8d: {  	s2 =	sadd.s32 s2, s14  }
0x8e: {  	[smem:$0x3FC2] =	sst s2  }
0x8f: {  	_ = 	snop  }
0x90: {  	s2 =	sld [smem:$0x3FD0];
	_ =	sdelay $0x2  }
0x91: {  	s15 =	simm.s32 $0xA;
	s4 =	simm.s32 $0x10  }
0x92: {  	[smem:s4], [sflag:s15] =	dma.local [hbm:s2], $0x1  }
0x93: {  	_ =	swait.eq [sflag:s15], $0x1  }
0x94: {  	[sflag:s15] =	ssyncset.done $0x0  }
0x95: {  	[sflag:s15] =	ssyncadd.s32 $0xFFFFFFFF  }
0x96: {  	s16 =	sld [smem:$0x10];
	(tm) =	ssettm $0x1  }
0x97: {  	s17 =	sld [smem:$0x3FFB];
	_ =	sdelay $0x3  }
0x98: {  	_ =	strace s17  }
0x99: {  	s3 =	sld [smem:$0x3FFC];
	_ =	sdelay $0x3  }
0x9a: {  	_ =	strace s3  }
0x9b: {  	s3 =	sld [smem:$0x3FFD];
	_ =	sdelay $0x3  }
0x9c: {  	_ =	strace s3  }
0x9d: {  	_ =	strace $0x8FFFFFFF  }
0x9e: {  	s18 =	sld [smem:$0x3FDB];
	_ =	sdelay $0x1  }
0x9f: {  	s19 =	simm.s32 $_scs_section_size  }
0xa0: {  	s5 =	simm.s32 $_size__tile_overlayer_lowered;
	s6 =	simm.s32 $_tile_overlayer_lowered  }
0xa1: {  	s22 =	simm.s32 $0x1BFF;
	s21 =	sshll.u32 s6, $0x1;
	s3 =	sadd.s32 s19, s18  }
0xa2: {  	s7 =	simm.s32 $0x0;
	s20 =	sshll.u32 s5, $0x1;
	s5 =	sadd.s32 s21, s3  }
0xa3: {  	[timem:s7], [sflag:s22] =	dma.local [hbm:s5], s20  }
0xa4: {  	_ =	swait.ge [sflag:s22], s20  }
0xa5: {  	s4 =	ssub.s32 $0x0, s20;
	[sflag:s22] =	ssyncset.done $0x0  }
0xa6: {  	[sflag:s22] =	ssyncadd.s32 s4;
	_ =	sdelay $0x1  }
0xa7: {  	s23 =	simm.s32 $0x1B8B  }
0xa8: {  	_ =	swait.ge [sflag:s23], $0x1  }
0xa9: {  	[sflag:s23] =	ssyncset.done $0x0  }
0xaa: {  	s25 =	simm.s32 $0x1B8E;
	s24 =	sld [smem:$0x3FFE];
	[sflag:s23] =	ssyncadd.s32 $0xFFFFFFFF  }
0xab: {  	s26 =	simm.s32 $execute0_lowered;
	[smem:$0x3FD2] =	sst s25  }
0xac: {  	s5 =	sshll.u32 s26, $0x1;
	_ =	strace $0x8000004C;
	[dreg:$0x1] =	wrdreg $0xFFFFFFFF  }
0xad: {  	s28 =	simm.s32 $_size_execute0_lowered;
	s3 =	sadd.s32 s3, s5;
	[dreg:$0x0] =	wrdreg $0x0  }
0xae: {  	s5 =	sshll.u32 s28, $0x1;
	[dreg:$0x2] =	wrdreg s3  }
0xaf: {  	[dreg:$0x3] =	wrdreg s5  }
0xb0: {  	[dreg:$0x4] =	wrdreg $0xC0  }
0xb1: {  	_ =	task [dreg:s7], $0x5FFFF  }
0xb2: {  	[dreg:$0x1] =	wrdreg $0xFFFFFFFF  }
0xb3: {  	[dreg:$0x0] =	wrdreg $0x60  }
0xb4: {  	[dreg:$0x2] =	wrdreg s16  }
0xb5: {  	[dreg:$0x3] =	wrdreg s24  }
0xb6: {  	[dreg:$0x4] =	wrdreg $0x88000  }
0xb7: {  	[dreg:$0x5] =	wrdreg $0x9  }
0xb8: {  	_ =	task.clear_ibuf [dreg:s7], $0x6FFFF;
	_ =	strace $0x9000004C  }
0xb9: {  	s29 =	simm.s32 $0x9;
	_ =	strace $0x8000004E  }
0xba: {  	_ =	swait.ge [sflag:s29], $0x1  }
0xbb: {  	[sflag:s29] =	ssyncadd.s32 $0xFFFFFFFF  }
0xbc: {  	_ =	strace $0x9000004E  }
0xbd: {  	_ =	sfence  }
0xbe: {  	s30 =	sld [smem:$0x0];
	_ =	sdelay $0x2  }
0xbf: {  	s31 =	sshll.u32 s1, $0xD;
	s1 =	sshrl.u32 s1, $0x2  }
0xc0: {  	s3 =	sand.u32 $0x4000, s31;
	s1 =	sadd.s32 s1, s30  }
0xc1: {  	s0 =	sor.u32 s3, s0;
	s1 =	sshll.u32 s1, $0x11  }
0xc2: {  	s0 =	sor.u32 s1, s0  }
0xc3: {  	s0 =	sadd.s32 $0x8F2B, s0  }
0xc4: {  	[sflag:s0] =	ssyncadd.remote.s32 $0x1  }
0xc5: {  	_ =	sfence.sel $0xFFFF  }
0xc6: {  	[dreg:$0x0] =	wrdreg $0xFFFFFFFF;
	(pc) =	sbr.abs _section_cstart, $3  }
0xc7: {  	[dreg:$0x1] =	wrdreg $0xFFFFFFFF  }
0xc8: {  	_ =	task.clear_ibuf [dreg:s7], $0x2FFFF;
	_ =	strace $0x9FFFFFFF  }
0xc9: {  	(tm) =	ssettm $0x7FFFFFFF  }
tec
execute0_lowered:
.L_overlay_start_1:
0x0: {  	(tag) =	ssettag $0x1  }
0x1: {  	s1 =	rddreg [dreg:$0x0]  }
0x2: {  	s0 =	srdreg.scid;
	s2 =	rddreg [dreg:$0x1]  }
0x3: {  	s11 =	stileid.u32;
	s3 =	rddreg [dreg:$0x2]  }
0x4: {  	s4 =	simm.s32 $0x0;
	s14 =	simm.s32 $0x400;
	s15 =	simm.s32 $0x80  }
0x5: {  	s26 =	simm.s32 $0x100;
	s28 =	simm.s32 $0x280;
	s6 =	smul.u32 $0x3C00, s11  }
0x6: {  	s29 =	simm.s32 $0x600;
	s30 =	simm.s32 $0x300;
	s16 =	smul.u32 $0x13C00, s11  }
0x7: {  	s31 =	simm.s32 $0x680;
	s0 =	sand.u32 $0x1, s0;
	s9 =	smul.u32 $0x4F000, s11  }
0x8: {  	[smem:$0x7FF] =	sst s4;
	s21 =	sshll.u32 s11, $0x6;
	s5 =	smul.u32 $0x3C000, s0  }
0x9: {  	s7 =	smul.u32 $0x13C000, s0;
	_ =	strace $0x8000004D;
	s17 =	ssub.s32 $0x2, s0  }
0xa: {  	p0 =	seq.s32 s0, $0x0;
	s0 =	simm.s32 $0x5;
	[dreg:$0x4] =	wrdreg s26  }
0xb: {  	s26 =	simm.s32 $0x580;
	s8 =	sshrl.u32 s16, $0x3;
	s10 =	sshrl.u32 s17, $0x1  }
0xc: {  	s19 =	sshrl.u32 s9, $0x2;
	s0 =	simm.s32 @!p0 $0xF;
	s5 =	sadd.s32 s6, s5  }
0xd: {  	s6 =	sadd.s32 s16, s7;
	s8 =	sadd.s32 s8, s2;
	s18 =	ssub.s32 s17, s10  }
0xe: {  	s9 =	sadd.s32 s19, s3;
	s10 =	sor.u32 $0x1C05, s21;
	[dreg:$0xa] =	wrdreg s0  }
0xf: {  	s16 =	simm.s32 $0x800;
	s17 =	simm.s32 $0x4800;
	s19 =	simm.s32 $0x3  }
0x10: {  	s21 =	simm.s32 $0x480;
	s0 =	simm.s32 $0x700;
	s5 =	sshrl.u32 s5, $0x3  }
0x11: {  	s6 =	sshrl.u32 s6, $0x3;
	s20 =	sadd.s32 $0x2400, s8;
	s8 =	simm.s32 $0x5  }
0x12: {  	s23 =	smax.u32 s18, $0x1;
	s11 =	sshrl.u32 s9, $0x3;
	s18 =	simm.s32 $0x1  }
0x13: {  	s5 =	sadd.s32 s5, s2;
	s2 =	sadd.s32 s6, s2;
	[dreg:$0x5] =	wrdreg s20  }
0x14: {  	s9 =	simm.s32 $0x0;
	[dreg:$0x7] =	wrdreg s23;
	s22 =	sadd.s32 $0x96C00, s2  }
0x15: {  	s20 =	simm.s32 $0x2;
	s24 =	sadd.s32 $0x87C00, s5;
	[dreg:$0x6] =	wrdreg s22  }
0x16: {  	s23 =	simm.s32 $0x180;
	s25 =	sadd.s32 $0x78C00, s5;
	[dreg:$0x8] =	wrdreg s24  }
0x17: {  	s2 =	simm.s32 $0x380;
	s5 =	simm.s32 $0x780;
	[dreg:$0x9] =	wrdreg s25  }
0x18: {  	s22 =	simm.s32 $0x4;
	s24 =	simm.s32 $0x500;
	s25 =	simm.s32 $0x200  }
.LBB2_1:
0x19: {  	s6 =	rddreg [dreg:$0x5]  }
0x1a: {  	[spmem:s11], [sflag:s10] =	dma.local [hbm:s6], $0x2780  }
0x1b: {  	_ =	swait.ge [sflag:s8], $0x2780  }
0x1c: {  	[sflag:s8] =	ssyncset.done $0x0  }
0x1d: {  	[sflag:s8] =	ssyncadd.s32 $0xFFFFD880  }
0x1e: {  	[bflag:$0x0] =	sbarrier.arrive $0xFFFF  }
0x1f: {  	s12 =	rddreg [dreg:$0x9]  }
0x20: {  	[tilespmem:s4], [sflag:$0x5] =	stream.linear.gather [hbm4b:s12+s4], $0x400, $0x38;
	[tilespmem:$0x1C400] =	vst v63  }
0x21: {  	_ =	swait.ge [sflag:s8], $0x400  }
0x22: {  	[sflag:s8] =	ssyncset.done $0x0  }
0x23: {  	s7 =	smov.u32 s11;
	s11 =	rddreg [dreg:$0x8];
	[sflag:s8] =	ssyncadd.s32 $0xFFFFFC00  }
0x24: {  	[tilespmem:s14], [sflag:$0x5] =	stream.linear.gather [hbm4b:s11+s4], $0x400, $0x38;
	[tilespmem:$0x1C400] =	vst v63  }
0x25: {  	_ =	swait.ge [sflag:s8], $0x400  }
0x26: {  	[sflag:s8] =	ssyncset.done $0x0  }
0x27: {  	[sflag:s8] =	ssyncadd.s32 $0xFFFFFC00  }
0x28: {  	[tilespmem:s16], [sflag:$0x1] =	stream.indirect.gather [hbm4b:s1+s15], $0x80, s4, s15, $0xb8;
	[tilespmem:$0x1C400] =	vst v63  }
0x29: {  	_ = 	snop  }
0x2a: {  	[tilespmem:s17], [sflag:$0x2] =	stream.indirect.gather [hbm4b:s1+s15], $0x80, s15, s15, $0xb8;
	[tilespmem:$0x1C400] =	vst v63  }
0x2b: {  	_ =	swait.ge [sflag:s18], $0x4000  }
0x2c: {  	[sflag:s18] =	ssyncset.done $0x0  }
0x2d: {  	[sflag:s18] =	ssyncadd.s32 $0xFFFFC000  }
0x2e: {  	[spmem:s3] =	stream.indirect.scatter.add.f32 [tilespmem:s16], [sflag:$0x3], $0x80, s14, s15, $0xb8;
	[tilespmem:$0x1C400] =	vst v63  }
0x2f: {  	_ =	swait.ge [sflag:s19], $0x4000  }
0x30: {  	[sflag:s19] =	ssyncset.done $0x0  }
0x31: {  	s6 =	rddreg [dreg:$0x4];
	[sflag:s19] =	ssyncadd.s32 $0xFFFFC000  }
0x32: {  	[tilespmem:s16], [sflag:$0x1] =	stream.indirect.gather [hbm4b:s1+s15], $0x80, s6, s15, $0xb8;
	[tilespmem:$0x1C400] =	vst v63  }
0x33: {  	_ =	swait.ge [sflag:s20], $0x4000  }
0x34: {  	[sflag:s20] =	ssyncset.done $0x0  }
0x35: {  	[sflag:s20] =	ssyncadd.s32 $0xFFFFC000  }
0x36: {  	[spmem:s3] =	stream.indirect.scatter.add.f32 [tilespmem:s17], [sflag:$0x4], $0x80, s21, s15, $0xb8;
	[tilespmem:$0x1C400] =	vst v63  }
0x37: {  	_ =	swait.ge [sflag:s22], $0x4000  }
0x38: {  	[sflag:s22] =	ssyncset.done $0x0  }
0x39: {  	[sflag:s22] =	ssyncadd.s32 $0xFFFFC000  }
0x3a: {  	[tilespmem:s17], [sflag:$0x2] =	stream.indirect.gather [hbm4b:s1+s15], $0x80, s23, s15, $0xb8;
	[tilespmem:$0x1C400] =	vst v63  }
0x3b: {  	_ =	swait.ge [sflag:s18], $0x4000  }
0x3c: {  	[sflag:s18] =	ssyncset.done $0x0  }
0x3d: {  	[sflag:s18] =	ssyncadd.s32 $0xFFFFC000  }
0x3e: {  	[spmem:s3] =	stream.indirect.scatter.add.f32 [tilespmem:s16], [sflag:$0x3], $0x80, s24, s15, $0xb8;
	[tilespmem:$0x1C400] =	vst v63  }
0x3f: {  	_ =	swait.ge [sflag:s19], $0x4000  }
0x40: {  	[sflag:s19] =	ssyncset.done $0x0  }
0x41: {  	[sflag:s19] =	ssyncadd.s32 $0xFFFFC000  }
0x42: {  	[tilespmem:s16], [sflag:$0x1] =	stream.indirect.gather [hbm4b:s1+s15], $0x80, s25, s15, $0xb8;
	[tilespmem:$0x1C400] =	vst v63  }
0x43: {  	_ =	swait.ge [sflag:s20], $0x4000  }
0x44: {  	[sflag:s20] =	ssyncset.done $0x0  }
0x45: {  	[sflag:s20] =	ssyncadd.s32 $0xFFFFC000  }
0x46: {  	[spmem:s3] =	stream.indirect.scatter.add.f32 [tilespmem:s17], [sflag:$0x4], $0x80, s26, s15, $0xb8;
	[tilespmem:$0x1C400] =	vst v63  }
0x47: {  	_ =	swait.ge [sflag:s22], $0x4000  }
0x48: {  	[sflag:s22] =	ssyncset.done $0x0  }
0x49: {  	[sflag:s22] =	ssyncadd.s32 $0xFFFFC000  }
0x4a: {  	[tilespmem:s17], [sflag:$0x2] =	stream.indirect.gather [hbm4b:s1+s15], $0x80, s28, s15, $0xb8;
	[tilespmem:$0x1C400] =	vst v63  }
0x4b: {  	_ =	swait.ge [sflag:s18], $0x4000  }
0x4c: {  	[sflag:s18] =	ssyncset.done $0x0  }
0x4d: {  	[sflag:s18] =	ssyncadd.s32 $0xFFFFC000  }
0x4e: {  	[spmem:s3] =	stream.indirect.scatter.add.f32 [tilespmem:s16], [sflag:$0x3], $0x80, s29, s15, $0xb8;
	[tilespmem:$0x1C400] =	vst v63  }
0x4f: {  	_ =	swait.ge [sflag:s19], $0x4000  }
0x50: {  	[sflag:s19] =	ssyncset.done $0x0  }
0x51: {  	[sflag:s19] =	ssyncadd.s32 $0xFFFFC000  }
0x52: {  	[tilespmem:s16], [sflag:$0x1] =	stream.indirect.gather [hbm4b:s1+s15], $0x80, s30, s15, $0xb8;
	[tilespmem:$0x1C400] =	vst v63  }
0x53: {  	_ =	swait.ge [sflag:s20], $0x4000  }
0x54: {  	[sflag:s20] =	ssyncset.done $0x0  }
0x55: {  	[sflag:s20] =	ssyncadd.s32 $0xFFFFC000  }
0x56: {  	[spmem:s3] =	stream.indirect.scatter.add.f32 [tilespmem:s17], [sflag:$0x4], $0x80, s31, s15, $0xb8;
	[tilespmem:$0x1C400] =	vst v63  }
0x57: {  	_ =	swait.ge [sflag:s22], $0x4000  }
0x58: {  	[sflag:s22] =	ssyncset.done $0x0  }
0x59: {  	[sflag:s22] =	ssyncadd.s32 $0xFFFFC000  }
0x5a: {  	[tilespmem:s17], [sflag:$0x2] =	stream.indirect.gather [hbm4b:s1+s15], $0x80, s2, s15, $0xb8;
	[tilespmem:$0x1C400] =	vst v63  }
0x5b: {  	_ =	swait.ge [sflag:s18], $0x4000  }
0x5c: {  	[sflag:s18] =	ssyncset.done $0x0  }
0x5d: {  	[sflag:s18] =	ssyncadd.s32 $0xFFFFC000  }
0x5e: {  	[spmem:s3] =	stream.indirect.scatter.add.f32 [tilespmem:s16], [sflag:$0x3], $0x80, s0, s15, $0xb8;
	[tilespmem:$0x1C400] =	vst v63  }
0x5f: {  	_ =	swait.ge [sflag:s19], $0x4000  }
0x60: {  	[sflag:s19] =	ssyncset.done $0x0  }
0x61: {  	[sflag:s19] =	ssyncadd.s32 $0xFFFFC000  }
0x62: {  	_ =	swait.ge [sflag:s20], $0x4000  }
0x63: {  	s13 =	smov.u32 s10;
	s10 =	rddreg [dreg:$0xa]  }
0x64: {  	p0 =	sne.s32 s10, $0x1  }
.Ltmp0:
0x65: {  	[sflag:s20] =	ssyncset.done $0x0;
	(pc) =	sbr.rel @!p0 .LBB2_3-.Ltmp0, $4  }
0x66: {  	[sflag:s20] =	ssyncadd.s32 $0xFFFFC000  }
0x67: {  	[spmem:s3] =	stream.indirect.scatter.add.f32 [tilespmem:s17], [sflag:$0x4], $0x80, s5, s15, $0xb8;
	[tilespmem:$0x1C400] =	vst v63  }
0x68: {  	_ =	swait.ge [sflag:s22], $0x4000  }
0x69: {  	s10 =	sadd.s32 $0xFFFFFFFF, s10;
	[sflag:s22] =	ssyncset.done $0x0  }
.LBB2_2:
0x6a: {  	[sflag:s22] =	ssyncadd.s32 $0xFFFFC000;
	s12 =	sadd.s32 $0x80, s12  }
0x6b: {  	[tilespmem:s4], [sflag:$0x5] =	stream.linear.gather [hbm4b:s12+s4], $0x400, $0x38;
	[tilespmem:$0x1C400] =	vst v63  }
0x6c: {  	_ =	swait.ge [sflag:s8], $0x400  }
0x6d: {  	[sflag:s8] =	ssyncset.done $0x0  }
0x6e: {  	s11 =	sadd.s32 $0x80, s11;
	[sflag:s8] =	ssyncadd.s32 $0xFFFFFC00  }
0x6f: {  	[tilespmem:s14], [sflag:$0x5] =	stream.linear.gather [hbm4b:s11+s4], $0x400, $0x38;
	[tilespmem:$0x1C400] =	vst v63  }
0x70: {  	_ =	swait.ge [sflag:s8], $0x400  }
0x71: {  	[sflag:s8] =	ssyncset.done $0x0  }
0x72: {  	[sflag:s8] =	ssyncadd.s32 $0xFFFFFC00  }
0x73: {  	[tilespmem:s16], [sflag:$0x1] =	stream.indirect.gather [hbm4b:s1+s15], $0x80, s4, s15, $0xb8;
	[tilespmem:$0x1C400] =	vst v63  }
0x74: {  	_ = 	snop  }
0x75: {  	[tilespmem:s17], [sflag:$0x2] =	stream.indirect.gather [hbm4b:s1+s15], $0x80, s15, s15, $0xb8;
	[tilespmem:$0x1C400] =	vst v63  }
0x76: {  	_ =	swait.ge [sflag:s18], $0x4000  }
0x77: {  	[sflag:s18] =	ssyncset.done $0x0  }
0x78: {  	[sflag:s18] =	ssyncadd.s32 $0xFFFFC000  }
0x79: {  	[spmem:s3] =	stream.indirect.scatter.add.f32 [tilespmem:s16], [sflag:$0x3], $0x80, s14, s15, $0xb8;
	[tilespmem:$0x1C400] =	vst v63  }
0x7a: {  	_ =	swait.ge [sflag:s19], $0x4000  }
0x7b: {  	[sflag:s19] =	ssyncset.done $0x0  }
0x7c: {  	s6 =	rddreg [dreg:$0x4];
	[sflag:s19] =	ssyncadd.s32 $0xFFFFC000  }
0x7d: {  	[tilespmem:s16], [sflag:$0x1] =	stream.indirect.gather [hbm4b:s1+s15], $0x80, s6, s15, $0xb8;
	[tilespmem:$0x1C400] =	vst v63  }
0x7e: {  	_ =	swait.ge [sflag:s20], $0x4000  }
0x7f: {  	[sflag:s20] =	ssyncset.done $0x0  }
0x80: {  	[sflag:s20] =	ssyncadd.s32 $0xFFFFC000  }
0x81: {  	[spmem:s3] =	stream.indirect.scatter.add.f32 [tilespmem:s17], [sflag:$0x4], $0x80, s21, s15, $0xb8;
	[tilespmem:$0x1C400] =	vst v63  }
0x82: {  	_ =	swait.ge [sflag:s22], $0x4000  }
0x83: {  	[sflag:s22] =	ssyncset.done $0x0  }
0x84: {  	[sflag:s22] =	ssyncadd.s32 $0xFFFFC000  }
0x85: {  	[tilespmem:s17], [sflag:$0x2] =	stream.indirect.gather [hbm4b:s1+s15], $0x80, s23, s15, $0xb8;
	[tilespmem:$0x1C400] =	vst v63  }
0x86: {  	_ =	swait.ge [sflag:s18], $0x4000  }
0x87: {  	[sflag:s18] =	ssyncset.done $0x0  }
0x88: {  	[sflag:s18] =	ssyncadd.s32 $0xFFFFC000  }
0x89: {  	[spmem:s3] =	stream.indirect.scatter.add.f32 [tilespmem:s16], [sflag:$0x3], $0x80, s24, s15, $0xb8;
	[tilespmem:$0x1C400] =	vst v63  }
0x8a: {  	_ =	swait.ge [sflag:s19], $0x4000  }
0x8b: {  	[sflag:s19] =	ssyncset.done $0x0  }
0x8c: {  	[sflag:s19] =	ssyncadd.s32 $0xFFFFC000  }
0x8d: {  	[tilespmem:s16], [sflag:$0x1] =	stream.indirect.gather [hbm4b:s1+s15], $0x80, s25, s15, $0xb8;
	[tilespmem:$0x1C400] =	vst v63  }
0x8e: {  	_ =	swait.ge [sflag:s20], $0x4000  }
0x8f: {  	[sflag:s20] =	ssyncset.done $0x0  }
0x90: {  	[sflag:s20] =	ssyncadd.s32 $0xFFFFC000  }
0x91: {  	[spmem:s3] =	stream.indirect.scatter.add.f32 [tilespmem:s17], [sflag:$0x4], $0x80, s26, s15, $0xb8;
	[tilespmem:$0x1C400] =	vst v63  }
0x92: {  	_ =	swait.ge [sflag:s22], $0x4000  }
0x93: {  	[sflag:s22] =	ssyncset.done $0x0  }
0x94: {  	[sflag:s22] =	ssyncadd.s32 $0xFFFFC000  }
0x95: {  	[tilespmem:s17], [sflag:$0x2] =	stream.indirect.gather [hbm4b:s1+s15], $0x80, s28, s15, $0xb8;
	[tilespmem:$0x1C400] =	vst v63  }
0x96: {  	_ =	swait.ge [sflag:s18], $0x4000  }
0x97: {  	[sflag:s18] =	ssyncset.done $0x0  }
0x98: {  	[sflag:s18] =	ssyncadd.s32 $0xFFFFC000  }
0x99: {  	[spmem:s3] =	stream.indirect.scatter.add.f32 [tilespmem:s16], [sflag:$0x3], $0x80, s29, s15, $0xb8;
	[tilespmem:$0x1C400] =	vst v63  }
0x9a: {  	_ =	swait.ge [sflag:s19], $0x4000  }
0x9b: {  	[sflag:s19] =	ssyncset.done $0x0  }
0x9c: {  	[sflag:s19] =	ssyncadd.s32 $0xFFFFC000  }
0x9d: {  	[tilespmem:s16], [sflag:$0x1] =	stream.indirect.gather [hbm4b:s1+s15], $0x80, s30, s15, $0xb8;
	[tilespmem:$0x1C400] =	vst v63  }
0x9e: {  	_ =	swait.ge [sflag:s20], $0x4000  }
0x9f: {  	[sflag:s20] =	ssyncset.done $0x0  }
0xa0: {  	[sflag:s20] =	ssyncadd.s32 $0xFFFFC000  }
0xa1: {  	[spmem:s3] =	stream.indirect.scatter.add.f32 [tilespmem:s17], [sflag:$0x4], $0x80, s31, s15, $0xb8;
	[tilespmem:$0x1C400] =	vst v63  }
0xa2: {  	_ =	swait.ge [sflag:s22], $0x4000  }
0xa3: {  	[sflag:s22] =	ssyncset.done $0x0  }
0xa4: {  	[sflag:s22] =	ssyncadd.s32 $0xFFFFC000  }
0xa5: {  	[tilespmem:s17], [sflag:$0x2] =	stream.indirect.gather [hbm4b:s1+s15], $0x80, s2, s15, $0xb8;
	[tilespmem:$0x1C400] =	vst v63  }
0xa6: {  	_ =	swait.ge [sflag:s18], $0x4000  }
0xa7: {  	[sflag:s18] =	ssyncset.done $0x0  }
0xa8: {  	[sflag:s18] =	ssyncadd.s32 $0xFFFFC000  }
0xa9: {  	[spmem:s3] =	stream.indirect.scatter.add.f32 [tilespmem:s16], [sflag:$0x3], $0x80, s0, s15, $0xb8;
	[tilespmem:$0x1C400] =	vst v63  }
0xaa: {  	_ =	swait.ge [sflag:s19], $0x4000  }
0xab: {  	[sflag:s19] =	ssyncset.done $0x0  }
0xac: {  	[sflag:s19] =	ssyncadd.s32 $0xFFFFC000  }
0xad: {  	p0 =	sne.s32 s10, $0x1;
	_ =	swait.ge [sflag:s20], $0x4000  }
.Ltmp1:
0xae: {  	[sflag:s20] =	ssyncset.done $0x0;
	(pc) =	sbr.rel @p0 .LBB2_2-.Ltmp1, $4  }
0xaf: {  	[sflag:s20] =	ssyncadd.s32 $0xFFFFC000  }
0xb0: {  	[spmem:s3] =	stream.indirect.scatter.add.f32 [tilespmem:s17], [sflag:$0x4], $0x80, s5, s15, $0xb8;
	[tilespmem:$0x1C400] =	vst v63  }
0xb1: {  	_ =	swait.ge [sflag:s22], $0x4000  }
0xb2: {  	s10 =	sadd.s32 $0xFFFFFFFF, s10;
	[sflag:s22] =	ssyncset.done $0x0  }
.LBB2_3:
0xb3: {  	[sflag:s22] =	ssyncadd.s32 $0xFFFFC000  }
0xb4: {  	[bflag:$0x0] =	sbarrier.arrive $0xFFFF  }
0xb5: {  	s6 =	rddreg [dreg:$0x6]  }
0xb6: {  	[hbm:s6], [sflag:s13] =	dma.local [spmem:s7], $0x2780  }
0xb7: {  	_ =	swait.ge [sflag:s8], $0x2780  }
0xb8: {  	s10 =	smov.u32 s13;
	s9 =	sadd.s32 $0x1, s9;
	s13 =	rddreg [dreg:$0x7]  }
0xb9: {  	p0 =	sne.s32 s9, s13  }
.Ltmp2:
0xba: {  	_ = 	snop;
	(pc) =	sbr.rel @p0 .LBB2_1-.Ltmp2, $3  }
0xbb: {  	_ =	sdelay $0x1  }
0xbc: {  	[sflag:s8] =	ssyncset.done $0x0  }
0xbd: {  	s11 =	smov.u32 s7;
	[sflag:s8] =	ssyncadd.s32 $0xFFFFD880  }
0xbe: {  	_ =	sfence.sel $0x180000  }
0xbf: {  	[bflag:$0x0] =	sbarrier.arrive $0xFFFF  }
0xc0: {  	_ =	strace $0x9000004D  }
0xc1: {  	s0 =	stileid.u32;
	[bflag:$0x2] =	sbarrier.arrive $0xFFFF  }
0xc2: {  	p0 =	sne.s32 s0, $0x0;
	s0 =	rddreg [dreg:$0x3]  }
0xc3: {  	s0 =	sadd.s32 @!p0 $0x100000, s0  }
0xc4: {  	[sflag:s0] =	ssyncadd.tile.s32 @!p0 $0x1;
	_ =	shalt  }
.Lfunc_end2:
_tile_overlayer_lowered:
.L_overlay_start_2:
0xc5: {  	(tag) =	ssettag $0x2  }
0xc6: {  	s0 =	rddreg [dreg:$0x0];
	s2 =	stileid.u32  }
0xc7: {  	s1 =	rddreg [dreg:$0x1];
	p0 =	sne.s32 s2, $0x0  }
0xc8: {  	s3 =	rddreg [dreg:$0x2];
	[bflag:$0x3] =	sbarrier.arrive $0xFFFF;
	s2 =	simm.s32 @!p0 $0x1C05  }
0xc9: {  	[timem:s3], [sflag:s2] =	dma.local @!p0 [hbm:s0], s1  }
0xca: {  	s0 =	simm.s32 @!p0 $0x5  }
0xcb: {  	_ =	swait.ge @!p0 [sflag:s0], s1  }
0xcc: {  	s1 =	ssub.s32 @!p0 $0x0, s1;
	[sflag:s0] =	ssyncset.done @!p0 $0x0  }
0xcd: {  	[sflag:s0] =	ssyncadd.s32 @!p0 s1  }
0xce: {  	[bflag:$0x3] =	sbarrier.arrive $0xFFFF  }
0xcf: {  	_ =	shalt  }

// kernel: kernel.8.cloned.1.call-start
scs
__scs_entry_jumppad:
0x0: {  	(pc) =	sbr.rel $0x88, $3  }
0x1: {  	(tag) =	ssettag $0x0;
	lr =	simm.s32 $0x1  }
0x2: {  	[smem:$0x3F9B] =	sst lr;
	_ =	strace $0xD0000000  }
0x3: {  	_ = 	snop  }
0x4: {  	_ = 	snop  }
0x5: {  	_ = 	snop  }
0x6: {  	_ = 	snop  }
0x7: {  	_ = 	snop  }
__scs_overlays_trampoline_lowered:
0x8: {  	[smem:$0x3FAA] =	sst s0  }
0x9: {  	[smem:$0x3FAB] =	sst s1  }
0xa: {  	[smem:$0x3FAC] =	sst s2  }
0xb: {  	[smem:$0x3FAD] =	sst s3  }
0xc: {  	[smem:$0x3FAE] =	sst s4  }
0xd: {  	[smem:$0x3FAF] =	sst s5  }
0xe: {  	[smem:$0x3FB0] =	sst s6  }
0xf: {  	[smem:$0x3FB1] =	sst s7  }
0x10: {  	[smem:$0x3FB2] =	sst s8  }
0x11: {  	[smem:$0x3FB3] =	sst s9;
	s0 =	simm.s32 @!p0 $0x0  }
0x12: {  	s1 =	sld [smem:$0x3F99];
	s0 =	simm.s32 @p0 $0x1  }
0x13: {  	[smem:$0x3FB4] =	sst s0;
	s0 =	simm.s32 @!p1 $0x0  }
0x14: {  	s2 =	sld [smem:$0x3F98];
	s0 =	simm.s32 @p1 $0x1  }
0x15: {  	[smem:$0x3FB5] =	sst s0;
	s0 =	simm.s32 @!p2 $0x0  }
0x16: {  	s3 =	sld [smem:$0x3FDB];
	s0 =	simm.s32 @p2 $0x1  }
0x17: {  	s4 =	simm.s32 $0x1BF5;
	[smem:$0x3FB7] =	sst s0  }
0x18: {  	s0 =	sld [smem:$0x3F9A];
	_ =	swait.ge [sflag:s4], $0x0  }
0x19: {  	s7 =	sld [smem:$0x3F9B]  }
0x1a: {  	s8 =	sadd.s32 $0xFFFFE003, lr  }
0x1b: {  	s9 =	sadd.s32 $0xFFFFFEF7, lr;
	s5 =	simm.s32 $0xFFFFFFFF;
	p2 =	slt.u32 s8, $0xFFFFF086  }
0x1c: {  	p1 =	slt.u32 s9, $0xF7A;
	s5 =	simm.s32 @!p2 $0x0  }
0x1d: {  	s5 =	simm.s32 @p1 $0x1;
	p0 =	seq.s32 s7, s2  }
0x1e: {  	s7 =	smul.u32 @!p0 $0xF7A, s2;
	p2 =	seq.s32 @!p0 s5, $0x0  }
0x1f: {  	s9 =	smul.u32 $0xF7A, s1;
	s8 =	simm.s32 @!p0 $0x1BF5;
	p2 =	por !p2, p0  }
0x20: {  	[sflag:s8] =	ssyncset.s32 @!p0 $0xFFFFF086;
	s6 =	sadd.s32 @!p0 s3, s7;
	s7 =	simm.s32 @!p0 $0x108  }
0x21: {  	s3 =	sadd.s32 s3, s9;
	s6 =	sadd.s32 @!p0 $0x88, s6;
	s7 =	simm.s32 @p2 $0x1082  }
0x22: {  	[simem:s7], [sflag:s8] =	dma.local @!p0 [hbm:s6], $0xF7A  }
0x23: {  	s9 =	sor.u32 $0xD0000000, s2;
	s6 =	simm.s32 $0x108;
	_ =	swait.ge @!p0 [sflag:s8], $0x0  }
0x24: {  	s3 =	sadd.s32 $0x88, s3;
	s6 =	simm.s32 @!p1 $0x1082;
	[sflag:s4] =	ssyncset.s32 $0xFFFFF086  }
0x25: {  	[simem:s6], [sflag:s4] =	dma.local [hbm:s3], $0xF7A  }
0x26: {  	[smem:$0x3F9B] =	sst s1;
	(tag) =	ssettag s2;
	_ =	strace s9  }
0x27: {  	s1 =	sld [smem:$0x3FAB]  }
0x28: {  	s2 =	sld [smem:$0x3FAC]  }
0x29: {  	s4 =	sld [smem:$0x3FAE]  }
0x2a: {  	p0 =	seq.s32 s5, $0x0;
	s5 =	sld [smem:$0x3FAF]  }
0x2b: {  	s6 =	sld [smem:$0x3FB0]  }
0x2c: {  	s7 =	sld [smem:$0x3FB1]  }
0x2d: {  	s3 =	simm.s32 $0x108;
	s8 =	sld [smem:$0x3FB2]  }
0x2e: {  	s3 =	simm.s32 @!p0 $0x1082;
	s9 =	sld [smem:$0x3FB3]  }
0x2f: {  	lr =	sadd.s32 s0, s3;
	s0 =	sld [smem:$0x3FAA]  }
0x30: {  	s3 =	sld [smem:$0x3FAD]  }
0x31: {  	[smem:$0x3FB6] =	sst s10  }
0x32: {  	s10 =	sld [smem:$0x3FB4];
	_ =	sdelay $0x3  }
0x33: {  	p0 =	seq.s32 s10, $0x1;
	s10 =	sld [smem:$0x3FB6];
	_ =	sdelay $0x3  }
0x34: {  	[smem:$0x3FB6] =	sst s10  }
0x35: {  	s10 =	sld [smem:$0x3FB5];
	_ =	sdelay $0x3  }
0x36: {  	p1 =	seq.s32 s10, $0x1;
	s10 =	sld [smem:$0x3FB6];
	_ =	sdelay $0x3  }
0x37: {  	[smem:$0x3FB6] =	sst s10  }
0x38: {  	s10 =	sld [smem:$0x3FB7]  }
0x39: {  	_ = 	snop;
	(pc) =	sbr.ind lr, $3  }
0x3a: {  	_ = 	snop  }
0x3b: {  	_ = 	snop  }
0x3c: {  	p2 =	seq.s32 s10, $0x1;
	s10 =	sld [smem:$0x3FB6]  }
0x3d: {  	_ =	shalt  }
0x3e: {  	_ =	shalt  }
0x3f: {  	_ =	shalt  }
0x40: {  	_ =	shalt  }
0x41: {  	_ =	shalt  }
0x42: {  	_ =	shalt  }
0x43: {  	_ =	shalt  }
0x44: {  	_ =	shalt  }
0x45: {  	_ =	shalt  }
0x46: {  	_ =	shalt  }
0x47: {  	_ =	shalt  }
0x48: {  	_ =	shalt  }
0x49: {  	_ =	shalt  }
0x4a: {  	_ =	shalt  }
0x4b: {  	_ =	shalt  }
0x4c: {  	_ =	shalt  }
0x4d: {  	_ =	shalt  }
0x4e: {  	_ =	shalt  }
0x4f: {  	_ =	shalt  }
0x50: {  	_ =	shalt  }
0x51: {  	_ =	shalt  }
0x52: {  	_ =	shalt  }
0x53: {  	_ =	shalt  }
0x54: {  	_ =	shalt  }
0x55: {  	_ =	shalt  }
0x56: {  	_ =	shalt  }
0x57: {  	_ =	shalt  }
0x58: {  	_ =	shalt  }
0x59: {  	_ =	shalt  }
0x5a: {  	_ =	shalt  }
0x5b: {  	_ =	shalt  }
0x5c: {  	_ =	shalt  }
0x5d: {  	_ =	shalt  }
0x5e: {  	_ =	shalt  }
0x5f: {  	_ =	shalt  }
0x60: {  	_ =	shalt  }
0x61: {  	_ =	shalt  }
0x62: {  	_ =	shalt  }
0x63: {  	_ =	shalt  }
0x64: {  	_ =	shalt  }
0x65: {  	_ =	shalt  }
0x66: {  	_ =	shalt  }
0x67: {  	_ =	shalt  }
0x68: {  	_ =	shalt  }
0x69: {  	_ =	shalt  }
0x6a: {  	_ =	shalt  }
0x6b: {  	_ =	shalt  }
0x6c: {  	_ =	shalt  }
0x6d: {  	_ =	shalt  }
0x6e: {  	_ =	shalt  }
0x6f: {  	_ =	shalt  }
0x70: {  	_ =	shalt  }
0x71: {  	_ =	shalt  }
0x72: {  	_ =	shalt  }
0x73: {  	_ =	shalt  }
0x74: {  	_ =	shalt  }
0x75: {  	_ =	shalt  }
0x76: {  	_ =	shalt  }
0x77: {  	_ =	shalt  }
0x78: {  	_ =	shalt  }
0x79: {  	_ =	shalt  }
0x7a: {  	_ =	shalt  }
0x7b: {  	_ =	shalt  }
0x7c: {  	_ =	shalt  }
0x7d: {  	_ =	shalt  }
0x7e: {  	_ =	shalt  }
0x7f: {  	_ =	shalt  }
0x80: {  	_ =	shalt  }
0x81: {  	_ =	shalt  }
0x82: {  	_ =	shalt  }
0x83: {  	_ =	shalt  }
0x84: {  	_ =	shalt  }
0x85: {  	_ =	shalt  }
0x86: {  	_ =	shalt  }
0x87: {  	_ =	shalt  }
.Lfunc_end0:
.L_simem_size_0:
called_computation_lowered:
.L_overlay_start_0:
0x88: {  	s2 =	sld [smem:$0x3FD9]  }
0x89: {  	s3 =	sld [smem:$0x3FFE];
	_ =	sdelay $0x1  }
0x8a: {  	s1 =	srdreg.scid  }
0x8b: {  	s0 =	sand.u32 $0x1, s1  }
0x8c: {  	s14 =	sshll.u32 s0, $0xA;
	s2 =	sadd.s32 s3, s2  }
0x8d: {  	s2 =	sadd.s32 s2, s14  }
0x8e: {  	[smem:$0x3FC2] =	sst s2  }
0x8f: {  	_ = 	snop  }
0x90: {  	s2 =	sld [smem:$0x3FD0];
	_ =	sdelay $0x2  }
0x91: {  	s15 =	simm.s32 $0xA;
	s4 =	simm.s32 $0x10  }
0x92: {  	[smem:s4], [sflag:s15] =	dma.local [hbm:s2], $0x1  }
0x93: {  	_ =	swait.eq [sflag:s15], $0x1  }
0x94: {  	[sflag:s15] =	ssyncset.done $0x0  }
0x95: {  	[sflag:s15] =	ssyncadd.s32 $0xFFFFFFFF  }
0x96: {  	s16 =	sld [smem:$0x10];
	(tm) =	ssettm $0x1  }
0x97: {  	s17 =	sld [smem:$0x3FFB];
	_ =	sdelay $0x3  }
0x98: {  	_ =	strace s17  }
0x99: {  	s3 =	sld [smem:$0x3FFC];
	_ =	sdelay $0x3  }
0x9a: {  	_ =	strace s3  }
0x9b: {  	s3 =	sld [smem:$0x3FFD];
	_ =	sdelay $0x3  }
0x9c: {  	_ =	strace s3  }
0x9d: {  	_ =	strace $0x8FFFFFFF  }
0x9e: {  	s18 =	sld [smem:$0x3FDB];
	_ =	sdelay $0x1  }
0x9f: {  	s19 =	simm.s32 $_scs_section_size  }
0xa0: {  	s5 =	simm.s32 $_size__tile_overlayer_lowered;
	s6 =	simm.s32 $_tile_overlayer_lowered  }
0xa1: {  	s22 =	simm.s32 $0x1BFF;
	s21 =	sshll.u32 s6, $0x1;
	s3 =	sadd.s32 s19, s18  }
0xa2: {  	s7 =	simm.s32 $0x0;
	s20 =	sshll.u32 s5, $0x1;
	s5 =	sadd.s32 s21, s3  }
0xa3: {  	[timem:s7], [sflag:s22] =	dma.local [hbm:s5], s20  }
0xa4: {  	_ =	swait.ge [sflag:s22], s20  }
0xa5: {  	s4 =	ssub.s32 $0x0, s20;
	[sflag:s22] =	ssyncset.done $0x0  }
0xa6: {  	[sflag:s22] =	ssyncadd.s32 s4;
	_ =	sdelay $0x1  }
0xa7: {  	s23 =	simm.s32 $0x1B8B  }
0xa8: {  	_ =	swait.ge [sflag:s23], $0x1  }
0xa9: {  	[sflag:s23] =	ssyncset.done $0x0  }
0xaa: {  	s25 =	simm.s32 $0x1B8E;
	s24 =	sld [smem:$0x3FFE];
	[sflag:s23] =	ssyncadd.s32 $0xFFFFFFFF  }
0xab: {  	s26 =	simm.s32 $execute0_lowered;
	[smem:$0x3FD2] =	sst s25  }
0xac: {  	s5 =	sshll.u32 s26, $0x1;
	_ =	strace $0x80000046;
	[dreg:$0x1] =	wrdreg $0xFFFFFFFF  }
0xad: {  	s28 =	simm.s32 $_size_execute0_lowered;
	s3 =	sadd.s32 s3, s5;
	[dreg:$0x0] =	wrdreg $0x0  }
0xae: {  	s5 =	sshll.u32 s28, $0x1;
	[dreg:$0x2] =	wrdreg s3  }
0xaf: {  	[dreg:$0x3] =	wrdreg s5  }
0xb0: {  	[dreg:$0x4] =	wrdreg $0xC0  }
0xb1: {  	_ =	task [dreg:s7], $0x5FFFF  }
0xb2: {  	[dreg:$0x1] =	wrdreg $0xFFFFFFFF  }
0xb3: {  	[dreg:$0x0] =	wrdreg $0x60  }
0xb4: {  	[dreg:$0x2] =	wrdreg s16  }
0xb5: {  	[dreg:$0x3] =	wrdreg s24  }
0xb6: {  	[dreg:$0x4] =	wrdreg $0x48000  }
0xb7: {  	[dreg:$0x5] =	wrdreg $0x9  }
0xb8: {  	_ =	task.clear_ibuf [dreg:s7], $0x6FFFF;
	_ =	strace $0x90000046  }
0xb9: {  	s29 =	simm.s32 $0x9;
	_ =	strace $0x80000048  }
0xba: {  	_ =	swait.ge [sflag:s29], $0x1  }
0xbb: {  	[sflag:s29] =	ssyncadd.s32 $0xFFFFFFFF  }
0xbc: {  	_ =	strace $0x90000048  }
0xbd: {  	_ =	sfence  }
0xbe: {  	s30 =	sld [smem:$0x0];
	_ =	sdelay $0x2  }
0xbf: {  	s31 =	sshll.u32 s1, $0xD;
	s1 =	sshrl.u32 s1, $0x2  }
0xc0: {  	s3 =	sand.u32 $0x4000, s31;
	s1 =	sadd.s32 s1, s30  }
0xc1: {  	s0 =	sor.u32 s3, s0;
	s1 =	sshll.u32 s1, $0x11  }
0xc2: {  	s0 =	sor.u32 s1, s0  }
0xc3: {  	s0 =	sadd.s32 $0x8F2B, s0  }
0xc4: {  	[sflag:s0] =	ssyncadd.remote.s32 $0x1  }
0xc5: {  	_ =	sfence.sel $0xFFFF  }
0xc6: {  	[dreg:$0x0] =	wrdreg $0xFFFFFFFF;
	(pc) =	sbr.abs _section_cstart, $3  }
0xc7: {  	[dreg:$0x1] =	wrdreg $0xFFFFFFFF  }
0xc8: {  	_ =	task.clear_ibuf [dreg:s7], $0x2FFFF;
	_ =	strace $0x9FFFFFFF  }
0xc9: {  	(tm) =	ssettm $0x7FFFFFFF  }
tec
execute0_lowered:
.L_overlay_start_1:
0x0: {  	(tag) =	ssettag $0x1  }
0x1: {  	s1 =	rddreg [dreg:$0x0]  }
0x2: {  	s0 =	rddreg [dreg:$0x1]  }
0x3: {  	s10 =	stileid.u32;
	s2 =	srdreg.scid  }
0x4: {  	s3 =	rddreg [dreg:$0x2];
	s4 =	simm.s32 $0x0;
	s14 =	simm.s32 $0x4  }
0x5: {  	s15 =	simm.s32 $0x1;
	s16 =	simm.s32 $0x400;
	s17 =	simm.s32 $0x80  }
0x6: {  	s18 =	simm.s32 $0x800;
	s28 =	simm.s32 $0x480;
	s5 =	smul.u32 $0x13C00, s10  }
0x7: {  	s29 =	simm.s32 $0x500;
	s30 =	simm.s32 $0x580;
	s7 =	smul.u32 $0x4F000, s10  }
0x8: {  	s31 =	simm.s32 $0x600;
	s2 =	sand.u32 $0x1, s2;
	s9 =	smul.u32 $0x2800, s10  }
0x9: {  	[smem:$0x7FF] =	sst s4;
	s22 =	sshll.u32 s10, $0x6;
	s6 =	smul.u32 $0x13C000, s2  }
0xa: {  	_ =	strace $0x80000047;
	s8 =	smul.u32 $0x28000, s2;
	s2 =	ssub.s32 $0x2, s2  }
0xb: {  	s19 =	sshrl.u32 s2, $0x1;
	s7 =	sshrl.u32 s7, $0x2;
	s6 =	sadd.s32 s5, s6  }
0xc: {  	s5 =	sshrl.u32 s5, $0x3;
	s8 =	sadd.s32 s9, s8;
	s2 =	ssub.s32 s2, s19  }
0xd: {  	s20 =	sadd.s32 s7, s3;
	s7 =	sor.u32 $0x1C04, s22;
	s19 =	simm.s32 $0x100  }
0xe: {  	s22 =	simm.s32 $0x280;
	s6 =	sshrl.u32 s6, $0x3;
	s5 =	sadd.s32 s5, s0  }
0xf: {  	s21 =	sshrl.u32 s8, $0x3;
	s24 =	sor.u32 $0x400, s8;
	s25 =	smax.u32 s2, $0x1  }
0x10: {  	s10 =	sadd.s32 $0x800, s8;
	s13 =	sshrl.u32 s20, $0x3;
	s20 =	simm.s32 $0x180  }
0x11: {  	s2 =	simm.s32 $0x680;
	s8 =	simm.s32 $0x0;
	s0 =	sadd.s32 s6, s0  }
0x12: {  	s5 =	sadd.s32 $0x2400, s5;
	s6 =	sadd.s32 s1, s21;
	[dreg:$0x8] =	wrdreg s25  }
0x13: {  	s26 =	sshrl.u32 s24, $0x3;
	s21 =	simm.s32 $0x200;
	[dreg:$0x4] =	wrdreg s5  }
0x14: {  	s24 =	simm.s32 $0x380;
	s25 =	simm.s32 $0x3;
	[dreg:$0x5] =	wrdreg s6  }
0x15: {  	s23 =	sadd.s32 $0x480, s6;
	s0 =	sadd.s32 $0x29C00, s0;
	s12 =	sadd.s32 s26, s1  }
0x16: {  	s26 =	simm.s32 $0x2;
	s5 =	simm.s32 $0x780;
	[dreg:$0x6] =	wrdreg s23  }
0x17: {  	v0 =	vimm.f32 $1.000000000e+00;
	[dreg:$0x7] =	wrdreg s0;
	s23 =	simm.s32 $0x300;
	s0 =	simm.s32 $0x700  }
.LBB2_1:
0x18: {  	s6 =	rddreg [dreg:$0x4]  }
0x19: {  	[spmem:s13], [sflag:s7] =	dma.local [hbm:s6], $0x2780  }
0x1a: {  	_ =	swait.ge [sflag:s14], $0x2780  }
0x1b: {  	[sflag:s14] =	ssyncset.done $0x0  }
0x1c: {  	s9 =	rddreg [dreg:$0x5];
	[sflag:s14] =	ssyncadd.s32 $0xFFFFD880  }
0x1d: {  	[tilespmem:s4], [sflag:$0x1] =	stream.linear.gather [hbm4b:s9+s4], $0x400, $0x38;
	[tilespmem:$0x6F80] =	vst v63  }
0x1e: {  	[tilespmem:$0x800] =	vst v0  }
0x1f: {  	[tilespmem:$0x880] =	vst v0  }
0x20: {  	[tilespmem:$0x900] =	vst v0  }
0x21: {  	[tilespmem:$0x980] =	vst v0  }
0x22: {  	[tilespmem:$0xA00] =	vst v0  }
0x23: {  	[tilespmem:$0xA80] =	vst v0  }
0x24: {  	[tilespmem:$0xB00] =	vst v0  }
0x25: {  	[tilespmem:$0xB80] =	vst v0  }
0x26: {  	[tilespmem:$0xC00] =	vst v0  }
0x27: {  	[tilespmem:$0xC80] =	vst v0  }
0x28: {  	[tilespmem:$0xD00] =	vst v0  }
0x29: {  	[tilespmem:$0xD80] =	vst v0  }
0x2a: {  	[tilespmem:$0xE00] =	vst v0  }
0x2b: {  	[tilespmem:$0xE80] =	vst v0  }
0x2c: {  	[tilespmem:$0xF00] =	vst v0  }
0x2d: {  	[tilespmem:$0xF80] =	vst v0  }
0x2e: {  	[tilespmem:$0x1000] =	vst v0  }
0x2f: {  	[tilespmem:$0x1080] =	vst v0  }
0x30: {  	[tilespmem:$0x1100] =	vst v0  }
0x31: {  	[tilespmem:$0x1180] =	vst v0  }
0x32: {  	[tilespmem:$0x1200] =	vst v0  }
0x33: {  	[tilespmem:$0x1280] =	vst v0  }
0x34: {  	[tilespmem:$0x1300] =	vst v0  }
0x35: {  	[tilespmem:$0x1380] =	vst v0  }
0x36: {  	[tilespmem:$0x1400] =	vst v0  }
0x37: {  	[tilespmem:$0x1480] =	vst v0  }
0x38: {  	[tilespmem:$0x1500] =	vst v0  }
0x39: {  	[tilespmem:$0x1580] =	vst v0  }
0x3a: {  	[tilespmem:$0x1600] =	vst v0  }
0x3b: {  	[tilespmem:$0x1680] =	vst v0  }
0x3c: {  	[tilespmem:$0x1700] =	vst v0  }
0x3d: {  	[tilespmem:$0x1780] =	vst v0  }
0x3e: {  	[tilespmem:$0x1800] =	vst v0  }
0x3f: {  	[tilespmem:$0x1880] =	vst v0  }
0x40: {  	[tilespmem:$0x1900] =	vst v0  }
0x41: {  	[tilespmem:$0x1980] =	vst v0  }
0x42: {  	[tilespmem:$0x1A00] =	vst v0  }
0x43: {  	[tilespmem:$0x1A80] =	vst v0  }
0x44: {  	[tilespmem:$0x1B00] =	vst v0  }
0x45: {  	[tilespmem:$0x1B80] =	vst v0  }
0x46: {  	[tilespmem:$0x1C00] =	vst v0  }
0x47: {  	[tilespmem:$0x1C80] =	vst v0  }
0x48: {  	[tilespmem:$0x1D00] =	vst v0  }
0x49: {  	[tilespmem:$0x1D80] =	vst v0  }
0x4a: {  	[tilespmem:$0x1E00] =	vst v0  }
0x4b: {  	[tilespmem:$0x1E80] =	vst v0  }
0x4c: {  	[tilespmem:$0x1F00] =	vst v0  }
0x4d: {  	[tilespmem:$0x1F80] =	vst v0  }
0x4e: {  	[tilespmem:$0x2000] =	vst v0  }
0x4f: {  	[tilespmem:$0x2080] =	vst v0  }
0x50: {  	[tilespmem:$0x2100] =	vst v0  }
0x51: {  	[tilespmem:$0x2180] =	vst v0  }
0x52: {  	[tilespmem:$0x2200] =	vst v0  }
0x53: {  	[tilespmem:$0x2280] =	vst v0  }
0x54: {  	[tilespmem:$0x2300] =	vst v0  }
0x55: {  	[tilespmem:$0x2380] =	vst v0  }
0x56: {  	[tilespmem:$0x2400] =	vst v0  }
0x57: {  	[tilespmem:$0x2480] =	vst v0  }
0x58: {  	[tilespmem:$0x2500] =	vst v0  }
0x59: {  	[tilespmem:$0x2580] =	vst v0  }
0x5a: {  	[tilespmem:$0x2600] =	vst v0  }
0x5b: {  	[tilespmem:$0x2680] =	vst v0  }
0x5c: {  	[tilespmem:$0x2700] =	vst v0  }
0x5d: {  	[tilespmem:$0x2780] =	vst v0  }
0x5e: {  	[tilespmem:$0x2800] =	vst v0  }
0x5f: {  	[tilespmem:$0x2880] =	vst v0  }
0x60: {  	[tilespmem:$0x2900] =	vst v0  }
0x61: {  	[tilespmem:$0x2980] =	vst v0  }
0x62: {  	[tilespmem:$0x2A00] =	vst v0  }
0x63: {  	[tilespmem:$0x2A80] =	vst v0  }
0x64: {  	[tilespmem:$0x2B00] =	vst v0  }
0x65: {  	[tilespmem:$0x2B80] =	vst v0  }
0x66: {  	[tilespmem:$0x2C00] =	vst v0  }
0x67: {  	[tilespmem:$0x2C80] =	vst v0  }
0x68: {  	[tilespmem:$0x2D00] =	vst v0  }
0x69: {  	[tilespmem:$0x2D80] =	vst v0  }
0x6a: {  	[tilespmem:$0x2E00] =	vst v0  }
0x6b: {  	[tilespmem:$0x2E80] =	vst v0  }
0x6c: {  	[tilespmem:$0x2F00] =	vst v0  }
0x6d: {  	[tilespmem:$0x2F80] =	vst v0  }
0x6e: {  	[tilespmem:$0x3000] =	vst v0  }
0x6f: {  	[tilespmem:$0x3080] =	vst v0  }
0x70: {  	[tilespmem:$0x3100] =	vst v0  }
0x71: {  	[tilespmem:$0x3180] =	vst v0  }
0x72: {  	[tilespmem:$0x3200] =	vst v0  }
0x73: {  	[tilespmem:$0x3280] =	vst v0  }
0x74: {  	[tilespmem:$0x3300] =	vst v0  }
0x75: {  	[tilespmem:$0x3380] =	vst v0  }
0x76: {  	[tilespmem:$0x3400] =	vst v0  }
0x77: {  	[tilespmem:$0x3480] =	vst v0  }
0x78: {  	[tilespmem:$0x3500] =	vst v0  }
0x79: {  	[tilespmem:$0x3580] =	vst v0  }
0x7a: {  	[tilespmem:$0x3600] =	vst v0  }
0x7b: {  	[tilespmem:$0x3680] =	vst v0  }
0x7c: {  	[tilespmem:$0x3700] =	vst v0  }
0x7d: {  	[tilespmem:$0x3780] =	vst v0  }
0x7e: {  	[tilespmem:$0x3800] =	vst v0  }
0x7f: {  	[tilespmem:$0x3880] =	vst v0  }
0x80: {  	[tilespmem:$0x3900] =	vst v0  }
0x81: {  	[tilespmem:$0x3980] =	vst v0  }
0x82: {  	[tilespmem:$0x3A00] =	vst v0  }
0x83: {  	[tilespmem:$0x3A80] =	vst v0  }
0x84: {  	[tilespmem:$0x3B00] =	vst v0  }
0x85: {  	[tilespmem:$0x3B80] =	vst v0  }
0x86: {  	[tilespmem:$0x3C00] =	vst v0  }
0x87: {  	[tilespmem:$0x3C80] =	vst v0  }
0x88: {  	[tilespmem:$0x3D00] =	vst v0  }
0x89: {  	[tilespmem:$0x3D80] =	vst v0  }
0x8a: {  	[tilespmem:$0x3E00] =	vst v0  }
0x8b: {  	[tilespmem:$0x3E80] =	vst v0  }
0x8c: {  	[tilespmem:$0x3F00] =	vst v0  }
0x8d: {  	[tilespmem:$0x3F80] =	vst v0  }
0x8e: {  	[tilespmem:$0x4000] =	vst v0  }
0x8f: {  	[tilespmem:$0x4080] =	vst v0  }
0x90: {  	[tilespmem:$0x4100] =	vst v0  }
0x91: {  	[tilespmem:$0x4180] =	vst v0  }
0x92: {  	[tilespmem:$0x4200] =	vst v0  }
0x93: {  	[tilespmem:$0x4280] =	vst v0  }
0x94: {  	[tilespmem:$0x4300] =	vst v0  }
0x95: {  	[tilespmem:$0x4380] =	vst v0  }
0x96: {  	[tilespmem:$0x4400] =	vst v0  }
0x97: {  	[tilespmem:$0x4480] =	vst v0  }
0x98: {  	[tilespmem:$0x4500] =	vst v0  }
0x99: {  	[tilespmem:$0x4580] =	vst v0  }
0x9a: {  	[tilespmem:$0x4600] =	vst v0  }
0x9b: {  	[tilespmem:$0x4680] =	vst v0  }
0x9c: {  	[tilespmem:$0x4700] =	vst v0  }
0x9d: {  	[tilespmem:$0x4780] =	vst v0  }
0x9e: {  	[bflag:$0x0] =	sbarrier.arrive $0xFFFF  }
0x9f: {  	_ =	swait.ge [sflag:s15], $0x400  }
0xa0: {  	[sflag:s15] =	ssyncset.done $0x0  }
0xa1: {  	s9 =	sadd.s32 $0x0, s12;
	[sflag:s15] =	ssyncadd.s32 $0xFFFFFC00  }
0xa2: {  	[tilespmem:s16], [sflag:$0x2] =	stream.linear.gather [hbm4b:s9+s4], $0x400, $0x38;
	[tilespmem:$0x6F80] =	vst v63  }
0xa3: {  	_ = 	snop  }
0xa4: {  	[spmem:s3] =	stream.indirect.scatter.add.f32 [tilespmem:s18], [sflag:$0x3], $0x10, s4, s17, $0xb8;
	[tilespmem:$0x6F80] =	vst v63  }
0xa5: {  	_ = 	snop  }
0xa6: {  	[spmem:s3] =	stream.indirect.scatter.add.f32 [tilespmem:s18], [sflag:$0x3], $0x10, s17, s17, $0xb8;
	[tilespmem:$0x6F80] =	vst v63  }
0xa7: {  	_ = 	snop  }
0xa8: {  	[spmem:s3] =	stream.indirect.scatter.add.f32 [tilespmem:s18], [sflag:$0x3], $0x10, s19, s17, $0xb8;
	[tilespmem:$0x6F80] =	vst v63  }
0xa9: {  	_ = 	snop  }
0xaa: {  	[spmem:s3] =	stream.indirect.scatter.add.f32 [tilespmem:s18], [sflag:$0x3], $0x10, s20, s17, $0xb8;
	[tilespmem:$0x6F80] =	vst v63  }
0xab: {  	_ = 	snop  }
0xac: {  	[spmem:s3] =	stream.indirect.scatter.add.f32 [tilespmem:s18], [sflag:$0x3], $0x10, s21, s17, $0xb8;
	[tilespmem:$0x6F80] =	vst v63  }
0xad: {  	_ = 	snop  }
0xae: {  	[spmem:s3] =	stream.indirect.scatter.add.f32 [tilespmem:s18], [sflag:$0x3], $0x10, s22, s17, $0xb8;
	[tilespmem:$0x6F80] =	vst v63  }
0xaf: {  	_ = 	snop  }
0xb0: {  	[spmem:s3] =	stream.indirect.scatter.add.f32 [tilespmem:s18], [sflag:$0x3], $0x10, s23, s17, $0xb8;
	[tilespmem:$0x6F80] =	vst v63  }
0xb1: {  	_ = 	snop  }
0xb2: {  	[spmem:s3] =	stream.indirect.scatter.add.f32 [tilespmem:s18], [sflag:$0x3], $0x10, s24, s17, $0xb8;
	[tilespmem:$0x6F80] =	vst v63  }
0xb3: {  	_ =	swait.ge [sflag:s25], $0x800  }
0xb4: {  	[sflag:s25] =	ssyncset.done $0x0  }
0xb5: {  	[sflag:s25] =	ssyncadd.s32 $0xFFFFF800  }
0xb6: {  	_ =	swait.ge [sflag:s25], $0x800  }
0xb7: {  	[sflag:s25] =	ssyncset.done $0x0  }
0xb8: {  	[sflag:s25] =	ssyncadd.s32 $0xFFFFF800  }
0xb9: {  	_ =	swait.ge [sflag:s25], $0x800  }
0xba: {  	[sflag:s25] =	ssyncset.done $0x0  }
0xbb: {  	[sflag:s25] =	ssyncadd.s32 $0xFFFFF800  }
0xbc: {  	_ =	swait.ge [sflag:s25], $0x800  }
0xbd: {  	[sflag:s25] =	ssyncset.done $0x0  }
0xbe: {  	[sflag:s25] =	ssyncadd.s32 $0xFFFFF800  }
0xbf: {  	_ =	swait.ge [sflag:s25], $0x800  }
0xc0: {  	[sflag:s25] =	ssyncset.done $0x0  }
0xc1: {  	[sflag:s25] =	ssyncadd.s32 $0xFFFFF800  }
0xc2: {  	_ =	swait.ge [sflag:s25], $0x800  }
0xc3: {  	[sflag:s25] =	ssyncset.done $0x0  }
0xc4: {  	[sflag:s25] =	ssyncadd.s32 $0xFFFFF800  }
0xc5: {  	_ =	swait.ge [sflag:s25], $0x800  }
0xc6: {  	[sflag:s25] =	ssyncset.done $0x0  }
0xc7: {  	[sflag:s25] =	ssyncadd.s32 $0xFFFFF800  }
0xc8: {  	_ =	swait.ge [sflag:s25], $0x800  }
0xc9: {  	[sflag:s25] =	ssyncset.done $0x0  }
0xca: {  	[sflag:s25] =	ssyncadd.s32 $0xFFFFF800  }
0xcb: {  	_ =	swait.ge [sflag:s26], $0x400  }
0xcc: {  	s11 =	sshrl.u32 s10, $0x3;
	[sflag:s26] =	ssyncset.done $0x0  }
0xcd: {  	s9 =	sadd.s32 s1, s11;
	[sflag:s26] =	ssyncadd.s32 $0xFFFFFC00  }
0xce: {  	[tilespmem:s4], [sflag:$0x1] =	stream.linear.gather [hbm4b:s9+s4], $0x400, $0x38;
	[tilespmem:$0x6F80] =	vst v63  }
0xcf: {  	_ = 	snop  }
0xd0: {  	[spmem:s3] =	stream.indirect.scatter.add.f32 [tilespmem:s18], [sflag:$0x3], $0x10, s16, s17, $0xb8;
	[tilespmem:$0x6F80] =	vst v63  }
0xd1: {  	_ = 	snop  }
0xd2: {  	[spmem:s3] =	stream.indirect.scatter.add.f32 [tilespmem:s18], [sflag:$0x3], $0x10, s28, s17, $0xb8;
	[tilespmem:$0x6F80] =	vst v63  }
0xd3: {  	_ = 	snop  }
0xd4: {  	[spmem:s3] =	stream.indirect.scatter.add.f32 [tilespmem:s18], [sflag:$0x3], $0x10, s29, s17, $0xb8;
	[tilespmem:$0x6F80] =	vst v63  }
0xd5: {  	_ = 	snop  }
0xd6: {  	[spmem:s3] =	stream.indirect.scatter.add.f32 [tilespmem:s18], [sflag:$0x3], $0x10, s30, s17, $0xb8;
	[tilespmem:$0x6F80] =	vst v63  }
0xd7: {  	_ = 	snop  }
0xd8: {  	[spmem:s3] =	stream.indirect.scatter.add.f32 [tilespmem:s18], [sflag:$0x3], $0x10, s31, s17, $0xb8;
	[tilespmem:$0x6F80] =	vst v63  }
0xd9: {  	_ = 	snop  }
0xda: {  	[spmem:s3] =	stream.indirect.scatter.add.f32 [tilespmem:s18], [sflag:$0x3], $0x10, s2, s17, $0xb8;
	[tilespmem:$0x6F80] =	vst v63  }
0xdb: {  	_ = 	snop  }
0xdc: {  	[spmem:s3] =	stream.indirect.scatter.add.f32 [tilespmem:s18], [sflag:$0x3], $0x10, s0, s17, $0xb8;
	[tilespmem:$0x6F80] =	vst v63  }
0xdd: {  	_ = 	snop  }
0xde: {  	[spmem:s3] =	stream.indirect.scatter.add.f32 [tilespmem:s18], [sflag:$0x3], $0x10, s5, s17, $0xb8;
	[tilespmem:$0x6F80] =	vst v63  }
0xdf: {  	_ =	swait.ge [sflag:s25], $0x800  }
0xe0: {  	[sflag:s25] =	ssyncset.done $0x0  }
0xe1: {  	[sflag:s25] =	ssyncadd.s32 $0xFFFFF800  }
0xe2: {  	_ =	swait.ge [sflag:s25], $0x800  }
0xe3: {  	[sflag:s25] =	ssyncset.done $0x0  }
0xe4: {  	[sflag:s25] =	ssyncadd.s32 $0xFFFFF800  }
0xe5: {  	_ =	swait.ge [sflag:s25], $0x800  }
0xe6: {  	[sflag:s25] =	ssyncset.done $0x0  }
0xe7: {  	[sflag:s25] =	ssyncadd.s32 $0xFFFFF800  }
0xe8: {  	_ =	swait.ge [sflag:s25], $0x800  }
0xe9: {  	[sflag:s25] =	ssyncset.done $0x0  }
0xea: {  	[sflag:s25] =	ssyncadd.s32 $0xFFFFF800  }
0xeb: {  	_ =	swait.ge [sflag:s25], $0x800  }
0xec: {  	[sflag:s25] =	ssyncset.done $0x0  }
0xed: {  	[sflag:s25] =	ssyncadd.s32 $0xFFFFF800  }
0xee: {  	_ =	swait.ge [sflag:s25], $0x800  }
0xef: {  	[sflag:s25] =	ssyncset.done $0x0  }
0xf0: {  	[sflag:s25] =	ssyncadd.s32 $0xFFFFF800  }
0xf1: {  	_ =	swait.ge [sflag:s25], $0x800  }
0xf2: {  	[sflag:s25] =	ssyncset.done $0x0  }
0xf3: {  	[sflag:s25] =	ssyncadd.s32 $0xFFFFF800  }
0xf4: {  	_ =	swait.ge [sflag:s25], $0x800  }
0xf5: {  	s11 =	smov.u32 s10;
	s9 =	simm.s32 $0x100;
	[sflag:s25] =	ssyncset.done $0x0  }
.LBB2_2:
0xf6: {  	p0 =	sne.s32 s9, $0x300;
	[sflag:s25] =	ssyncadd.s32 $0xFFFFF800;
	s11 =	sadd.s32 $0x800, s11  }
0xf7: {  	s6 =	smov.u32 s9;
	s9 =	sadd.s32 $0x100, s9;
	_ =	swait.ge [sflag:s15], $0x400  }
0xf8: {  	[sflag:s15] =	ssyncset.done $0x0  }
0xf9: {  	s6 =	sadd.s32 s6, s12;
	[sflag:s15] =	ssyncadd.s32 $0xFFFFFC00  }
0xfa: {  	[tilespmem:s16], [sflag:$0x2] =	stream.linear.gather [hbm4b:s6+s4], $0x400, $0x38;
	[tilespmem:$0x6F80] =	vst v63  }
0xfb: {  	_ = 	snop  }
0xfc: {  	[spmem:s3] =	stream.indirect.scatter.add.f32 [tilespmem:s18], [sflag:$0x3], $0x10, s4, s17, $0xb8;
	[tilespmem:$0x6F80] =	vst v63  }
0xfd: {  	_ = 	snop  }
0xfe: {  	[spmem:s3] =	stream.indirect.scatter.add.f32 [tilespmem:s18], [sflag:$0x3], $0x10, s17, s17, $0xb8;
	[tilespmem:$0x6F80] =	vst v63  }
0xff: {  	_ = 	snop  }
0x100: {  	[spmem:s3] =	stream.indirect.scatter.add.f32 [tilespmem:s18], [sflag:$0x3], $0x10, s19, s17, $0xb8;
	[tilespmem:$0x6F80] =	vst v63  }
0x101: {  	_ = 	snop  }
0x102: {  	[spmem:s3] =	stream.indirect.scatter.add.f32 [tilespmem:s18], [sflag:$0x3], $0x10, s20, s17, $0xb8;
	[tilespmem:$0x6F80] =	vst v63  }
0x103: {  	_ = 	snop  }
0x104: {  	[spmem:s3] =	stream.indirect.scatter.add.f32 [tilespmem:s18], [sflag:$0x3], $0x10, s21, s17, $0xb8;
	[tilespmem:$0x6F80] =	vst v63  }
0x105: {  	_ = 	snop  }
0x106: {  	[spmem:s3] =	stream.indirect.scatter.add.f32 [tilespmem:s18], [sflag:$0x3], $0x10, s22, s17, $0xb8;
	[tilespmem:$0x6F80] =	vst v63  }
0x107: {  	_ = 	snop  }
0x108: {  	[spmem:s3] =	stream.indirect.scatter.add.f32 [tilespmem:s18], [sflag:$0x3], $0x10, s23, s17, $0xb8;
	[tilespmem:$0x6F80] =	vst v63  }
0x109: {  	_ = 	snop  }
0x10a: {  	[spmem:s3] =	stream.indirect.scatter.add.f32 [tilespmem:s18], [sflag:$0x3], $0x10, s24, s17, $0xb8;
	[tilespmem:$0x6F80] =	vst v63  }
0x10b: {  	_ =	swait.ge [sflag:s25], $0x800  }
0x10c: {  	[sflag:s25] =	ssyncset.done $0x0  }
0x10d: {  	[sflag:s25] =	ssyncadd.s32 $0xFFFFF800  }
0x10e: {  	_ =	swait.ge [sflag:s25], $0x800  }
0x10f: {  	[sflag:s25] =	ssyncset.done $0x0  }
0x110: {  	[sflag:s25] =	ssyncadd.s32 $0xFFFFF800  }
0x111: {  	_ =	swait.ge [sflag:s25], $0x800  }
0x112: {  	[sflag:s25] =	ssyncset.done $0x0  }
0x113: {  	[sflag:s25] =	ssyncadd.s32 $0xFFFFF800  }
0x114: {  	_ =	swait.ge [sflag:s25], $0x800  }
0x115: {  	[sflag:s25] =	ssyncset.done $0x0  }
0x116: {  	[sflag:s25] =	ssyncadd.s32 $0xFFFFF800  }
0x117: {  	_ =	swait.ge [sflag:s25], $0x800  }
0x118: {  	[sflag:s25] =	ssyncset.done $0x0  }
0x119: {  	[sflag:s25] =	ssyncadd.s32 $0xFFFFF800  }
0x11a: {  	_ =	swait.ge [sflag:s25], $0x800  }
0x11b: {  	[sflag:s25] =	ssyncset.done $0x0  }
0x11c: {  	[sflag:s25] =	ssyncadd.s32 $0xFFFFF800  }
0x11d: {  	_ =	swait.ge [sflag:s25], $0x800  }
0x11e: {  	[sflag:s25] =	ssyncset.done $0x0  }
0x11f: {  	[sflag:s25] =	ssyncadd.s32 $0xFFFFF800  }
0x120: {  	_ =	swait.ge [sflag:s25], $0x800  }
0x121: {  	[sflag:s25] =	ssyncset.done $0x0  }
0x122: {  	[sflag:s25] =	ssyncadd.s32 $0xFFFFF800  }
0x123: {  	_ =	swait.ge [sflag:s26], $0x400  }
0x124: {  	s6 =	sshrl.u32 s11, $0x3;
	[sflag:s26] =	ssyncset.done $0x0  }
0x125: {  	s6 =	sadd.s32 s1, s6;
	[sflag:s26] =	ssyncadd.s32 $0xFFFFFC00  }
0x126: {  	[tilespmem:s4], [sflag:$0x1] =	stream.linear.gather [hbm4b:s6+s4], $0x400, $0x38;
	[tilespmem:$0x6F80] =	vst v63  }
0x127: {  	_ = 	snop  }
0x128: {  	[spmem:s3] =	stream.indirect.scatter.add.f32 [tilespmem:s18], [sflag:$0x3], $0x10, s16, s17, $0xb8;
	[tilespmem:$0x6F80] =	vst v63  }
0x129: {  	_ = 	snop  }
0x12a: {  	[spmem:s3] =	stream.indirect.scatter.add.f32 [tilespmem:s18], [sflag:$0x3], $0x10, s28, s17, $0xb8;
	[tilespmem:$0x6F80] =	vst v63  }
0x12b: {  	_ = 	snop  }
0x12c: {  	[spmem:s3] =	stream.indirect.scatter.add.f32 [tilespmem:s18], [sflag:$0x3], $0x10, s29, s17, $0xb8;
	[tilespmem:$0x6F80] =	vst v63  }
0x12d: {  	_ = 	snop  }
0x12e: {  	[spmem:s3] =	stream.indirect.scatter.add.f32 [tilespmem:s18], [sflag:$0x3], $0x10, s30, s17, $0xb8;
	[tilespmem:$0x6F80] =	vst v63  }
0x12f: {  	_ = 	snop  }
0x130: {  	[spmem:s3] =	stream.indirect.scatter.add.f32 [tilespmem:s18], [sflag:$0x3], $0x10, s31, s17, $0xb8;
	[tilespmem:$0x6F80] =	vst v63  }
0x131: {  	_ = 	snop  }
0x132: {  	[spmem:s3] =	stream.indirect.scatter.add.f32 [tilespmem:s18], [sflag:$0x3], $0x10, s2, s17, $0xb8;
	[tilespmem:$0x6F80] =	vst v63  }
0x133: {  	_ = 	snop  }
0x134: {  	[spmem:s3] =	stream.indirect.scatter.add.f32 [tilespmem:s18], [sflag:$0x3], $0x10, s0, s17, $0xb8;
	[tilespmem:$0x6F80] =	vst v63  }
0x135: {  	_ = 	snop  }
0x136: {  	[spmem:s3] =	stream.indirect.scatter.add.f32 [tilespmem:s18], [sflag:$0x3], $0x10, s5, s17, $0xb8;
	[tilespmem:$0x6F80] =	vst v63  }
0x137: {  	_ =	swait.ge [sflag:s25], $0x800  }
0x138: {  	[sflag:s25] =	ssyncset.done $0x0  }
0x139: {  	[sflag:s25] =	ssyncadd.s32 $0xFFFFF800  }
0x13a: {  	_ =	swait.ge [sflag:s25], $0x800  }
0x13b: {  	[sflag:s25] =	ssyncset.done $0x0  }
0x13c: {  	[sflag:s25] =	ssyncadd.s32 $0xFFFFF800  }
0x13d: {  	_ =	swait.ge [sflag:s25], $0x800  }
0x13e: {  	[sflag:s25] =	ssyncset.done $0x0  }
0x13f: {  	[sflag:s25] =	ssyncadd.s32 $0xFFFFF800  }
0x140: {  	_ =	swait.ge [sflag:s25], $0x800  }
0x141: {  	[sflag:s25] =	ssyncset.done $0x0  }
0x142: {  	[sflag:s25] =	ssyncadd.s32 $0xFFFFF800  }
0x143: {  	_ =	swait.ge [sflag:s25], $0x800  }
0x144: {  	[sflag:s25] =	ssyncset.done $0x0  }
0x145: {  	[sflag:s25] =	ssyncadd.s32 $0xFFFFF800  }
0x146: {  	_ =	swait.ge [sflag:s25], $0x800  }
0x147: {  	[sflag:s25] =	ssyncset.done $0x0  }
0x148: {  	[sflag:s25] =	ssyncadd.s32 $0xFFFFF800  }
.Ltmp0:
0x149: {  	_ =	swait.ge [sflag:s25], $0x800;
	(pc) =	sbr.rel @p0 .LBB2_2-.Ltmp0, $4  }
0x14a: {  	[sflag:s25] =	ssyncset.done $0x0  }
0x14b: {  	[sflag:s25] =	ssyncadd.s32 $0xFFFFF800  }
0x14c: {  	_ =	swait.ge [sflag:s25], $0x800  }
0x14d: {  	[sflag:s25] =	ssyncset.done $0x0  }
0x14e: {  	[sflag:s25] =	ssyncadd.s32 $0xFFFFF800  }
0x14f: {  	_ =	swait.ge [sflag:s15], $0x400  }
0x150: {  	[sflag:s15] =	ssyncset.done $0x0  }
0x151: {  	s6 =	rddreg [dreg:$0x6];
	[sflag:s15] =	ssyncadd.s32 $0xFFFFFC00  }
0x152: {  	[tilespmem:s16], [sflag:$0x2] =	stream.linear.gather [hbm4b:s6+s4], $0x400, $0x38;
	[tilespmem:$0x6F80] =	vst v63  }
0x153: {  	_ = 	snop  }
0x154: {  	[spmem:s3] =	stream.indirect.scatter.add.f32 [tilespmem:s18], [sflag:$0x3], $0x10, s4, s17, $0xb8;
	[tilespmem:$0x6F80] =	vst v63  }
0x155: {  	_ = 	snop  }
0x156: {  	[spmem:s3] =	stream.indirect.scatter.add.f32 [tilespmem:s18], [sflag:$0x3], $0x10, s17, s17, $0xb8;
	[tilespmem:$0x6F80] =	vst v63  }
0x157: {  	_ = 	snop  }
0x158: {  	[spmem:s3] =	stream.indirect.scatter.add.f32 [tilespmem:s18], [sflag:$0x3], $0x10, s19, s17, $0xb8;
	[tilespmem:$0x6F80] =	vst v63  }
0x159: {  	_ = 	snop  }
0x15a: {  	[spmem:s3] =	stream.indirect.scatter.add.f32 [tilespmem:s18], [sflag:$0x3], $0x10, s20, s17, $0xb8;
	[tilespmem:$0x6F80] =	vst v63  }
0x15b: {  	_ = 	snop  }
0x15c: {  	[spmem:s3] =	stream.indirect.scatter.add.f32 [tilespmem:s18], [sflag:$0x3], $0x10, s21, s17, $0xb8;
	[tilespmem:$0x6F80] =	vst v63  }
0x15d: {  	_ = 	snop  }
0x15e: {  	[spmem:s3] =	stream.indirect.scatter.add.f32 [tilespmem:s18], [sflag:$0x3], $0x10, s22, s17, $0xb8;
	[tilespmem:$0x6F80] =	vst v63  }
0x15f: {  	_ = 	snop  }
0x160: {  	[spmem:s3] =	stream.indirect.scatter.add.f32 [tilespmem:s18], [sflag:$0x3], $0x10, s23, s17, $0xb8;
	[tilespmem:$0x6F80] =	vst v63  }
0x161: {  	_ = 	snop  }
0x162: {  	[spmem:s3] =	stream.indirect.scatter.add.f32 [tilespmem:s18], [sflag:$0x3], $0x10, s24, s17, $0xb8;
	[tilespmem:$0x6F80] =	vst v63  }
0x163: {  	_ =	swait.ge [sflag:s25], $0x800  }
0x164: {  	[sflag:s25] =	ssyncset.done $0x0  }
0x165: {  	[sflag:s25] =	ssyncadd.s32 $0xFFFFF800  }
0x166: {  	_ =	swait.ge [sflag:s25], $0x800  }
0x167: {  	[sflag:s25] =	ssyncset.done $0x0  }
0x168: {  	[sflag:s25] =	ssyncadd.s32 $0xFFFFF800  }
0x169: {  	_ =	swait.ge [sflag:s25], $0x800  }
0x16a: {  	[sflag:s25] =	ssyncset.done $0x0  }
0x16b: {  	[sflag:s25] =	ssyncadd.s32 $0xFFFFF800  }
0x16c: {  	_ =	swait.ge [sflag:s25], $0x800  }
0x16d: {  	[sflag:s25] =	ssyncset.done $0x0  }
0x16e: {  	[sflag:s25] =	ssyncadd.s32 $0xFFFFF800  }
0x16f: {  	_ =	swait.ge [sflag:s25], $0x800  }
0x170: {  	[sflag:s25] =	ssyncset.done $0x0  }
0x171: {  	[sflag:s25] =	ssyncadd.s32 $0xFFFFF800  }
0x172: {  	_ =	swait.ge [sflag:s25], $0x800  }
0x173: {  	[sflag:s25] =	ssyncset.done $0x0  }
0x174: {  	[sflag:s25] =	ssyncadd.s32 $0xFFFFF800  }
0x175: {  	_ =	swait.ge [sflag:s25], $0x800  }
0x176: {  	[sflag:s25] =	ssyncset.done $0x0  }
0x177: {  	[sflag:s25] =	ssyncadd.s32 $0xFFFFF800  }
0x178: {  	_ =	swait.ge [sflag:s25], $0x800  }
0x179: {  	[sflag:s25] =	ssyncset.done $0x0  }
0x17a: {  	[sflag:s25] =	ssyncadd.s32 $0xFFFFF800  }
0x17b: {  	_ =	swait.ge [sflag:s26], $0x400  }
0x17c: {  	[sflag:s26] =	ssyncset.done $0x0  }
0x17d: {  	[sflag:s26] =	ssyncadd.s32 $0xFFFFFC00  }
0x17e: {  	[spmem:s3] =	stream.indirect.scatter.add.f32 [tilespmem:s18], [sflag:$0x3], $0x10, s16, s17, $0xb8;
	[tilespmem:$0x6F80] =	vst v63  }
0x17f: {  	_ = 	snop  }
0x180: {  	[spmem:s3] =	stream.indirect.scatter.add.f32 [tilespmem:s18], [sflag:$0x3], $0x10, s28, s17, $0xb8;
	[tilespmem:$0x6F80] =	vst v63  }
0x181: {  	_ = 	snop  }
0x182: {  	[spmem:s3] =	stream.indirect.scatter.add.f32 [tilespmem:s18], [sflag:$0x3], $0x10, s29, s17, $0xb8;
	[tilespmem:$0x6F80] =	vst v63  }
0x183: {  	_ = 	snop  }
0x184: {  	[spmem:s3] =	stream.indirect.scatter.add.f32 [tilespmem:s18], [sflag:$0x3], $0x10, s30, s17, $0xb8;
	[tilespmem:$0x6F80] =	vst v63  }
0x185: {  	_ = 	snop  }
0x186: {  	[spmem:s3] =	stream.indirect.scatter.add.f32 [tilespmem:s18], [sflag:$0x3], $0x10, s31, s17, $0xb8;
	[tilespmem:$0x6F80] =	vst v63  }
0x187: {  	_ = 	snop  }
0x188: {  	[spmem:s3] =	stream.indirect.scatter.add.f32 [tilespmem:s18], [sflag:$0x3], $0x10, s2, s17, $0xb8;
	[tilespmem:$0x6F80] =	vst v63  }
0x189: {  	_ = 	snop  }
0x18a: {  	[spmem:s3] =	stream.indirect.scatter.add.f32 [tilespmem:s18], [sflag:$0x3], $0x10, s0, s17, $0xb8;
	[tilespmem:$0x6F80] =	vst v63  }
0x18b: {  	_ = 	snop  }
0x18c: {  	[spmem:s3] =	stream.indirect.scatter.add.f32 [tilespmem:s18], [sflag:$0x3], $0x10, s5, s17, $0xb8;
	[tilespmem:$0x6F80] =	vst v63  }
0x18d: {  	_ =	swait.ge [sflag:s25], $0x800  }
0x18e: {  	[sflag:s25] =	ssyncset.done $0x0  }
0x18f: {  	[sflag:s25] =	ssyncadd.s32 $0xFFFFF800  }
0x190: {  	_ =	swait.ge [sflag:s25], $0x800  }
0x191: {  	[sflag:s25] =	ssyncset.done $0x0  }
0x192: {  	[sflag:s25] =	ssyncadd.s32 $0xFFFFF800  }
0x193: {  	_ =	swait.ge [sflag:s25], $0x800  }
0x194: {  	[sflag:s25] =	ssyncset.done $0x0  }
0x195: {  	[sflag:s25] =	ssyncadd.s32 $0xFFFFF800  }
0x196: {  	_ =	swait.ge [sflag:s25], $0x800  }
0x197: {  	[sflag:s25] =	ssyncset.done $0x0  }
0x198: {  	[sflag:s25] =	ssyncadd.s32 $0xFFFFF800  }
0x199: {  	_ =	swait.ge [sflag:s25], $0x800  }
0x19a: {  	[sflag:s25] =	ssyncset.done $0x0  }
0x19b: {  	[sflag:s25] =	ssyncadd.s32 $0xFFFFF800  }
0x19c: {  	_ =	swait.ge [sflag:s25], $0x800  }
0x19d: {  	[sflag:s25] =	ssyncset.done $0x0  }
0x19e: {  	[sflag:s25] =	ssyncadd.s32 $0xFFFFF800  }
0x19f: {  	_ =	swait.ge [sflag:s25], $0x800  }
0x1a0: {  	[sflag:s25] =	ssyncset.done $0x0  }
0x1a1: {  	[sflag:s25] =	ssyncadd.s32 $0xFFFFF800  }
0x1a2: {  	_ =	swait.ge [sflag:s25], $0x800  }
0x1a3: {  	[sflag:s25] =	ssyncset.done $0x0  }
0x1a4: {  	[sflag:s25] =	ssyncadd.s32 $0xFFFFF800  }
0x1a5: {  	[bflag:$0x0] =	sbarrier.arrive $0xFFFF  }
0x1a6: {  	s9 =	rddreg [dreg:$0x7]  }
0x1a7: {  	[hbm:s9], [sflag:s7] =	dma.local [spmem:s13], $0x2780  }
0x1a8: {  	_ =	swait.ge [sflag:s14], $0x2780  }
0x1a9: {  	s8 =	sadd.s32 $0x1, s8;
	s11 =	rddreg [dreg:$0x8]  }
0x1aa: {  	p0 =	sne.s32 s8, s11  }
.Ltmp1:
0x1ab: {  	_ = 	snop;
	(pc) =	sbr.rel @p0 .LBB2_1-.Ltmp1, $3  }
0x1ac: {  	_ =	sdelay $0x1  }
0x1ad: {  	[sflag:s14] =	ssyncset.done $0x0  }
0x1ae: {  	[sflag:s14] =	ssyncadd.s32 $0xFFFFD880  }
0x1af: {  	_ =	sfence.sel $0x180000  }
0x1b0: {  	[bflag:$0x0] =	sbarrier.arrive $0xFFFF  }
0x1b1: {  	_ =	strace $0x90000047  }
0x1b2: {  	s0 =	stileid.u32;
	[bflag:$0x2] =	sbarrier.arrive $0xFFFF  }
0x1b3: {  	p0 =	sne.s32 s0, $0x0;
	s0 =	rddreg [dreg:$0x3]  }
0x1b4: {  	s0 =	sadd.s32 @!p0 $0x100000, s0  }
0x1b5: {  	[sflag:s0] =	ssyncadd.tile.s32 @!p0 $0x1;
	_ =	shalt  }
.Lfunc_end2:
_tile_overlayer_lowered:
.L_overlay_start_2:
0x1b6: {  	(tag) =	ssettag $0x2  }
0x1b7: {  	s0 =	rddreg [dreg:$0x0];
	s2 =	stileid.u32  }
0x1b8: {  	s1 =	rddreg [dreg:$0x1];
	p0 =	sne.s32 s2, $0x0  }
0x1b9: {  	s3 =	rddreg [dreg:$0x2];
	[bflag:$0x3] =	sbarrier.arrive $0xFFFF;
	s2 =	simm.s32 @!p0 $0x1C04  }
0x1ba: {  	[timem:s3], [sflag:s2] =	dma.local @!p0 [hbm:s0], s1  }
0x1bb: {  	s0 =	simm.s32 @!p0 $0x4  }
0x1bc: {  	_ =	swait.ge @!p0 [sflag:s0], s1  }
0x1bd: {  	s1 =	ssub.s32 @!p0 $0x0, s1;
	[sflag:s0] =	ssyncset.done @!p0 $0x0  }
0x1be: {  	[sflag:s0] =	ssyncadd.s32 @!p0 s1  }
0x1bf: {  	[bflag:$0x3] =	sbarrier.arrive $0xFFFF  }
0x1c0: {  	_ =	shalt  }

</sc_bundles>
